<compile_context>
chip_gen: v7x
topology: tpu7x:2x2x1
jax: 0.10.2.dev20260603
libtpu: 0.0.44.dev20260713+nightly
codegen_flags: <defaults>
</compile_context>

<pallas_src>
import functools

import jax
import jax.numpy as jnp
from jax import lax
from jax.experimental import pallas as pl
from jax.experimental.pallas import tpu as pltpu
from jax.experimental.pallas import tpu_sc as plsc

_NUM_CORES = 2
_NUM_SUBCORES = 16
_LANES = 16
_NW = _NUM_CORES * _NUM_SUBCORES

_D = 128
_BLK = 80
_NBUF = 5
_SPLIT = 1


def _dot_block(rows_s, rows_t, out_v):
    lanes = lax.broadcasted_iota(jnp.int32, (_LANES,), 0)
    rots = [(lanes + j) & (_LANES - 1) for j in range(_LANES)]

    def group(g, _):
        base_e = g * _LANES
        idx_e = base_e + lanes

        def dchunk(dc, acc):
            col0 = dc * (2 * _LANES)
            for j in range(2 * _LANES):
                col = (col0 + (j & ~(_LANES - 1))) + rots[j & (_LANES - 1)]
                a = plsc.load_gather(rows_s, [idx_e, col])
                b = plsc.load_gather(rows_t, [idx_e, col])
                acc = acc + a * b
            return acc

        acc = lax.fori_loop(0, _D // (2 * _LANES), dchunk,
                            jnp.zeros((_LANES,), jnp.float32))
        out_v[pl.ds(base_e, _LANES)] = 1.0 / (1.0 + jnp.exp(-acc))
        return 0

    lax.fori_loop(0, _BLK // _LANES, group, 0)


def _make_sc_kernel(n_edges):
    epw = n_edges // _NW
    n_blocks = epw // _BLK
    n_super = n_blocks // _NBUF
    sub = _BLK // _SPLIT

    mesh = plsc.VectorSubcoreMesh(
        core_axis_name="c", subcore_axis_name="s",
        num_cores=_NUM_CORES, num_subcores=_NUM_SUBCORES)

    scratch = (
        [pltpu.VMEM((epw,), jnp.int32)] * 2 +
        [pltpu.VMEM((_BLK, _D), jnp.float32)] * _NBUF +
        [pltpu.VMEM((_BLK, _D), jnp.float32)] * _NBUF +
        [pltpu.VMEM((_BLK,), jnp.float32)] * _NBUF +
        [pltpu.SemaphoreType.DMA] * _NBUF +
        [pltpu.SemaphoreType.DMA] * _NBUF
    )

    @functools.partial(
        pl.kernel,
        mesh=mesh,
        compiler_params=pltpu.CompilerParams(needs_layout_passes=False),
        out_type=jax.ShapeDtypeStruct((n_edges,), jnp.float32),
        scratch_types=scratch,
    )
    def k(s_hbm, t_hbm, src_hbm, dst_hbm, out_hbm, *scr):
        src_all, dst_all = scr[0], scr[1]
        rows_s = scr[2:2 + _NBUF]
        rows_t = scr[2 + _NBUF:2 + 2 * _NBUF]
        out_v = scr[2 + 2 * _NBUF:2 + 3 * _NBUF]
        sem_g = scr[2 + 3 * _NBUF:2 + 4 * _NBUF]
        sem_o = scr[2 + 4 * _NBUF:2 + 5 * _NBUF]

        wid = lax.axis_index("s") * _NUM_CORES + lax.axis_index("c")
        base = wid * epw

        pltpu.sync_copy(src_hbm.at[pl.ds(base, epw)], src_all)
        pltpu.sync_copy(dst_hbm.at[pl.ds(base, epw)], dst_all)

        def issue_gather(b, blk):
            off = blk * _BLK
            for p in range(_SPLIT):
                o = off + p * sub
                d = pl.ds(p * sub, sub)
                pltpu.async_copy(s_hbm.at[src_all.at[pl.ds(o, sub)]],
                                 rows_s[b].at[d], sem_g[b])
                pltpu.async_copy(t_hbm.at[dst_all.at[pl.ds(o, sub)]],
                                 rows_t[b].at[d], sem_g[b])

        def drain_gather(b):
            for p in range(_SPLIT):
                d = pl.ds(p * sub, sub)
                pltpu.make_async_copy(s_hbm.at[src_all.at[pl.ds(0, sub)]],
                                      rows_s[b].at[d], sem_g[b]).wait()
                pltpu.make_async_copy(t_hbm.at[dst_all.at[pl.ds(0, sub)]],
                                      rows_t[b].at[d], sem_g[b]).wait()

        def issue_out(b, blk):
            pltpu.async_copy(out_v[b],
                             out_hbm.at[pl.ds(base + blk * _BLK, _BLK)],
                             sem_o[b])

        def drain_out(b):
            pltpu.make_async_copy(out_v[b],
                                  out_hbm.at[pl.ds(base, _BLK)],
                                  sem_o[b]).wait()

        for b in range(_NBUF):
            issue_gather(b, b)

        def super_it(g, _):
            for b in range(_NBUF):
                drain_gather(b)

                @pl.when(g > 0)
                def _():
                    drain_out(b)

                _dot_block(rows_s[b], rows_t[b], out_v[b])
                issue_out(b, g * _NBUF + b)

                @pl.when(g < n_super - 1)
                def _():
                    issue_gather(b, (g + 1) * _NBUF + b)
            return 0

        lax.fori_loop(0, n_super, super_it, 0)

        for b in range(_NBUF):
            drain_out(b)

    return k


def kernel(s, t, edge_index):
    n_edges = edge_index.shape[1]
    src = edge_index[0].astype(jnp.int32)
    dst = edge_index[1].astype(jnp.int32)
    k = _make_sc_kernel(n_edges)
    return k(s, t, src, dst)

# --- scband reference (transcript-rebuilt; emitter-appended) ---
"""Pipeline reference for scband-directed-inner-product-decoder-5162550690700 (READ-ONLY COPY).

The authoritative reference and input builder live on the scoring server;
editing this copy changes nothing except your own understanding.
"""

import jax, jax.numpy as jnp
import numpy as np


def setup_inputs(seed: int = 0) -> dict:
    key = jax.random.key(seed)
    k1, k2, k3 = jax.random.split(key, 3)
    n_nodes = 10000
    n_edges = 320000
    d = 128
    s = jax.random.normal(k1, (n_nodes, d), dtype=jnp.float32)
    t = jax.random.normal(k2, (n_nodes, d), dtype=jnp.float32)
    edge_index = jax.random.randint(k3, (2, n_edges), 0, n_nodes, dtype=jnp.int64)
    return {"s": s, "t": t, "edge_index": edge_index}


def reference(s, t, edge_index):
    # value = (s[edge_index[0]] * t[edge_index[1]]).sum(dim=1)
    src = jnp.take(s, edge_index[0], axis=0)
    dst = jnp.take(t, edge_index[1], axis=0)
    value = jnp.sum(src * dst, axis=1)
    return jax.nn.sigmoid(value)

if __name__ == "__main__":
    import jax
    _d = setup_inputs()
    print(jax.jit(kernel)(*tuple(_d.values())))

</pallas_src>

<mosaic_0001>
#map = affine_map<(d0, d1) -> (0, 0)>
#map1 = affine_map<(d0, d1) -> (0)>
module attributes {stable_mosaic.version = 14 : i64} {
  func.func @k(%arg0: i32, %arg1: i32, %arg2: memref<10000x128xf32, #tpu.memory_space<hbm>>, %arg3: memref<10000x128xf32, #tpu.memory_space<hbm>>, %arg4: memref<320000xi32, #tpu.memory_space<hbm>>, %arg5: memref<320000xi32, #tpu.memory_space<hbm>>, %arg6: memref<320000xf32, #tpu.memory_space<hbm>>, %arg7: memref<10000xi32, #tpu.memory_space<vmem>>, %arg8: memref<10000xi32, #tpu.memory_space<vmem>>, %arg9: memref<80x128xf32, #tpu.memory_space<vmem>>, %arg10: memref<80x128xf32, #tpu.memory_space<vmem>>, %arg11: memref<80x128xf32, #tpu.memory_space<vmem>>, %arg12: memref<80x128xf32, #tpu.memory_space<vmem>>, %arg13: memref<80x128xf32, #tpu.memory_space<vmem>>, %arg14: memref<80x128xf32, #tpu.memory_space<vmem>>, %arg15: memref<80x128xf32, #tpu.memory_space<vmem>>, %arg16: memref<80x128xf32, #tpu.memory_space<vmem>>, %arg17: memref<80x128xf32, #tpu.memory_space<vmem>>, %arg18: memref<80x128xf32, #tpu.memory_space<vmem>>, %arg19: memref<80xf32, #tpu.memory_space<vmem>>, %arg20: memref<80xf32, #tpu.memory_space<vmem>>, %arg21: memref<80xf32, #tpu.memory_space<vmem>>, %arg22: memref<80xf32, #tpu.memory_space<vmem>>, %arg23: memref<80xf32, #tpu.memory_space<vmem>>, %arg24: memref<!tpu.dma_semaphore, #tpu.memory_space<semaphore_mem>>, %arg25: memref<!tpu.dma_semaphore, #tpu.memory_space<semaphore_mem>>, %arg26: memref<!tpu.dma_semaphore, #tpu.memory_space<semaphore_mem>>, %arg27: memref<!tpu.dma_semaphore, #tpu.memory_space<semaphore_mem>>, %arg28: memref<!tpu.dma_semaphore, #tpu.memory_space<semaphore_mem>>, %arg29: memref<!tpu.dma_semaphore, #tpu.memory_space<semaphore_mem>>, %arg30: memref<!tpu.dma_semaphore, #tpu.memory_space<semaphore_mem>>, %arg31: memref<!tpu.dma_semaphore, #tpu.memory_space<semaphore_mem>>, %arg32: memref<!tpu.dma_semaphore, #tpu.memory_space<semaphore_mem>>, %arg33: memref<!tpu.dma_semaphore, #tpu.memory_space<semaphore_mem>>) attributes {dimension_semantics = [#tpu.dimension_semantics<core_parallel>, #tpu.dimension_semantics<subcore_parallel>], iteration_bounds = array<i64: 2, 16>, scalar_prefetch = 0 : i64, scratch_operands = 27 : i64, tpu.core_type = #tpu.core_type<sc_vector_subcore>, window_params = [{transform_indices = #map}, {transform_indices = #map}, {transform_indices = #map1}, {transform_indices = #map1}, {transform_indices = #map1}]} {
    %mul3A = arith.constant 2 : i32
    %mul3A_0 = arith.muli %arg1, %mul3A : i32
    %add3A = arith.addi %mul3A_0, %arg0 : i32
    %mul3A_1 = arith.constant 10000 : i32
    %mul3A_2 = arith.muli %add3A, %mul3A_1 : i32
    "tpu.region"() ({
      %run_scoped3A = tpu.sem_alloc : memref<!tpu.dma_semaphore, #tpu.memory_space<semaphore_mem>>
      %dma_start3A_97 = tpu.memref_slice %arg4[%mul3A_2] : memref<320000xi32, #tpu.memory_space<hbm>> -> memref<10000xi32, #tpu.memory_space<hbm>>
      %dma_start3A_98 = tpu.memref_slice %arg4[%mul3A_2] : memref<320000xi32, #tpu.memory_space<hbm>> -> memref<10000xi32, #tpu.memory_space<hbm>>
      tpu.enqueue_dma source(%dma_start3A_98 : memref<10000xi32, #tpu.memory_space<hbm>>) target(%arg7 : memref<10000xi32, #tpu.memory_space<vmem>>) target_semaphore(%run_scoped3A : memref<!tpu.dma_semaphore, #tpu.memory_space<semaphore_mem>>)
      %dma_wait3A_99 = tpu.memref_slice %arg4[%mul3A_2] : memref<320000xi32, #tpu.memory_space<hbm>> -> memref<10000xi32, #tpu.memory_space<hbm>>
      %dma_wait3A_100 = tpu.memref_slice %arg4[%mul3A_2] : memref<320000xi32, #tpu.memory_space<hbm>> -> memref<10000xi32, #tpu.memory_space<hbm>>
      tpu.wait_dma2 semaphore(%run_scoped3A : memref<!tpu.dma_semaphore, #tpu.memory_space<semaphore_mem>>) src(%dma_wait3A_100 : memref<10000xi32, #tpu.memory_space<hbm>>) dst(%arg7 : memref<10000xi32, #tpu.memory_space<vmem>>)
      tpu.yield
    }) : () -> ()
    "tpu.region"() ({
      %run_scoped3A = tpu.sem_alloc : memref<!tpu.dma_semaphore, #tpu.memory_space<semaphore_mem>>
      %dma_start3A_97 = tpu.memref_slice %arg5[%mul3A_2] : memref<320000xi32, #tpu.memory_space<hbm>> -> memref<10000xi32, #tpu.memory_space<hbm>>
      %dma_start3A_98 = tpu.memref_slice %arg5[%mul3A_2] : memref<320000xi32, #tpu.memory_space<hbm>> -> memref<10000xi32, #tpu.memory_space<hbm>>
      tpu.enqueue_dma source(%dma_start3A_98 : memref<10000xi32, #tpu.memory_space<hbm>>) target(%arg8 : memref<10000xi32, #tpu.memory_space<vmem>>) target_semaphore(%run_scoped3A : memref<!tpu.dma_semaphore, #tpu.memory_space<semaphore_mem>>)
      %dma_wait3A_99 = tpu.memref_slice %arg5[%mul3A_2] : memref<320000xi32, #tpu.memory_space<hbm>> -> memref<10000xi32, #tpu.memory_space<hbm>>
      %dma_wait3A_100 = tpu.memref_slice %arg5[%mul3A_2] : memref<320000xi32, #tpu.memory_space<hbm>> -> memref<10000xi32, #tpu.memory_space<hbm>>
      tpu.wait_dma2 semaphore(%run_scoped3A : memref<!tpu.dma_semaphore, #tpu.memory_space<semaphore_mem>>) src(%dma_wait3A_100 : memref<10000xi32, #tpu.memory_space<hbm>>) dst(%arg8 : memref<10000xi32, #tpu.memory_space<vmem>>)
      tpu.yield
    }) : () -> ()
    %dma_start3A = arith.constant 0 : i32
    %dma_start3A_3 = arith.constant 0 : i32
    %dma_start3A_4 = tpu.memref_slice %arg9[%dma_start3A, %dma_start3A_3] : memref<80x128xf32, #tpu.memory_space<vmem>> -> memref<80x128xf32, #tpu.memory_space<vmem>>
    %dma_start3A_5 = arith.constant 0 : i32
    %dma_start3A_6 = tpu.memref_slice %arg7[%dma_start3A_5] : memref<10000xi32, #tpu.memory_space<vmem>> -> memref<80xi32, #tpu.memory_space<vmem>>
    %dma_start3A_7 = arith.constant 0 : i32
    %dma_start3A_8 = arith.constant 0 : i32
    %dma_start3A_9 = tpu.memref_slice %arg2[%dma_start3A_7, %dma_start3A_8] : memref<10000x128xf32, #tpu.memory_space<hbm>> -> memref<10000x128xf32, #tpu.memory_space<hbm>>
    tpu.enqueue_indirect_dma source(%dma_start3A_9 : memref<10000x128xf32, #tpu.memory_space<hbm>>) target(%dma_start3A_4 : memref<80x128xf32, #tpu.memory_space<vmem>>) offsets(%dma_start3A_6 : memref<80xi32, #tpu.memory_space<vmem>>) semaphore(%arg24 : memref<!tpu.dma_semaphore, #tpu.memory_space<semaphore_mem>>)
    %dma_start3A_10 = arith.constant 0 : i32
    %dma_start3A_11 = arith.constant 0 : i32
    %dma_start3A_12 = tpu.memref_slice %arg14[%dma_start3A_10, %dma_start3A_11] : memref<80x128xf32, #tpu.memory_space<vmem>> -> memref<80x128xf32, #tpu.memory_space<vmem>>
    %dma_start3A_13 = arith.constant 0 : i32
    %dma_start3A_14 = tpu.memref_slice %arg8[%dma_start3A_13] : memref<10000xi32, #tpu.memory_space<vmem>> -> memref<80xi32, #tpu.memory_space<vmem>>
    %dma_start3A_15 = arith.constant 0 : i32
    %dma_start3A_16 = arith.constant 0 : i32
    %dma_start3A_17 = tpu.memref_slice %arg3[%dma_start3A_15, %dma_start3A_16] : memref<10000x128xf32, #tpu.memory_space<hbm>> -> memref<10000x128xf32, #tpu.memory_space<hbm>>
    tpu.enqueue_indirect_dma source(%dma_start3A_17 : memref<10000x128xf32, #tpu.memory_space<hbm>>) target(%dma_start3A_12 : memref<80x128xf32, #tpu.memory_space<vmem>>) offsets(%dma_start3A_14 : memref<80xi32, #tpu.memory_space<vmem>>) semaphore(%arg24 : memref<!tpu.dma_semaphore, #tpu.memory_space<semaphore_mem>>)
    %dma_start3A_18 = arith.constant 0 : i32
    %dma_start3A_19 = arith.constant 0 : i32
    %dma_start3A_20 = tpu.memref_slice %arg10[%dma_start3A_18, %dma_start3A_19] : memref<80x128xf32, #tpu.memory_space<vmem>> -> memref<80x128xf32, #tpu.memory_space<vmem>>
    %dma_start3A_21 = arith.constant 80 : i32
    %dma_start3A_22 = tpu.memref_slice %arg7[%dma_start3A_21] : memref<10000xi32, #tpu.memory_space<vmem>> -> memref<80xi32, #tpu.memory_space<vmem>>
    %dma_start3A_23 = arith.constant 0 : i32
    %dma_start3A_24 = arith.constant 0 : i32
    %dma_start3A_25 = tpu.memref_slice %arg2[%dma_start3A_23, %dma_start3A_24] : memref<10000x128xf32, #tpu.memory_space<hbm>> -> memref<10000x128xf32, #tpu.memory_space<hbm>>
    tpu.enqueue_indirect_dma source(%dma_start3A_25 : memref<10000x128xf32, #tpu.memory_space<hbm>>) target(%dma_start3A_20 : memref<80x128xf32, #tpu.memory_space<vmem>>) offsets(%dma_start3A_22 : memref<80xi32, #tpu.memory_space<vmem>>) semaphore(%arg25 : memref<!tpu.dma_semaphore, #tpu.memory_space<semaphore_mem>>)
    %dma_start3A_26 = arith.constant 0 : i32
    %dma_start3A_27 = arith.constant 0 : i32
    %dma_start3A_28 = tpu.memref_slice %arg15[%dma_start3A_26, %dma_start3A_27] : memref<80x128xf32, #tpu.memory_space<vmem>> -> memref<80x128xf32, #tpu.memory_space<vmem>>
    %dma_start3A_29 = arith.constant 80 : i32
    %dma_start3A_30 = tpu.memref_slice %arg8[%dma_start3A_29] : memref<10000xi32, #tpu.memory_space<vmem>> -> memref<80xi32, #tpu.memory_space<vmem>>
    %dma_start3A_31 = arith.constant 0 : i32
    %dma_start3A_32 = arith.constant 0 : i32
    %dma_start3A_33 = tpu.memref_slice %arg3[%dma_start3A_31, %dma_start3A_32] : memref<10000x128xf32, #tpu.memory_space<hbm>> -> memref<10000x128xf32, #tpu.memory_space<hbm>>
    tpu.enqueue_indirect_dma source(%dma_start3A_33 : memref<10000x128xf32, #tpu.memory_space<hbm>>) target(%dma_start3A_28 : memref<80x128xf32, #tpu.memory_space<vmem>>) offsets(%dma_start3A_30 : memref<80xi32, #tpu.memory_space<vmem>>) semaphore(%arg25 : memref<!tpu.dma_semaphore, #tpu.memory_space<semaphore_mem>>)
    %dma_start3A_34 = arith.constant 0 : i32
    %dma_start3A_35 = arith.constant 0 : i32
    %dma_start3A_36 = tpu.memref_slice %arg11[%dma_start3A_34, %dma_start3A_35] : memref<80x128xf32, #tpu.memory_space<vmem>> -> memref<80x128xf32, #tpu.memory_space<vmem>>
    %dma_start3A_37 = arith.constant 160 : i32
    %dma_start3A_38 = tpu.memref_slice %arg7[%dma_start3A_37] : memref<10000xi32, #tpu.memory_space<vmem>> -> memref<80xi32, #tpu.memory_space<vmem>>
    %dma_start3A_39 = arith.constant 0 : i32
    %dma_start3A_40 = arith.constant 0 : i32
    %dma_start3A_41 = tpu.memref_slice %arg2[%dma_start3A_39, %dma_start3A_40] : memref<10000x128xf32, #tpu.memory_space<hbm>> -> memref<10000x128xf32, #tpu.memory_space<hbm>>
    tpu.enqueue_indirect_dma source(%dma_start3A_41 : memref<10000x128xf32, #tpu.memory_space<hbm>>) target(%dma_start3A_36 : memref<80x128xf32, #tpu.memory_space<vmem>>) offsets(%dma_start3A_38 : memref<80xi32, #tpu.memory_space<vmem>>) semaphore(%arg26 : memref<!tpu.dma_semaphore, #tpu.memory_space<semaphore_mem>>)
    %dma_start3A_42 = arith.constant 0 : i32
    %dma_start3A_43 = arith.constant 0 : i32
    %dma_start3A_44 = tpu.memref_slice %arg16[%dma_start3A_42, %dma_start3A_43] : memref<80x128xf32, #tpu.memory_space<vmem>> -> memref<80x128xf32, #tpu.memory_space<vmem>>
    %dma_start3A_45 = arith.constant 160 : i32
    %dma_start3A_46 = tpu.memref_slice %arg8[%dma_start3A_45] : memref<10000xi32, #tpu.memory_space<vmem>> -> memref<80xi32, #tpu.memory_space<vmem>>
    %dma_start3A_47 = arith.constant 0 : i32
    %dma_start3A_48 = arith.constant 0 : i32
    %dma_start3A_49 = tpu.memref_slice %arg3[%dma_start3A_47, %dma_start3A_48] : memref<10000x128xf32, #tpu.memory_space<hbm>> -> memref<10000x128xf32, #tpu.memory_space<hbm>>
    tpu.enqueue_indirect_dma source(%dma_start3A_49 : memref<10000x128xf32, #tpu.memory_space<hbm>>) target(%dma_start3A_44 : memref<80x128xf32, #tpu.memory_space<vmem>>) offsets(%dma_start3A_46 : memref<80xi32, #tpu.memory_space<vmem>>) semaphore(%arg26 : memref<!tpu.dma_semaphore, #tpu.memory_space<semaphore_mem>>)
    %dma_start3A_50 = arith.constant 0 : i32
    %dma_start3A_51 = arith.constant 0 : i32
    %dma_start3A_52 = tpu.memref_slice %arg12[%dma_start3A_50, %dma_start3A_51] : memref<80x128xf32, #tpu.memory_space<vmem>> -> memref<80x128xf32, #tpu.memory_space<vmem>>
    %dma_start3A_53 = arith.constant 240 : i32
    %dma_start3A_54 = tpu.memref_slice %arg7[%dma_start3A_53] : memref<10000xi32, #tpu.memory_space<vmem>> -> memref<80xi32, #tpu.memory_space<vmem>>
    %dma_start3A_55 = arith.constant 0 : i32
    %dma_start3A_56 = arith.constant 0 : i32
    %dma_start3A_57 = tpu.memref_slice %arg2[%dma_start3A_55, %dma_start3A_56] : memref<10000x128xf32, #tpu.memory_space<hbm>> -> memref<10000x128xf32, #tpu.memory_space<hbm>>
    tpu.enqueue_indirect_dma source(%dma_start3A_57 : memref<10000x128xf32, #tpu.memory_space<hbm>>) target(%dma_start3A_52 : memref<80x128xf32, #tpu.memory_space<vmem>>) offsets(%dma_start3A_54 : memref<80xi32, #tpu.memory_space<vmem>>) semaphore(%arg27 : memref<!tpu.dma_semaphore, #tpu.memory_space<semaphore_mem>>)
    %dma_start3A_58 = arith.constant 0 : i32
    %dma_start3A_59 = arith.constant 0 : i32
    %dma_start3A_60 = tpu.memref_slice %arg17[%dma_start3A_58, %dma_start3A_59] : memref<80x128xf32, #tpu.memory_space<vmem>> -> memref<80x128xf32, #tpu.memory_space<vmem>>
    %dma_start3A_61 = arith.constant 240 : i32
    %dma_start3A_62 = tpu.memref_slice %arg8[%dma_start3A_61] : memref<10000xi32, #tpu.memory_space<vmem>> -> memref<80xi32, #tpu.memory_space<vmem>>
    %dma_start3A_63 = arith.constant 0 : i32
    %dma_start3A_64 = arith.constant 0 : i32
    %dma_start3A_65 = tpu.memref_slice %arg3[%dma_start3A_63, %dma_start3A_64] : memref<10000x128xf32, #tpu.memory_space<hbm>> -> memref<10000x128xf32, #tpu.memory_space<hbm>>
    tpu.enqueue_indirect_dma source(%dma_start3A_65 : memref<10000x128xf32, #tpu.memory_space<hbm>>) target(%dma_start3A_60 : memref<80x128xf32, #tpu.memory_space<vmem>>) offsets(%dma_start3A_62 : memref<80xi32, #tpu.memory_space<vmem>>) semaphore(%arg27 : memref<!tpu.dma_semaphore, #tpu.memory_space<semaphore_mem>>)
    %dma_start3A_66 = arith.constant 0 : i32
    %dma_start3A_67 = arith.constant 0 : i32
    %dma_start3A_68 = tpu.memref_slice %arg13[%dma_start3A_66, %dma_start3A_67] : memref<80x128xf32, #tpu.memory_space<vmem>> -> memref<80x128xf32, #tpu.memory_space<vmem>>
    %dma_start3A_69 = arith.constant 320 : i32
    %dma_start3A_70 = tpu.memref_slice %arg7[%dma_start3A_69] : memref<10000xi32, #tpu.memory_space<vmem>> -> memref<80xi32, #tpu.memory_space<vmem>>
    %dma_start3A_71 = arith.constant 0 : i32
    %dma_start3A_72 = arith.constant 0 : i32
    %dma_start3A_73 = tpu.memref_slice %arg2[%dma_start3A_71, %dma_start3A_72] : memref<10000x128xf32, #tpu.memory_space<hbm>> -> memref<10000x128xf32, #tpu.memory_space<hbm>>
    tpu.enqueue_indirect_dma source(%dma_start3A_73 : memref<10000x128xf32, #tpu.memory_space<hbm>>) target(%dma_start3A_68 : memref<80x128xf32, #tpu.memory_space<vmem>>) offsets(%dma_start3A_70 : memref<80xi32, #tpu.memory_space<vmem>>) semaphore(%arg28 : memref<!tpu.dma_semaphore, #tpu.memory_space<semaphore_mem>>)
    %dma_start3A_74 = arith.constant 0 : i32
    %dma_start3A_75 = arith.constant 0 : i32
    %dma_start3A_76 = tpu.memref_slice %arg18[%dma_start3A_74, %dma_start3A_75] : memref<80x128xf32, #tpu.memory_space<vmem>> -> memref<80x128xf32, #tpu.memory_space<vmem>>
    %dma_start3A_77 = arith.constant 320 : i32
    %dma_start3A_78 = tpu.memref_slice %arg8[%dma_start3A_77] : memref<10000xi32, #tpu.memory_space<vmem>> -> memref<80xi32, #tpu.memory_space<vmem>>
    %dma_start3A_79 = arith.constant 0 : i32
    %dma_start3A_80 = arith.constant 0 : i32
    %dma_start3A_81 = tpu.memref_slice %arg3[%dma_start3A_79, %dma_start3A_80] : memref<10000x128xf32, #tpu.memory_space<hbm>> -> memref<10000x128xf32, #tpu.memory_space<hbm>>
    tpu.enqueue_indirect_dma source(%dma_start3A_81 : memref<10000x128xf32, #tpu.memory_space<hbm>>) target(%dma_start3A_76 : memref<80x128xf32, #tpu.memory_space<vmem>>) offsets(%dma_start3A_78 : memref<80xi32, #tpu.memory_space<vmem>>) semaphore(%arg28 : memref<!tpu.dma_semaphore, #tpu.memory_space<semaphore_mem>>)
    %scan3A = arith.constant 0 : i32
    %scan3A_82 = arith.constant 0 : i32
    %scan3A_83 = arith.constant 25 : i32
    %scan3A_84 = arith.addi %scan3A_82, %scan3A_83 : i32
    %scan3A_85 = arith.constant 1 : i32
    %scan3A_86 = scf.for %scan3A_97 = %scan3A_82 to %scan3A_84 step %scan3A_85 iter_args(%scan3A_98 = %scan3A) -> (i32)  : i32 {
      %dma_wait3A_99 = arith.constant 0 : i32
      %dma_wait3A_100 = arith.constant 0 : i32
      %dma_wait3A_101 = tpu.memref_slice %arg9[%dma_wait3A_99, %dma_wait3A_100] : memref<80x128xf32, #tpu.memory_space<vmem>> -> memref<80x128xf32, #tpu.memory_space<vmem>>
      %dma_wait3A_102 = arith.constant 0 : i32
      %dma_wait3A_103 = tpu.memref_slice %arg7[%dma_wait3A_102] : memref<10000xi32, #tpu.memory_space<vmem>> -> memref<80xi32, #tpu.memory_space<vmem>>
      %dma_wait3A_104 = arith.constant 0 : i32
      %dma_wait3A_105 = arith.constant 0 : i32
      %dma_wait3A_106 = tpu.memref_slice %arg2[%dma_wait3A_104, %dma_wait3A_105] : memref<10000x128xf32, #tpu.memory_space<hbm>> -> memref<10000x128xf32, #tpu.memory_space<hbm>>
      tpu.wait_indirect_dma semaphore(%arg24 : memref<!tpu.dma_semaphore, #tpu.memory_space<semaphore_mem>>) src(%dma_wait3A_106 : memref<10000x128xf32, #tpu.memory_space<hbm>>) dst(%dma_wait3A_101 : memref<80x128xf32, #tpu.memory_space<vmem>>)
      %dma_wait3A_107 = arith.constant 0 : i32
      %dma_wait3A_108 = arith.constant 0 : i32
      %dma_wait3A_109 = tpu.memref_slice %arg14[%dma_wait3A_107, %dma_wait3A_108] : memref<80x128xf32, #tpu.memory_space<vmem>> -> memref<80x128xf32, #tpu.memory_space<vmem>>
      %dma_wait3A_110 = arith.constant 0 : i32
      %dma_wait3A_111 = tpu.memref_slice %arg8[%dma_wait3A_110] : memref<10000xi32, #tpu.memory_space<vmem>> -> memref<80xi32, #tpu.memory_space<vmem>>
      %dma_wait3A_112 = arith.constant 0 : i32
      %dma_wait3A_113 = arith.constant 0 : i32
      %dma_wait3A_114 = tpu.memref_slice %arg3[%dma_wait3A_112, %dma_wait3A_113] : memref<10000x128xf32, #tpu.memory_space<hbm>> -> memref<10000x128xf32, #tpu.memory_space<hbm>>
      tpu.wait_indirect_dma semaphore(%arg24 : memref<!tpu.dma_semaphore, #tpu.memory_space<semaphore_mem>>) src(%dma_wait3A_114 : memref<10000x128xf32, #tpu.memory_space<hbm>>) dst(%dma_wait3A_109 : memref<80x128xf32, #tpu.memory_space<vmem>>)
      %gt3A = arith.constant 0 : i32
      %gt3A_115 = arith.cmpi sgt, %scan3A_97, %gt3A : i32
      %convert_element_type3A = arith.extui %gt3A_115 : i1 to i32
      %cond3A = arith.constant 0 : i32
      %cond3A_116 = arith.cmpi ne, %convert_element_type3A, %cond3A : i32
      scf.if %cond3A_116 {
        %dma_wait3A_789 = tpu.memref_slice %arg6[%mul3A_2] : memref<320000xf32, #tpu.memory_space<hbm>> -> memref<80xf32, #tpu.memory_space<hbm>>
        %dma_wait3A_790 = tpu.memref_slice %arg6[%mul3A_2] : memref<320000xf32, #tpu.memory_space<hbm>> -> memref<80xf32, #tpu.memory_space<hbm>>
        tpu.wait_dma2 semaphore(%arg29 : memref<!tpu.dma_semaphore, #tpu.memory_space<semaphore_mem>>) src(%arg19 : memref<80xf32, #tpu.memory_space<vmem>>) dst(%dma_wait3A_790 : memref<80xf32, #tpu.memory_space<hbm>>)
      } else {
      }
      %iota3A = tpu.iota {dimensions = array<i32: 0>} : vector<16xi32>
      %add3A_117 = arith.constant 0 : i32
      %add3A_118 = vector.broadcast %add3A_117 : i32 to vector<16xi32>
      %add3A_119 = arith.addi %iota3A, %add3A_118 : vector<16xi32>
      %and3A = arith.constant 15 : i32
      %and3A_120 = vector.broadcast %and3A : i32 to vector<16xi32>
      %and3A_121 = arith.andi %add3A_119, %and3A_120 : vector<16xi32>
      %add3A_122 = arith.constant 1 : i32
      %add3A_123 = vector.broadcast %add3A_122 : i32 to vector<16xi32>
      %add3A_124 = arith.addi %iota3A, %add3A_123 : vector<16xi32>
      %and3A_125 = arith.constant 15 : i32
      %and3A_126 = vector.broadcast %and3A_125 : i32 to vector<16xi32>
      %and3A_127 = arith.andi %add3A_124, %and3A_126 : vector<16xi32>
      %add3A_128 = arith.constant 2 : i32
      %add3A_129 = vector.broadcast %add3A_128 : i32 to vector<16xi32>
      %add3A_130 = arith.addi %iota3A, %add3A_129 : vector<16xi32>
      %and3A_131 = arith.constant 15 : i32
      %and3A_132 = vector.broadcast %and3A_131 : i32 to vector<16xi32>
      %and3A_133 = arith.andi %add3A_130, %and3A_132 : vector<16xi32>
      %add3A_134 = arith.constant 3 : i32
      %add3A_135 = vector.broadcast %add3A_134 : i32 to vector<16xi32>
      %add3A_136 = arith.addi %iota3A, %add3A_135 : vector<16xi32>
      %and3A_137 = arith.constant 15 : i32
      %and3A_138 = vector.broadcast %and3A_137 : i32 to vector<16xi32>
      %and3A_139 = arith.andi %add3A_136, %and3A_138 : vector<16xi32>
      %add3A_140 = arith.constant 4 : i32
      %add3A_141 = vector.broadcast %add3A_140 : i32 to vector<16xi32>
      %add3A_142 = arith.addi %iota3A, %add3A_141 : vector<16xi32>
      %and3A_143 = arith.constant 15 : i32
      %and3A_144 = vector.broadcast %and3A_143 : i32 to vector<16xi32>
      %and3A_145 = arith.andi %add3A_142, %and3A_144 : vector<16xi32>
      %add3A_146 = arith.constant 5 : i32
      %add3A_147 = vector.broadcast %add3A_146 : i32 to vector<16xi32>
      %add3A_148 = arith.addi %iota3A, %add3A_147 : vector<16xi32>
      %and3A_149 = arith.constant 15 : i32
      %and3A_150 = vector.broadcast %and3A_149 : i32 to vector<16xi32>
      %and3A_151 = arith.andi %add3A_148, %and3A_150 : vector<16xi32>
      %add3A_152 = arith.constant 6 : i32
      %add3A_153 = vector.broadcast %add3A_152 : i32 to vector<16xi32>
      %add3A_154 = arith.addi %iota3A, %add3A_153 : vector<16xi32>
      %and3A_155 = arith.constant 15 : i32
      %and3A_156 = vector.broadcast %and3A_155 : i32 to vector<16xi32>
      %and3A_157 = arith.andi %add3A_154, %and3A_156 : vector<16xi32>
      %add3A_158 = arith.constant 7 : i32
      %add3A_159 = vector.broadcast %add3A_158 : i32 to vector<16xi32>
      %add3A_160 = arith.addi %iota3A, %add3A_159 : vector<16xi32>
      %and3A_161 = arith.constant 15 : i32
      %and3A_162 = vector.broadcast %and3A_161 : i32 to vector<16xi32>
      %and3A_163 = arith.andi %add3A_160, %and3A_162 : vector<16xi32>
      %add3A_164 = arith.constant 8 : i32
      %add3A_165 = vector.broadcast %add3A_164 : i32 to vector<16xi32>
      %add3A_166 = arith.addi %iota3A, %add3A_165 : vector<16xi32>
      %and3A_167 = arith.constant 15 : i32
      %and3A_168 = vector.broadcast %and3A_167 : i32 to vector<16xi32>
      %and3A_169 = arith.andi %add3A_166, %and3A_168 : vector<16xi32>
      %add3A_170 = arith.constant 9 : i32
      %add3A_171 = vector.broadcast %add3A_170 : i32 to vector<16xi32>
      %add3A_172 = arith.addi %iota3A, %add3A_171 : vector<16xi32>
      %and3A_173 = arith.constant 15 : i32
      %and3A_174 = vector.broadcast %and3A_173 : i32 to vector<16xi32>
      %and3A_175 = arith.andi %add3A_172, %and3A_174 : vector<16xi32>
      %add3A_176 = arith.constant 10 : i32
      %add3A_177 = vector.broadcast %add3A_176 : i32 to vector<16xi32>
      %add3A_178 = arith.addi %iota3A, %add3A_177 : vector<16xi32>
      %and3A_179 = arith.constant 15 : i32
      %and3A_180 = vector.broadcast %and3A_179 : i32 to vector<16xi32>
      %and3A_181 = arith.andi %add3A_178, %and3A_180 : vector<16xi32>
      %add3A_182 = arith.constant 11 : i32
      %add3A_183 = vector.broadcast %add3A_182 : i32 to vector<16xi32>
      %add3A_184 = arith.addi %iota3A, %add3A_183 : vector<16xi32>
      %and3A_185 = arith.constant 15 : i32
      %and3A_186 = vector.broadcast %and3A_185 : i32 to vector<16xi32>
      %and3A_187 = arith.andi %add3A_184, %and3A_186 : vector<16xi32>
      %add3A_188 = arith.constant 12 : i32
      %add3A_189 = vector.broadcast %add3A_188 : i32 to vector<16xi32>
      %add3A_190 = arith.addi %iota3A, %add3A_189 : vector<16xi32>
      %and3A_191 = arith.constant 15 : i32
      %and3A_192 = vector.broadcast %and3A_191 : i32 to vector<16xi32>
      %and3A_193 = arith.andi %add3A_190, %and3A_192 : vector<16xi32>
      %add3A_194 = arith.constant 13 : i32
      %add3A_195 = vector.broadcast %add3A_194 : i32 to vector<16xi32>
      %add3A_196 = arith.addi %iota3A, %add3A_195 : vector<16xi32>
      %and3A_197 = arith.constant 15 : i32
      %and3A_198 = vector.broadcast %and3A_197 : i32 to vector<16xi32>
      %and3A_199 = arith.andi %add3A_196, %and3A_198 : vector<16xi32>
      %add3A_200 = arith.constant 14 : i32
      %add3A_201 = vector.broadcast %add3A_200 : i32 to vector<16xi32>
      %add3A_202 = arith.addi %iota3A, %add3A_201 : vector<16xi32>
      %and3A_203 = arith.constant 15 : i32
      %and3A_204 = vector.broadcast %and3A_203 : i32 to vector<16xi32>
      %and3A_205 = arith.andi %add3A_202, %and3A_204 : vector<16xi32>
      %add3A_206 = arith.constant 15 : i32
      %add3A_207 = vector.broadcast %add3A_206 : i32 to vector<16xi32>
      %add3A_208 = arith.addi %iota3A, %add3A_207 : vector<16xi32>
      %and3A_209 = arith.constant 15 : i32
      %and3A_210 = vector.broadcast %and3A_209 : i32 to vector<16xi32>
      %and3A_211 = arith.andi %add3A_208, %and3A_210 : vector<16xi32>
      %scan3A_212 = arith.constant 0 : i32
      %scan3A_213 = arith.constant 0 : i32
      %scan3A_214 = arith.constant 5 : i32
      %scan3A_215 = arith.addi %scan3A_213, %scan3A_214 : i32
      %scan3A_216 = arith.constant 1 : i32
      %scan3A_217 = scf.for %scan3A_789 = %scan3A_213 to %scan3A_215 step %scan3A_216 iter_args(%scan3A_790 = %scan3A_212) -> (i32)  : i32 {
        %mul3A_791 = arith.constant 16 : i32
        %mul3A_792 = arith.muli %scan3A_789, %mul3A_791 : i32
        %add3A_793 = vector.broadcast %mul3A_792 : i32 to vector<16xi32>
        %add3A_794 = arith.addi %add3A_793, %iota3A : vector<16xi32>
        %broadcast_in_dim3A = arith.constant 0.000000e+00 : f32
        %broadcast_in_dim3A_795 = vector.broadcast %broadcast_in_dim3A : f32 to vector<16xf32>
        %scan3A_796 = arith.constant 0 : i32
        %scan3A_797 = arith.constant 4 : i32
        %scan3A_798 = arith.addi %scan3A_796, %scan3A_797 : i32
        %scan3A_799 = arith.constant 1 : i32
        %scan3A_800 = scf.for %scan3A_811 = %scan3A_796 to %scan3A_798 step %scan3A_799 iter_args(%scan3A_812 = %broadcast_in_dim3A_795) -> (vector<16xf32>)  : i32 {
          %mul3A_813 = arith.constant 32 : i32
          %mul3A_814 = arith.muli %scan3A_811, %mul3A_813 : i32
          %add3A_815 = arith.constant 0 : i32
          %add3A_816 = arith.addi %mul3A_814, %add3A_815 : i32
          %add3A_817 = vector.broadcast %add3A_816 : i32 to vector<16xi32>
          %add3A_818 = arith.addi %add3A_817, %and3A_121 : vector<16xi32>
          %gather3A = tpu.vector_load_idx %arg9[%add3A_794, %add3A_818] : memref<80x128xf32, #tpu.memory_space<vmem>>[vector<16xi32>, vector<16xi32>], vector<16xf32>,
          %gather3A_819 = tpu.vector_load_idx %arg14[%add3A_794, %add3A_818] : memref<80x128xf32, #tpu.memory_space<vmem>>[vector<16xi32>, vector<16xi32>], vector<16xf32>,
          %mul3A_820 = arith.mulf %gather3A, %gather3A_819 : vector<16xf32>
          %add3A_821 = arith.addf %scan3A_812, %mul3A_820 : vector<16xf32>
          %add3A_822 = arith.constant 0 : i32
          %add3A_823 = arith.addi %mul3A_814, %add3A_822 : i32
          %add3A_824 = vector.broadcast %add3A_823 : i32 to vector<16xi32>
          %add3A_825 = arith.addi %add3A_824, %and3A_127 : vector<16xi32>
          %gather3A_826 = tpu.vector_load_idx %arg9[%add3A_794, %add3A_825] : memref<80x128xf32, #tpu.memory_space<vmem>>[vector<16xi32>, vector<16xi32>], vector<16xf32>,
          %gather3A_827 = tpu.vector_load_idx %arg14[%add3A_794, %add3A_825] : memref<80x128xf32, #tpu.memory_space<vmem>>[vector<16xi32>, vector<16xi32>], vector<16xf32>,
          %mul3A_828 = arith.mulf %gather3A_826, %gather3A_827 : vector<16xf32>
          %add3A_829 = arith.addf %add3A_821, %mul3A_828 : vector<16xf32>
          %add3A_830 = arith.constant 0 : i32
          %add3A_831 = arith.addi %mul3A_814, %add3A_830 : i32
          %add3A_832 = vector.broadcast %add3A_831 : i32 to vector<16xi32>
          %add3A_833 = arith.addi %add3A_832, %and3A_133 : vector<16xi32>
          %gather3A_834 = tpu.vector_load_idx %arg9[%add3A_794, %add3A_833] : memref<80x128xf32, #tpu.memory_space<vmem>>[vector<16xi32>, vector<16xi32>], vector<16xf32>,
          %gather3A_835 = tpu.vector_load_idx %arg14[%add3A_794, %add3A_833] : memref<80x128xf32, #tpu.memory_space<vmem>>[vector<16xi32>, vector<16xi32>], vector<16xf32>,
          %mul3A_836 = arith.mulf %gather3A_834, %gather3A_835 : vector<16xf32>
          %add3A_837 = arith.addf %add3A_829, %mul3A_836 : vector<16xf32>
          %add3A_838 = arith.constant 0 : i32
          %add3A_839 = arith.addi %mul3A_814, %add3A_838 : i32
          %add3A_840 = vector.broadcast %add3A_839 : i32 to vector<16xi32>
          %add3A_841 = arith.addi %add3A_840, %and3A_139 : vector<16xi32>
          %gather3A_842 = tpu.vector_load_idx %arg9[%add3A_794, %add3A_841] : memref<80x128xf32, #tpu.memory_space<vmem>>[vector<16xi32>, vector<16xi32>], vector<16xf32>,
          %gather3A_843 = tpu.vector_load_idx %arg14[%add3A_794, %add3A_841] : memref<80x128xf32, #tpu.memory_space<vmem>>[vector<16xi32>, vector<16xi32>], vector<16xf32>,
          %mul3A_844 = arith.mulf %gather3A_842, %gather3A_843 : vector<16xf32>
          %add3A_845 = arith.addf %add3A_837, %mul3A_844 : vector<16xf32>
          %add3A_846 = arith.constant 0 : i32
          %add3A_847 = arith.addi %mul3A_814, %add3A_846 : i32
          %add3A_848 = vector.broadcast %add3A_847 : i32 to vector<16xi32>
          %add3A_849 = arith.addi %add3A_848, %and3A_145 : vector<16xi32>
          %gather3A_850 = tpu.vector_load_idx %arg9[%add3A_794, %add3A_849] : memref<80x128xf32, #tpu.memory_space<vmem>>[vector<16xi32>, vector<16xi32>], vector<16xf32>,
          %gather3A_851 = tpu.vector_load_idx %arg14[%add3A_794, %add3A_849] : memref<80x128xf32, #tpu.memory_space<vmem>>[vector<16xi32>, vector<16xi32>], vector<16xf32>,
          %mul3A_852 = arith.mulf %gather3A_850, %gather3A_851 : vector<16xf32>
          %add3A_853 = arith.addf %add3A_845, %mul3A_852 : vector<16xf32>
          %add3A_854 = arith.constant 0 : i32
          %add3A_855 = arith.addi %mul3A_814, %add3A_854 : i32
          %add3A_856 = vector.broadcast %add3A_855 : i32 to vector<16xi32>
          %add3A_857 = arith.addi %add3A_856, %and3A_151 : vector<16xi32>
          %gather3A_858 = tpu.vector_load_idx %arg9[%add3A_794, %add3A_857] : memref<80x128xf32, #tpu.memory_space<vmem>>[vector<16xi32>, vector<16xi32>], vector<16xf32>,
          %gather3A_859 = tpu.vector_load_idx %arg14[%add3A_794, %add3A_857] : memref<80x128xf32, #tpu.memory_space<vmem>>[vector<16xi32>, vector<16xi32>], vector<16xf32>,
          %mul3A_860 = arith.mulf %gather3A_858, %gather3A_859 : vector<16xf32>
          %add3A_861 = arith.addf %add3A_853, %mul3A_860 : vector<16xf32>
          %add3A_862 = arith.constant 0 : i32
          %add3A_863 = arith.addi %mul3A_814, %add3A_862 : i32
          %add3A_864 = vector.broadcast %add3A_863 : i32 to vector<16xi32>
          %add3A_865 = arith.addi %add3A_864, %and3A_157 : vector<16xi32>
          %gather3A_866 = tpu.vector_load_idx %arg9[%add3A_794, %add3A_865] : memref<80x128xf32, #tpu.memory_space<vmem>>[vector<16xi32>, vector<16xi32>], vector<16xf32>,
          %gather3A_867 = tpu.vector_load_idx %arg14[%add3A_794, %add3A_865] : memref<80x128xf32, #tpu.memory_space<vmem>>[vector<16xi32>, vector<16xi32>], vector<16xf32>,
          %mul3A_868 = arith.mulf %gather3A_866, %gather3A_867 : vector<16xf32>
          %add3A_869 = arith.addf %add3A_861, %mul3A_868 : vector<16xf32>
          %add3A_870 = arith.constant 0 : i32
          %add3A_871 = arith.addi %mul3A_814, %add3A_870 : i32
          %add3A_872 = vector.broadcast %add3A_871 : i32 to vector<16xi32>
          %add3A_873 = arith.addi %add3A_872, %and3A_163 : vector<16xi32>
          %gather3A_874 = tpu.vector_load_idx %arg9[%add3A_794, %add3A_873] : memref<80x128xf32, #tpu.memory_space<vmem>>[vector<16xi32>, vector<16xi32>], vector<16xf32>,
          %gather3A_875 = tpu.vector_load_idx %arg14[%add3A_794, %add3A_873] : memref<80x128xf32, #tpu.memory_space<vmem>>[vector<16xi32>, vector<16xi32>], vector<16xf32>,
          %mul3A_876 = arith.mulf %gather3A_874, %gather3A_875 : vector<16xf32>
          %add3A_877 = arith.addf %add3A_869, %mul3A_876 : vector<16xf32>
          %add3A_878 = arith.constant 0 : i32
          %add3A_879 = arith.addi %mul3A_814, %add3A_878 : i32
          %add3A_880 = vector.broadcast %add3A_879 : i32 to vector<16xi32>
          %add3A_881 = arith.addi %add3A_880, %and3A_169 : vector<16xi32>
          %gather3A_882 = tpu.vector_load_idx %arg9[%add3A_794, %add3A_881] : memref<80x128xf32, #tpu.memory_space<vmem>>[vector<16xi32>, vector<16xi32>], vector<16xf32>,
          %gather3A_883 = tpu.vector_load_idx %arg14[%add3A_794, %add3A_881] : memref<80x128xf32, #tpu.memory_space<vmem>>[vector<16xi32>, vector<16xi32>], vector<16xf32>,
          %mul3A_884 = arith.mulf %gather3A_882, %gather3A_883 : vector<16xf32>
          %add3A_885 = arith.addf %add3A_877, %mul3A_884 : vector<16xf32>
          %add3A_886 = arith.constant 0 : i32
          %add3A_887 = arith.addi %mul3A_814, %add3A_886 : i32
          %add3A_888 = vector.broadcast %add3A_887 : i32 to vector<16xi32>
          %add3A_889 = arith.addi %add3A_888, %and3A_175 : vector<16xi32>
          %gather3A_890 = tpu.vector_load_idx %arg9[%add3A_794, %add3A_889] : memref<80x128xf32, #tpu.memory_space<vmem>>[vector<16xi32>, vector<16xi32>], vector<16xf32>,
          %gather3A_891 = tpu.vector_load_idx %arg14[%add3A_794, %add3A_889] : memref<80x128xf32, #tpu.memory_space<vmem>>[vector<16xi32>, vector<16xi32>], vector<16xf32>,
          %mul3A_892 = arith.mulf %gather3A_890, %gather3A_891 : vector<16xf32>
          %add3A_893 = arith.addf %add3A_885, %mul3A_892 : vector<16xf32>
          %add3A_894 = arith.constant 0 : i32
          %add3A_895 = arith.addi %mul3A_814, %add3A_894 : i32
          %add3A_896 = vector.broadcast %add3A_895 : i32 to vector<16xi32>
          %add3A_897 = arith.addi %add3A_896, %and3A_181 : vector<16xi32>
          %gather3A_898 = tpu.vector_load_idx %arg9[%add3A_794, %add3A_897] : memref<80x128xf32, #tpu.memory_space<vmem>>[vector<16xi32>, vector<16xi32>], vector<16xf32>,
          %gather3A_899 = tpu.vector_load_idx %arg14[%add3A_794, %add3A_897] : memref<80x128xf32, #tpu.memory_space<vmem>>[vector<16xi32>, vector<16xi32>], vector<16xf32>,
          %mul3A_900 = arith.mulf %gather3A_898, %gather3A_899 : vector<16xf32>
          %add3A_901 = arith.addf %add3A_893, %mul3A_900 : vector<16xf32>
          %add3A_902 = arith.constant 0 : i32
          %add3A_903 = arith.addi %mul3A_814, %add3A_902 : i32
          %add3A_904 = vector.broadcast %add3A_903 : i32 to vector<16xi32>
          %add3A_905 = arith.addi %add3A_904, %and3A_187 : vector<16xi32>
          %gather3A_906 = tpu.vector_load_idx %arg9[%add3A_794, %add3A_905] : memref<80x128xf32, #tpu.memory_space<vmem>>[vector<16xi32>, vector<16xi32>], vector<16xf32>,
          %gather3A_907 = tpu.vector_load_idx %arg14[%add3A_794, %add3A_905] : memref<80x128xf32, #tpu.memory_space<vmem>>[vector<16xi32>, vector<16xi32>], vector<16xf32>,
          %mul3A_908 = arith.mulf %gather3A_906, %gather3A_907 : vector<16xf32>
          %add3A_909 = arith.addf %add3A_901, %mul3A_908 : vector<16xf32>
          %add3A_910 = arith.constant 0 : i32
          %add3A_911 = arith.addi %mul3A_814, %add3A_910 : i32
          %add3A_912 = vector.broadcast %add3A_911 : i32 to vector<16xi32>
          %add3A_913 = arith.addi %add3A_912, %and3A_193 : vector<16xi32>
          %gather3A_914 = tpu.vector_load_idx %arg9[%add3A_794, %add3A_913] : memref<80x128xf32, #tpu.memory_space<vmem>>[vector<16xi32>, vector<16xi32>], vector<16xf32>,
          %gather3A_915 = tpu.vector_load_idx %arg14[%add3A_794, %add3A_913] : memref<80x128xf32, #tpu.memory_space<vmem>>[vector<16xi32>, vector<16xi32>], vector<16xf32>,
          %mul3A_916 = arith.mulf %gather3A_914, %gather3A_915 : vector<16xf32>
          %add3A_917 = arith.addf %add3A_909, %mul3A_916 : vector<16xf32>
          %add3A_918 = arith.constant 0 : i32
          %add3A_919 = arith.addi %mul3A_814, %add3A_918 : i32
          %add3A_920 = vector.broadcast %add3A_919 : i32 to vector<16xi32>
          %add3A_921 = arith.addi %add3A_920, %and3A_199 : vector<16xi32>
          %gather3A_922 = tpu.vector_load_idx %arg9[%add3A_794, %add3A_921] : memref<80x128xf32, #tpu.memory_space<vmem>>[vector<16xi32>, vector<16xi32>], vector<16xf32>,
          %gather3A_923 = tpu.vector_load_idx %arg14[%add3A_794, %add3A_921] : memref<80x128xf32, #tpu.memory_space<vmem>>[vector<16xi32>, vector<16xi32>], vector<16xf32>,
          %mul3A_924 = arith.mulf %gather3A_922, %gather3A_923 : vector<16xf32>
          %add3A_925 = arith.addf %add3A_917, %mul3A_924 : vector<16xf32>
          %add3A_926 = arith.constant 0 : i32
          %add3A_927 = arith.addi %mul3A_814, %add3A_926 : i32
          %add3A_928 = vector.broadcast %add3A_927 : i32 to vector<16xi32>
          %add3A_929 = arith.addi %add3A_928, %and3A_205 : vector<16xi32>
          %gather3A_930 = tpu.vector_load_idx %arg9[%add3A_794, %add3A_929] : memref<80x128xf32, #tpu.memory_space<vmem>>[vector<16xi32>, vector<16xi32>], vector<16xf32>,
          %gather3A_931 = tpu.vector_load_idx %arg14[%add3A_794, %add3A_929] : memref<80x128xf32, #tpu.memory_space<vmem>>[vector<16xi32>, vector<16xi32>], vector<16xf32>,
          %mul3A_932 = arith.mulf %gather3A_930, %gather3A_931 : vector<16xf32>
          %add3A_933 = arith.addf %add3A_925, %mul3A_932 : vector<16xf32>
          %add3A_934 = arith.constant 0 : i32
          %add3A_935 = arith.addi %mul3A_814, %add3A_934 : i32
          %add3A_936 = vector.broadcast %add3A_935 : i32 to vector<16xi32>
          %add3A_937 = arith.addi %add3A_936, %and3A_211 : vector<16xi32>
          %gather3A_938 = tpu.vector_load_idx %arg9[%add3A_794, %add3A_937] : memref<80x128xf32, #tpu.memory_space<vmem>>[vector<16xi32>, vector<16xi32>], vector<16xf32>,
          %gather3A_939 = tpu.vector_load_idx %arg14[%add3A_794, %add3A_937] : memref<80x128xf32, #tpu.memory_space<vmem>>[vector<16xi32>, vector<16xi32>], vector<16xf32>,
          %mul3A_940 = arith.mulf %gather3A_938, %gather3A_939 : vector<16xf32>
          %add3A_941 = arith.addf %add3A_933, %mul3A_940 : vector<16xf32>
          %add3A_942 = arith.constant 16 : i32
          %add3A_943 = arith.addi %mul3A_814, %add3A_942 : i32
          %add3A_944 = vector.broadcast %add3A_943 : i32 to vector<16xi32>
          %add3A_945 = arith.addi %add3A_944, %and3A_121 : vector<16xi32>
          %gather3A_946 = tpu.vector_load_idx %arg9[%add3A_794, %add3A_945] : memref<80x128xf32, #tpu.memory_space<vmem>>[vector<16xi32>, vector<16xi32>], vector<16xf32>,
          %gather3A_947 = tpu.vector_load_idx %arg14[%add3A_794, %add3A_945] : memref<80x128xf32, #tpu.memory_space<vmem>>[vector<16xi32>, vector<16xi32>], vector<16xf32>,
          %mul3A_948 = arith.mulf %gather3A_946, %gather3A_947 : vector<16xf32>
          %add3A_949 = arith.addf %add3A_941, %mul3A_948 : vector<16xf32>
          %add3A_950 = arith.constant 16 : i32
          %add3A_951 = arith.addi %mul3A_814, %add3A_950 : i32
          %add3A_952 = vector.broadcast %add3A_951 : i32 to vector<16xi32>
          %add3A_953 = arith.addi %add3A_952, %and3A_127 : vector<16xi32>
          %gather3A_954 = tpu.vector_load_idx %arg9[%add3A_794, %add3A_953] : memref<80x128xf32, #tpu.memory_space<vmem>>[vector<16xi32>, vector<16xi32>], vector<16xf32>,
          %gather3A_955 = tpu.vector_load_idx %arg14[%add3A_794, %add3A_953] : memref<80x128xf32, #tpu.memory_space<vmem>>[vector<16xi32>, vector<16xi32>], vector<16xf32>,
          %mul3A_956 = arith.mulf %gather3A_954, %gather3A_955 : vector<16xf32>
          %add3A_957 = arith.addf %add3A_949, %mul3A_956 : vector<16xf32>
          %add3A_958 = arith.constant 16 : i32
          %add3A_959 = arith.addi %mul3A_814, %add3A_958 : i32
          %add3A_960 = vector.broadcast %add3A_959 : i32 to vector<16xi32>
          %add3A_961 = arith.addi %add3A_960, %and3A_133 : vector<16xi32>
          %gather3A_962 = tpu.vector_load_idx %arg9[%add3A_794, %add3A_961] : memref<80x128xf32, #tpu.memory_space<vmem>>[vector<16xi32>, vector<16xi32>], vector<16xf32>,
          %gather3A_963 = tpu.vector_load_idx %arg14[%add3A_794, %add3A_961] : memref<80x128xf32, #tpu.memory_space<vmem>>[vector<16xi32>, vector<16xi32>], vector<16xf32>,
          %mul3A_964 = arith.mulf %gather3A_962, %gather3A_963 : vector<16xf32>
          %add3A_965 = arith.addf %add3A_957, %mul3A_964 : vector<16xf32>
          %add3A_966 = arith.constant 16 : i32
          %add3A_967 = arith.addi %mul3A_814, %add3A_966 : i32
          %add3A_968 = vector.broadcast %add3A_967 : i32 to vector<16xi32>
          %add3A_969 = arith.addi %add3A_968, %and3A_139 : vector<16xi32>
          %gather3A_970 = tpu.vector_load_idx %arg9[%add3A_794, %add3A_969] : memref<80x128xf32, #tpu.memory_space<vmem>>[vector<16xi32>, vector<16xi32>], vector<16xf32>,
          %gather3A_971 = tpu.vector_load_idx %arg14[%add3A_794, %add3A_969] : memref<80x128xf32, #tpu.memory_space<vmem>>[vector<16xi32>, vector<16xi32>], vector<16xf32>,
          %mul3A_972 = arith.mulf %gather3A_970, %gather3A_971 : vector<16xf32>
          %add3A_973 = arith.addf %add3A_965, %mul3A_972 : vector<16xf32>
          %add3A_974 = arith.constant 16 : i32
          %add3A_975 = arith.addi %mul3A_814, %add3A_974 : i32
          %add3A_976 = vector.broadcast %add3A_975 : i32 to vector<16xi32>
          %add3A_977 = arith.addi %add3A_976, %and3A_145 : vector<16xi32>
          %gather3A_978 = tpu.vector_load_idx %arg9[%add3A_794, %add3A_977] : memref<80x128xf32, #tpu.memory_space<vmem>>[vector<16xi32>, vector<16xi32>], vector<16xf32>,
          %gather3A_979 = tpu.vector_load_idx %arg14[%add3A_794, %add3A_977] : memref<80x128xf32, #tpu.memory_space<vmem>>[vector<16xi32>, vector<16xi32>], vector<16xf32>,
          %mul3A_980 = arith.mulf %gather3A_978, %gather3A_979 : vector<16xf32>
          %add3A_981 = arith.addf %add3A_973, %mul3A_980 : vector<16xf32>
          %add3A_982 = arith.constant 16 : i32
          %add3A_983 = arith.addi %mul3A_814, %add3A_982 : i32
          %add3A_984 = vector.broadcast %add3A_983 : i32 to vector<16xi32>
          %add3A_985 = arith.addi %add3A_984, %and3A_151 : vector<16xi32>
          %gather3A_986 = tpu.vector_load_idx %arg9[%add3A_794, %add3A_985] : memref<80x128xf32, #tpu.memory_space<vmem>>[vector<16xi32>, vector<16xi32>], vector<16xf32>,
          %gather3A_987 = tpu.vector_load_idx %arg14[%add3A_794, %add3A_985] : memref<80x128xf32, #tpu.memory_space<vmem>>[vector<16xi32>, vector<16xi32>], vector<16xf32>,
          %mul3A_988 = arith.mulf %gather3A_986, %gather3A_987 : vector<16xf32>
          %add3A_989 = arith.addf %add3A_981, %mul3A_988 : vector<16xf32>
          %add3A_990 = arith.constant 16 : i32
          %add3A_991 = arith.addi %mul3A_814, %add3A_990 : i32
          %add3A_992 = vector.broadcast %add3A_991 : i32 to vector<16xi32>
          %add3A_993 = arith.addi %add3A_992, %and3A_157 : vector<16xi32>
          %gather3A_994 = tpu.vector_load_idx %arg9[%add3A_794, %add3A_993] : memref<80x128xf32, #tpu.memory_space<vmem>>[vector<16xi32>, vector<16xi32>], vector<16xf32>,
          %gather3A_995 = tpu.vector_load_idx %arg14[%add3A_794, %add3A_993] : memref<80x128xf32, #tpu.memory_space<vmem>>[vector<16xi32>, vector<16xi32>], vector<16xf32>,
          %mul3A_996 = arith.mulf %gather3A_994, %gather3A_995 : vector<16xf32>
          %add3A_997 = arith.addf %add3A_989, %mul3A_996 : vector<16xf32>
          %add3A_998 = arith.constant 16 : i32
          %add3A_999 = arith.addi %mul3A_814, %add3A_998 : i32
          %add3A_1000 = vector.broadcast %add3A_999 : i32 to vector<16xi32>
          %add3A_1001 = arith.addi %add3A_1000, %and3A_163 : vector<16xi32>
          %gather3A_1002 = tpu.vector_load_idx %arg9[%add3A_794, %add3A_1001] : memref<80x128xf32, #tpu.memory_space<vmem>>[vector<16xi32>, vector<16xi32>], vector<16xf32>,
          %gather3A_1003 = tpu.vector_load_idx %arg14[%add3A_794, %add3A_1001] : memref<80x128xf32, #tpu.memory_space<vmem>>[vector<16xi32>, vector<16xi32>], vector<16xf32>,
          %mul3A_1004 = arith.mulf %gather3A_1002, %gather3A_1003 : vector<16xf32>
          %add3A_1005 = arith.addf %add3A_997, %mul3A_1004 : vector<16xf32>
          %add3A_1006 = arith.constant 16 : i32
          %add3A_1007 = arith.addi %mul3A_814, %add3A_1006 : i32
          %add3A_1008 = vector.broadcast %add3A_1007 : i32 to vector<16xi32>
          %add3A_1009 = arith.addi %add3A_1008, %and3A_169 : vector<16xi32>
          %gather3A_1010 = tpu.vector_load_idx %arg9[%add3A_794, %add3A_1009] : memref<80x128xf32, #tpu.memory_space<vmem>>[vector<16xi32>, vector<16xi32>], vector<16xf32>,
          %gather3A_1011 = tpu.vector_load_idx %arg14[%add3A_794, %add3A_1009] : memref<80x128xf32, #tpu.memory_space<vmem>>[vector<16xi32>, vector<16xi32>], vector<16xf32>,
          %mul3A_1012 = arith.mulf %gather3A_1010, %gather3A_1011 : vector<16xf32>
          %add3A_1013 = arith.addf %add3A_1005, %mul3A_1012 : vector<16xf32>
          %add3A_1014 = arith.constant 16 : i32
          %add3A_1015 = arith.addi %mul3A_814, %add3A_1014 : i32
          %add3A_1016 = vector.broadcast %add3A_1015 : i32 to vector<16xi32>
          %add3A_1017 = arith.addi %add3A_1016, %and3A_175 : vector<16xi32>
          %gather3A_1018 = tpu.vector_load_idx %arg9[%add3A_794, %add3A_1017] : memref<80x128xf32, #tpu.memory_space<vmem>>[vector<16xi32>, vector<16xi32>], vector<16xf32>,
          %gather3A_1019 = tpu.vector_load_idx %arg14[%add3A_794, %add3A_1017] : memref<80x128xf32, #tpu.memory_space<vmem>>[vector<16xi32>, vector<16xi32>], vector<16xf32>,
          %mul3A_1020 = arith.mulf %gather3A_1018, %gather3A_1019 : vector<16xf32>
          %add3A_1021 = arith.addf %add3A_1013, %mul3A_1020 : vector<16xf32>
          %add3A_1022 = arith.constant 16 : i32
          %add3A_1023 = arith.addi %mul3A_814, %add3A_1022 : i32
          %add3A_1024 = vector.broadcast %add3A_1023 : i32 to vector<16xi32>
          %add3A_1025 = arith.addi %add3A_1024, %and3A_181 : vector<16xi32>
          %gather3A_1026 = tpu.vector_load_idx %arg9[%add3A_794, %add3A_1025] : memref<80x128xf32, #tpu.memory_space<vmem>>[vector<16xi32>, vector<16xi32>], vector<16xf32>,
          %gather3A_1027 = tpu.vector_load_idx %arg14[%add3A_794, %add3A_1025] : memref<80x128xf32, #tpu.memory_space<vmem>>[vector<16xi32>, vector<16xi32>], vector<16xf32>,
          %mul3A_1028 = arith.mulf %gather3A_1026, %gather3A_1027 : vector<16xf32>
          %add3A_1029 = arith.addf %add3A_1021, %mul3A_1028 : vector<16xf32>
          %add3A_1030 = arith.constant 16 : i32
          %add3A_1031 = arith.addi %mul3A_814, %add3A_1030 : i32
          %add3A_1032 = vector.broadcast %add3A_1031 : i32 to vector<16xi32>
          %add3A_1033 = arith.addi %add3A_1032, %and3A_187 : vector<16xi32>
          %gather3A_1034 = tpu.vector_load_idx %arg9[%add3A_794, %add3A_1033] : memref<80x128xf32, #tpu.memory_space<vmem>>[vector<16xi32>, vector<16xi32>], vector<16xf32>,
          %gather3A_1035 = tpu.vector_load_idx %arg14[%add3A_794, %add3A_1033] : memref<80x128xf32, #tpu.memory_space<vmem>>[vector<16xi32>, vector<16xi32>], vector<16xf32>,
          %mul3A_1036 = arith.mulf %gather3A_1034, %gather3A_1035 : vector<16xf32>
          %add3A_1037 = arith.addf %add3A_1029, %mul3A_1036 : vector<16xf32>
          %add3A_1038 = arith.constant 16 : i32
          %add3A_1039 = arith.addi %mul3A_814, %add3A_1038 : i32
          %add3A_1040 = vector.broadcast %add3A_1039 : i32 to vector<16xi32>
          %add3A_1041 = arith.addi %add3A_1040, %and3A_193 : vector<16xi32>
          %gather3A_1042 = tpu.vector_load_idx %arg9[%add3A_794, %add3A_1041] : memref<80x128xf32, #tpu.memory_space<vmem>>[vector<16xi32>, vector<16xi32>], vector<16xf32>,
          %gather3A_1043 = tpu.vector_load_idx %arg14[%add3A_794, %add3A_1041] : memref<80x128xf32, #tpu.memory_space<vmem>>[vector<16xi32>, vector<16xi32>], vector<16xf32>,
          %mul3A_1044 = arith.mulf %gather3A_1042, %gather3A_1043 : vector<16xf32>
          %add3A_1045 = arith.addf %add3A_1037, %mul3A_1044 : vector<16xf32>
          %add3A_1046 = arith.constant 16 : i32
          %add3A_1047 = arith.addi %mul3A_814, %add3A_1046 : i32
          %add3A_1048 = vector.broadcast %add3A_1047 : i32 to vector<16xi32>
          %add3A_1049 = arith.addi %add3A_1048, %and3A_199 : vector<16xi32>
          %gather3A_1050 = tpu.vector_load_idx %arg9[%add3A_794, %add3A_1049] : memref<80x128xf32, #tpu.memory_space<vmem>>[vector<16xi32>, vector<16xi32>], vector<16xf32>,
          %gather3A_1051 = tpu.vector_load_idx %arg14[%add3A_794, %add3A_1049] : memref<80x128xf32, #tpu.memory_space<vmem>>[vector<16xi32>, vector<16xi32>], vector<16xf32>,
          %mul3A_1052 = arith.mulf %gather3A_1050, %gather3A_1051 : vector<16xf32>
          %add3A_1053 = arith.addf %add3A_1045, %mul3A_1052 : vector<16xf32>
          %add3A_1054 = arith.constant 16 : i32
          %add3A_1055 = arith.addi %mul3A_814, %add3A_1054 : i32
          %add3A_1056 = vector.broadcast %add3A_1055 : i32 to vector<16xi32>
          %add3A_1057 = arith.addi %add3A_1056, %and3A_205 : vector<16xi32>
          %gather3A_1058 = tpu.vector_load_idx %arg9[%add3A_794, %add3A_1057] : memref<80x128xf32, #tpu.memory_space<vmem>>[vector<16xi32>, vector<16xi32>], vector<16xf32>,
          %gather3A_1059 = tpu.vector_load_idx %arg14[%add3A_794, %add3A_1057] : memref<80x128xf32, #tpu.memory_space<vmem>>[vector<16xi32>, vector<16xi32>], vector<16xf32>,
          %mul3A_1060 = arith.mulf %gather3A_1058, %gather3A_1059 : vector<16xf32>
          %add3A_1061 = arith.addf %add3A_1053, %mul3A_1060 : vector<16xf32>
          %add3A_1062 = arith.constant 16 : i32
          %add3A_1063 = arith.addi %mul3A_814, %add3A_1062 : i32
          %add3A_1064 = vector.broadcast %add3A_1063 : i32 to vector<16xi32>
          %add3A_1065 = arith.addi %add3A_1064, %and3A_211 : vector<16xi32>
          %gather3A_1066 = tpu.vector_load_idx %arg9[%add3A_794, %add3A_1065] : memref<80x128xf32, #tpu.memory_space<vmem>>[vector<16xi32>, vector<16xi32>], vector<16xf32>,
          %gather3A_1067 = tpu.vector_load_idx %arg14[%add3A_794, %add3A_1065] : memref<80x128xf32, #tpu.memory_space<vmem>>[vector<16xi32>, vector<16xi32>], vector<16xf32>,
          %mul3A_1068 = arith.mulf %gather3A_1066, %gather3A_1067 : vector<16xf32>
          %add3A_1069 = arith.addf %add3A_1061, %mul3A_1068 : vector<16xf32>
          scf.yield %add3A_1069 : vector<16xf32>
        }
        %scan3A_801 = arith.constant 4 : i32
        %neg3A = arith.constant 0.000000e+00 : f32
        %neg3A_802 = vector.broadcast %neg3A : f32 to vector<16xf32>
        %neg3A_803 = arith.subf %neg3A_802, %scan3A_800 : vector<16xf32>
        %exp3A = math.exp %neg3A_803 : vector<16xf32>
        %add3A_804 = arith.constant 1.000000e+00 : f32
        %add3A_805 = vector.broadcast %add3A_804 : f32 to vector<16xf32>
        %add3A_806 = arith.addf %add3A_805, %exp3A : vector<16xf32>
        %div3A = arith.constant 1.000000e+00 : f32
        %div3A_807 = vector.broadcast %div3A : f32 to vector<16xf32>
        %div3A_808 = arith.divf %div3A_807, %add3A_806 : vector<16xf32>
        %swap3A = arith.index_cast %mul3A_792 : i32 to index
        %swap3A_809 = tpu.vector_load %arg19[%swap3A] {strides = array<i32>} : memref<80xf32, #tpu.memory_space<vmem>>, vector<16xf32>,
        tpu.vector_store %arg19[%swap3A], %div3A_808 {strides = array<i32>} : memref<80xf32, #tpu.memory_space<vmem>>, vector<16xf32>,
        %scan3A_810 = arith.constant 0 : i32
        scf.yield %scan3A_810 : i32
      }
      %scan3A_218 = arith.constant 5 : i32
      %mul3A_219 = arith.constant 5 : i32
      %mul3A_220 = arith.muli %scan3A_97, %mul3A_219 : i32
      %add3A_221 = arith.constant 0 : i32
      %add3A_222 = arith.addi %mul3A_220, %add3A_221 : i32
      %mul3A_223 = arith.constant 80 : i32
      %mul3A_224 = arith.muli %add3A_222, %mul3A_223 : i32
      %add3A_225 = arith.addi %mul3A_2, %mul3A_224 : i32
      %dma_start3A_226 = tpu.memref_slice %arg6[%add3A_225] : memref<320000xf32, #tpu.memory_space<hbm>> -> memref<80xf32, #tpu.memory_space<hbm>>
      %dma_start3A_227 = tpu.memref_slice %arg6[%add3A_225] : memref<320000xf32, #tpu.memory_space<hbm>> -> memref<80xf32, #tpu.memory_space<hbm>>
      tpu.enqueue_dma source(%arg19 : memref<80xf32, #tpu.memory_space<vmem>>) target(%dma_start3A_227 : memref<80xf32, #tpu.memory_space<hbm>>) target_semaphore(%arg29 : memref<!tpu.dma_semaphore, #tpu.memory_space<semaphore_mem>>)
      %lt3A = arith.constant 24 : i32
      %lt3A_228 = arith.cmpi slt, %scan3A_97, %lt3A : i32
      %convert_element_type3A_229 = arith.extui %lt3A_228 : i1 to i32
      %cond3A_230 = arith.constant 0 : i32
      %cond3A_231 = arith.cmpi ne, %convert_element_type3A_229, %cond3A_230 : i32
      scf.if %cond3A_231 {
        %add3A_789 = arith.constant 1 : i32
        %add3A_790 = arith.addi %scan3A_97, %add3A_789 : i32
        %mul3A_791 = arith.constant 5 : i32
        %mul3A_792 = arith.muli %add3A_790, %mul3A_791 : i32
        %add3A_793 = arith.constant 0 : i32
        %add3A_794 = arith.addi %mul3A_792, %add3A_793 : i32
        %mul3A_795 = arith.constant 80 : i32
        %mul3A_796 = arith.muli %add3A_794, %mul3A_795 : i32
        %add3A_797 = arith.constant 0 : i32
        %add3A_798 = arith.addi %mul3A_796, %add3A_797 : i32
        %dma_start3A_799 = arith.constant 0 : i32
        %dma_start3A_800 = arith.constant 0 : i32
        %dma_start3A_801 = tpu.memref_slice %arg9[%dma_start3A_799, %dma_start3A_800] : memref<80x128xf32, #tpu.memory_space<vmem>> -> memref<80x128xf32, #tpu.memory_space<vmem>>
        %dma_start3A_802 = tpu.memref_slice %arg7[%add3A_798] : memref<10000xi32, #tpu.memory_space<vmem>> -> memref<80xi32, #tpu.memory_space<vmem>>
        %dma_start3A_803 = arith.constant 0 : i32
        %dma_start3A_804 = arith.constant 0 : i32
        %dma_start3A_805 = tpu.memref_slice %arg2[%dma_start3A_803, %dma_start3A_804] : memref<10000x128xf32, #tpu.memory_space<hbm>> -> memref<10000x128xf32, #tpu.memory_space<hbm>>
        tpu.enqueue_indirect_dma source(%dma_start3A_805 : memref<10000x128xf32, #tpu.memory_space<hbm>>) target(%dma_start3A_801 : memref<80x128xf32, #tpu.memory_space<vmem>>) offsets(%dma_start3A_802 : memref<80xi32, #tpu.memory_space<vmem>>) semaphore(%arg24 : memref<!tpu.dma_semaphore, #tpu.memory_space<semaphore_mem>>)
        %dma_start3A_806 = arith.constant 0 : i32
        %dma_start3A_807 = arith.constant 0 : i32
        %dma_start3A_808 = tpu.memref_slice %arg14[%dma_start3A_806, %dma_start3A_807] : memref<80x128xf32, #tpu.memory_space<vmem>> -> memref<80x128xf32, #tpu.memory_space<vmem>>
        %dma_start3A_809 = tpu.memref_slice %arg8[%add3A_798] : memref<10000xi32, #tpu.memory_space<vmem>> -> memref<80xi32, #tpu.memory_space<vmem>>
        %dma_start3A_810 = arith.constant 0 : i32
        %dma_start3A_811 = arith.constant 0 : i32
        %dma_start3A_812 = tpu.memref_slice %arg3[%dma_start3A_810, %dma_start3A_811] : memref<10000x128xf32, #tpu.memory_space<hbm>> -> memref<10000x128xf32, #tpu.memory_space<hbm>>
        tpu.enqueue_indirect_dma source(%dma_start3A_812 : memref<10000x128xf32, #tpu.memory_space<hbm>>) target(%dma_start3A_808 : memref<80x128xf32, #tpu.memory_space<vmem>>) offsets(%dma_start3A_809 : memref<80xi32, #tpu.memory_space<vmem>>) semaphore(%arg24 : memref<!tpu.dma_semaphore, #tpu.memory_space<semaphore_mem>>)
      } else {
      }
      %dma_wait3A_232 = arith.constant 0 : i32
      %dma_wait3A_233 = arith.constant 0 : i32
      %dma_wait3A_234 = tpu.memref_slice %arg10[%dma_wait3A_232, %dma_wait3A_233] : memref<80x128xf32, #tpu.memory_space<vmem>> -> memref<80x128xf32, #tpu.memory_space<vmem>>
      %dma_wait3A_235 = arith.constant 0 : i32
      %dma_wait3A_236 = tpu.memref_slice %arg7[%dma_wait3A_235] : memref<10000xi32, #tpu.memory_space<vmem>> -> memref<80xi32, #tpu.memory_space<vmem>>
      %dma_wait3A_237 = arith.constant 0 : i32
      %dma_wait3A_238 = arith.constant 0 : i32
      %dma_wait3A_239 = tpu.memref_slice %arg2[%dma_wait3A_237, %dma_wait3A_238] : memref<10000x128xf32, #tpu.memory_space<hbm>> -> memref<10000x128xf32, #tpu.memory_space<hbm>>
      tpu.wait_indirect_dma semaphore(%arg25 : memref<!tpu.dma_semaphore, #tpu.memory_space<semaphore_mem>>) src(%dma_wait3A_239 : memref<10000x128xf32, #tpu.memory_space<hbm>>) dst(%dma_wait3A_234 : memref<80x128xf32, #tpu.memory_space<vmem>>)
      %dma_wait3A_240 = arith.constant 0 : i32
      %dma_wait3A_241 = arith.constant 0 : i32
      %dma_wait3A_242 = tpu.memref_slice %arg15[%dma_wait3A_240, %dma_wait3A_241] : memref<80x128xf32, #tpu.memory_space<vmem>> -> memref<80x128xf32, #tpu.memory_space<vmem>>
      %dma_wait3A_243 = arith.constant 0 : i32
      %dma_wait3A_244 = tpu.memref_slice %arg8[%dma_wait3A_243] : memref<10000xi32, #tpu.memory_space<vmem>> -> memref<80xi32, #tpu.memory_space<vmem>>
      %dma_wait3A_245 = arith.constant 0 : i32
      %dma_wait3A_246 = arith.constant 0 : i32
      %dma_wait3A_247 = tpu.memref_slice %arg3[%dma_wait3A_245, %dma_wait3A_246] : memref<10000x128xf32, #tpu.memory_space<hbm>> -> memref<10000x128xf32, #tpu.memory_space<hbm>>
      tpu.wait_indirect_dma semaphore(%arg25 : memref<!tpu.dma_semaphore, #tpu.memory_space<semaphore_mem>>) src(%dma_wait3A_247 : memref<10000x128xf32, #tpu.memory_space<hbm>>) dst(%dma_wait3A_242 : memref<80x128xf32, #tpu.memory_space<vmem>>)
      %gt3A_248 = arith.constant 0 : i32
      %gt3A_249 = arith.cmpi sgt, %scan3A_97, %gt3A_248 : i32
      %convert_element_type3A_250 = arith.extui %gt3A_249 : i1 to i32
      %cond3A_251 = arith.constant 0 : i32
      %cond3A_252 = arith.cmpi ne, %convert_element_type3A_250, %cond3A_251 : i32
      scf.if %cond3A_252 {
        %dma_wait3A_789 = tpu.memref_slice %arg6[%mul3A_2] : memref<320000xf32, #tpu.memory_space<hbm>> -> memref<80xf32, #tpu.memory_space<hbm>>
        %dma_wait3A_790 = tpu.memref_slice %arg6[%mul3A_2] : memref<320000xf32, #tpu.memory_space<hbm>> -> memref<80xf32, #tpu.memory_space<hbm>>
        tpu.wait_dma2 semaphore(%arg30 : memref<!tpu.dma_semaphore, #tpu.memory_space<semaphore_mem>>) src(%arg20 : memref<80xf32, #tpu.memory_space<vmem>>) dst(%dma_wait3A_790 : memref<80xf32, #tpu.memory_space<hbm>>)
      } else {
      }
      %iota3A_253 = tpu.iota {dimensions = array<i32: 0>} : vector<16xi32>
      %add3A_254 = arith.constant 0 : i32
      %add3A_255 = vector.broadcast %add3A_254 : i32 to vector<16xi32>
      %add3A_256 = arith.addi %iota3A_253, %add3A_255 : vector<16xi32>
      %and3A_257 = arith.constant 15 : i32
      %and3A_258 = vector.broadcast %and3A_257 : i32 to vector<16xi32>
      %and3A_259 = arith.andi %add3A_256, %and3A_258 : vector<16xi32>
      %add3A_260 = arith.constant 1 : i32
      %add3A_261 = vector.broadcast %add3A_260 : i32 to vector<16xi32>
      %add3A_262 = arith.addi %iota3A_253, %add3A_261 : vector<16xi32>
      %and3A_263 = arith.constant 15 : i32
      %and3A_264 = vector.broadcast %and3A_263 : i32 to vector<16xi32>
      %and3A_265 = arith.andi %add3A_262, %and3A_264 : vector<16xi32>
      %add3A_266 = arith.constant 2 : i32
      %add3A_267 = vector.broadcast %add3A_266 : i32 to vector<16xi32>
      %add3A_268 = arith.addi %iota3A_253, %add3A_267 : vector<16xi32>
      %and3A_269 = arith.constant 15 : i32
      %and3A_270 = vector.broadcast %and3A_269 : i32 to vector<16xi32>
      %and3A_271 = arith.andi %add3A_268, %and3A_270 : vector<16xi32>
      %add3A_272 = arith.constant 3 : i32
      %add3A_273 = vector.broadcast %add3A_272 : i32 to vector<16xi32>
      %add3A_274 = arith.addi %iota3A_253, %add3A_273 : vector<16xi32>
      %and3A_275 = arith.constant 15 : i32
      %and3A_276 = vector.broadcast %and3A_275 : i32 to vector<16xi32>
      %and3A_277 = arith.andi %add3A_274, %and3A_276 : vector<16xi32>
      %add3A_278 = arith.constant 4 : i32
      %add3A_279 = vector.broadcast %add3A_278 : i32 to vector<16xi32>
      %add3A_280 = arith.addi %iota3A_253, %add3A_279 : vector<16xi32>
      %and3A_281 = arith.constant 15 : i32
      %and3A_282 = vector.broadcast %and3A_281 : i32 to vector<16xi32>
      %and3A_283 = arith.andi %add3A_280, %and3A_282 : vector<16xi32>
      %add3A_284 = arith.constant 5 : i32
      %add3A_285 = vector.broadcast %add3A_284 : i32 to vector<16xi32>
      %add3A_286 = arith.addi %iota3A_253, %add3A_285 : vector<16xi32>
      %and3A_287 = arith.constant 15 : i32
      %and3A_288 = vector.broadcast %and3A_287 : i32 to vector<16xi32>
      %and3A_289 = arith.andi %add3A_286, %and3A_288 : vector<16xi32>
      %add3A_290 = arith.constant 6 : i32
      %add3A_291 = vector.broadcast %add3A_290 : i32 to vector<16xi32>
      %add3A_292 = arith.addi %iota3A_253, %add3A_291 : vector<16xi32>
      %and3A_293 = arith.constant 15 : i32
      %and3A_294 = vector.broadcast %and3A_293 : i32 to vector<16xi32>
      %and3A_295 = arith.andi %add3A_292, %and3A_294 : vector<16xi32>
      %add3A_296 = arith.constant 7 : i32
      %add3A_297 = vector.broadcast %add3A_296 : i32 to vector<16xi32>
      %add3A_298 = arith.addi %iota3A_253, %add3A_297 : vector<16xi32>
      %and3A_299 = arith.constant 15 : i32
      %and3A_300 = vector.broadcast %and3A_299 : i32 to vector<16xi32>
      %and3A_301 = arith.andi %add3A_298, %and3A_300 : vector<16xi32>
      %add3A_302 = arith.constant 8 : i32
      %add3A_303 = vector.broadcast %add3A_302 : i32 to vector<16xi32>
      %add3A_304 = arith.addi %iota3A_253, %add3A_303 : vector<16xi32>
      %and3A_305 = arith.constant 15 : i32
      %and3A_306 = vector.broadcast %and3A_305 : i32 to vector<16xi32>
      %and3A_307 = arith.andi %add3A_304, %and3A_306 : vector<16xi32>
      %add3A_308 = arith.constant 9 : i32
      %add3A_309 = vector.broadcast %add3A_308 : i32 to vector<16xi32>
      %add3A_310 = arith.addi %iota3A_253, %add3A_309 : vector<16xi32>
      %and3A_311 = arith.constant 15 : i32
      %and3A_312 = vector.broadcast %and3A_311 : i32 to vector<16xi32>
      %and3A_313 = arith.andi %add3A_310, %and3A_312 : vector<16xi32>
      %add3A_314 = arith.constant 10 : i32
      %add3A_315 = vector.broadcast %add3A_314 : i32 to vector<16xi32>
      %add3A_316 = arith.addi %iota3A_253, %add3A_315 : vector<16xi32>
      %and3A_317 = arith.constant 15 : i32
      %and3A_318 = vector.broadcast %and3A_317 : i32 to vector<16xi32>
      %and3A_319 = arith.andi %add3A_316, %and3A_318 : vector<16xi32>
      %add3A_320 = arith.constant 11 : i32
      %add3A_321 = vector.broadcast %add3A_320 : i32 to vector<16xi32>
      %add3A_322 = arith.addi %iota3A_253, %add3A_321 : vector<16xi32>
      %and3A_323 = arith.constant 15 : i32
      %and3A_324 = vector.broadcast %and3A_323 : i32 to vector<16xi32>
      %and3A_325 = arith.andi %add3A_322, %and3A_324 : vector<16xi32>
      %add3A_326 = arith.constant 12 : i32
      %add3A_327 = vector.broadcast %add3A_326 : i32 to vector<16xi32>
      %add3A_328 = arith.addi %iota3A_253, %add3A_327 : vector<16xi32>
      %and3A_329 = arith.constant 15 : i32
      %and3A_330 = vector.broadcast %and3A_329 : i32 to vector<16xi32>
      %and3A_331 = arith.andi %add3A_328, %and3A_330 : vector<16xi32>
      %add3A_332 = arith.constant 13 : i32
      %add3A_333 = vector.broadcast %add3A_332 : i32 to vector<16xi32>
      %add3A_334 = arith.addi %iota3A_253, %add3A_333 : vector<16xi32>
      %and3A_335 = arith.constant 15 : i32
      %and3A_336 = vector.broadcast %and3A_335 : i32 to vector<16xi32>
      %and3A_337 = arith.andi %add3A_334, %and3A_336 : vector<16xi32>
      %add3A_338 = arith.constant 14 : i32
      %add3A_339 = vector.broadcast %add3A_338 : i32 to vector<16xi32>
      %add3A_340 = arith.addi %iota3A_253, %add3A_339 : vector<16xi32>
      %and3A_341 = arith.constant 15 : i32
      %and3A_342 = vector.broadcast %and3A_341 : i32 to vector<16xi32>
      %and3A_343 = arith.andi %add3A_340, %and3A_342 : vector<16xi32>
      %add3A_344 = arith.constant 15 : i32
      %add3A_345 = vector.broadcast %add3A_344 : i32 to vector<16xi32>
      %add3A_346 = arith.addi %iota3A_253, %add3A_345 : vector<16xi32>
      %and3A_347 = arith.constant 15 : i32
      %and3A_348 = vector.broadcast %and3A_347 : i32 to vector<16xi32>
      %and3A_349 = arith.andi %add3A_346, %and3A_348 : vector<16xi32>
      %scan3A_350 = arith.constant 0 : i32
      %scan3A_351 = arith.constant 0 : i32
      %scan3A_352 = arith.constant 5 : i32
      %scan3A_353 = arith.addi %scan3A_351, %scan3A_352 : i32
      %scan3A_354 = arith.constant 1 : i32
      %scan3A_355 = scf.for %scan3A_789 = %scan3A_351 to %scan3A_353 step %scan3A_354 iter_args(%scan3A_790 = %scan3A_350) -> (i32)  : i32 {
        %mul3A_791 = arith.constant 16 : i32
        %mul3A_792 = arith.muli %scan3A_789, %mul3A_791 : i32
        %add3A_793 = vector.broadcast %mul3A_792 : i32 to vector<16xi32>
        %add3A_794 = arith.addi %add3A_793, %iota3A_253 : vector<16xi32>
        %broadcast_in_dim3A = arith.constant 0.000000e+00 : f32
        %broadcast_in_dim3A_795 = vector.broadcast %broadcast_in_dim3A : f32 to vector<16xf32>
        %scan3A_796 = arith.constant 0 : i32
        %scan3A_797 = arith.constant 4 : i32
        %scan3A_798 = arith.addi %scan3A_796, %scan3A_797 : i32
        %scan3A_799 = arith.constant 1 : i32
        %scan3A_800 = scf.for %scan3A_811 = %scan3A_796 to %scan3A_798 step %scan3A_799 iter_args(%scan3A_812 = %broadcast_in_dim3A_795) -> (vector<16xf32>)  : i32 {
          %mul3A_813 = arith.constant 32 : i32
          %mul3A_814 = arith.muli %scan3A_811, %mul3A_813 : i32
          %add3A_815 = arith.constant 0 : i32
          %add3A_816 = arith.addi %mul3A_814, %add3A_815 : i32
          %add3A_817 = vector.broadcast %add3A_816 : i32 to vector<16xi32>
          %add3A_818 = arith.addi %add3A_817, %and3A_259 : vector<16xi32>
          %gather3A = tpu.vector_load_idx %arg10[%add3A_794, %add3A_818] : memref<80x128xf32, #tpu.memory_space<vmem>>[vector<16xi32>, vector<16xi32>], vector<16xf32>,
          %gather3A_819 = tpu.vector_load_idx %arg15[%add3A_794, %add3A_818] : memref<80x128xf32, #tpu.memory_space<vmem>>[vector<16xi32>, vector<16xi32>], vector<16xf32>,
          %mul3A_820 = arith.mulf %gather3A, %gather3A_819 : vector<16xf32>
          %add3A_821 = arith.addf %scan3A_812, %mul3A_820 : vector<16xf32>
          %add3A_822 = arith.constant 0 : i32
          %add3A_823 = arith.addi %mul3A_814, %add3A_822 : i32
          %add3A_824 = vector.broadcast %add3A_823 : i32 to vector<16xi32>
          %add3A_825 = arith.addi %add3A_824, %and3A_265 : vector<16xi32>
          %gather3A_826 = tpu.vector_load_idx %arg10[%add3A_794, %add3A_825] : memref<80x128xf32, #tpu.memory_space<vmem>>[vector<16xi32>, vector<16xi32>], vector<16xf32>,
          %gather3A_827 = tpu.vector_load_idx %arg15[%add3A_794, %add3A_825] : memref<80x128xf32, #tpu.memory_space<vmem>>[vector<16xi32>, vector<16xi32>], vector<16xf32>,
          %mul3A_828 = arith.mulf %gather3A_826, %gather3A_827 : vector<16xf32>
          %add3A_829 = arith.addf %add3A_821, %mul3A_828 : vector<16xf32>
          %add3A_830 = arith.constant 0 : i32
          %add3A_831 = arith.addi %mul3A_814, %add3A_830 : i32
          %add3A_832 = vector.broadcast %add3A_831 : i32 to vector<16xi32>
          %add3A_833 = arith.addi %add3A_832, %and3A_271 : vector<16xi32>
          %gather3A_834 = tpu.vector_load_idx %arg10[%add3A_794, %add3A_833] : memref<80x128xf32, #tpu.memory_space<vmem>>[vector<16xi32>, vector<16xi32>], vector<16xf32>,
          %gather3A_835 = tpu.vector_load_idx %arg15[%add3A_794, %add3A_833] : memref<80x128xf32, #tpu.memory_space<vmem>>[vector<16xi32>, vector<16xi32>], vector<16xf32>,
          %mul3A_836 = arith.mulf %gather3A_834, %gather3A_835 : vector<16xf32>
          %add3A_837 = arith.addf %add3A_829, %mul3A_836 : vector<16xf32>
          %add3A_838 = arith.constant 0 : i32
          %add3A_839 = arith.addi %mul3A_814, %add3A_838 : i32
          %add3A_840 = vector.broadcast %add3A_839 : i32 to vector<16xi32>
          %add3A_841 = arith.addi %add3A_840, %and3A_277 : vector<16xi32>
          %gather3A_842 = tpu.vector_load_idx %arg10[%add3A_794, %add3A_841] : memref<80x128xf32, #tpu.memory_space<vmem>>[vector<16xi32>, vector<16xi32>], vector<16xf32>,
          %gather3A_843 = tpu.vector_load_idx %arg15[%add3A_794, %add3A_841] : memref<80x128xf32, #tpu.memory_space<vmem>>[vector<16xi32>, vector<16xi32>], vector<16xf32>,
          %mul3A_844 = arith.mulf %gather3A_842, %gather3A_843 : vector<16xf32>
          %add3A_845 = arith.addf %add3A_837, %mul3A_844 : vector<16xf32>
          %add3A_846 = arith.constant 0 : i32
          %add3A_847 = arith.addi %mul3A_814, %add3A_846 : i32
          %add3A_848 = vector.broadcast %add3A_847 : i32 to vector<16xi32>
          %add3A_849 = arith.addi %add3A_848, %and3A_283 : vector<16xi32>
          %gather3A_850 = tpu.vector_load_idx %arg10[%add3A_794, %add3A_849] : memref<80x128xf32, #tpu.memory_space<vmem>>[vector<16xi32>, vector<16xi32>], vector<16xf32>,
          %gather3A_851 = tpu.vector_load_idx %arg15[%add3A_794, %add3A_849] : memref<80x128xf32, #tpu.memory_space<vmem>>[vector<16xi32>, vector<16xi32>], vector<16xf32>,
          %mul3A_852 = arith.mulf %gather3A_850, %gather3A_851 : vector<16xf32>
          %add3A_853 = arith.addf %add3A_845, %mul3A_852 : vector<16xf32>
          %add3A_854 = arith.constant 0 : i32
          %add3A_855 = arith.addi %mul3A_814, %add3A_854 : i32
          %add3A_856 = vector.broadcast %add3A_855 : i32 to vector<16xi32>
          %add3A_857 = arith.addi %add3A_856, %and3A_289 : vector<16xi32>
          %gather3A_858 = tpu.vector_load_idx %arg10[%add3A_794, %add3A_857] : memref<80x128xf32, #tpu.memory_space<vmem>>[vector<16xi32>, vector<16xi32>], vector<16xf32>,
          %gather3A_859 = tpu.vector_load_idx %arg15[%add3A_794, %add3A_857] : memref<80x128xf32, #tpu.memory_space<vmem>>[vector<16xi32>, vector<16xi32>], vector<16xf32>,
          %mul3A_860 = arith.mulf %gather3A_858, %gather3A_859 : vector<16xf32>
          %add3A_861 = arith.addf %add3A_853, %mul3A_860 : vector<16xf32>
          %add3A_862 = arith.constant 0 : i32
          %add3A_863 = arith.addi %mul3A_814, %add3A_862 : i32
          %add3A_864 = vector.broadcast %add3A_863 : i32 to vector<16xi32>
          %add3A_865 = arith.addi %add3A_864, %and3A_295 : vector<16xi32>
          %gather3A_866 = tpu.vector_load_idx %arg10[%add3A_794, %add3A_865] : memref<80x128xf32, #tpu.memory_space<vmem>>[vector<16xi32>, vector<16xi32>], vector<16xf32>,
          %gather3A_867 = tpu.vector_load_idx %arg15[%add3A_794, %add3A_865] : memref<80x128xf32, #tpu.memory_space<vmem>>[vector<16xi32>, vector<16xi32>], vector<16xf32>,
          %mul3A_868 = arith.mulf %gather3A_866, %gather3A_867 : vector<16xf32>
          %add3A_869 = arith.addf %add3A_861, %mul3A_868 : vector<16xf32>
          %add3A_870 = arith.constant 0 : i32
          %add3A_871 = arith.addi %mul3A_814, %add3A_870 : i32
          %add3A_872 = vector.broadcast %add3A_871 : i32 to vector<16xi32>
          %add3A_873 = arith.addi %add3A_872, %and3A_301 : vector<16xi32>
          %gather3A_874 = tpu.vector_load_idx %arg10[%add3A_794, %add3A_873] : memref<80x128xf32, #tpu.memory_space<vmem>>[vector<16xi32>, vector<16xi32>], vector<16xf32>,
          %gather3A_875 = tpu.vector_load_idx %arg15[%add3A_794, %add3A_873] : memref<80x128xf32, #tpu.memory_space<vmem>>[vector<16xi32>, vector<16xi32>], vector<16xf32>,
          %mul3A_876 = arith.mulf %gather3A_874, %gather3A_875 : vector<16xf32>
          %add3A_877 = arith.addf %add3A_869, %mul3A_876 : vector<16xf32>
          %add3A_878 = arith.constant 0 : i32
          %add3A_879 = arith.addi %mul3A_814, %add3A_878 : i32
          %add3A_880 = vector.broadcast %add3A_879 : i32 to vector<16xi32>
          %add3A_881 = arith.addi %add3A_880, %and3A_307 : vector<16xi32>
          %gather3A_882 = tpu.vector_load_idx %arg10[%add3A_794, %add3A_881] : memref<80x128xf32, #tpu.memory_space<vmem>>[vector<16xi32>, vector<16xi32>], vector<16xf32>,
          %gather3A_883 = tpu.vector_load_idx %arg15[%add3A_794, %add3A_881] : memref<80x128xf32, #tpu.memory_space<vmem>>[vector<16xi32>, vector<16xi32>], vector<16xf32>,
          %mul3A_884 = arith.mulf %gather3A_882, %gather3A_883 : vector<16xf32>
          %add3A_885 = arith.addf %add3A_877, %mul3A_884 : vector<16xf32>
          %add3A_886 = arith.constant 0 : i32
          %add3A_887 = arith.addi %mul3A_814, %add3A_886 : i32
          %add3A_888 = vector.broadcast %add3A_887 : i32 to vector<16xi32>
          %add3A_889 = arith.addi %add3A_888, %and3A_313 : vector<16xi32>
          %gather3A_890 = tpu.vector_load_idx %arg10[%add3A_794, %add3A_889] : memref<80x128xf32, #tpu.memory_space<vmem>>[vector<16xi32>, vector<16xi32>], vector<16xf32>,
          %gather3A_891 = tpu.vector_load_idx %arg15[%add3A_794, %add3A_889] : memref<80x128xf32, #tpu.memory_space<vmem>>[vector<16xi32>, vector<16xi32>], vector<16xf32>,
          %mul3A_892 = arith.mulf %gather3A_890, %gather3A_891 : vector<16xf32>
          %add3A_893 = arith.addf %add3A_885, %mul3A_892 : vector<16xf32>
          %add3A_894 = arith.constant 0 : i32
          %add3A_895 = arith.addi %mul3A_814, %add3A_894 : i32
          %add3A_896 = vector.broadcast %add3A_895 : i32 to vector<16xi32>
          %add3A_897 = arith.addi %add3A_896, %and3A_319 : vector<16xi32>
          %gather3A_898 = tpu.vector_load_idx %arg10[%add3A_794, %add3A_897] : memref<80x128xf32, #tpu.memory_space<vmem>>[vector<16xi32>, vector<16xi32>], vector<16xf32>,
          %gather3A_899 = tpu.vector_load_idx %arg15[%add3A_794, %add3A_897] : memref<80x128xf32, #tpu.memory_space<vmem>>[vector<16xi32>, vector<16xi32>], vector<16xf32>,
          %mul3A_900 = arith.mulf %gather3A_898, %gather3A_899 : vector<16xf32>
          %add3A_901 = arith.addf %add3A_893, %mul3A_900 : vector<16xf32>
          %add3A_902 = arith.constant 0 : i32
          %add3A_903 = arith.addi %mul3A_814, %add3A_902 : i32
          %add3A_904 = vector.broadcast %add3A_903 : i32 to vector<16xi32>
          %add3A_905 = arith.addi %add3A_904, %and3A_325 : vector<16xi32>
          %gather3A_906 = tpu.vector_load_idx %arg10[%add3A_794, %add3A_905] : memref<80x128xf32, #tpu.memory_space<vmem>>[vector<16xi32>, vector<16xi32>], vector<16xf32>,
          %gather3A_907 = tpu.vector_load_idx %arg15[%add3A_794, %add3A_905] : memref<80x128xf32, #tpu.memory_space<vmem>>[vector<16xi32>, vector<16xi32>], vector<16xf32>,
          %mul3A_908 = arith.mulf %gather3A_906, %gather3A_907 : vector<16xf32>
          %add3A_909 = arith.addf %add3A_901, %mul3A_908 : vector<16xf32>
          %add3A_910 = arith.constant 0 : i32
          %add3A_911 = arith.addi %mul3A_814, %add3A_910 : i32
          %add3A_912 = vector.broadcast %add3A_911 : i32 to vector<16xi32>
          %add3A_913 = arith.addi %add3A_912, %and3A_331 : vector<16xi32>
          %gather3A_914 = tpu.vector_load_idx %arg10[%add3A_794, %add3A_913] : memref<80x128xf32, #tpu.memory_space<vmem>>[vector<16xi32>, vector<16xi32>], vector<16xf32>,
          %gather3A_915 = tpu.vector_load_idx %arg15[%add3A_794, %add3A_913] : memref<80x128xf32, #tpu.memory_space<vmem>>[vector<16xi32>, vector<16xi32>], vector<16xf32>,
          %mul3A_916 = arith.mulf %gather3A_914, %gather3A_915 : vector<16xf32>
          %add3A_917 = arith.addf %add3A_909, %mul3A_916 : vector<16xf32>
          %add3A_918 = arith.constant 0 : i32
          %add3A_919 = arith.addi %mul3A_814, %add3A_918 : i32
          %add3A_920 = vector.broadcast %add3A_919 : i32 to vector<16xi32>
          %add3A_921 = arith.addi %add3A_920, %and3A_337 : vector<16xi32>
          %gather3A_922 = tpu.vector_load_idx %arg10[%add3A_794, %add3A_921] : memref<80x128xf32, #tpu.memory_space<vmem>>[vector<16xi32>, vector<16xi32>], vector<16xf32>,
          %gather3A_923 = tpu.vector_load_idx %arg15[%add3A_794, %add3A_921] : memref<80x128xf32, #tpu.memory_space<vmem>>[vector<16xi32>, vector<16xi32>], vector<16xf32>,
          %mul3A_924 = arith.mulf %gather3A_922, %gather3A_923 : vector<16xf32>
          %add3A_925 = arith.addf %add3A_917, %mul3A_924 : vector<16xf32>
          %add3A_926 = arith.constant 0 : i32
          %add3A_927 = arith.addi %mul3A_814, %add3A_926 : i32
          %add3A_928 = vector.broadcast %add3A_927 : i32 to vector<16xi32>
          %add3A_929 = arith.addi %add3A_928, %and3A_343 : vector<16xi32>
          %gather3A_930 = tpu.vector_load_idx %arg10[%add3A_794, %add3A_929] : memref<80x128xf32, #tpu.memory_space<vmem>>[vector<16xi32>, vector<16xi32>], vector<16xf32>,
          %gather3A_931 = tpu.vector_load_idx %arg15[%add3A_794, %add3A_929] : memref<80x128xf32, #tpu.memory_space<vmem>>[vector<16xi32>, vector<16xi32>], vector<16xf32>,
          %mul3A_932 = arith.mulf %gather3A_930, %gather3A_931 : vector<16xf32>
          %add3A_933 = arith.addf %add3A_925, %mul3A_932 : vector<16xf32>
          %add3A_934 = arith.constant 0 : i32
          %add3A_935 = arith.addi %mul3A_814, %add3A_934 : i32
          %add3A_936 = vector.broadcast %add3A_935 : i32 to vector<16xi32>
          %add3A_937 = arith.addi %add3A_936, %and3A_349 : vector<16xi32>
          %gather3A_938 = tpu.vector_load_idx %arg10[%add3A_794, %add3A_937] : memref<80x128xf32, #tpu.memory_space<vmem>>[vector<16xi32>, vector<16xi32>], vector<16xf32>,
          %gather3A_939 = tpu.vector_load_idx %arg15[%add3A_794, %add3A_937] : memref<80x128xf32, #tpu.memory_space<vmem>>[vector<16xi32>, vector<16xi32>], vector<16xf32>,
          %mul3A_940 = arith.mulf %gather3A_938, %gather3A_939 : vector<16xf32>
          %add3A_941 = arith.addf %add3A_933, %mul3A_940 : vector<16xf32>
          %add3A_942 = arith.constant 16 : i32
          %add3A_943 = arith.addi %mul3A_814, %add3A_942 : i32
          %add3A_944 = vector.broadcast %add3A_943 : i32 to vector<16xi32>
          %add3A_945 = arith.addi %add3A_944, %and3A_259 : vector<16xi32>
          %gather3A_946 = tpu.vector_load_idx %arg10[%add3A_794, %add3A_945] : memref<80x128xf32, #tpu.memory_space<vmem>>[vector<16xi32>, vector<16xi32>], vector<16xf32>,
          %gather3A_947 = tpu.vector_load_idx %arg15[%add3A_794, %add3A_945] : memref<80x128xf32, #tpu.memory_space<vmem>>[vector<16xi32>, vector<16xi32>], vector<16xf32>,
          %mul3A_948 = arith.mulf %gather3A_946, %gather3A_947 : vector<16xf32>
          %add3A_949 = arith.addf %add3A_941, %mul3A_948 : vector<16xf32>
          %add3A_950 = arith.constant 16 : i32
          %add3A_951 = arith.addi %mul3A_814, %add3A_950 : i32
          %add3A_952 = vector.broadcast %add3A_951 : i32 to vector<16xi32>
          %add3A_953 = arith.addi %add3A_952, %and3A_265 : vector<16xi32>
          %gather3A_954 = tpu.vector_load_idx %arg10[%add3A_794, %add3A_953] : memref<80x128xf32, #tpu.memory_space<vmem>>[vector<16xi32>, vector<16xi32>], vector<16xf32>,
          %gather3A_955 = tpu.vector_load_idx %arg15[%add3A_794, %add3A_953] : memref<80x128xf32, #tpu.memory_space<vmem>>[vector<16xi32>, vector<16xi32>], vector<16xf32>,
          %mul3A_956 = arith.mulf %gather3A_954, %gather3A_955 : vector<16xf32>
          %add3A_957 = arith.addf %add3A_949, %mul3A_956 : vector<16xf32>
          %add3A_958 = arith.constant 16 : i32
          %add3A_959 = arith.addi %mul3A_814, %add3A_958 : i32
          %add3A_960 = vector.broadcast %add3A_959 : i32 to vector<16xi32>
          %add3A_961 = arith.addi %add3A_960, %and3A_271 : vector<16xi32>
          %gather3A_962 = tpu.vector_load_idx %arg10[%add3A_794, %add3A_961] : memref<80x128xf32, #tpu.memory_space<vmem>>[vector<16xi32>, vector<16xi32>], vector<16xf32>,
          %gather3A_963 = tpu.vector_load_idx %arg15[%add3A_794, %add3A_961] : memref<80x128xf32, #tpu.memory_space<vmem>>[vector<16xi32>, vector<16xi32>], vector<16xf32>,
          %mul3A_964 = arith.mulf %gather3A_962, %gather3A_963 : vector<16xf32>
          %add3A_965 = arith.addf %add3A_957, %mul3A_964 : vector<16xf32>
          %add3A_966 = arith.constant 16 : i32
          %add3A_967 = arith.addi %mul3A_814, %add3A_966 : i32
          %add3A_968 = vector.broadcast %add3A_967 : i32 to vector<16xi32>
          %add3A_969 = arith.addi %add3A_968, %and3A_277 : vector<16xi32>
          %gather3A_970 = tpu.vector_load_idx %arg10[%add3A_794, %add3A_969] : memref<80x128xf32, #tpu.memory_space<vmem>>[vector<16xi32>, vector<16xi32>], vector<16xf32>,
          %gather3A_971 = tpu.vector_load_idx %arg15[%add3A_794, %add3A_969] : memref<80x128xf32, #tpu.memory_space<vmem>>[vector<16xi32>, vector<16xi32>], vector<16xf32>,
          %mul3A_972 = arith.mulf %gather3A_970, %gather3A_971 : vector<16xf32>
          %add3A_973 = arith.addf %add3A_965, %mul3A_972 : vector<16xf32>
          %add3A_974 = arith.constant 16 : i32
          %add3A_975 = arith.addi %mul3A_814, %add3A_974 : i32
          %add3A_976 = vector.broadcast %add3A_975 : i32 to vector<16xi32>
          %add3A_977 = arith.addi %add3A_976, %and3A_283 : vector<16xi32>
          %gather3A_978 = tpu.vector_load_idx %arg10[%add3A_794, %add3A_977] : memref<80x128xf32, #tpu.memory_space<vmem>>[vector<16xi32>, vector<16xi32>], vector<16xf32>,
          %gather3A_979 = tpu.vector_load_idx %arg15[%add3A_794, %add3A_977] : memref<80x128xf32, #tpu.memory_space<vmem>>[vector<16xi32>, vector<16xi32>], vector<16xf32>,
          %mul3A_980 = arith.mulf %gather3A_978, %gather3A_979 : vector<16xf32>
          %add3A_981 = arith.addf %add3A_973, %mul3A_980 : vector<16xf32>
          %add3A_982 = arith.constant 16 : i32
          %add3A_983 = arith.addi %mul3A_814, %add3A_982 : i32
          %add3A_984 = vector.broadcast %add3A_983 : i32 to vector<16xi32>
          %add3A_985 = arith.addi %add3A_984, %and3A_289 : vector<16xi32>
          %gather3A_986 = tpu.vector_load_idx %arg10[%add3A_794, %add3A_985] : memref<80x128xf32, #tpu.memory_space<vmem>>[vector<16xi32>, vector<16xi32>], vector<16xf32>,
          %gather3A_987 = tpu.vector_load_idx %arg15[%add3A_794, %add3A_985] : memref<80x128xf32, #tpu.memory_space<vmem>>[vector<16xi32>, vector<16xi32>], vector<16xf32>,
          %mul3A_988 = arith.mulf %gather3A_986, %gather3A_987 : vector<16xf32>
          %add3A_989 = arith.addf %add3A_981, %mul3A_988 : vector<16xf32>
          %add3A_990 = arith.constant 16 : i32
          %add3A_991 = arith.addi %mul3A_814, %add3A_990 : i32
          %add3A_992 = vector.broadcast %add3A_991 : i32 to vector<16xi32>
          %add3A_993 = arith.addi %add3A_992, %and3A_295 : vector<16xi32>
          %gather3A_994 = tpu.vector_load_idx %arg10[%add3A_794, %add3A_993] : memref<80x128xf32, #tpu.memory_space<vmem>>[vector<16xi32>, vector<16xi32>], vector<16xf32>,
          %gather3A_995 = tpu.vector_load_idx %arg15[%add3A_794, %add3A_993] : memref<80x128xf32, #tpu.memory_space<vmem>>[vector<16xi32>, vector<16xi32>], vector<16xf32>,
          %mul3A_996 = arith.mulf %gather3A_994, %gather3A_995 : vector<16xf32>
          %add3A_997 = arith.addf %add3A_989, %mul3A_996 : vector<16xf32>
          %add3A_998 = arith.constant 16 : i32
          %add3A_999 = arith.addi %mul3A_814, %add3A_998 : i32
          %add3A_1000 = vector.broadcast %add3A_999 : i32 to vector<16xi32>
          %add3A_1001 = arith.addi %add3A_1000, %and3A_301 : vector<16xi32>
          %gather3A_1002 = tpu.vector_load_idx %arg10[%add3A_794, %add3A_1001] : memref<80x128xf32, #tpu.memory_space<vmem>>[vector<16xi32>, vector<16xi32>], vector<16xf32>,
          %gather3A_1003 = tpu.vector_load_idx %arg15[%add3A_794, %add3A_1001] : memref<80x128xf32, #tpu.memory_space<vmem>>[vector<16xi32>, vector<16xi32>], vector<16xf32>,
          %mul3A_1004 = arith.mulf %gather3A_1002, %gather3A_1003 : vector<16xf32>
          %add3A_1005 = arith.addf %add3A_997, %mul3A_1004 : vector<16xf32>
          %add3A_1006 = arith.constant 16 : i32
          %add3A_1007 = arith.addi %mul3A_814, %add3A_1006 : i32
          %add3A_1008 = vector.broadcast %add3A_1007 : i32 to vector<16xi32>
          %add3A_1009 = arith.addi %add3A_1008, %and3A_307 : vector<16xi32>
          %gather3A_1010 = tpu.vector_load_idx %arg10[%add3A_794, %add3A_1009] : memref<80x128xf32, #tpu.memory_space<vmem>>[vector<16xi32>, vector<16xi32>], vector<16xf32>,
          %gather3A_1011 = tpu.vector_load_idx %arg15[%add3A_794, %add3A_1009] : memref<80x128xf32, #tpu.memory_space<vmem>>[vector<16xi32>, vector<16xi32>], vector<16xf32>,
          %mul3A_1012 = arith.mulf %gather3A_1010, %gather3A_1011 : vector<16xf32>
          %add3A_1013 = arith.addf %add3A_1005, %mul3A_1012 : vector<16xf32>
          %add3A_1014 = arith.constant 16 : i32
          %add3A_1015 = arith.addi %mul3A_814, %add3A_1014 : i32
          %add3A_1016 = vector.broadcast %add3A_1015 : i32 to vector<16xi32>
          %add3A_1017 = arith.addi %add3A_1016, %and3A_313 : vector<16xi32>
          %gather3A_1018 = tpu.vector_load_idx %arg10[%add3A_794, %add3A_1017] : memref<80x128xf32, #tpu.memory_space<vmem>>[vector<16xi32>, vector<16xi32>], vector<16xf32>,
          %gather3A_1019 = tpu.vector_load_idx %arg15[%add3A_794, %add3A_1017] : memref<80x128xf32, #tpu.memory_space<vmem>>[vector<16xi32>, vector<16xi32>], vector<16xf32>,
          %mul3A_1020 = arith.mulf %gather3A_1018, %gather3A_1019 : vector<16xf32>
          %add3A_1021 = arith.addf %add3A_1013, %mul3A_1020 : vector<16xf32>
          %add3A_1022 = arith.constant 16 : i32
          %add3A_1023 = arith.addi %mul3A_814, %add3A_1022 : i32
          %add3A_1024 = vector.broadcast %add3A_1023 : i32 to vector<16xi32>
          %add3A_1025 = arith.addi %add3A_1024, %and3A_319 : vector<16xi32>
          %gather3A_1026 = tpu.vector_load_idx %arg10[%add3A_794, %add3A_1025] : memref<80x128xf32, #tpu.memory_space<vmem>>[vector<16xi32>, vector<16xi32>], vector<16xf32>,
          %gather3A_1027 = tpu.vector_load_idx %arg15[%add3A_794, %add3A_1025] : memref<80x128xf32, #tpu.memory_space<vmem>>[vector<16xi32>, vector<16xi32>], vector<16xf32>,
          %mul3A_1028 = arith.mulf %gather3A_1026, %gather3A_1027 : vector<16xf32>
          %add3A_1029 = arith.addf %add3A_1021, %mul3A_1028 : vector<16xf32>
          %add3A_1030 = arith.constant 16 : i32
          %add3A_1031 = arith.addi %mul3A_814, %add3A_1030 : i32
          %add3A_1032 = vector.broadcast %add3A_1031 : i32 to vector<16xi32>
          %add3A_1033 = arith.addi %add3A_1032, %and3A_325 : vector<16xi32>
          %gather3A_1034 = tpu.vector_load_idx %arg10[%add3A_794, %add3A_1033] : memref<80x128xf32, #tpu.memory_space<vmem>>[vector<16xi32>, vector<16xi32>], vector<16xf32>,
          %gather3A_1035 = tpu.vector_load_idx %arg15[%add3A_794, %add3A_1033] : memref<80x128xf32, #tpu.memory_space<vmem>>[vector<16xi32>, vector<16xi32>], vector<16xf32>,
          %mul3A_1036 = arith.mulf %gather3A_1034, %gather3A_1035 : vector<16xf32>
          %add3A_1037 = arith.addf %add3A_1029, %mul3A_1036 : vector<16xf32>
          %add3A_1038 = arith.constant 16 : i32
          %add3A_1039 = arith.addi %mul3A_814, %add3A_1038 : i32
          %add3A_1040 = vector.broadcast %add3A_1039 : i32 to vector<16xi32>
          %add3A_1041 = arith.addi %add3A_1040, %and3A_331 : vector<16xi32>
          %gather3A_1042 = tpu.vector_load_idx %arg10[%add3A_794, %add3A_1041] : memref<80x128xf32, #tpu.memory_space<vmem>>[vector<16xi32>, vector<16xi32>], vector<16xf32>,
          %gather3A_1043 = tpu.vector_load_idx %arg15[%add3A_794, %add3A_1041] : memref<80x128xf32, #tpu.memory_space<vmem>>[vector<16xi32>, vector<16xi32>], vector<16xf32>,
          %mul3A_1044 = arith.mulf %gather3A_1042, %gather3A_1043 : vector<16xf32>
          %add3A_1045 = arith.addf %add3A_1037, %mul3A_1044 : vector<16xf32>
          %add3A_1046 = arith.constant 16 : i32
          %add3A_1047 = arith.addi %mul3A_814, %add3A_1046 : i32
          %add3A_1048 = vector.broadcast %add3A_1047 : i32 to vector<16xi32>
          %add3A_1049 = arith.addi %add3A_1048, %and3A_337 : vector<16xi32>
          %gather3A_1050 = tpu.vector_load_idx %arg10[%add3A_794, %add3A_1049] : memref<80x128xf32, #tpu.memory_space<vmem>>[vector<16xi32>, vector<16xi32>], vector<16xf32>,
          %gather3A_1051 = tpu.vector_load_idx %arg15[%add3A_794, %add3A_1049] : memref<80x128xf32, #tpu.memory_space<vmem>>[vector<16xi32>, vector<16xi32>], vector<16xf32>,
          %mul3A_1052 = arith.mulf %gather3A_1050, %gather3A_1051 : vector<16xf32>
          %add3A_1053 = arith.addf %add3A_1045, %mul3A_1052 : vector<16xf32>
          %add3A_1054 = arith.constant 16 : i32
          %add3A_1055 = arith.addi %mul3A_814, %add3A_1054 : i32
          %add3A_1056 = vector.broadcast %add3A_1055 : i32 to vector<16xi32>
          %add3A_1057 = arith.addi %add3A_1056, %and3A_343 : vector<16xi32>
          %gather3A_1058 = tpu.vector_load_idx %arg10[%add3A_794, %add3A_1057] : memref<80x128xf32, #tpu.memory_space<vmem>>[vector<16xi32>, vector<16xi32>], vector<16xf32>,
          %gather3A_1059 = tpu.vector_load_idx %arg15[%add3A_794, %add3A_1057] : memref<80x128xf32, #tpu.memory_space<vmem>>[vector<16xi32>, vector<16xi32>], vector<16xf32>,
          %mul3A_1060 = arith.mulf %gather3A_1058, %gather3A_1059 : vector<16xf32>
          %add3A_1061 = arith.addf %add3A_1053, %mul3A_1060 : vector<16xf32>
          %add3A_1062 = arith.constant 16 : i32
          %add3A_1063 = arith.addi %mul3A_814, %add3A_1062 : i32
          %add3A_1064 = vector.broadcast %add3A_1063 : i32 to vector<16xi32>
          %add3A_1065 = arith.addi %add3A_1064, %and3A_349 : vector<16xi32>
          %gather3A_1066 = tpu.vector_load_idx %arg10[%add3A_794, %add3A_1065] : memref<80x128xf32, #tpu.memory_space<vmem>>[vector<16xi32>, vector<16xi32>], vector<16xf32>,
          %gather3A_1067 = tpu.vector_load_idx %arg15[%add3A_794, %add3A_1065] : memref<80x128xf32, #tpu.memory_space<vmem>>[vector<16xi32>, vector<16xi32>], vector<16xf32>,
          %mul3A_1068 = arith.mulf %gather3A_1066, %gather3A_1067 : vector<16xf32>
          %add3A_1069 = arith.addf %add3A_1061, %mul3A_1068 : vector<16xf32>
          scf.yield %add3A_1069 : vector<16xf32>
        }
        %scan3A_801 = arith.constant 4 : i32
        %neg3A = arith.constant 0.000000e+00 : f32
        %neg3A_802 = vector.broadcast %neg3A : f32 to vector<16xf32>
        %neg3A_803 = arith.subf %neg3A_802, %scan3A_800 : vector<16xf32>
        %exp3A = math.exp %neg3A_803 : vector<16xf32>
        %add3A_804 = arith.constant 1.000000e+00 : f32
        %add3A_805 = vector.broadcast %add3A_804 : f32 to vector<16xf32>
        %add3A_806 = arith.addf %add3A_805, %exp3A : vector<16xf32>
        %div3A = arith.constant 1.000000e+00 : f32
        %div3A_807 = vector.broadcast %div3A : f32 to vector<16xf32>
        %div3A_808 = arith.divf %div3A_807, %add3A_806 : vector<16xf32>
        %swap3A = arith.index_cast %mul3A_792 : i32 to index
        %swap3A_809 = tpu.vector_load %arg20[%swap3A] {strides = array<i32>} : memref<80xf32, #tpu.memory_space<vmem>>, vector<16xf32>,
        tpu.vector_store %arg20[%swap3A], %div3A_808 {strides = array<i32>} : memref<80xf32, #tpu.memory_space<vmem>>, vector<16xf32>,
        %scan3A_810 = arith.constant 0 : i32
        scf.yield %scan3A_810 : i32
      }
      %scan3A_356 = arith.constant 5 : i32
      %mul3A_357 = arith.constant 5 : i32
      %mul3A_358 = arith.muli %scan3A_97, %mul3A_357 : i32
      %add3A_359 = arith.constant 1 : i32
      %add3A_360 = arith.addi %mul3A_358, %add3A_359 : i32
      %mul3A_361 = arith.constant 80 : i32
      %mul3A_362 = arith.muli %add3A_360, %mul3A_361 : i32
      %add3A_363 = arith.addi %mul3A_2, %mul3A_362 : i32
      %dma_start3A_364 = tpu.memref_slice %arg6[%add3A_363] : memref<320000xf32, #tpu.memory_space<hbm>> -> memref<80xf32, #tpu.memory_space<hbm>>
      %dma_start3A_365 = tpu.memref_slice %arg6[%add3A_363] : memref<320000xf32, #tpu.memory_space<hbm>> -> memref<80xf32, #tpu.memory_space<hbm>>
      tpu.enqueue_dma source(%arg20 : memref<80xf32, #tpu.memory_space<vmem>>) target(%dma_start3A_365 : memref<80xf32, #tpu.memory_space<hbm>>) target_semaphore(%arg30 : memref<!tpu.dma_semaphore, #tpu.memory_space<semaphore_mem>>)
      %lt3A_366 = arith.constant 24 : i32
      %lt3A_367 = arith.cmpi slt, %scan3A_97, %lt3A_366 : i32
      %convert_element_type3A_368 = arith.extui %lt3A_367 : i1 to i32
      %cond3A_369 = arith.constant 0 : i32
      %cond3A_370 = arith.cmpi ne, %convert_element_type3A_368, %cond3A_369 : i32
      scf.if %cond3A_370 {
        %add3A_789 = arith.constant 1 : i32
        %add3A_790 = arith.addi %scan3A_97, %add3A_789 : i32
        %mul3A_791 = arith.constant 5 : i32
        %mul3A_792 = arith.muli %add3A_790, %mul3A_791 : i32
        %add3A_793 = arith.constant 1 : i32
        %add3A_794 = arith.addi %mul3A_792, %add3A_793 : i32
        %mul3A_795 = arith.constant 80 : i32
        %mul3A_796 = arith.muli %add3A_794, %mul3A_795 : i32
        %add3A_797 = arith.constant 0 : i32
        %add3A_798 = arith.addi %mul3A_796, %add3A_797 : i32
        %dma_start3A_799 = arith.constant 0 : i32
        %dma_start3A_800 = arith.constant 0 : i32
        %dma_start3A_801 = tpu.memref_slice %arg10[%dma_start3A_799, %dma_start3A_800] : memref<80x128xf32, #tpu.memory_space<vmem>> -> memref<80x128xf32, #tpu.memory_space<vmem>>
        %dma_start3A_802 = tpu.memref_slice %arg7[%add3A_798] : memref<10000xi32, #tpu.memory_space<vmem>> -> memref<80xi32, #tpu.memory_space<vmem>>
        %dma_start3A_803 = arith.constant 0 : i32
        %dma_start3A_804 = arith.constant 0 : i32
        %dma_start3A_805 = tpu.memref_slice %arg2[%dma_start3A_803, %dma_start3A_804] : memref<10000x128xf32, #tpu.memory_space<hbm>> -> memref<10000x128xf32, #tpu.memory_space<hbm>>
        tpu.enqueue_indirect_dma source(%dma_start3A_805 : memref<10000x128xf32, #tpu.memory_space<hbm>>) target(%dma_start3A_801 : memref<80x128xf32, #tpu.memory_space<vmem>>) offsets(%dma_start3A_802 : memref<80xi32, #tpu.memory_space<vmem>>) semaphore(%arg25 : memref<!tpu.dma_semaphore, #tpu.memory_space<semaphore_mem>>)
        %dma_start3A_806 = arith.constant 0 : i32
        %dma_start3A_807 = arith.constant 0 : i32
        %dma_start3A_808 = tpu.memref_slice %arg15[%dma_start3A_806, %dma_start3A_807] : memref<80x128xf32, #tpu.memory_space<vmem>> -> memref<80x128xf32, #tpu.memory_space<vmem>>
        %dma_start3A_809 = tpu.memref_slice %arg8[%add3A_798] : memref<10000xi32, #tpu.memory_space<vmem>> -> memref<80xi32, #tpu.memory_space<vmem>>
        %dma_start3A_810 = arith.constant 0 : i32
        %dma_start3A_811 = arith.constant 0 : i32
        %dma_start3A_812 = tpu.memref_slice %arg3[%dma_start3A_810, %dma_start3A_811] : memref<10000x128xf32, #tpu.memory_space<hbm>> -> memref<10000x128xf32, #tpu.memory_space<hbm>>
        tpu.enqueue_indirect_dma source(%dma_start3A_812 : memref<10000x128xf32, #tpu.memory_space<hbm>>) target(%dma_start3A_808 : memref<80x128xf32, #tpu.memory_space<vmem>>) offsets(%dma_start3A_809 : memref<80xi32, #tpu.memory_space<vmem>>) semaphore(%arg25 : memref<!tpu.dma_semaphore, #tpu.memory_space<semaphore_mem>>)
      } else {
      }
      %dma_wait3A_371 = arith.constant 0 : i32
      %dma_wait3A_372 = arith.constant 0 : i32
      %dma_wait3A_373 = tpu.memref_slice %arg11[%dma_wait3A_371, %dma_wait3A_372] : memref<80x128xf32, #tpu.memory_space<vmem>> -> memref<80x128xf32, #tpu.memory_space<vmem>>
      %dma_wait3A_374 = arith.constant 0 : i32
      %dma_wait3A_375 = tpu.memref_slice %arg7[%dma_wait3A_374] : memref<10000xi32, #tpu.memory_space<vmem>> -> memref<80xi32, #tpu.memory_space<vmem>>
      %dma_wait3A_376 = arith.constant 0 : i32
      %dma_wait3A_377 = arith.constant 0 : i32
      %dma_wait3A_378 = tpu.memref_slice %arg2[%dma_wait3A_376, %dma_wait3A_377] : memref<10000x128xf32, #tpu.memory_space<hbm>> -> memref<10000x128xf32, #tpu.memory_space<hbm>>
      tpu.wait_indirect_dma semaphore(%arg26 : memref<!tpu.dma_semaphore, #tpu.memory_space<semaphore_mem>>) src(%dma_wait3A_378 : memref<10000x128xf32, #tpu.memory_space<hbm>>) dst(%dma_wait3A_373 : memref<80x128xf32, #tpu.memory_space<vmem>>)
      %dma_wait3A_379 = arith.constant 0 : i32
      %dma_wait3A_380 = arith.constant 0 : i32
      %dma_wait3A_381 = tpu.memref_slice %arg16[%dma_wait3A_379, %dma_wait3A_380] : memref<80x128xf32, #tpu.memory_space<vmem>> -> memref<80x128xf32, #tpu.memory_space<vmem>>
      %dma_wait3A_382 = arith.constant 0 : i32
      %dma_wait3A_383 = tpu.memref_slice %arg8[%dma_wait3A_382] : memref<10000xi32, #tpu.memory_space<vmem>> -> memref<80xi32, #tpu.memory_space<vmem>>
      %dma_wait3A_384 = arith.constant 0 : i32
      %dma_wait3A_385 = arith.constant 0 : i32
      %dma_wait3A_386 = tpu.memref_slice %arg3[%dma_wait3A_384, %dma_wait3A_385] : memref<10000x128xf32, #tpu.memory_space<hbm>> -> memref<10000x128xf32, #tpu.memory_space<hbm>>
      tpu.wait_indirect_dma semaphore(%arg26 : memref<!tpu.dma_semaphore, #tpu.memory_space<semaphore_mem>>) src(%dma_wait3A_386 : memref<10000x128xf32, #tpu.memory_space<hbm>>) dst(%dma_wait3A_381 : memref<80x128xf32, #tpu.memory_space<vmem>>)
      %gt3A_387 = arith.constant 0 : i32
      %gt3A_388 = arith.cmpi sgt, %scan3A_97, %gt3A_387 : i32
      %convert_element_type3A_389 = arith.extui %gt3A_388 : i1 to i32
      %cond3A_390 = arith.constant 0 : i32
      %cond3A_391 = arith.cmpi ne, %convert_element_type3A_389, %cond3A_390 : i32
      scf.if %cond3A_391 {
        %dma_wait3A_789 = tpu.memref_slice %arg6[%mul3A_2] : memref<320000xf32, #tpu.memory_space<hbm>> -> memref<80xf32, #tpu.memory_space<hbm>>
        %dma_wait3A_790 = tpu.memref_slice %arg6[%mul3A_2] : memref<320000xf32, #tpu.memory_space<hbm>> -> memref<80xf32, #tpu.memory_space<hbm>>
        tpu.wait_dma2 semaphore(%arg31 : memref<!tpu.dma_semaphore, #tpu.memory_space<semaphore_mem>>) src(%arg21 : memref<80xf32, #tpu.memory_space<vmem>>) dst(%dma_wait3A_790 : memref<80xf32, #tpu.memory_space<hbm>>)
      } else {
      }
      %iota3A_392 = tpu.iota {dimensions = array<i32: 0>} : vector<16xi32>
      %add3A_393 = arith.constant 0 : i32
      %add3A_394 = vector.broadcast %add3A_393 : i32 to vector<16xi32>
      %add3A_395 = arith.addi %iota3A_392, %add3A_394 : vector<16xi32>
      %and3A_396 = arith.constant 15 : i32
      %and3A_397 = vector.broadcast %and3A_396 : i32 to vector<16xi32>
      %and3A_398 = arith.andi %add3A_395, %and3A_397 : vector<16xi32>
      %add3A_399 = arith.constant 1 : i32
      %add3A_400 = vector.broadcast %add3A_399 : i32 to vector<16xi32>
      %add3A_401 = arith.addi %iota3A_392, %add3A_400 : vector<16xi32>
      %and3A_402 = arith.constant 15 : i32
      %and3A_403 = vector.broadcast %and3A_402 : i32 to vector<16xi32>
      %and3A_404 = arith.andi %add3A_401, %and3A_403 : vector<16xi32>
      %add3A_405 = arith.constant 2 : i32
      %add3A_406 = vector.broadcast %add3A_405 : i32 to vector<16xi32>
      %add3A_407 = arith.addi %iota3A_392, %add3A_406 : vector<16xi32>
      %and3A_408 = arith.constant 15 : i32
      %and3A_409 = vector.broadcast %and3A_408 : i32 to vector<16xi32>
      %and3A_410 = arith.andi %add3A_407, %and3A_409 : vector<16xi32>
      %add3A_411 = arith.constant 3 : i32
      %add3A_412 = vector.broadcast %add3A_411 : i32 to vector<16xi32>
      %add3A_413 = arith.addi %iota3A_392, %add3A_412 : vector<16xi32>
      %and3A_414 = arith.constant 15 : i32
      %and3A_415 = vector.broadcast %and3A_414 : i32 to vector<16xi32>
      %and3A_416 = arith.andi %add3A_413, %and3A_415 : vector<16xi32>
      %add3A_417 = arith.constant 4 : i32
      %add3A_418 = vector.broadcast %add3A_417 : i32 to vector<16xi32>
      %add3A_419 = arith.addi %iota3A_392, %add3A_418 : vector<16xi32>
      %and3A_420 = arith.constant 15 : i32
      %and3A_421 = vector.broadcast %and3A_420 : i32 to vector<16xi32>
      %and3A_422 = arith.andi %add3A_419, %and3A_421 : vector<16xi32>
      %add3A_423 = arith.constant 5 : i32
      %add3A_424 = vector.broadcast %add3A_423 : i32 to vector<16xi32>
      %add3A_425 = arith.addi %iota3A_392, %add3A_424 : vector<16xi32>
      %and3A_426 = arith.constant 15 : i32
      %and3A_427 = vector.broadcast %and3A_426 : i32 to vector<16xi32>
      %and3A_428 = arith.andi %add3A_425, %and3A_427 : vector<16xi32>
      %add3A_429 = arith.constant 6 : i32
      %add3A_430 = vector.broadcast %add3A_429 : i32 to vector<16xi32>
      %add3A_431 = arith.addi %iota3A_392, %add3A_430 : vector<16xi32>
      %and3A_432 = arith.constant 15 : i32
      %and3A_433 = vector.broadcast %and3A_432 : i32 to vector<16xi32>
      %and3A_434 = arith.andi %add3A_431, %and3A_433 : vector<16xi32>
      %add3A_435 = arith.constant 7 : i32
      %add3A_436 = vector.broadcast %add3A_435 : i32 to vector<16xi32>
      %add3A_437 = arith.addi %iota3A_392, %add3A_436 : vector<16xi32>
      %and3A_438 = arith.constant 15 : i32
      %and3A_439 = vector.broadcast %and3A_438 : i32 to vector<16xi32>
      %and3A_440 = arith.andi %add3A_437, %and3A_439 : vector<16xi32>
      %add3A_441 = arith.constant 8 : i32
      %add3A_442 = vector.broadcast %add3A_441 : i32 to vector<16xi32>
      %add3A_443 = arith.addi %iota3A_392, %add3A_442 : vector<16xi32>
      %and3A_444 = arith.constant 15 : i32
      %and3A_445 = vector.broadcast %and3A_444 : i32 to vector<16xi32>
      %and3A_446 = arith.andi %add3A_443, %and3A_445 : vector<16xi32>
      %add3A_447 = arith.constant 9 : i32
      %add3A_448 = vector.broadcast %add3A_447 : i32 to vector<16xi32>
      %add3A_449 = arith.addi %iota3A_392, %add3A_448 : vector<16xi32>
      %and3A_450 = arith.constant 15 : i32
      %and3A_451 = vector.broadcast %and3A_450 : i32 to vector<16xi32>
      %and3A_452 = arith.andi %add3A_449, %and3A_451 : vector<16xi32>
      %add3A_453 = arith.constant 10 : i32
      %add3A_454 = vector.broadcast %add3A_453 : i32 to vector<16xi32>
      %add3A_455 = arith.addi %iota3A_392, %add3A_454 : vector<16xi32>
      %and3A_456 = arith.constant 15 : i32
      %and3A_457 = vector.broadcast %and3A_456 : i32 to vector<16xi32>
      %and3A_458 = arith.andi %add3A_455, %and3A_457 : vector<16xi32>
      %add3A_459 = arith.constant 11 : i32
      %add3A_460 = vector.broadcast %add3A_459 : i32 to vector<16xi32>
      %add3A_461 = arith.addi %iota3A_392, %add3A_460 : vector<16xi32>
      %and3A_462 = arith.constant 15 : i32
      %and3A_463 = vector.broadcast %and3A_462 : i32 to vector<16xi32>
      %and3A_464 = arith.andi %add3A_461, %and3A_463 : vector<16xi32>
      %add3A_465 = arith.constant 12 : i32
      %add3A_466 = vector.broadcast %add3A_465 : i32 to vector<16xi32>
      %add3A_467 = arith.addi %iota3A_392, %add3A_466 : vector<16xi32>
      %and3A_468 = arith.constant 15 : i32
      %and3A_469 = vector.broadcast %and3A_468 : i32 to vector<16xi32>
      %and3A_470 = arith.andi %add3A_467, %and3A_469 : vector<16xi32>
      %add3A_471 = arith.constant 13 : i32
      %add3A_472 = vector.broadcast %add3A_471 : i32 to vector<16xi32>
      %add3A_473 = arith.addi %iota3A_392, %add3A_472 : vector<16xi32>
      %and3A_474 = arith.constant 15 : i32
      %and3A_475 = vector.broadcast %and3A_474 : i32 to vector<16xi32>
      %and3A_476 = arith.andi %add3A_473, %and3A_475 : vector<16xi32>
      %add3A_477 = arith.constant 14 : i32
      %add3A_478 = vector.broadcast %add3A_477 : i32 to vector<16xi32>
      %add3A_479 = arith.addi %iota3A_392, %add3A_478 : vector<16xi32>
      %and3A_480 = arith.constant 15 : i32
      %and3A_481 = vector.broadcast %and3A_480 : i32 to vector<16xi32>
      %and3A_482 = arith.andi %add3A_479, %and3A_481 : vector<16xi32>
      %add3A_483 = arith.constant 15 : i32
      %add3A_484 = vector.broadcast %add3A_483 : i32 to vector<16xi32>
      %add3A_485 = arith.addi %iota3A_392, %add3A_484 : vector<16xi32>
      %and3A_486 = arith.constant 15 : i32
      %and3A_487 = vector.broadcast %and3A_486 : i32 to vector<16xi32>
      %and3A_488 = arith.andi %add3A_485, %and3A_487 : vector<16xi32>
      %scan3A_489 = arith.constant 0 : i32
      %scan3A_490 = arith.constant 0 : i32
      %scan3A_491 = arith.constant 5 : i32
      %scan3A_492 = arith.addi %scan3A_490, %scan3A_491 : i32
      %scan3A_493 = arith.constant 1 : i32
      %scan3A_494 = scf.for %scan3A_789 = %scan3A_490 to %scan3A_492 step %scan3A_493 iter_args(%scan3A_790 = %scan3A_489) -> (i32)  : i32 {
        %mul3A_791 = arith.constant 16 : i32
        %mul3A_792 = arith.muli %scan3A_789, %mul3A_791 : i32
        %add3A_793 = vector.broadcast %mul3A_792 : i32 to vector<16xi32>
        %add3A_794 = arith.addi %add3A_793, %iota3A_392 : vector<16xi32>
        %broadcast_in_dim3A = arith.constant 0.000000e+00 : f32
        %broadcast_in_dim3A_795 = vector.broadcast %broadcast_in_dim3A : f32 to vector<16xf32>
        %scan3A_796 = arith.constant 0 : i32
        %scan3A_797 = arith.constant 4 : i32
        %scan3A_798 = arith.addi %scan3A_796, %scan3A_797 : i32
        %scan3A_799 = arith.constant 1 : i32
        %scan3A_800 = scf.for %scan3A_811 = %scan3A_796 to %scan3A_798 step %scan3A_799 iter_args(%scan3A_812 = %broadcast_in_dim3A_795) -> (vector<16xf32>)  : i32 {
          %mul3A_813 = arith.constant 32 : i32
          %mul3A_814 = arith.muli %scan3A_811, %mul3A_813 : i32
          %add3A_815 = arith.constant 0 : i32
          %add3A_816 = arith.addi %mul3A_814, %add3A_815 : i32
          %add3A_817 = vector.broadcast %add3A_816 : i32 to vector<16xi32>
          %add3A_818 = arith.addi %add3A_817, %and3A_398 : vector<16xi32>
          %gather3A = tpu.vector_load_idx %arg11[%add3A_794, %add3A_818] : memref<80x128xf32, #tpu.memory_space<vmem>>[vector<16xi32>, vector<16xi32>], vector<16xf32>,
          %gather3A_819 = tpu.vector_load_idx %arg16[%add3A_794, %add3A_818] : memref<80x128xf32, #tpu.memory_space<vmem>>[vector<16xi32>, vector<16xi32>], vector<16xf32>,
          %mul3A_820 = arith.mulf %gather3A, %gather3A_819 : vector<16xf32>
          %add3A_821 = arith.addf %scan3A_812, %mul3A_820 : vector<16xf32>
          %add3A_822 = arith.constant 0 : i32
          %add3A_823 = arith.addi %mul3A_814, %add3A_822 : i32
          %add3A_824 = vector.broadcast %add3A_823 : i32 to vector<16xi32>
          %add3A_825 = arith.addi %add3A_824, %and3A_404 : vector<16xi32>
          %gather3A_826 = tpu.vector_load_idx %arg11[%add3A_794, %add3A_825] : memref<80x128xf32, #tpu.memory_space<vmem>>[vector<16xi32>, vector<16xi32>], vector<16xf32>,
          %gather3A_827 = tpu.vector_load_idx %arg16[%add3A_794, %add3A_825] : memref<80x128xf32, #tpu.memory_space<vmem>>[vector<16xi32>, vector<16xi32>], vector<16xf32>,
          %mul3A_828 = arith.mulf %gather3A_826, %gather3A_827 : vector<16xf32>
          %add3A_829 = arith.addf %add3A_821, %mul3A_828 : vector<16xf32>
          %add3A_830 = arith.constant 0 : i32
          %add3A_831 = arith.addi %mul3A_814, %add3A_830 : i32
          %add3A_832 = vector.broadcast %add3A_831 : i32 to vector<16xi32>
          %add3A_833 = arith.addi %add3A_832, %and3A_410 : vector<16xi32>
          %gather3A_834 = tpu.vector_load_idx %arg11[%add3A_794, %add3A_833] : memref<80x128xf32, #tpu.memory_space<vmem>>[vector<16xi32>, vector<16xi32>], vector<16xf32>,
          %gather3A_835 = tpu.vector_load_idx %arg16[%add3A_794, %add3A_833] : memref<80x128xf32, #tpu.memory_space<vmem>>[vector<16xi32>, vector<16xi32>], vector<16xf32>,
          %mul3A_836 = arith.mulf %gather3A_834, %gather3A_835 : vector<16xf32>
          %add3A_837 = arith.addf %add3A_829, %mul3A_836 : vector<16xf32>
          %add3A_838 = arith.constant 0 : i32
          %add3A_839 = arith.addi %mul3A_814, %add3A_838 : i32
          %add3A_840 = vector.broadcast %add3A_839 : i32 to vector<16xi32>
          %add3A_841 = arith.addi %add3A_840, %and3A_416 : vector<16xi32>
          %gather3A_842 = tpu.vector_load_idx %arg11[%add3A_794, %add3A_841] : memref<80x128xf32, #tpu.memory_space<vmem>>[vector<16xi32>, vector<16xi32>], vector<16xf32>,
          %gather3A_843 = tpu.vector_load_idx %arg16[%add3A_794, %add3A_841] : memref<80x128xf32, #tpu.memory_space<vmem>>[vector<16xi32>, vector<16xi32>], vector<16xf32>,
          %mul3A_844 = arith.mulf %gather3A_842, %gather3A_843 : vector<16xf32>
          %add3A_845 = arith.addf %add3A_837, %mul3A_844 : vector<16xf32>
          %add3A_846 = arith.constant 0 : i32
          %add3A_847 = arith.addi %mul3A_814, %add3A_846 : i32
          %add3A_848 = vector.broadcast %add3A_847 : i32 to vector<16xi32>
          %add3A_849 = arith.addi %add3A_848, %and3A_422 : vector<16xi32>
          %gather3A_850 = tpu.vector_load_idx %arg11[%add3A_794, %add3A_849] : memref<80x128xf32, #tpu.memory_space<vmem>>[vector<16xi32>, vector<16xi32>], vector<16xf32>,
          %gather3A_851 = tpu.vector_load_idx %arg16[%add3A_794, %add3A_849] : memref<80x128xf32, #tpu.memory_space<vmem>>[vector<16xi32>, vector<16xi32>], vector<16xf32>,
          %mul3A_852 = arith.mulf %gather3A_850, %gather3A_851 : vector<16xf32>
          %add3A_853 = arith.addf %add3A_845, %mul3A_852 : vector<16xf32>
          %add3A_854 = arith.constant 0 : i32
          %add3A_855 = arith.addi %mul3A_814, %add3A_854 : i32
          %add3A_856 = vector.broadcast %add3A_855 : i32 to vector<16xi32>
          %add3A_857 = arith.addi %add3A_856, %and3A_428 : vector<16xi32>
          %gather3A_858 = tpu.vector_load_idx %arg11[%add3A_794, %add3A_857] : memref<80x128xf32, #tpu.memory_space<vmem>>[vector<16xi32>, vector<16xi32>], vector<16xf32>,
          %gather3A_859 = tpu.vector_load_idx %arg16[%add3A_794, %add3A_857] : memref<80x128xf32, #tpu.memory_space<vmem>>[vector<16xi32>, vector<16xi32>], vector<16xf32>,
          %mul3A_860 = arith.mulf %gather3A_858, %gather3A_859 : vector<16xf32>
          %add3A_861 = arith.addf %add3A_853, %mul3A_860 : vector<16xf32>
          %add3A_862 = arith.constant 0 : i32
          %add3A_863 = arith.addi %mul3A_814, %add3A_862 : i32
          %add3A_864 = vector.broadcast %add3A_863 : i32 to vector<16xi32>
          %add3A_865 = arith.addi %add3A_864, %and3A_434 : vector<16xi32>
          %gather3A_866 = tpu.vector_load_idx %arg11[%add3A_794, %add3A_865] : memref<80x128xf32, #tpu.memory_space<vmem>>[vector<16xi32>, vector<16xi32>], vector<16xf32>,
          %gather3A_867 = tpu.vector_load_idx %arg16[%add3A_794, %add3A_865] : memref<80x128xf32, #tpu.memory_space<vmem>>[vector<16xi32>, vector<16xi32>], vector<16xf32>,
          %mul3A_868 = arith.mulf %gather3A_866, %gather3A_867 : vector<16xf32>
          %add3A_869 = arith.addf %add3A_861, %mul3A_868 : vector<16xf32>
          %add3A_870 = arith.constant 0 : i32
          %add3A_871 = arith.addi %mul3A_814, %add3A_870 : i32
          %add3A_872 = vector.broadcast %add3A_871 : i32 to vector<16xi32>
          %add3A_873 = arith.addi %add3A_872, %and3A_440 : vector<16xi32>
          %gather3A_874 = tpu.vector_load_idx %arg11[%add3A_794, %add3A_873] : memref<80x128xf32, #tpu.memory_space<vmem>>[vector<16xi32>, vector<16xi32>], vector<16xf32>,
          %gather3A_875 = tpu.vector_load_idx %arg16[%add3A_794, %add3A_873] : memref<80x128xf32, #tpu.memory_space<vmem>>[vector<16xi32>, vector<16xi32>], vector<16xf32>,
          %mul3A_876 = arith.mulf %gather3A_874, %gather3A_875 : vector<16xf32>
          %add3A_877 = arith.addf %add3A_869, %mul3A_876 : vector<16xf32>
          %add3A_878 = arith.constant 0 : i32
          %add3A_879 = arith.addi %mul3A_814, %add3A_878 : i32
          %add3A_880 = vector.broadcast %add3A_879 : i32 to vector<16xi32>
          %add3A_881 = arith.addi %add3A_880, %and3A_446 : vector<16xi32>
          %gather3A_882 = tpu.vector_load_idx %arg11[%add3A_794, %add3A_881] : memref<80x128xf32, #tpu.memory_space<vmem>>[vector<16xi32>, vector<16xi32>], vector<16xf32>,
          %gather3A_883 = tpu.vector_load_idx %arg16[%add3A_794, %add3A_881] : memref<80x128xf32, #tpu.memory_space<vmem>>[vector<16xi32>, vector<16xi32>], vector<16xf32>,
          %mul3A_884 = arith.mulf %gather3A_882, %gather3A_883 : vector<16xf32>
          %add3A_885 = arith.addf %add3A_877, %mul3A_884 : vector<16xf32>
          %add3A_886 = arith.constant 0 : i32
          %add3A_887 = arith.addi %mul3A_814, %add3A_886 : i32
          %add3A_888 = vector.broadcast %add3A_887 : i32 to vector<16xi32>
          %add3A_889 = arith.addi %add3A_888, %and3A_452 : vector<16xi32>
          %gather3A_890 = tpu.vector_load_idx %arg11[%add3A_794, %add3A_889] : memref<80x128xf32, #tpu.memory_space<vmem>>[vector<16xi32>, vector<16xi32>], vector<16xf32>,
          %gather3A_891 = tpu.vector_load_idx %arg16[%add3A_794, %add3A_889] : memref<80x128xf32, #tpu.memory_space<vmem>>[vector<16xi32>, vector<16xi32>], vector<16xf32>,
          %mul3A_892 = arith.mulf %gather3A_890, %gather3A_891 : vector<16xf32>
          %add3A_893 = arith.addf %add3A_885, %mul3A_892 : vector<16xf32>
          %add3A_894 = arith.constant 0 : i32
          %add3A_895 = arith.addi %mul3A_814, %add3A_894 : i32
          %add3A_896 = vector.broadcast %add3A_895 : i32 to vector<16xi32>
          %add3A_897 = arith.addi %add3A_896, %and3A_458 : vector<16xi32>
          %gather3A_898 = tpu.vector_load_idx %arg11[%add3A_794, %add3A_897] : memref<80x128xf32, #tpu.memory_space<vmem>>[vector<16xi32>, vector<16xi32>], vector<16xf32>,
          %gather3A_899 = tpu.vector_load_idx %arg16[%add3A_794, %add3A_897] : memref<80x128xf32, #tpu.memory_space<vmem>>[vector<16xi32>, vector<16xi32>], vector<16xf32>,
          %mul3A_900 = arith.mulf %gather3A_898, %gather3A_899 : vector<16xf32>
          %add3A_901 = arith.addf %add3A_893, %mul3A_900 : vector<16xf32>
          %add3A_902 = arith.constant 0 : i32
          %add3A_903 = arith.addi %mul3A_814, %add3A_902 : i32
          %add3A_904 = vector.broadcast %add3A_903 : i32 to vector<16xi32>
          %add3A_905 = arith.addi %add3A_904, %and3A_464 : vector<16xi32>
          %gather3A_906 = tpu.vector_load_idx %arg11[%add3A_794, %add3A_905] : memref<80x128xf32, #tpu.memory_space<vmem>>[vector<16xi32>, vector<16xi32>], vector<16xf32>,
          %gather3A_907 = tpu.vector_load_idx %arg16[%add3A_794, %add3A_905] : memref<80x128xf32, #tpu.memory_space<vmem>>[vector<16xi32>, vector<16xi32>], vector<16xf32>,
          %mul3A_908 = arith.mulf %gather3A_906, %gather3A_907 : vector<16xf32>
          %add3A_909 = arith.addf %add3A_901, %mul3A_908 : vector<16xf32>
          %add3A_910 = arith.constant 0 : i32
          %add3A_911 = arith.addi %mul3A_814, %add3A_910 : i32
          %add3A_912 = vector.broadcast %add3A_911 : i32 to vector<16xi32>
          %add3A_913 = arith.addi %add3A_912, %and3A_470 : vector<16xi32>
          %gather3A_914 = tpu.vector_load_idx %arg11[%add3A_794, %add3A_913] : memref<80x128xf32, #tpu.memory_space<vmem>>[vector<16xi32>, vector<16xi32>], vector<16xf32>,
          %gather3A_915 = tpu.vector_load_idx %arg16[%add3A_794, %add3A_913] : memref<80x128xf32, #tpu.memory_space<vmem>>[vector<16xi32>, vector<16xi32>], vector<16xf32>,
          %mul3A_916 = arith.mulf %gather3A_914, %gather3A_915 : vector<16xf32>
          %add3A_917 = arith.addf %add3A_909, %mul3A_916 : vector<16xf32>
          %add3A_918 = arith.constant 0 : i32
          %add3A_919 = arith.addi %mul3A_814, %add3A_918 : i32
          %add3A_920 = vector.broadcast %add3A_919 : i32 to vector<16xi32>
          %add3A_921 = arith.addi %add3A_920, %and3A_476 : vector<16xi32>
          %gather3A_922 = tpu.vector_load_idx %arg11[%add3A_794, %add3A_921] : memref<80x128xf32, #tpu.memory_space<vmem>>[vector<16xi32>, vector<16xi32>], vector<16xf32>,
          %gather3A_923 = tpu.vector_load_idx %arg16[%add3A_794, %add3A_921] : memref<80x128xf32, #tpu.memory_space<vmem>>[vector<16xi32>, vector<16xi32>], vector<16xf32>,
          %mul3A_924 = arith.mulf %gather3A_922, %gather3A_923 : vector<16xf32>
          %add3A_925 = arith.addf %add3A_917, %mul3A_924 : vector<16xf32>
          %add3A_926 = arith.constant 0 : i32
          %add3A_927 = arith.addi %mul3A_814, %add3A_926 : i32
          %add3A_928 = vector.broadcast %add3A_927 : i32 to vector<16xi32>
          %add3A_929 = arith.addi %add3A_928, %and3A_482 : vector<16xi32>
          %gather3A_930 = tpu.vector_load_idx %arg11[%add3A_794, %add3A_929] : memref<80x128xf32, #tpu.memory_space<vmem>>[vector<16xi32>, vector<16xi32>], vector<16xf32>,
          %gather3A_931 = tpu.vector_load_idx %arg16[%add3A_794, %add3A_929] : memref<80x128xf32, #tpu.memory_space<vmem>>[vector<16xi32>, vector<16xi32>], vector<16xf32>,
          %mul3A_932 = arith.mulf %gather3A_930, %gather3A_931 : vector<16xf32>
          %add3A_933 = arith.addf %add3A_925, %mul3A_932 : vector<16xf32>
          %add3A_934 = arith.constant 0 : i32
          %add3A_935 = arith.addi %mul3A_814, %add3A_934 : i32
          %add3A_936 = vector.broadcast %add3A_935 : i32 to vector<16xi32>
          %add3A_937 = arith.addi %add3A_936, %and3A_488 : vector<16xi32>
          %gather3A_938 = tpu.vector_load_idx %arg11[%add3A_794, %add3A_937] : memref<80x128xf32, #tpu.memory_space<vmem>>[vector<16xi32>, vector<16xi32>], vector<16xf32>,
          %gather3A_939 = tpu.vector_load_idx %arg16[%add3A_794, %add3A_937] : memref<80x128xf32, #tpu.memory_space<vmem>>[vector<16xi32>, vector<16xi32>], vector<16xf32>,
          %mul3A_940 = arith.mulf %gather3A_938, %gather3A_939 : vector<16xf32>
          %add3A_941 = arith.addf %add3A_933, %mul3A_940 : vector<16xf32>
          %add3A_942 = arith.constant 16 : i32
          %add3A_943 = arith.addi %mul3A_814, %add3A_942 : i32
          %add3A_944 = vector.broadcast %add3A_943 : i32 to vector<16xi32>
          %add3A_945 = arith.addi %add3A_944, %and3A_398 : vector<16xi32>
          %gather3A_946 = tpu.vector_load_idx %arg11[%add3A_794, %add3A_945] : memref<80x128xf32, #tpu.memory_space<vmem>>[vector<16xi32>, vector<16xi32>], vector<16xf32>,
          %gather3A_947 = tpu.vector_load_idx %arg16[%add3A_794, %add3A_945] : memref<80x128xf32, #tpu.memory_space<vmem>>[vector<16xi32>, vector<16xi32>], vector<16xf32>,
          %mul3A_948 = arith.mulf %gather3A_946, %gather3A_947 : vector<16xf32>
          %add3A_949 = arith.addf %add3A_941, %mul3A_948 : vector<16xf32>
          %add3A_950 = arith.constant 16 : i32
          %add3A_951 = arith.addi %mul3A_814, %add3A_950 : i32
          %add3A_952 = vector.broadcast %add3A_951 : i32 to vector<16xi32>
          %add3A_953 = arith.addi %add3A_952, %and3A_404 : vector<16xi32>
          %gather3A_954 = tpu.vector_load_idx %arg11[%add3A_794, %add3A_953] : memref<80x128xf32, #tpu.memory_space<vmem>>[vector<16xi32>, vector<16xi32>], vector<16xf32>,
          %gather3A_955 = tpu.vector_load_idx %arg16[%add3A_794, %add3A_953] : memref<80x128xf32, #tpu.memory_space<vmem>>[vector<16xi32>, vector<16xi32>], vector<16xf32>,
          %mul3A_956 = arith.mulf %gather3A_954, %gather3A_955 : vector<16xf32>
          %add3A_957 = arith.addf %add3A_949, %mul3A_956 : vector<16xf32>
          %add3A_958 = arith.constant 16 : i32
          %add3A_959 = arith.addi %mul3A_814, %add3A_958 : i32
          %add3A_960 = vector.broadcast %add3A_959 : i32 to vector<16xi32>
          %add3A_961 = arith.addi %add3A_960, %and3A_410 : vector<16xi32>
          %gather3A_962 = tpu.vector_load_idx %arg11[%add3A_794, %add3A_961] : memref<80x128xf32, #tpu.memory_space<vmem>>[vector<16xi32>, vector<16xi32>], vector<16xf32>,
          %gather3A_963 = tpu.vector_load_idx %arg16[%add3A_794, %add3A_961] : memref<80x128xf32, #tpu.memory_space<vmem>>[vector<16xi32>, vector<16xi32>], vector<16xf32>,
          %mul3A_964 = arith.mulf %gather3A_962, %gather3A_963 : vector<16xf32>
          %add3A_965 = arith.addf %add3A_957, %mul3A_964 : vector<16xf32>
          %add3A_966 = arith.constant 16 : i32
          %add3A_967 = arith.addi %mul3A_814, %add3A_966 : i32
          %add3A_968 = vector.broadcast %add3A_967 : i32 to vector<16xi32>
          %add3A_969 = arith.addi %add3A_968, %and3A_416 : vector<16xi32>
          %gather3A_970 = tpu.vector_load_idx %arg11[%add3A_794, %add3A_969] : memref<80x128xf32, #tpu.memory_space<vmem>>[vector<16xi32>, vector<16xi32>], vector<16xf32>,
          %gather3A_971 = tpu.vector_load_idx %arg16[%add3A_794, %add3A_969] : memref<80x128xf32, #tpu.memory_space<vmem>>[vector<16xi32>, vector<16xi32>], vector<16xf32>,
          %mul3A_972 = arith.mulf %gather3A_970, %gather3A_971 : vector<16xf32>
          %add3A_973 = arith.addf %add3A_965, %mul3A_972 : vector<16xf32>
          %add3A_974 = arith.constant 16 : i32
          %add3A_975 = arith.addi %mul3A_814, %add3A_974 : i32
          %add3A_976 = vector.broadcast %add3A_975 : i32 to vector<16xi32>
          %add3A_977 = arith.addi %add3A_976, %and3A_422 : vector<16xi32>
          %gather3A_978 = tpu.vector_load_idx %arg11[%add3A_794, %add3A_977] : memref<80x128xf32, #tpu.memory_space<vmem>>[vector<16xi32>, vector<16xi32>], vector<16xf32>,
          %gather3A_979 = tpu.vector_load_idx %arg16[%add3A_794, %add3A_977] : memref<80x128xf32, #tpu.memory_space<vmem>>[vector<16xi32>, vector<16xi32>], vector<16xf32>,
          %mul3A_980 = arith.mulf %gather3A_978, %gather3A_979 : vector<16xf32>
          %add3A_981 = arith.addf %add3A_973, %mul3A_980 : vector<16xf32>
          %add3A_982 = arith.constant 16 : i32
          %add3A_983 = arith.addi %mul3A_814, %add3A_982 : i32
          %add3A_984 = vector.broadcast %add3A_983 : i32 to vector<16xi32>
          %add3A_985 = arith.addi %add3A_984, %and3A_428 : vector<16xi32>
          %gather3A_986 = tpu.vector_load_idx %arg11[%add3A_794, %add3A_985] : memref<80x128xf32, #tpu.memory_space<vmem>>[vector<16xi32>, vector<16xi32>], vector<16xf32>,
          %gather3A_987 = tpu.vector_load_idx %arg16[%add3A_794, %add3A_985] : memref<80x128xf32, #tpu.memory_space<vmem>>[vector<16xi32>, vector<16xi32>], vector<16xf32>,
          %mul3A_988 = arith.mulf %gather3A_986, %gather3A_987 : vector<16xf32>
          %add3A_989 = arith.addf %add3A_981, %mul3A_988 : vector<16xf32>
          %add3A_990 = arith.constant 16 : i32
          %add3A_991 = arith.addi %mul3A_814, %add3A_990 : i32
          %add3A_992 = vector.broadcast %add3A_991 : i32 to vector<16xi32>
          %add3A_993 = arith.addi %add3A_992, %and3A_434 : vector<16xi32>
          %gather3A_994 = tpu.vector_load_idx %arg11[%add3A_794, %add3A_993] : memref<80x128xf32, #tpu.memory_space<vmem>>[vector<16xi32>, vector<16xi32>], vector<16xf32>,
          %gather3A_995 = tpu.vector_load_idx %arg16[%add3A_794, %add3A_993] : memref<80x128xf32, #tpu.memory_space<vmem>>[vector<16xi32>, vector<16xi32>], vector<16xf32>,
          %mul3A_996 = arith.mulf %gather3A_994, %gather3A_995 : vector<16xf32>
          %add3A_997 = arith.addf %add3A_989, %mul3A_996 : vector<16xf32>
          %add3A_998 = arith.constant 16 : i32
          %add3A_999 = arith.addi %mul3A_814, %add3A_998 : i32
          %add3A_1000 = vector.broadcast %add3A_999 : i32 to vector<16xi32>
          %add3A_1001 = arith.addi %add3A_1000, %and3A_440 : vector<16xi32>
          %gather3A_1002 = tpu.vector_load_idx %arg11[%add3A_794, %add3A_1001] : memref<80x128xf32, #tpu.memory_space<vmem>>[vector<16xi32>, vector<16xi32>], vector<16xf32>,
          %gather3A_1003 = tpu.vector_load_idx %arg16[%add3A_794, %add3A_1001] : memref<80x128xf32, #tpu.memory_space<vmem>>[vector<16xi32>, vector<16xi32>], vector<16xf32>,
          %mul3A_1004 = arith.mulf %gather3A_1002, %gather3A_1003 : vector<16xf32>
          %add3A_1005 = arith.addf %add3A_997, %mul3A_1004 : vector<16xf32>
          %add3A_1006 = arith.constant 16 : i32
          %add3A_1007 = arith.addi %mul3A_814, %add3A_1006 : i32
          %add3A_1008 = vector.broadcast %add3A_1007 : i32 to vector<16xi32>
          %add3A_1009 = arith.addi %add3A_1008, %and3A_446 : vector<16xi32>
          %gather3A_1010 = tpu.vector_load_idx %arg11[%add3A_794, %add3A_1009] : memref<80x128xf32, #tpu.memory_space<vmem>>[vector<16xi32>, vector<16xi32>], vector<16xf32>,
          %gather3A_1011 = tpu.vector_load_idx %arg16[%add3A_794, %add3A_1009] : memref<80x128xf32, #tpu.memory_space<vmem>>[vector<16xi32>, vector<16xi32>], vector<16xf32>,
          %mul3A_1012 = arith.mulf %gather3A_1010, %gather3A_1011 : vector<16xf32>
          %add3A_1013 = arith.addf %add3A_1005, %mul3A_1012 : vector<16xf32>
          %add3A_1014 = arith.constant 16 : i32
          %add3A_1015 = arith.addi %mul3A_814, %add3A_1014 : i32
          %add3A_1016 = vector.broadcast %add3A_1015 : i32 to vector<16xi32>
          %add3A_1017 = arith.addi %add3A_1016, %and3A_452 : vector<16xi32>
          %gather3A_1018 = tpu.vector_load_idx %arg11[%add3A_794, %add3A_1017] : memref<80x128xf32, #tpu.memory_space<vmem>>[vector<16xi32>, vector<16xi32>], vector<16xf32>,
          %gather3A_1019 = tpu.vector_load_idx %arg16[%add3A_794, %add3A_1017] : memref<80x128xf32, #tpu.memory_space<vmem>>[vector<16xi32>, vector<16xi32>], vector<16xf32>,
          %mul3A_1020 = arith.mulf %gather3A_1018, %gather3A_1019 : vector<16xf32>
          %add3A_1021 = arith.addf %add3A_1013, %mul3A_1020 : vector<16xf32>
          %add3A_1022 = arith.constant 16 : i32
          %add3A_1023 = arith.addi %mul3A_814, %add3A_1022 : i32
          %add3A_1024 = vector.broadcast %add3A_1023 : i32 to vector<16xi32>
          %add3A_1025 = arith.addi %add3A_1024, %and3A_458 : vector<16xi32>
          %gather3A_1026 = tpu.vector_load_idx %arg11[%add3A_794, %add3A_1025] : memref<80x128xf32, #tpu.memory_space<vmem>>[vector<16xi32>, vector<16xi32>], vector<16xf32>,
          %gather3A_1027 = tpu.vector_load_idx %arg16[%add3A_794, %add3A_1025] : memref<80x128xf32, #tpu.memory_space<vmem>>[vector<16xi32>, vector<16xi32>], vector<16xf32>,
          %mul3A_1028 = arith.mulf %gather3A_1026, %gather3A_1027 : vector<16xf32>
          %add3A_1029 = arith.addf %add3A_1021, %mul3A_1028 : vector<16xf32>
          %add3A_1030 = arith.constant 16 : i32
          %add3A_1031 = arith.addi %mul3A_814, %add3A_1030 : i32
          %add3A_1032 = vector.broadcast %add3A_1031 : i32 to vector<16xi32>
          %add3A_1033 = arith.addi %add3A_1032, %and3A_464 : vector<16xi32>
          %gather3A_1034 = tpu.vector_load_idx %arg11[%add3A_794, %add3A_1033] : memref<80x128xf32, #tpu.memory_space<vmem>>[vector<16xi32>, vector<16xi32>], vector<16xf32>,
          %gather3A_1035 = tpu.vector_load_idx %arg16[%add3A_794, %add3A_1033] : memref<80x128xf32, #tpu.memory_space<vmem>>[vector<16xi32>, vector<16xi32>], vector<16xf32>,
          %mul3A_1036 = arith.mulf %gather3A_1034, %gather3A_1035 : vector<16xf32>
          %add3A_1037 = arith.addf %add3A_1029, %mul3A_1036 : vector<16xf32>
          %add3A_1038 = arith.constant 16 : i32
          %add3A_1039 = arith.addi %mul3A_814, %add3A_1038 : i32
          %add3A_1040 = vector.broadcast %add3A_1039 : i32 to vector<16xi32>
          %add3A_1041 = arith.addi %add3A_1040, %and3A_470 : vector<16xi32>
          %gather3A_1042 = tpu.vector_load_idx %arg11[%add3A_794, %add3A_1041] : memref<80x128xf32, #tpu.memory_space<vmem>>[vector<16xi32>, vector<16xi32>], vector<16xf32>,
          %gather3A_1043 = tpu.vector_load_idx %arg16[%add3A_794, %add3A_1041] : memref<80x128xf32, #tpu.memory_space<vmem>>[vector<16xi32>, vector<16xi32>], vector<16xf32>,
          %mul3A_1044 = arith.mulf %gather3A_1042, %gather3A_1043 : vector<16xf32>
          %add3A_1045 = arith.addf %add3A_1037, %mul3A_1044 : vector<16xf32>
          %add3A_1046 = arith.constant 16 : i32
          %add3A_1047 = arith.addi %mul3A_814, %add3A_1046 : i32
          %add3A_1048 = vector.broadcast %add3A_1047 : i32 to vector<16xi32>
          %add3A_1049 = arith.addi %add3A_1048, %and3A_476 : vector<16xi32>
          %gather3A_1050 = tpu.vector_load_idx %arg11[%add3A_794, %add3A_1049] : memref<80x128xf32, #tpu.memory_space<vmem>>[vector<16xi32>, vector<16xi32>], vector<16xf32>,
          %gather3A_1051 = tpu.vector_load_idx %arg16[%add3A_794, %add3A_1049] : memref<80x128xf32, #tpu.memory_space<vmem>>[vector<16xi32>, vector<16xi32>], vector<16xf32>,
          %mul3A_1052 = arith.mulf %gather3A_1050, %gather3A_1051 : vector<16xf32>
          %add3A_1053 = arith.addf %add3A_1045, %mul3A_1052 : vector<16xf32>
          %add3A_1054 = arith.constant 16 : i32
          %add3A_1055 = arith.addi %mul3A_814, %add3A_1054 : i32
          %add3A_1056 = vector.broadcast %add3A_1055 : i32 to vector<16xi32>
          %add3A_1057 = arith.addi %add3A_1056, %and3A_482 : vector<16xi32>
          %gather3A_1058 = tpu.vector_load_idx %arg11[%add3A_794, %add3A_1057] : memref<80x128xf32, #tpu.memory_space<vmem>>[vector<16xi32>, vector<16xi32>], vector<16xf32>,
          %gather3A_1059 = tpu.vector_load_idx %arg16[%add3A_794, %add3A_1057] : memref<80x128xf32, #tpu.memory_space<vmem>>[vector<16xi32>, vector<16xi32>], vector<16xf32>,
          %mul3A_1060 = arith.mulf %gather3A_1058, %gather3A_1059 : vector<16xf32>
          %add3A_1061 = arith.addf %add3A_1053, %mul3A_1060 : vector<16xf32>
          %add3A_1062 = arith.constant 16 : i32
          %add3A_1063 = arith.addi %mul3A_814, %add3A_1062 : i32
          %add3A_1064 = vector.broadcast %add3A_1063 : i32 to vector<16xi32>
          %add3A_1065 = arith.addi %add3A_1064, %and3A_488 : vector<16xi32>
          %gather3A_1066 = tpu.vector_load_idx %arg11[%add3A_794, %add3A_1065] : memref<80x128xf32, #tpu.memory_space<vmem>>[vector<16xi32>, vector<16xi32>], vector<16xf32>,
          %gather3A_1067 = tpu.vector_load_idx %arg16[%add3A_794, %add3A_1065] : memref<80x128xf32, #tpu.memory_space<vmem>>[vector<16xi32>, vector<16xi32>], vector<16xf32>,
          %mul3A_1068 = arith.mulf %gather3A_1066, %gather3A_1067 : vector<16xf32>
          %add3A_1069 = arith.addf %add3A_1061, %mul3A_1068 : vector<16xf32>
          scf.yield %add3A_1069 : vector<16xf32>
        }
        %scan3A_801 = arith.constant 4 : i32
        %neg3A = arith.constant 0.000000e+00 : f32
        %neg3A_802 = vector.broadcast %neg3A : f32 to vector<16xf32>
        %neg3A_803 = arith.subf %neg3A_802, %scan3A_800 : vector<16xf32>
        %exp3A = math.exp %neg3A_803 : vector<16xf32>
        %add3A_804 = arith.constant 1.000000e+00 : f32
        %add3A_805 = vector.broadcast %add3A_804 : f32 to vector<16xf32>
        %add3A_806 = arith.addf %add3A_805, %exp3A : vector<16xf32>
        %div3A = arith.constant 1.000000e+00 : f32
        %div3A_807 = vector.broadcast %div3A : f32 to vector<16xf32>
        %div3A_808 = arith.divf %div3A_807, %add3A_806 : vector<16xf32>
        %swap3A = arith.index_cast %mul3A_792 : i32 to index
        %swap3A_809 = tpu.vector_load %arg21[%swap3A] {strides = array<i32>} : memref<80xf32, #tpu.memory_space<vmem>>, vector<16xf32>,
        tpu.vector_store %arg21[%swap3A], %div3A_808 {strides = array<i32>} : memref<80xf32, #tpu.memory_space<vmem>>, vector<16xf32>,
        %scan3A_810 = arith.constant 0 : i32
        scf.yield %scan3A_810 : i32
      }
      %scan3A_495 = arith.constant 5 : i32
      %mul3A_496 = arith.constant 5 : i32
      %mul3A_497 = arith.muli %scan3A_97, %mul3A_496 : i32
      %add3A_498 = arith.constant 2 : i32
      %add3A_499 = arith.addi %mul3A_497, %add3A_498 : i32
      %mul3A_500 = arith.constant 80 : i32
      %mul3A_501 = arith.muli %add3A_499, %mul3A_500 : i32
      %add3A_502 = arith.addi %mul3A_2, %mul3A_501 : i32
      %dma_start3A_503 = tpu.memref_slice %arg6[%add3A_502] : memref<320000xf32, #tpu.memory_space<hbm>> -> memref<80xf32, #tpu.memory_space<hbm>>
      %dma_start3A_504 = tpu.memref_slice %arg6[%add3A_502] : memref<320000xf32, #tpu.memory_space<hbm>> -> memref<80xf32, #tpu.memory_space<hbm>>
      tpu.enqueue_dma source(%arg21 : memref<80xf32, #tpu.memory_space<vmem>>) target(%dma_start3A_504 : memref<80xf32, #tpu.memory_space<hbm>>) target_semaphore(%arg31 : memref<!tpu.dma_semaphore, #tpu.memory_space<semaphore_mem>>)
      %lt3A_505 = arith.constant 24 : i32
      %lt3A_506 = arith.cmpi slt, %scan3A_97, %lt3A_505 : i32
      %convert_element_type3A_507 = arith.extui %lt3A_506 : i1 to i32
      %cond3A_508 = arith.constant 0 : i32
      %cond3A_509 = arith.cmpi ne, %convert_element_type3A_507, %cond3A_508 : i32
      scf.if %cond3A_509 {
        %add3A_789 = arith.constant 1 : i32
        %add3A_790 = arith.addi %scan3A_97, %add3A_789 : i32
        %mul3A_791 = arith.constant 5 : i32
        %mul3A_792 = arith.muli %add3A_790, %mul3A_791 : i32
        %add3A_793 = arith.constant 2 : i32
        %add3A_794 = arith.addi %mul3A_792, %add3A_793 : i32
        %mul3A_795 = arith.constant 80 : i32
        %mul3A_796 = arith.muli %add3A_794, %mul3A_795 : i32
        %add3A_797 = arith.constant 0 : i32
        %add3A_798 = arith.addi %mul3A_796, %add3A_797 : i32
        %dma_start3A_799 = arith.constant 0 : i32
        %dma_start3A_800 = arith.constant 0 : i32
        %dma_start3A_801 = tpu.memref_slice %arg11[%dma_start3A_799, %dma_start3A_800] : memref<80x128xf32, #tpu.memory_space<vmem>> -> memref<80x128xf32, #tpu.memory_space<vmem>>
        %dma_start3A_802 = tpu.memref_slice %arg7[%add3A_798] : memref<10000xi32, #tpu.memory_space<vmem>> -> memref<80xi32, #tpu.memory_space<vmem>>
        %dma_start3A_803 = arith.constant 0 : i32
        %dma_start3A_804 = arith.constant 0 : i32
        %dma_start3A_805 = tpu.memref_slice %arg2[%dma_start3A_803, %dma_start3A_804] : memref<10000x128xf32, #tpu.memory_space<hbm>> -> memref<10000x128xf32, #tpu.memory_space<hbm>>
        tpu.enqueue_indirect_dma source(%dma_start3A_805 : memref<10000x128xf32, #tpu.memory_space<hbm>>) target(%dma_start3A_801 : memref<80x128xf32, #tpu.memory_space<vmem>>) offsets(%dma_start3A_802 : memref<80xi32, #tpu.memory_space<vmem>>) semaphore(%arg26 : memref<!tpu.dma_semaphore, #tpu.memory_space<semaphore_mem>>)
        %dma_start3A_806 = arith.constant 0 : i32
        %dma_start3A_807 = arith.constant 0 : i32
        %dma_start3A_808 = tpu.memref_slice %arg16[%dma_start3A_806, %dma_start3A_807] : memref<80x128xf32, #tpu.memory_space<vmem>> -> memref<80x128xf32, #tpu.memory_space<vmem>>
        %dma_start3A_809 = tpu.memref_slice %arg8[%add3A_798] : memref<10000xi32, #tpu.memory_space<vmem>> -> memref<80xi32, #tpu.memory_space<vmem>>
        %dma_start3A_810 = arith.constant 0 : i32
        %dma_start3A_811 = arith.constant 0 : i32
        %dma_start3A_812 = tpu.memref_slice %arg3[%dma_start3A_810, %dma_start3A_811] : memref<10000x128xf32, #tpu.memory_space<hbm>> -> memref<10000x128xf32, #tpu.memory_space<hbm>>
        tpu.enqueue_indirect_dma source(%dma_start3A_812 : memref<10000x128xf32, #tpu.memory_space<hbm>>) target(%dma_start3A_808 : memref<80x128xf32, #tpu.memory_space<vmem>>) offsets(%dma_start3A_809 : memref<80xi32, #tpu.memory_space<vmem>>) semaphore(%arg26 : memref<!tpu.dma_semaphore, #tpu.memory_space<semaphore_mem>>)
      } else {
      }
      %dma_wait3A_510 = arith.constant 0 : i32
      %dma_wait3A_511 = arith.constant 0 : i32
      %dma_wait3A_512 = tpu.memref_slice %arg12[%dma_wait3A_510, %dma_wait3A_511] : memref<80x128xf32, #tpu.memory_space<vmem>> -> memref<80x128xf32, #tpu.memory_space<vmem>>
      %dma_wait3A_513 = arith.constant 0 : i32
      %dma_wait3A_514 = tpu.memref_slice %arg7[%dma_wait3A_513] : memref<10000xi32, #tpu.memory_space<vmem>> -> memref<80xi32, #tpu.memory_space<vmem>>
      %dma_wait3A_515 = arith.constant 0 : i32
      %dma_wait3A_516 = arith.constant 0 : i32
      %dma_wait3A_517 = tpu.memref_slice %arg2[%dma_wait3A_515, %dma_wait3A_516] : memref<10000x128xf32, #tpu.memory_space<hbm>> -> memref<10000x128xf32, #tpu.memory_space<hbm>>
      tpu.wait_indirect_dma semaphore(%arg27 : memref<!tpu.dma_semaphore, #tpu.memory_space<semaphore_mem>>) src(%dma_wait3A_517 : memref<10000x128xf32, #tpu.memory_space<hbm>>) dst(%dma_wait3A_512 : memref<80x128xf32, #tpu.memory_space<vmem>>)
      %dma_wait3A_518 = arith.constant 0 : i32
      %dma_wait3A_519 = arith.constant 0 : i32
      %dma_wait3A_520 = tpu.memref_slice %arg17[%dma_wait3A_518, %dma_wait3A_519] : memref<80x128xf32, #tpu.memory_space<vmem>> -> memref<80x128xf32, #tpu.memory_space<vmem>>
      %dma_wait3A_521 = arith.constant 0 : i32
      %dma_wait3A_522 = tpu.memref_slice %arg8[%dma_wait3A_521] : memref<10000xi32, #tpu.memory_space<vmem>> -> memref<80xi32, #tpu.memory_space<vmem>>
      %dma_wait3A_523 = arith.constant 0 : i32
      %dma_wait3A_524 = arith.constant 0 : i32
      %dma_wait3A_525 = tpu.memref_slice %arg3[%dma_wait3A_523, %dma_wait3A_524] : memref<10000x128xf32, #tpu.memory_space<hbm>> -> memref<10000x128xf32, #tpu.memory_space<hbm>>
      tpu.wait_indirect_dma semaphore(%arg27 : memref<!tpu.dma_semaphore, #tpu.memory_space<semaphore_mem>>) src(%dma_wait3A_525 : memref<10000x128xf32, #tpu.memory_space<hbm>>) dst(%dma_wait3A_520 : memref<80x128xf32, #tpu.memory_space<vmem>>)
      %gt3A_526 = arith.constant 0 : i32
      %gt3A_527 = arith.cmpi sgt, %scan3A_97, %gt3A_526 : i32
      %convert_element_type3A_528 = arith.extui %gt3A_527 : i1 to i32
      %cond3A_529 = arith.constant 0 : i32
      %cond3A_530 = arith.cmpi ne, %convert_element_type3A_528, %cond3A_529 : i32
      scf.if %cond3A_530 {
        %dma_wait3A_789 = tpu.memref_slice %arg6[%mul3A_2] : memref<320000xf32, #tpu.memory_space<hbm>> -> memref<80xf32, #tpu.memory_space<hbm>>
        %dma_wait3A_790 = tpu.memref_slice %arg6[%mul3A_2] : memref<320000xf32, #tpu.memory_space<hbm>> -> memref<80xf32, #tpu.memory_space<hbm>>
        tpu.wait_dma2 semaphore(%arg32 : memref<!tpu.dma_semaphore, #tpu.memory_space<semaphore_mem>>) src(%arg22 : memref<80xf32, #tpu.memory_space<vmem>>) dst(%dma_wait3A_790 : memref<80xf32, #tpu.memory_space<hbm>>)
      } else {
      }
      %iota3A_531 = tpu.iota {dimensions = array<i32: 0>} : vector<16xi32>
      %add3A_532 = arith.constant 0 : i32
      %add3A_533 = vector.broadcast %add3A_532 : i32 to vector<16xi32>
      %add3A_534 = arith.addi %iota3A_531, %add3A_533 : vector<16xi32>
      %and3A_535 = arith.constant 15 : i32
      %and3A_536 = vector.broadcast %and3A_535 : i32 to vector<16xi32>
      %and3A_537 = arith.andi %add3A_534, %and3A_536 : vector<16xi32>
      %add3A_538 = arith.constant 1 : i32
      %add3A_539 = vector.broadcast %add3A_538 : i32 to vector<16xi32>
      %add3A_540 = arith.addi %iota3A_531, %add3A_539 : vector<16xi32>
      %and3A_541 = arith.constant 15 : i32
      %and3A_542 = vector.broadcast %and3A_541 : i32 to vector<16xi32>
      %and3A_543 = arith.andi %add3A_540, %and3A_542 : vector<16xi32>
      %add3A_544 = arith.constant 2 : i32
      %add3A_545 = vector.broadcast %add3A_544 : i32 to vector<16xi32>
      %add3A_546 = arith.addi %iota3A_531, %add3A_545 : vector<16xi32>
      %and3A_547 = arith.constant 15 : i32
      %and3A_548 = vector.broadcast %and3A_547 : i32 to vector<16xi32>
      %and3A_549 = arith.andi %add3A_546, %and3A_548 : vector<16xi32>
      %add3A_550 = arith.constant 3 : i32
      %add3A_551 = vector.broadcast %add3A_550 : i32 to vector<16xi32>
      %add3A_552 = arith.addi %iota3A_531, %add3A_551 : vector<16xi32>
      %and3A_553 = arith.constant 15 : i32
      %and3A_554 = vector.broadcast %and3A_553 : i32 to vector<16xi32>
      %and3A_555 = arith.andi %add3A_552, %and3A_554 : vector<16xi32>
      %add3A_556 = arith.constant 4 : i32
      %add3A_557 = vector.broadcast %add3A_556 : i32 to vector<16xi32>
      %add3A_558 = arith.addi %iota3A_531, %add3A_557 : vector<16xi32>
      %and3A_559 = arith.constant 15 : i32
      %and3A_560 = vector.broadcast %and3A_559 : i32 to vector<16xi32>
      %and3A_561 = arith.andi %add3A_558, %and3A_560 : vector<16xi32>
      %add3A_562 = arith.constant 5 : i32
      %add3A_563 = vector.broadcast %add3A_562 : i32 to vector<16xi32>
      %add3A_564 = arith.addi %iota3A_531, %add3A_563 : vector<16xi32>
      %and3A_565 = arith.constant 15 : i32
      %and3A_566 = vector.broadcast %and3A_565 : i32 to vector<16xi32>
      %and3A_567 = arith.andi %add3A_564, %and3A_566 : vector<16xi32>
      %add3A_568 = arith.constant 6 : i32
      %add3A_569 = vector.broadcast %add3A_568 : i32 to vector<16xi32>
      %add3A_570 = arith.addi %iota3A_531, %add3A_569 : vector<16xi32>
      %and3A_571 = arith.constant 15 : i32
      %and3A_572 = vector.broadcast %and3A_571 : i32 to vector<16xi32>
      %and3A_573 = arith.andi %add3A_570, %and3A_572 : vector<16xi32>
      %add3A_574 = arith.constant 7 : i32
      %add3A_575 = vector.broadcast %add3A_574 : i32 to vector<16xi32>
      %add3A_576 = arith.addi %iota3A_531, %add3A_575 : vector<16xi32>
      %and3A_577 = arith.constant 15 : i32
      %and3A_578 = vector.broadcast %and3A_577 : i32 to vector<16xi32>
      %and3A_579 = arith.andi %add3A_576, %and3A_578 : vector<16xi32>
      %add3A_580 = arith.constant 8 : i32
      %add3A_581 = vector.broadcast %add3A_580 : i32 to vector<16xi32>
      %add3A_582 = arith.addi %iota3A_531, %add3A_581 : vector<16xi32>
      %and3A_583 = arith.constant 15 : i32
      %and3A_584 = vector.broadcast %and3A_583 : i32 to vector<16xi32>
      %and3A_585 = arith.andi %add3A_582, %and3A_584 : vector<16xi32>
      %add3A_586 = arith.constant 9 : i32
      %add3A_587 = vector.broadcast %add3A_586 : i32 to vector<16xi32>
      %add3A_588 = arith.addi %iota3A_531, %add3A_587 : vector<16xi32>
      %and3A_589 = arith.constant 15 : i32
      %and3A_590 = vector.broadcast %and3A_589 : i32 to vector<16xi32>
      %and3A_591 = arith.andi %add3A_588, %and3A_590 : vector<16xi32>
      %add3A_592 = arith.constant 10 : i32
      %add3A_593 = vector.broadcast %add3A_592 : i32 to vector<16xi32>
      %add3A_594 = arith.addi %iota3A_531, %add3A_593 : vector<16xi32>
      %and3A_595 = arith.constant 15 : i32
      %and3A_596 = vector.broadcast %and3A_595 : i32 to vector<16xi32>
      %and3A_597 = arith.andi %add3A_594, %and3A_596 : vector<16xi32>
      %add3A_598 = arith.constant 11 : i32
      %add3A_599 = vector.broadcast %add3A_598 : i32 to vector<16xi32>
      %add3A_600 = arith.addi %iota3A_531, %add3A_599 : vector<16xi32>
      %and3A_601 = arith.constant 15 : i32
      %and3A_602 = vector.broadcast %and3A_601 : i32 to vector<16xi32>
      %and3A_603 = arith.andi %add3A_600, %and3A_602 : vector<16xi32>
      %add3A_604 = arith.constant 12 : i32
      %add3A_605 = vector.broadcast %add3A_604 : i32 to vector<16xi32>
      %add3A_606 = arith.addi %iota3A_531, %add3A_605 : vector<16xi32>
      %and3A_607 = arith.constant 15 : i32
      %and3A_608 = vector.broadcast %and3A_607 : i32 to vector<16xi32>
      %and3A_609 = arith.andi %add3A_606, %and3A_608 : vector<16xi32>
      %add3A_610 = arith.constant 13 : i32
      %add3A_611 = vector.broadcast %add3A_610 : i32 to vector<16xi32>
      %add3A_612 = arith.addi %iota3A_531, %add3A_611 : vector<16xi32>
      %and3A_613 = arith.constant 15 : i32
      %and3A_614 = vector.broadcast %and3A_613 : i32 to vector<16xi32>
      %and3A_615 = arith.andi %add3A_612, %and3A_614 : vector<16xi32>
      %add3A_616 = arith.constant 14 : i32
      %add3A_617 = vector.broadcast %add3A_616 : i32 to vector<16xi32>
      %add3A_618 = arith.addi %iota3A_531, %add3A_617 : vector<16xi32>
      %and3A_619 = arith.constant 15 : i32
      %and3A_620 = vector.broadcast %and3A_619 : i32 to vector<16xi32>
      %and3A_621 = arith.andi %add3A_618, %and3A_620 : vector<16xi32>
      %add3A_622 = arith.constant 15 : i32
      %add3A_623 = vector.broadcast %add3A_622 : i32 to vector<16xi32>
      %add3A_624 = arith.addi %iota3A_531, %add3A_623 : vector<16xi32>
      %and3A_625 = arith.constant 15 : i32
      %and3A_626 = vector.broadcast %and3A_625 : i32 to vector<16xi32>
      %and3A_627 = arith.andi %add3A_624, %and3A_626 : vector<16xi32>
      %scan3A_628 = arith.constant 0 : i32
      %scan3A_629 = arith.constant 0 : i32
      %scan3A_630 = arith.constant 5 : i32
      %scan3A_631 = arith.addi %scan3A_629, %scan3A_630 : i32
      %scan3A_632 = arith.constant 1 : i32
      %scan3A_633 = scf.for %scan3A_789 = %scan3A_629 to %scan3A_631 step %scan3A_632 iter_args(%scan3A_790 = %scan3A_628) -> (i32)  : i32 {
        %mul3A_791 = arith.constant 16 : i32
        %mul3A_792 = arith.muli %scan3A_789, %mul3A_791 : i32
        %add3A_793 = vector.broadcast %mul3A_792 : i32 to vector<16xi32>
        %add3A_794 = arith.addi %add3A_793, %iota3A_531 : vector<16xi32>
        %broadcast_in_dim3A = arith.constant 0.000000e+00 : f32
        %broadcast_in_dim3A_795 = vector.broadcast %broadcast_in_dim3A : f32 to vector<16xf32>
        %scan3A_796 = arith.constant 0 : i32
        %scan3A_797 = arith.constant 4 : i32
        %scan3A_798 = arith.addi %scan3A_796, %scan3A_797 : i32
        %scan3A_799 = arith.constant 1 : i32
        %scan3A_800 = scf.for %scan3A_811 = %scan3A_796 to %scan3A_798 step %scan3A_799 iter_args(%scan3A_812 = %broadcast_in_dim3A_795) -> (vector<16xf32>)  : i32 {
          %mul3A_813 = arith.constant 32 : i32
          %mul3A_814 = arith.muli %scan3A_811, %mul3A_813 : i32
          %add3A_815 = arith.constant 0 : i32
          %add3A_816 = arith.addi %mul3A_814, %add3A_815 : i32
          %add3A_817 = vector.broadcast %add3A_816 : i32 to vector<16xi32>
          %add3A_818 = arith.addi %add3A_817, %and3A_537 : vector<16xi32>
          %gather3A = tpu.vector_load_idx %arg12[%add3A_794, %add3A_818] : memref<80x128xf32, #tpu.memory_space<vmem>>[vector<16xi32>, vector<16xi32>], vector<16xf32>,
          %gather3A_819 = tpu.vector_load_idx %arg17[%add3A_794, %add3A_818] : memref<80x128xf32, #tpu.memory_space<vmem>>[vector<16xi32>, vector<16xi32>], vector<16xf32>,
          %mul3A_820 = arith.mulf %gather3A, %gather3A_819 : vector<16xf32>
          %add3A_821 = arith.addf %scan3A_812, %mul3A_820 : vector<16xf32>
          %add3A_822 = arith.constant 0 : i32
          %add3A_823 = arith.addi %mul3A_814, %add3A_822 : i32
          %add3A_824 = vector.broadcast %add3A_823 : i32 to vector<16xi32>
          %add3A_825 = arith.addi %add3A_824, %and3A_543 : vector<16xi32>
          %gather3A_826 = tpu.vector_load_idx %arg12[%add3A_794, %add3A_825] : memref<80x128xf32, #tpu.memory_space<vmem>>[vector<16xi32>, vector<16xi32>], vector<16xf32>,
          %gather3A_827 = tpu.vector_load_idx %arg17[%add3A_794, %add3A_825] : memref<80x128xf32, #tpu.memory_space<vmem>>[vector<16xi32>, vector<16xi32>], vector<16xf32>,
          %mul3A_828 = arith.mulf %gather3A_826, %gather3A_827 : vector<16xf32>
          %add3A_829 = arith.addf %add3A_821, %mul3A_828 : vector<16xf32>
          %add3A_830 = arith.constant 0 : i32
          %add3A_831 = arith.addi %mul3A_814, %add3A_830 : i32
          %add3A_832 = vector.broadcast %add3A_831 : i32 to vector<16xi32>
          %add3A_833 = arith.addi %add3A_832, %and3A_549 : vector<16xi32>
          %gather3A_834 = tpu.vector_load_idx %arg12[%add3A_794, %add3A_833] : memref<80x128xf32, #tpu.memory_space<vmem>>[vector<16xi32>, vector<16xi32>], vector<16xf32>,
          %gather3A_835 = tpu.vector_load_idx %arg17[%add3A_794, %add3A_833] : memref<80x128xf32, #tpu.memory_space<vmem>>[vector<16xi32>, vector<16xi32>], vector<16xf32>,
          %mul3A_836 = arith.mulf %gather3A_834, %gather3A_835 : vector<16xf32>
          %add3A_837 = arith.addf %add3A_829, %mul3A_836 : vector<16xf32>
          %add3A_838 = arith.constant 0 : i32
          %add3A_839 = arith.addi %mul3A_814, %add3A_838 : i32
          %add3A_840 = vector.broadcast %add3A_839 : i32 to vector<16xi32>
          %add3A_841 = arith.addi %add3A_840, %and3A_555 : vector<16xi32>
          %gather3A_842 = tpu.vector_load_idx %arg12[%add3A_794, %add3A_841] : memref<80x128xf32, #tpu.memory_space<vmem>>[vector<16xi32>, vector<16xi32>], vector<16xf32>,
          %gather3A_843 = tpu.vector_load_idx %arg17[%add3A_794, %add3A_841] : memref<80x128xf32, #tpu.memory_space<vmem>>[vector<16xi32>, vector<16xi32>], vector<16xf32>,
          %mul3A_844 = arith.mulf %gather3A_842, %gather3A_843 : vector<16xf32>
          %add3A_845 = arith.addf %add3A_837, %mul3A_844 : vector<16xf32>
          %add3A_846 = arith.constant 0 : i32
          %add3A_847 = arith.addi %mul3A_814, %add3A_846 : i32
          %add3A_848 = vector.broadcast %add3A_847 : i32 to vector<16xi32>
          %add3A_849 = arith.addi %add3A_848, %and3A_561 : vector<16xi32>
          %gather3A_850 = tpu.vector_load_idx %arg12[%add3A_794, %add3A_849] : memref<80x128xf32, #tpu.memory_space<vmem>>[vector<16xi32>, vector<16xi32>], vector<16xf32>,
          %gather3A_851 = tpu.vector_load_idx %arg17[%add3A_794, %add3A_849] : memref<80x128xf32, #tpu.memory_space<vmem>>[vector<16xi32>, vector<16xi32>], vector<16xf32>,
          %mul3A_852 = arith.mulf %gather3A_850, %gather3A_851 : vector<16xf32>
          %add3A_853 = arith.addf %add3A_845, %mul3A_852 : vector<16xf32>
          %add3A_854 = arith.constant 0 : i32
          %add3A_855 = arith.addi %mul3A_814, %add3A_854 : i32
          %add3A_856 = vector.broadcast %add3A_855 : i32 to vector<16xi32>
          %add3A_857 = arith.addi %add3A_856, %and3A_567 : vector<16xi32>
          %gather3A_858 = tpu.vector_load_idx %arg12[%add3A_794, %add3A_857] : memref<80x128xf32, #tpu.memory_space<vmem>>[vector<16xi32>, vector<16xi32>], vector<16xf32>,
          %gather3A_859 = tpu.vector_load_idx %arg17[%add3A_794, %add3A_857] : memref<80x128xf32, #tpu.memory_space<vmem>>[vector<16xi32>, vector<16xi32>], vector<16xf32>,
          %mul3A_860 = arith.mulf %gather3A_858, %gather3A_859 : vector<16xf32>
          %add3A_861 = arith.addf %add3A_853, %mul3A_860 : vector<16xf32>
          %add3A_862 = arith.constant 0 : i32
          %add3A_863 = arith.addi %mul3A_814, %add3A_862 : i32
          %add3A_864 = vector.broadcast %add3A_863 : i32 to vector<16xi32>
          %add3A_865 = arith.addi %add3A_864, %and3A_573 : vector<16xi32>
          %gather3A_866 = tpu.vector_load_idx %arg12[%add3A_794, %add3A_865] : memref<80x128xf32, #tpu.memory_space<vmem>>[vector<16xi32>, vector<16xi32>], vector<16xf32>,
          %gather3A_867 = tpu.vector_load_idx %arg17[%add3A_794, %add3A_865] : memref<80x128xf32, #tpu.memory_space<vmem>>[vector<16xi32>, vector<16xi32>], vector<16xf32>,
          %mul3A_868 = arith.mulf %gather3A_866, %gather3A_867 : vector<16xf32>
          %add3A_869 = arith.addf %add3A_861, %mul3A_868 : vector<16xf32>
          %add3A_870 = arith.constant 0 : i32
          %add3A_871 = arith.addi %mul3A_814, %add3A_870 : i32
          %add3A_872 = vector.broadcast %add3A_871 : i32 to vector<16xi32>
          %add3A_873 = arith.addi %add3A_872, %and3A_579 : vector<16xi32>
          %gather3A_874 = tpu.vector_load_idx %arg12[%add3A_794, %add3A_873] : memref<80x128xf32, #tpu.memory_space<vmem>>[vector<16xi32>, vector<16xi32>], vector<16xf32>,
          %gather3A_875 = tpu.vector_load_idx %arg17[%add3A_794, %add3A_873] : memref<80x128xf32, #tpu.memory_space<vmem>>[vector<16xi32>, vector<16xi32>], vector<16xf32>,
          %mul3A_876 = arith.mulf %gather3A_874, %gather3A_875 : vector<16xf32>
          %add3A_877 = arith.addf %add3A_869, %mul3A_876 : vector<16xf32>
          %add3A_878 = arith.constant 0 : i32
          %add3A_879 = arith.addi %mul3A_814, %add3A_878 : i32
          %add3A_880 = vector.broadcast %add3A_879 : i32 to vector<16xi32>
          %add3A_881 = arith.addi %add3A_880, %and3A_585 : vector<16xi32>
          %gather3A_882 = tpu.vector_load_idx %arg12[%add3A_794, %add3A_881] : memref<80x128xf32, #tpu.memory_space<vmem>>[vector<16xi32>, vector<16xi32>], vector<16xf32>,
          %gather3A_883 = tpu.vector_load_idx %arg17[%add3A_794, %add3A_881] : memref<80x128xf32, #tpu.memory_space<vmem>>[vector<16xi32>, vector<16xi32>], vector<16xf32>,
          %mul3A_884 = arith.mulf %gather3A_882, %gather3A_883 : vector<16xf32>
          %add3A_885 = arith.addf %add3A_877, %mul3A_884 : vector<16xf32>
          %add3A_886 = arith.constant 0 : i32
          %add3A_887 = arith.addi %mul3A_814, %add3A_886 : i32
          %add3A_888 = vector.broadcast %add3A_887 : i32 to vector<16xi32>
          %add3A_889 = arith.addi %add3A_888, %and3A_591 : vector<16xi32>
          %gather3A_890 = tpu.vector_load_idx %arg12[%add3A_794, %add3A_889] : memref<80x128xf32, #tpu.memory_space<vmem>>[vector<16xi32>, vector<16xi32>], vector<16xf32>,
          %gather3A_891 = tpu.vector_load_idx %arg17[%add3A_794, %add3A_889] : memref<80x128xf32, #tpu.memory_space<vmem>>[vector<16xi32>, vector<16xi32>], vector<16xf32>,
          %mul3A_892 = arith.mulf %gather3A_890, %gather3A_891 : vector<16xf32>
          %add3A_893 = arith.addf %add3A_885, %mul3A_892 : vector<16xf32>
          %add3A_894 = arith.constant 0 : i32
          %add3A_895 = arith.addi %mul3A_814, %add3A_894 : i32
          %add3A_896 = vector.broadcast %add3A_895 : i32 to vector<16xi32>
          %add3A_897 = arith.addi %add3A_896, %and3A_597 : vector<16xi32>
          %gather3A_898 = tpu.vector_load_idx %arg12[%add3A_794, %add3A_897] : memref<80x128xf32, #tpu.memory_space<vmem>>[vector<16xi32>, vector<16xi32>], vector<16xf32>,
          %gather3A_899 = tpu.vector_load_idx %arg17[%add3A_794, %add3A_897] : memref<80x128xf32, #tpu.memory_space<vmem>>[vector<16xi32>, vector<16xi32>], vector<16xf32>,
          %mul3A_900 = arith.mulf %gather3A_898, %gather3A_899 : vector<16xf32>
          %add3A_901 = arith.addf %add3A_893, %mul3A_900 : vector<16xf32>
          %add3A_902 = arith.constant 0 : i32
          %add3A_903 = arith.addi %mul3A_814, %add3A_902 : i32
          %add3A_904 = vector.broadcast %add3A_903 : i32 to vector<16xi32>
          %add3A_905 = arith.addi %add3A_904, %and3A_603 : vector<16xi32>
          %gather3A_906 = tpu.vector_load_idx %arg12[%add3A_794, %add3A_905] : memref<80x128xf32, #tpu.memory_space<vmem>>[vector<16xi32>, vector<16xi32>], vector<16xf32>,
          %gather3A_907 = tpu.vector_load_idx %arg17[%add3A_794, %add3A_905] : memref<80x128xf32, #tpu.memory_space<vmem>>[vector<16xi32>, vector<16xi32>], vector<16xf32>,
          %mul3A_908 = arith.mulf %gather3A_906, %gather3A_907 : vector<16xf32>
          %add3A_909 = arith.addf %add3A_901, %mul3A_908 : vector<16xf32>
          %add3A_910 = arith.constant 0 : i32
          %add3A_911 = arith.addi %mul3A_814, %add3A_910 : i32
          %add3A_912 = vector.broadcast %add3A_911 : i32 to vector<16xi32>
          %add3A_913 = arith.addi %add3A_912, %and3A_609 : vector<16xi32>
          %gather3A_914 = tpu.vector_load_idx %arg12[%add3A_794, %add3A_913] : memref<80x128xf32, #tpu.memory_space<vmem>>[vector<16xi32>, vector<16xi32>], vector<16xf32>,
          %gather3A_915 = tpu.vector_load_idx %arg17[%add3A_794, %add3A_913] : memref<80x128xf32, #tpu.memory_space<vmem>>[vector<16xi32>, vector<16xi32>], vector<16xf32>,
          %mul3A_916 = arith.mulf %gather3A_914, %gather3A_915 : vector<16xf32>
          %add3A_917 = arith.addf %add3A_909, %mul3A_916 : vector<16xf32>
          %add3A_918 = arith.constant 0 : i32
          %add3A_919 = arith.addi %mul3A_814, %add3A_918 : i32
          %add3A_920 = vector.broadcast %add3A_919 : i32 to vector<16xi32>
          %add3A_921 = arith.addi %add3A_920, %and3A_615 : vector<16xi32>
          %gather3A_922 = tpu.vector_load_idx %arg12[%add3A_794, %add3A_921] : memref<80x128xf32, #tpu.memory_space<vmem>>[vector<16xi32>, vector<16xi32>], vector<16xf32>,
          %gather3A_923 = tpu.vector_load_idx %arg17[%add3A_794, %add3A_921] : memref<80x128xf32, #tpu.memory_space<vmem>>[vector<16xi32>, vector<16xi32>], vector<16xf32>,
          %mul3A_924 = arith.mulf %gather3A_922, %gather3A_923 : vector<16xf32>
          %add3A_925 = arith.addf %add3A_917, %mul3A_924 : vector<16xf32>
          %add3A_926 = arith.constant 0 : i32
          %add3A_927 = arith.addi %mul3A_814, %add3A_926 : i32
          %add3A_928 = vector.broadcast %add3A_927 : i32 to vector<16xi32>
          %add3A_929 = arith.addi %add3A_928, %and3A_621 : vector<16xi32>
          %gather3A_930 = tpu.vector_load_idx %arg12[%add3A_794, %add3A_929] : memref<80x128xf32, #tpu.memory_space<vmem>>[vector<16xi32>, vector<16xi32>], vector<16xf32>,
          %gather3A_931 = tpu.vector_load_idx %arg17[%add3A_794, %add3A_929] : memref<80x128xf32, #tpu.memory_space<vmem>>[vector<16xi32>, vector<16xi32>], vector<16xf32>,
          %mul3A_932 = arith.mulf %gather3A_930, %gather3A_931 : vector<16xf32>
          %add3A_933 = arith.addf %add3A_925, %mul3A_932 : vector<16xf32>
          %add3A_934 = arith.constant 0 : i32
          %add3A_935 = arith.addi %mul3A_814, %add3A_934 : i32
          %add3A_936 = vector.broadcast %add3A_935 : i32 to vector<16xi32>
          %add3A_937 = arith.addi %add3A_936, %and3A_627 : vector<16xi32>
          %gather3A_938 = tpu.vector_load_idx %arg12[%add3A_794, %add3A_937] : memref<80x128xf32, #tpu.memory_space<vmem>>[vector<16xi32>, vector<16xi32>], vector<16xf32>,
          %gather3A_939 = tpu.vector_load_idx %arg17[%add3A_794, %add3A_937] : memref<80x128xf32, #tpu.memory_space<vmem>>[vector<16xi32>, vector<16xi32>], vector<16xf32>,
          %mul3A_940 = arith.mulf %gather3A_938, %gather3A_939 : vector<16xf32>
          %add3A_941 = arith.addf %add3A_933, %mul3A_940 : vector<16xf32>
          %add3A_942 = arith.constant 16 : i32
          %add3A_943 = arith.addi %mul3A_814, %add3A_942 : i32
          %add3A_944 = vector.broadcast %add3A_943 : i32 to vector<16xi32>
          %add3A_945 = arith.addi %add3A_944, %and3A_537 : vector<16xi32>
          %gather3A_946 = tpu.vector_load_idx %arg12[%add3A_794, %add3A_945] : memref<80x128xf32, #tpu.memory_space<vmem>>[vector<16xi32>, vector<16xi32>], vector<16xf32>,
          %gather3A_947 = tpu.vector_load_idx %arg17[%add3A_794, %add3A_945] : memref<80x128xf32, #tpu.memory_space<vmem>>[vector<16xi32>, vector<16xi32>], vector<16xf32>,
          %mul3A_948 = arith.mulf %gather3A_946, %gather3A_947 : vector<16xf32>
          %add3A_949 = arith.addf %add3A_941, %mul3A_948 : vector<16xf32>
          %add3A_950 = arith.constant 16 : i32
          %add3A_951 = arith.addi %mul3A_814, %add3A_950 : i32
          %add3A_952 = vector.broadcast %add3A_951 : i32 to vector<16xi32>
          %add3A_953 = arith.addi %add3A_952, %and3A_543 : vector<16xi32>
          %gather3A_954 = tpu.vector_load_idx %arg12[%add3A_794, %add3A_953] : memref<80x128xf32, #tpu.memory_space<vmem>>[vector<16xi32>, vector<16xi32>], vector<16xf32>,
          %gather3A_955 = tpu.vector_load_idx %arg17[%add3A_794, %add3A_953] : memref<80x128xf32, #tpu.memory_space<vmem>>[vector<16xi32>, vector<16xi32>], vector<16xf32>,
          %mul3A_956 = arith.mulf %gather3A_954, %gather3A_955 : vector<16xf32>
          %add3A_957 = arith.addf %add3A_949, %mul3A_956 : vector<16xf32>
          %add3A_958 = arith.constant 16 : i32
          %add3A_959 = arith.addi %mul3A_814, %add3A_958 : i32
          %add3A_960 = vector.broadcast %add3A_959 : i32 to vector<16xi32>
          %add3A_961 = arith.addi %add3A_960, %and3A_549 : vector<16xi32>
          %gather3A_962 = tpu.vector_load_idx %arg12[%add3A_794, %add3A_961] : memref<80x128xf32, #tpu.memory_space<vmem>>[vector<16xi32>, vector<16xi32>], vector<16xf32>,
          %gather3A_963 = tpu.vector_load_idx %arg17[%add3A_794, %add3A_961] : memref<80x128xf32, #tpu.memory_space<vmem>>[vector<16xi32>, vector<16xi32>], vector<16xf32>,
          %mul3A_964 = arith.mulf %gather3A_962, %gather3A_963 : vector<16xf32>
          %add3A_965 = arith.addf %add3A_957, %mul3A_964 : vector<16xf32>
          %add3A_966 = arith.constant 16 : i32
          %add3A_967 = arith.addi %mul3A_814, %add3A_966 : i32
          %add3A_968 = vector.broadcast %add3A_967 : i32 to vector<16xi32>
          %add3A_969 = arith.addi %add3A_968, %and3A_555 : vector<16xi32>
          %gather3A_970 = tpu.vector_load_idx %arg12[%add3A_794, %add3A_969] : memref<80x128xf32, #tpu.memory_space<vmem>>[vector<16xi32>, vector<16xi32>], vector<16xf32>,
          %gather3A_971 = tpu.vector_load_idx %arg17[%add3A_794, %add3A_969] : memref<80x128xf32, #tpu.memory_space<vmem>>[vector<16xi32>, vector<16xi32>], vector<16xf32>,
          %mul3A_972 = arith.mulf %gather3A_970, %gather3A_971 : vector<16xf32>
          %add3A_973 = arith.addf %add3A_965, %mul3A_972 : vector<16xf32>
          %add3A_974 = arith.constant 16 : i32
          %add3A_975 = arith.addi %mul3A_814, %add3A_974 : i32
          %add3A_976 = vector.broadcast %add3A_975 : i32 to vector<16xi32>
          %add3A_977 = arith.addi %add3A_976, %and3A_561 : vector<16xi32>
          %gather3A_978 = tpu.vector_load_idx %arg12[%add3A_794, %add3A_977] : memref<80x128xf32, #tpu.memory_space<vmem>>[vector<16xi32>, vector<16xi32>], vector<16xf32>,
          %gather3A_979 = tpu.vector_load_idx %arg17[%add3A_794, %add3A_977] : memref<80x128xf32, #tpu.memory_space<vmem>>[vector<16xi32>, vector<16xi32>], vector<16xf32>,
          %mul3A_980 = arith.mulf %gather3A_978, %gather3A_979 : vector<16xf32>
          %add3A_981 = arith.addf %add3A_973, %mul3A_980 : vector<16xf32>
          %add3A_982 = arith.constant 16 : i32
          %add3A_983 = arith.addi %mul3A_814, %add3A_982 : i32
          %add3A_984 = vector.broadcast %add3A_983 : i32 to vector<16xi32>
          %add3A_985 = arith.addi %add3A_984, %and3A_567 : vector<16xi32>
          %gather3A_986 = tpu.vector_load_idx %arg12[%add3A_794, %add3A_985] : memref<80x128xf32, #tpu.memory_space<vmem>>[vector<16xi32>, vector<16xi32>], vector<16xf32>,
          %gather3A_987 = tpu.vector_load_idx %arg17[%add3A_794, %add3A_985] : memref<80x128xf32, #tpu.memory_space<vmem>>[vector<16xi32>, vector<16xi32>], vector<16xf32>,
          %mul3A_988 = arith.mulf %gather3A_986, %gather3A_987 : vector<16xf32>
          %add3A_989 = arith.addf %add3A_981, %mul3A_988 : vector<16xf32>
          %add3A_990 = arith.constant 16 : i32
          %add3A_991 = arith.addi %mul3A_814, %add3A_990 : i32
          %add3A_992 = vector.broadcast %add3A_991 : i32 to vector<16xi32>
          %add3A_993 = arith.addi %add3A_992, %and3A_573 : vector<16xi32>
          %gather3A_994 = tpu.vector_load_idx %arg12[%add3A_794, %add3A_993] : memref<80x128xf32, #tpu.memory_space<vmem>>[vector<16xi32>, vector<16xi32>], vector<16xf32>,
          %gather3A_995 = tpu.vector_load_idx %arg17[%add3A_794, %add3A_993] : memref<80x128xf32, #tpu.memory_space<vmem>>[vector<16xi32>, vector<16xi32>], vector<16xf32>,
          %mul3A_996 = arith.mulf %gather3A_994, %gather3A_995 : vector<16xf32>
          %add3A_997 = arith.addf %add3A_989, %mul3A_996 : vector<16xf32>
          %add3A_998 = arith.constant 16 : i32
          %add3A_999 = arith.addi %mul3A_814, %add3A_998 : i32
          %add3A_1000 = vector.broadcast %add3A_999 : i32 to vector<16xi32>
          %add3A_1001 = arith.addi %add3A_1000, %and3A_579 : vector<16xi32>
          %gather3A_1002 = tpu.vector_load_idx %arg12[%add3A_794, %add3A_1001] : memref<80x128xf32, #tpu.memory_space<vmem>>[vector<16xi32>, vector<16xi32>], vector<16xf32>,
          %gather3A_1003 = tpu.vector_load_idx %arg17[%add3A_794, %add3A_1001] : memref<80x128xf32, #tpu.memory_space<vmem>>[vector<16xi32>, vector<16xi32>], vector<16xf32>,
          %mul3A_1004 = arith.mulf %gather3A_1002, %gather3A_1003 : vector<16xf32>
          %add3A_1005 = arith.addf %add3A_997, %mul3A_1004 : vector<16xf32>
          %add3A_1006 = arith.constant 16 : i32
          %add3A_1007 = arith.addi %mul3A_814, %add3A_1006 : i32
          %add3A_1008 = vector.broadcast %add3A_1007 : i32 to vector<16xi32>
          %add3A_1009 = arith.addi %add3A_1008, %and3A_585 : vector<16xi32>
          %gather3A_1010 = tpu.vector_load_idx %arg12[%add3A_794, %add3A_1009] : memref<80x128xf32, #tpu.memory_space<vmem>>[vector<16xi32>, vector<16xi32>], vector<16xf32>,
          %gather3A_1011 = tpu.vector_load_idx %arg17[%add3A_794, %add3A_1009] : memref<80x128xf32, #tpu.memory_space<vmem>>[vector<16xi32>, vector<16xi32>], vector<16xf32>,
          %mul3A_1012 = arith.mulf %gather3A_1010, %gather3A_1011 : vector<16xf32>
          %add3A_1013 = arith.addf %add3A_1005, %mul3A_1012 : vector<16xf32>
          %add3A_1014 = arith.constant 16 : i32
          %add3A_1015 = arith.addi %mul3A_814, %add3A_1014 : i32
          %add3A_1016 = vector.broadcast %add3A_1015 : i32 to vector<16xi32>
          %add3A_1017 = arith.addi %add3A_1016, %and3A_591 : vector<16xi32>
          %gather3A_1018 = tpu.vector_load_idx %arg12[%add3A_794, %add3A_1017] : memref<80x128xf32, #tpu.memory_space<vmem>>[vector<16xi32>, vector<16xi32>], vector<16xf32>,
          %gather3A_1019 = tpu.vector_load_idx %arg17[%add3A_794, %add3A_1017] : memref<80x128xf32, #tpu.memory_space<vmem>>[vector<16xi32>, vector<16xi32>], vector<16xf32>,
          %mul3A_1020 = arith.mulf %gather3A_1018, %gather3A_1019 : vector<16xf32>
          %add3A_1021 = arith.addf %add3A_1013, %mul3A_1020 : vector<16xf32>
          %add3A_1022 = arith.constant 16 : i32
          %add3A_1023 = arith.addi %mul3A_814, %add3A_1022 : i32
          %add3A_1024 = vector.broadcast %add3A_1023 : i32 to vector<16xi32>
          %add3A_1025 = arith.addi %add3A_1024, %and3A_597 : vector<16xi32>
          %gather3A_1026 = tpu.vector_load_idx %arg12[%add3A_794, %add3A_1025] : memref<80x128xf32, #tpu.memory_space<vmem>>[vector<16xi32>, vector<16xi32>], vector<16xf32>,
          %gather3A_1027 = tpu.vector_load_idx %arg17[%add3A_794, %add3A_1025] : memref<80x128xf32, #tpu.memory_space<vmem>>[vector<16xi32>, vector<16xi32>], vector<16xf32>,
          %mul3A_1028 = arith.mulf %gather3A_1026, %gather3A_1027 : vector<16xf32>
          %add3A_1029 = arith.addf %add3A_1021, %mul3A_1028 : vector<16xf32>
          %add3A_1030 = arith.constant 16 : i32
          %add3A_1031 = arith.addi %mul3A_814, %add3A_1030 : i32
          %add3A_1032 = vector.broadcast %add3A_1031 : i32 to vector<16xi32>
          %add3A_1033 = arith.addi %add3A_1032, %and3A_603 : vector<16xi32>
          %gather3A_1034 = tpu.vector_load_idx %arg12[%add3A_794, %add3A_1033] : memref<80x128xf32, #tpu.memory_space<vmem>>[vector<16xi32>, vector<16xi32>], vector<16xf32>,
          %gather3A_1035 = tpu.vector_load_idx %arg17[%add3A_794, %add3A_1033] : memref<80x128xf32, #tpu.memory_space<vmem>>[vector<16xi32>, vector<16xi32>], vector<16xf32>,
          %mul3A_1036 = arith.mulf %gather3A_1034, %gather3A_1035 : vector<16xf32>
          %add3A_1037 = arith.addf %add3A_1029, %mul3A_1036 : vector<16xf32>
          %add3A_1038 = arith.constant 16 : i32
          %add3A_1039 = arith.addi %mul3A_814, %add3A_1038 : i32
          %add3A_1040 = vector.broadcast %add3A_1039 : i32 to vector<16xi32>
          %add3A_1041 = arith.addi %add3A_1040, %and3A_609 : vector<16xi32>
          %gather3A_1042 = tpu.vector_load_idx %arg12[%add3A_794, %add3A_1041] : memref<80x128xf32, #tpu.memory_space<vmem>>[vector<16xi32>, vector<16xi32>], vector<16xf32>,
          %gather3A_1043 = tpu.vector_load_idx %arg17[%add3A_794, %add3A_1041] : memref<80x128xf32, #tpu.memory_space<vmem>>[vector<16xi32>, vector<16xi32>], vector<16xf32>,
          %mul3A_1044 = arith.mulf %gather3A_1042, %gather3A_1043 : vector<16xf32>
          %add3A_1045 = arith.addf %add3A_1037, %mul3A_1044 : vector<16xf32>
          %add3A_1046 = arith.constant 16 : i32
          %add3A_1047 = arith.addi %mul3A_814, %add3A_1046 : i32
          %add3A_1048 = vector.broadcast %add3A_1047 : i32 to vector<16xi32>
          %add3A_1049 = arith.addi %add3A_1048, %and3A_615 : vector<16xi32>
          %gather3A_1050 = tpu.vector_load_idx %arg12[%add3A_794, %add3A_1049] : memref<80x128xf32, #tpu.memory_space<vmem>>[vector<16xi32>, vector<16xi32>], vector<16xf32>,
          %gather3A_1051 = tpu.vector_load_idx %arg17[%add3A_794, %add3A_1049] : memref<80x128xf32, #tpu.memory_space<vmem>>[vector<16xi32>, vector<16xi32>], vector<16xf32>,
          %mul3A_1052 = arith.mulf %gather3A_1050, %gather3A_1051 : vector<16xf32>
          %add3A_1053 = arith.addf %add3A_1045, %mul3A_1052 : vector<16xf32>
          %add3A_1054 = arith.constant 16 : i32
          %add3A_1055 = arith.addi %mul3A_814, %add3A_1054 : i32
          %add3A_1056 = vector.broadcast %add3A_1055 : i32 to vector<16xi32>
          %add3A_1057 = arith.addi %add3A_1056, %and3A_621 : vector<16xi32>
          %gather3A_1058 = tpu.vector_load_idx %arg12[%add3A_794, %add3A_1057] : memref<80x128xf32, #tpu.memory_space<vmem>>[vector<16xi32>, vector<16xi32>], vector<16xf32>,
          %gather3A_1059 = tpu.vector_load_idx %arg17[%add3A_794, %add3A_1057] : memref<80x128xf32, #tpu.memory_space<vmem>>[vector<16xi32>, vector<16xi32>], vector<16xf32>,
          %mul3A_1060 = arith.mulf %gather3A_1058, %gather3A_1059 : vector<16xf32>
          %add3A_1061 = arith.addf %add3A_1053, %mul3A_1060 : vector<16xf32>
          %add3A_1062 = arith.constant 16 : i32
          %add3A_1063 = arith.addi %mul3A_814, %add3A_1062 : i32
          %add3A_1064 = vector.broadcast %add3A_1063 : i32 to vector<16xi32>
          %add3A_1065 = arith.addi %add3A_1064, %and3A_627 : vector<16xi32>
          %gather3A_1066 = tpu.vector_load_idx %arg12[%add3A_794, %add3A_1065] : memref<80x128xf32, #tpu.memory_space<vmem>>[vector<16xi32>, vector<16xi32>], vector<16xf32>,
          %gather3A_1067 = tpu.vector_load_idx %arg17[%add3A_794, %add3A_1065] : memref<80x128xf32, #tpu.memory_space<vmem>>[vector<16xi32>, vector<16xi32>], vector<16xf32>,
          %mul3A_1068 = arith.mulf %gather3A_1066, %gather3A_1067 : vector<16xf32>
          %add3A_1069 = arith.addf %add3A_1061, %mul3A_1068 : vector<16xf32>
          scf.yield %add3A_1069 : vector<16xf32>
        }
        %scan3A_801 = arith.constant 4 : i32
        %neg3A = arith.constant 0.000000e+00 : f32
        %neg3A_802 = vector.broadcast %neg3A : f32 to vector<16xf32>
        %neg3A_803 = arith.subf %neg3A_802, %scan3A_800 : vector<16xf32>
        %exp3A = math.exp %neg3A_803 : vector<16xf32>
        %add3A_804 = arith.constant 1.000000e+00 : f32
        %add3A_805 = vector.broadcast %add3A_804 : f32 to vector<16xf32>
        %add3A_806 = arith.addf %add3A_805, %exp3A : vector<16xf32>
        %div3A = arith.constant 1.000000e+00 : f32
        %div3A_807 = vector.broadcast %div3A : f32 to vector<16xf32>
        %div3A_808 = arith.divf %div3A_807, %add3A_806 : vector<16xf32>
        %swap3A = arith.index_cast %mul3A_792 : i32 to index
        %swap3A_809 = tpu.vector_load %arg22[%swap3A] {strides = array<i32>} : memref<80xf32, #tpu.memory_space<vmem>>, vector<16xf32>,
        tpu.vector_store %arg22[%swap3A], %div3A_808 {strides = array<i32>} : memref<80xf32, #tpu.memory_space<vmem>>, vector<16xf32>,
        %scan3A_810 = arith.constant 0 : i32
        scf.yield %scan3A_810 : i32
      }
      %scan3A_634 = arith.constant 5 : i32
      %mul3A_635 = arith.constant 5 : i32
      %mul3A_636 = arith.muli %scan3A_97, %mul3A_635 : i32
      %add3A_637 = arith.constant 3 : i32
      %add3A_638 = arith.addi %mul3A_636, %add3A_637 : i32
      %mul3A_639 = arith.constant 80 : i32
      %mul3A_640 = arith.muli %add3A_638, %mul3A_639 : i32
      %add3A_641 = arith.addi %mul3A_2, %mul3A_640 : i32
      %dma_start3A_642 = tpu.memref_slice %arg6[%add3A_641] : memref<320000xf32, #tpu.memory_space<hbm>> -> memref<80xf32, #tpu.memory_space<hbm>>
      %dma_start3A_643 = tpu.memref_slice %arg6[%add3A_641] : memref<320000xf32, #tpu.memory_space<hbm>> -> memref<80xf32, #tpu.memory_space<hbm>>
      tpu.enqueue_dma source(%arg22 : memref<80xf32, #tpu.memory_space<vmem>>) target(%dma_start3A_643 : memref<80xf32, #tpu.memory_space<hbm>>) target_semaphore(%arg32 : memref<!tpu.dma_semaphore, #tpu.memory_space<semaphore_mem>>)
      %lt3A_644 = arith.constant 24 : i32
      %lt3A_645 = arith.cmpi slt, %scan3A_97, %lt3A_644 : i32
      %convert_element_type3A_646 = arith.extui %lt3A_645 : i1 to i32
      %cond3A_647 = arith.constant 0 : i32
      %cond3A_648 = arith.cmpi ne, %convert_element_type3A_646, %cond3A_647 : i32
      scf.if %cond3A_648 {
        %add3A_789 = arith.constant 1 : i32
        %add3A_790 = arith.addi %scan3A_97, %add3A_789 : i32
        %mul3A_791 = arith.constant 5 : i32
        %mul3A_792 = arith.muli %add3A_790, %mul3A_791 : i32
        %add3A_793 = arith.constant 3 : i32
        %add3A_794 = arith.addi %mul3A_792, %add3A_793 : i32
        %mul3A_795 = arith.constant 80 : i32
        %mul3A_796 = arith.muli %add3A_794, %mul3A_795 : i32
        %add3A_797 = arith.constant 0 : i32
        %add3A_798 = arith.addi %mul3A_796, %add3A_797 : i32
        %dma_start3A_799 = arith.constant 0 : i32
        %dma_start3A_800 = arith.constant 0 : i32
        %dma_start3A_801 = tpu.memref_slice %arg12[%dma_start3A_799, %dma_start3A_800] : memref<80x128xf32, #tpu.memory_space<vmem>> -> memref<80x128xf32, #tpu.memory_space<vmem>>
        %dma_start3A_802 = tpu.memref_slice %arg7[%add3A_798] : memref<10000xi32, #tpu.memory_space<vmem>> -> memref<80xi32, #tpu.memory_space<vmem>>
        %dma_start3A_803 = arith.constant 0 : i32
        %dma_start3A_804 = arith.constant 0 : i32
        %dma_start3A_805 = tpu.memref_slice %arg2[%dma_start3A_803, %dma_start3A_804] : memref<10000x128xf32, #tpu.memory_space<hbm>> -> memref<10000x128xf32, #tpu.memory_space<hbm>>
        tpu.enqueue_indirect_dma source(%dma_start3A_805 : memref<10000x128xf32, #tpu.memory_space<hbm>>) target(%dma_start3A_801 : memref<80x128xf32, #tpu.memory_space<vmem>>) offsets(%dma_start3A_802 : memref<80xi32, #tpu.memory_space<vmem>>) semaphore(%arg27 : memref<!tpu.dma_semaphore, #tpu.memory_space<semaphore_mem>>)
        %dma_start3A_806 = arith.constant 0 : i32
        %dma_start3A_807 = arith.constant 0 : i32
        %dma_start3A_808 = tpu.memref_slice %arg17[%dma_start3A_806, %dma_start3A_807] : memref<80x128xf32, #tpu.memory_space<vmem>> -> memref<80x128xf32, #tpu.memory_space<vmem>>
        %dma_start3A_809 = tpu.memref_slice %arg8[%add3A_798] : memref<10000xi32, #tpu.memory_space<vmem>> -> memref<80xi32, #tpu.memory_space<vmem>>
        %dma_start3A_810 = arith.constant 0 : i32
        %dma_start3A_811 = arith.constant 0 : i32
        %dma_start3A_812 = tpu.memref_slice %arg3[%dma_start3A_810, %dma_start3A_811] : memref<10000x128xf32, #tpu.memory_space<hbm>> -> memref<10000x128xf32, #tpu.memory_space<hbm>>
        tpu.enqueue_indirect_dma source(%dma_start3A_812 : memref<10000x128xf32, #tpu.memory_space<hbm>>) target(%dma_start3A_808 : memref<80x128xf32, #tpu.memory_space<vmem>>) offsets(%dma_start3A_809 : memref<80xi32, #tpu.memory_space<vmem>>) semaphore(%arg27 : memref<!tpu.dma_semaphore, #tpu.memory_space<semaphore_mem>>)
      } else {
      }
      %dma_wait3A_649 = arith.constant 0 : i32
      %dma_wait3A_650 = arith.constant 0 : i32
      %dma_wait3A_651 = tpu.memref_slice %arg13[%dma_wait3A_649, %dma_wait3A_650] : memref<80x128xf32, #tpu.memory_space<vmem>> -> memref<80x128xf32, #tpu.memory_space<vmem>>
      %dma_wait3A_652 = arith.constant 0 : i32
      %dma_wait3A_653 = tpu.memref_slice %arg7[%dma_wait3A_652] : memref<10000xi32, #tpu.memory_space<vmem>> -> memref<80xi32, #tpu.memory_space<vmem>>
      %dma_wait3A_654 = arith.constant 0 : i32
      %dma_wait3A_655 = arith.constant 0 : i32
      %dma_wait3A_656 = tpu.memref_slice %arg2[%dma_wait3A_654, %dma_wait3A_655] : memref<10000x128xf32, #tpu.memory_space<hbm>> -> memref<10000x128xf32, #tpu.memory_space<hbm>>
      tpu.wait_indirect_dma semaphore(%arg28 : memref<!tpu.dma_semaphore, #tpu.memory_space<semaphore_mem>>) src(%dma_wait3A_656 : memref<10000x128xf32, #tpu.memory_space<hbm>>) dst(%dma_wait3A_651 : memref<80x128xf32, #tpu.memory_space<vmem>>)
      %dma_wait3A_657 = arith.constant 0 : i32
      %dma_wait3A_658 = arith.constant 0 : i32
      %dma_wait3A_659 = tpu.memref_slice %arg18[%dma_wait3A_657, %dma_wait3A_658] : memref<80x128xf32, #tpu.memory_space<vmem>> -> memref<80x128xf32, #tpu.memory_space<vmem>>
      %dma_wait3A_660 = arith.constant 0 : i32
      %dma_wait3A_661 = tpu.memref_slice %arg8[%dma_wait3A_660] : memref<10000xi32, #tpu.memory_space<vmem>> -> memref<80xi32, #tpu.memory_space<vmem>>
      %dma_wait3A_662 = arith.constant 0 : i32
      %dma_wait3A_663 = arith.constant 0 : i32
      %dma_wait3A_664 = tpu.memref_slice %arg3[%dma_wait3A_662, %dma_wait3A_663] : memref<10000x128xf32, #tpu.memory_space<hbm>> -> memref<10000x128xf32, #tpu.memory_space<hbm>>
      tpu.wait_indirect_dma semaphore(%arg28 : memref<!tpu.dma_semaphore, #tpu.memory_space<semaphore_mem>>) src(%dma_wait3A_664 : memref<10000x128xf32, #tpu.memory_space<hbm>>) dst(%dma_wait3A_659 : memref<80x128xf32, #tpu.memory_space<vmem>>)
      %gt3A_665 = arith.constant 0 : i32
      %gt3A_666 = arith.cmpi sgt, %scan3A_97, %gt3A_665 : i32
      %convert_element_type3A_667 = arith.extui %gt3A_666 : i1 to i32
      %cond3A_668 = arith.constant 0 : i32
      %cond3A_669 = arith.cmpi ne, %convert_element_type3A_667, %cond3A_668 : i32
      scf.if %cond3A_669 {
        %dma_wait3A_789 = tpu.memref_slice %arg6[%mul3A_2] : memref<320000xf32, #tpu.memory_space<hbm>> -> memref<80xf32, #tpu.memory_space<hbm>>
        %dma_wait3A_790 = tpu.memref_slice %arg6[%mul3A_2] : memref<320000xf32, #tpu.memory_space<hbm>> -> memref<80xf32, #tpu.memory_space<hbm>>
        tpu.wait_dma2 semaphore(%arg33 : memref<!tpu.dma_semaphore, #tpu.memory_space<semaphore_mem>>) src(%arg23 : memref<80xf32, #tpu.memory_space<vmem>>) dst(%dma_wait3A_790 : memref<80xf32, #tpu.memory_space<hbm>>)
      } else {
      }
      %iota3A_670 = tpu.iota {dimensions = array<i32: 0>} : vector<16xi32>
      %add3A_671 = arith.constant 0 : i32
      %add3A_672 = vector.broadcast %add3A_671 : i32 to vector<16xi32>
      %add3A_673 = arith.addi %iota3A_670, %add3A_672 : vector<16xi32>
      %and3A_674 = arith.constant 15 : i32
      %and3A_675 = vector.broadcast %and3A_674 : i32 to vector<16xi32>
      %and3A_676 = arith.andi %add3A_673, %and3A_675 : vector<16xi32>
      %add3A_677 = arith.constant 1 : i32
      %add3A_678 = vector.broadcast %add3A_677 : i32 to vector<16xi32>
      %add3A_679 = arith.addi %iota3A_670, %add3A_678 : vector<16xi32>
      %and3A_680 = arith.constant 15 : i32
      %and3A_681 = vector.broadcast %and3A_680 : i32 to vector<16xi32>
      %and3A_682 = arith.andi %add3A_679, %and3A_681 : vector<16xi32>
      %add3A_683 = arith.constant 2 : i32
      %add3A_684 = vector.broadcast %add3A_683 : i32 to vector<16xi32>
      %add3A_685 = arith.addi %iota3A_670, %add3A_684 : vector<16xi32>
      %and3A_686 = arith.constant 15 : i32
      %and3A_687 = vector.broadcast %and3A_686 : i32 to vector<16xi32>
      %and3A_688 = arith.andi %add3A_685, %and3A_687 : vector<16xi32>
      %add3A_689 = arith.constant 3 : i32
      %add3A_690 = vector.broadcast %add3A_689 : i32 to vector<16xi32>
      %add3A_691 = arith.addi %iota3A_670, %add3A_690 : vector<16xi32>
      %and3A_692 = arith.constant 15 : i32
      %and3A_693 = vector.broadcast %and3A_692 : i32 to vector<16xi32>
      %and3A_694 = arith.andi %add3A_691, %and3A_693 : vector<16xi32>
      %add3A_695 = arith.constant 4 : i32
      %add3A_696 = vector.broadcast %add3A_695 : i32 to vector<16xi32>
      %add3A_697 = arith.addi %iota3A_670, %add3A_696 : vector<16xi32>
      %and3A_698 = arith.constant 15 : i32
      %and3A_699 = vector.broadcast %and3A_698 : i32 to vector<16xi32>
      %and3A_700 = arith.andi %add3A_697, %and3A_699 : vector<16xi32>
      %add3A_701 = arith.constant 5 : i32
      %add3A_702 = vector.broadcast %add3A_701 : i32 to vector<16xi32>
      %add3A_703 = arith.addi %iota3A_670, %add3A_702 : vector<16xi32>
      %and3A_704 = arith.constant 15 : i32
      %and3A_705 = vector.broadcast %and3A_704 : i32 to vector<16xi32>
      %and3A_706 = arith.andi %add3A_703, %and3A_705 : vector<16xi32>
      %add3A_707 = arith.constant 6 : i32
      %add3A_708 = vector.broadcast %add3A_707 : i32 to vector<16xi32>
      %add3A_709 = arith.addi %iota3A_670, %add3A_708 : vector<16xi32>
      %and3A_710 = arith.constant 15 : i32
      %and3A_711 = vector.broadcast %and3A_710 : i32 to vector<16xi32>
      %and3A_712 = arith.andi %add3A_709, %and3A_711 : vector<16xi32>
      %add3A_713 = arith.constant 7 : i32
      %add3A_714 = vector.broadcast %add3A_713 : i32 to vector<16xi32>
      %add3A_715 = arith.addi %iota3A_670, %add3A_714 : vector<16xi32>
      %and3A_716 = arith.constant 15 : i32
      %and3A_717 = vector.broadcast %and3A_716 : i32 to vector<16xi32>
      %and3A_718 = arith.andi %add3A_715, %and3A_717 : vector<16xi32>
      %add3A_719 = arith.constant 8 : i32
      %add3A_720 = vector.broadcast %add3A_719 : i32 to vector<16xi32>
      %add3A_721 = arith.addi %iota3A_670, %add3A_720 : vector<16xi32>
      %and3A_722 = arith.constant 15 : i32
      %and3A_723 = vector.broadcast %and3A_722 : i32 to vector<16xi32>
      %and3A_724 = arith.andi %add3A_721, %and3A_723 : vector<16xi32>
      %add3A_725 = arith.constant 9 : i32
      %add3A_726 = vector.broadcast %add3A_725 : i32 to vector<16xi32>
      %add3A_727 = arith.addi %iota3A_670, %add3A_726 : vector<16xi32>
      %and3A_728 = arith.constant 15 : i32
      %and3A_729 = vector.broadcast %and3A_728 : i32 to vector<16xi32>
      %and3A_730 = arith.andi %add3A_727, %and3A_729 : vector<16xi32>
      %add3A_731 = arith.constant 10 : i32
      %add3A_732 = vector.broadcast %add3A_731 : i32 to vector<16xi32>
      %add3A_733 = arith.addi %iota3A_670, %add3A_732 : vector<16xi32>
      %and3A_734 = arith.constant 15 : i32
      %and3A_735 = vector.broadcast %and3A_734 : i32 to vector<16xi32>
      %and3A_736 = arith.andi %add3A_733, %and3A_735 : vector<16xi32>
      %add3A_737 = arith.constant 11 : i32
      %add3A_738 = vector.broadcast %add3A_737 : i32 to vector<16xi32>
      %add3A_739 = arith.addi %iota3A_670, %add3A_738 : vector<16xi32>
      %and3A_740 = arith.constant 15 : i32
      %and3A_741 = vector.broadcast %and3A_740 : i32 to vector<16xi32>
      %and3A_742 = arith.andi %add3A_739, %and3A_741 : vector<16xi32>
      %add3A_743 = arith.constant 12 : i32
      %add3A_744 = vector.broadcast %add3A_743 : i32 to vector<16xi32>
      %add3A_745 = arith.addi %iota3A_670, %add3A_744 : vector<16xi32>
      %and3A_746 = arith.constant 15 : i32
      %and3A_747 = vector.broadcast %and3A_746 : i32 to vector<16xi32>
      %and3A_748 = arith.andi %add3A_745, %and3A_747 : vector<16xi32>
      %add3A_749 = arith.constant 13 : i32
      %add3A_750 = vector.broadcast %add3A_749 : i32 to vector<16xi32>
      %add3A_751 = arith.addi %iota3A_670, %add3A_750 : vector<16xi32>
      %and3A_752 = arith.constant 15 : i32
      %and3A_753 = vector.broadcast %and3A_752 : i32 to vector<16xi32>
      %and3A_754 = arith.andi %add3A_751, %and3A_753 : vector<16xi32>
      %add3A_755 = arith.constant 14 : i32
      %add3A_756 = vector.broadcast %add3A_755 : i32 to vector<16xi32>
      %add3A_757 = arith.addi %iota3A_670, %add3A_756 : vector<16xi32>
      %and3A_758 = arith.constant 15 : i32
      %and3A_759 = vector.broadcast %and3A_758 : i32 to vector<16xi32>
      %and3A_760 = arith.andi %add3A_757, %and3A_759 : vector<16xi32>
      %add3A_761 = arith.constant 15 : i32
      %add3A_762 = vector.broadcast %add3A_761 : i32 to vector<16xi32>
      %add3A_763 = arith.addi %iota3A_670, %add3A_762 : vector<16xi32>
      %and3A_764 = arith.constant 15 : i32
      %and3A_765 = vector.broadcast %and3A_764 : i32 to vector<16xi32>
      %and3A_766 = arith.andi %add3A_763, %and3A_765 : vector<16xi32>
      %scan3A_767 = arith.constant 0 : i32
      %scan3A_768 = arith.constant 0 : i32
      %scan3A_769 = arith.constant 5 : i32
      %scan3A_770 = arith.addi %scan3A_768, %scan3A_769 : i32
      %scan3A_771 = arith.constant 1 : i32
      %scan3A_772 = scf.for %scan3A_789 = %scan3A_768 to %scan3A_770 step %scan3A_771 iter_args(%scan3A_790 = %scan3A_767) -> (i32)  : i32 {
        %mul3A_791 = arith.constant 16 : i32
        %mul3A_792 = arith.muli %scan3A_789, %mul3A_791 : i32
        %add3A_793 = vector.broadcast %mul3A_792 : i32 to vector<16xi32>
        %add3A_794 = arith.addi %add3A_793, %iota3A_670 : vector<16xi32>
        %broadcast_in_dim3A = arith.constant 0.000000e+00 : f32
        %broadcast_in_dim3A_795 = vector.broadcast %broadcast_in_dim3A : f32 to vector<16xf32>
        %scan3A_796 = arith.constant 0 : i32
        %scan3A_797 = arith.constant 4 : i32
        %scan3A_798 = arith.addi %scan3A_796, %scan3A_797 : i32
        %scan3A_799 = arith.constant 1 : i32
        %scan3A_800 = scf.for %scan3A_811 = %scan3A_796 to %scan3A_798 step %scan3A_799 iter_args(%scan3A_812 = %broadcast_in_dim3A_795) -> (vector<16xf32>)  : i32 {
          %mul3A_813 = arith.constant 32 : i32
          %mul3A_814 = arith.muli %scan3A_811, %mul3A_813 : i32
          %add3A_815 = arith.constant 0 : i32
          %add3A_816 = arith.addi %mul3A_814, %add3A_815 : i32
          %add3A_817 = vector.broadcast %add3A_816 : i32 to vector<16xi32>
          %add3A_818 = arith.addi %add3A_817, %and3A_676 : vector<16xi32>
          %gather3A = tpu.vector_load_idx %arg13[%add3A_794, %add3A_818] : memref<80x128xf32, #tpu.memory_space<vmem>>[vector<16xi32>, vector<16xi32>], vector<16xf32>,
          %gather3A_819 = tpu.vector_load_idx %arg18[%add3A_794, %add3A_818] : memref<80x128xf32, #tpu.memory_space<vmem>>[vector<16xi32>, vector<16xi32>], vector<16xf32>,
          %mul3A_820 = arith.mulf %gather3A, %gather3A_819 : vector<16xf32>
          %add3A_821 = arith.addf %scan3A_812, %mul3A_820 : vector<16xf32>
          %add3A_822 = arith.constant 0 : i32
          %add3A_823 = arith.addi %mul3A_814, %add3A_822 : i32
          %add3A_824 = vector.broadcast %add3A_823 : i32 to vector<16xi32>
          %add3A_825 = arith.addi %add3A_824, %and3A_682 : vector<16xi32>
          %gather3A_826 = tpu.vector_load_idx %arg13[%add3A_794, %add3A_825] : memref<80x128xf32, #tpu.memory_space<vmem>>[vector<16xi32>, vector<16xi32>], vector<16xf32>,
          %gather3A_827 = tpu.vector_load_idx %arg18[%add3A_794, %add3A_825] : memref<80x128xf32, #tpu.memory_space<vmem>>[vector<16xi32>, vector<16xi32>], vector<16xf32>,
          %mul3A_828 = arith.mulf %gather3A_826, %gather3A_827 : vector<16xf32>
          %add3A_829 = arith.addf %add3A_821, %mul3A_828 : vector<16xf32>
          %add3A_830 = arith.constant 0 : i32
          %add3A_831 = arith.addi %mul3A_814, %add3A_830 : i32
          %add3A_832 = vector.broadcast %add3A_831 : i32 to vector<16xi32>
          %add3A_833 = arith.addi %add3A_832, %and3A_688 : vector<16xi32>
          %gather3A_834 = tpu.vector_load_idx %arg13[%add3A_794, %add3A_833] : memref<80x128xf32, #tpu.memory_space<vmem>>[vector<16xi32>, vector<16xi32>], vector<16xf32>,
          %gather3A_835 = tpu.vector_load_idx %arg18[%add3A_794, %add3A_833] : memref<80x128xf32, #tpu.memory_space<vmem>>[vector<16xi32>, vector<16xi32>], vector<16xf32>,
          %mul3A_836 = arith.mulf %gather3A_834, %gather3A_835 : vector<16xf32>
          %add3A_837 = arith.addf %add3A_829, %mul3A_836 : vector<16xf32>
          %add3A_838 = arith.constant 0 : i32
          %add3A_839 = arith.addi %mul3A_814, %add3A_838 : i32
          %add3A_840 = vector.broadcast %add3A_839 : i32 to vector<16xi32>
          %add3A_841 = arith.addi %add3A_840, %and3A_694 : vector<16xi32>
          %gather3A_842 = tpu.vector_load_idx %arg13[%add3A_794, %add3A_841] : memref<80x128xf32, #tpu.memory_space<vmem>>[vector<16xi32>, vector<16xi32>], vector<16xf32>,
          %gather3A_843 = tpu.vector_load_idx %arg18[%add3A_794, %add3A_841] : memref<80x128xf32, #tpu.memory_space<vmem>>[vector<16xi32>, vector<16xi32>], vector<16xf32>,
          %mul3A_844 = arith.mulf %gather3A_842, %gather3A_843 : vector<16xf32>
          %add3A_845 = arith.addf %add3A_837, %mul3A_844 : vector<16xf32>
          %add3A_846 = arith.constant 0 : i32
          %add3A_847 = arith.addi %mul3A_814, %add3A_846 : i32
          %add3A_848 = vector.broadcast %add3A_847 : i32 to vector<16xi32>
          %add3A_849 = arith.addi %add3A_848, %and3A_700 : vector<16xi32>
          %gather3A_850 = tpu.vector_load_idx %arg13[%add3A_794, %add3A_849] : memref<80x128xf32, #tpu.memory_space<vmem>>[vector<16xi32>, vector<16xi32>], vector<16xf32>,
          %gather3A_851 = tpu.vector_load_idx %arg18[%add3A_794, %add3A_849] : memref<80x128xf32, #tpu.memory_space<vmem>>[vector<16xi32>, vector<16xi32>], vector<16xf32>,
          %mul3A_852 = arith.mulf %gather3A_850, %gather3A_851 : vector<16xf32>
          %add3A_853 = arith.addf %add3A_845, %mul3A_852 : vector<16xf32>
          %add3A_854 = arith.constant 0 : i32
          %add3A_855 = arith.addi %mul3A_814, %add3A_854 : i32
          %add3A_856 = vector.broadcast %add3A_855 : i32 to vector<16xi32>
          %add3A_857 = arith.addi %add3A_856, %and3A_706 : vector<16xi32>
          %gather3A_858 = tpu.vector_load_idx %arg13[%add3A_794, %add3A_857] : memref<80x128xf32, #tpu.memory_space<vmem>>[vector<16xi32>, vector<16xi32>], vector<16xf32>,
          %gather3A_859 = tpu.vector_load_idx %arg18[%add3A_794, %add3A_857] : memref<80x128xf32, #tpu.memory_space<vmem>>[vector<16xi32>, vector<16xi32>], vector<16xf32>,
          %mul3A_860 = arith.mulf %gather3A_858, %gather3A_859 : vector<16xf32>
          %add3A_861 = arith.addf %add3A_853, %mul3A_860 : vector<16xf32>
          %add3A_862 = arith.constant 0 : i32
          %add3A_863 = arith.addi %mul3A_814, %add3A_862 : i32
          %add3A_864 = vector.broadcast %add3A_863 : i32 to vector<16xi32>
          %add3A_865 = arith.addi %add3A_864, %and3A_712 : vector<16xi32>
          %gather3A_866 = tpu.vector_load_idx %arg13[%add3A_794, %add3A_865] : memref<80x128xf32, #tpu.memory_space<vmem>>[vector<16xi32>, vector<16xi32>], vector<16xf32>,
          %gather3A_867 = tpu.vector_load_idx %arg18[%add3A_794, %add3A_865] : memref<80x128xf32, #tpu.memory_space<vmem>>[vector<16xi32>, vector<16xi32>], vector<16xf32>,
          %mul3A_868 = arith.mulf %gather3A_866, %gather3A_867 : vector<16xf32>
          %add3A_869 = arith.addf %add3A_861, %mul3A_868 : vector<16xf32>
          %add3A_870 = arith.constant 0 : i32
          %add3A_871 = arith.addi %mul3A_814, %add3A_870 : i32
          %add3A_872 = vector.broadcast %add3A_871 : i32 to vector<16xi32>
          %add3A_873 = arith.addi %add3A_872, %and3A_718 : vector<16xi32>
          %gather3A_874 = tpu.vector_load_idx %arg13[%add3A_794, %add3A_873] : memref<80x128xf32, #tpu.memory_space<vmem>>[vector<16xi32>, vector<16xi32>], vector<16xf32>,
          %gather3A_875 = tpu.vector_load_idx %arg18[%add3A_794, %add3A_873] : memref<80x128xf32, #tpu.memory_space<vmem>>[vector<16xi32>, vector<16xi32>], vector<16xf32>,
          %mul3A_876 = arith.mulf %gather3A_874, %gather3A_875 : vector<16xf32>
          %add3A_877 = arith.addf %add3A_869, %mul3A_876 : vector<16xf32>
          %add3A_878 = arith.constant 0 : i32
          %add3A_879 = arith.addi %mul3A_814, %add3A_878 : i32
          %add3A_880 = vector.broadcast %add3A_879 : i32 to vector<16xi32>
          %add3A_881 = arith.addi %add3A_880, %and3A_724 : vector<16xi32>
          %gather3A_882 = tpu.vector_load_idx %arg13[%add3A_794, %add3A_881] : memref<80x128xf32, #tpu.memory_space<vmem>>[vector<16xi32>, vector<16xi32>], vector<16xf32>,
          %gather3A_883 = tpu.vector_load_idx %arg18[%add3A_794, %add3A_881] : memref<80x128xf32, #tpu.memory_space<vmem>>[vector<16xi32>, vector<16xi32>], vector<16xf32>,
          %mul3A_884 = arith.mulf %gather3A_882, %gather3A_883 : vector<16xf32>
          %add3A_885 = arith.addf %add3A_877, %mul3A_884 : vector<16xf32>
          %add3A_886 = arith.constant 0 : i32
          %add3A_887 = arith.addi %mul3A_814, %add3A_886 : i32
          %add3A_888 = vector.broadcast %add3A_887 : i32 to vector<16xi32>
          %add3A_889 = arith.addi %add3A_888, %and3A_730 : vector<16xi32>
          %gather3A_890 = tpu.vector_load_idx %arg13[%add3A_794, %add3A_889] : memref<80x128xf32, #tpu.memory_space<vmem>>[vector<16xi32>, vector<16xi32>], vector<16xf32>,
          %gather3A_891 = tpu.vector_load_idx %arg18[%add3A_794, %add3A_889] : memref<80x128xf32, #tpu.memory_space<vmem>>[vector<16xi32>, vector<16xi32>], vector<16xf32>,
          %mul3A_892 = arith.mulf %gather3A_890, %gather3A_891 : vector<16xf32>
          %add3A_893 = arith.addf %add3A_885, %mul3A_892 : vector<16xf32>
          %add3A_894 = arith.constant 0 : i32
          %add3A_895 = arith.addi %mul3A_814, %add3A_894 : i32
          %add3A_896 = vector.broadcast %add3A_895 : i32 to vector<16xi32>
          %add3A_897 = arith.addi %add3A_896, %and3A_736 : vector<16xi32>
          %gather3A_898 = tpu.vector_load_idx %arg13[%add3A_794, %add3A_897] : memref<80x128xf32, #tpu.memory_space<vmem>>[vector<16xi32>, vector<16xi32>], vector<16xf32>,
          %gather3A_899 = tpu.vector_load_idx %arg18[%add3A_794, %add3A_897] : memref<80x128xf32, #tpu.memory_space<vmem>>[vector<16xi32>, vector<16xi32>], vector<16xf32>,
          %mul3A_900 = arith.mulf %gather3A_898, %gather3A_899 : vector<16xf32>
          %add3A_901 = arith.addf %add3A_893, %mul3A_900 : vector<16xf32>
          %add3A_902 = arith.constant 0 : i32
          %add3A_903 = arith.addi %mul3A_814, %add3A_902 : i32
          %add3A_904 = vector.broadcast %add3A_903 : i32 to vector<16xi32>
          %add3A_905 = arith.addi %add3A_904, %and3A_742 : vector<16xi32>
          %gather3A_906 = tpu.vector_load_idx %arg13[%add3A_794, %add3A_905] : memref<80x128xf32, #tpu.memory_space<vmem>>[vector<16xi32>, vector<16xi32>], vector<16xf32>,
          %gather3A_907 = tpu.vector_load_idx %arg18[%add3A_794, %add3A_905] : memref<80x128xf32, #tpu.memory_space<vmem>>[vector<16xi32>, vector<16xi32>], vector<16xf32>,
          %mul3A_908 = arith.mulf %gather3A_906, %gather3A_907 : vector<16xf32>
          %add3A_909 = arith.addf %add3A_901, %mul3A_908 : vector<16xf32>
          %add3A_910 = arith.constant 0 : i32
          %add3A_911 = arith.addi %mul3A_814, %add3A_910 : i32
          %add3A_912 = vector.broadcast %add3A_911 : i32 to vector<16xi32>
          %add3A_913 = arith.addi %add3A_912, %and3A_748 : vector<16xi32>
          %gather3A_914 = tpu.vector_load_idx %arg13[%add3A_794, %add3A_913] : memref<80x128xf32, #tpu.memory_space<vmem>>[vector<16xi32>, vector<16xi32>], vector<16xf32>,
          %gather3A_915 = tpu.vector_load_idx %arg18[%add3A_794, %add3A_913] : memref<80x128xf32, #tpu.memory_space<vmem>>[vector<16xi32>, vector<16xi32>], vector<16xf32>,
          %mul3A_916 = arith.mulf %gather3A_914, %gather3A_915 : vector<16xf32>
          %add3A_917 = arith.addf %add3A_909, %mul3A_916 : vector<16xf32>
          %add3A_918 = arith.constant 0 : i32
          %add3A_919 = arith.addi %mul3A_814, %add3A_918 : i32
          %add3A_920 = vector.broadcast %add3A_919 : i32 to vector<16xi32>
          %add3A_921 = arith.addi %add3A_920, %and3A_754 : vector<16xi32>
          %gather3A_922 = tpu.vector_load_idx %arg13[%add3A_794, %add3A_921] : memref<80x128xf32, #tpu.memory_space<vmem>>[vector<16xi32>, vector<16xi32>], vector<16xf32>,
          %gather3A_923 = tpu.vector_load_idx %arg18[%add3A_794, %add3A_921] : memref<80x128xf32, #tpu.memory_space<vmem>>[vector<16xi32>, vector<16xi32>], vector<16xf32>,
          %mul3A_924 = arith.mulf %gather3A_922, %gather3A_923 : vector<16xf32>
          %add3A_925 = arith.addf %add3A_917, %mul3A_924 : vector<16xf32>
          %add3A_926 = arith.constant 0 : i32
          %add3A_927 = arith.addi %mul3A_814, %add3A_926 : i32
          %add3A_928 = vector.broadcast %add3A_927 : i32 to vector<16xi32>
          %add3A_929 = arith.addi %add3A_928, %and3A_760 : vector<16xi32>
          %gather3A_930 = tpu.vector_load_idx %arg13[%add3A_794, %add3A_929] : memref<80x128xf32, #tpu.memory_space<vmem>>[vector<16xi32>, vector<16xi32>], vector<16xf32>,
          %gather3A_931 = tpu.vector_load_idx %arg18[%add3A_794, %add3A_929] : memref<80x128xf32, #tpu.memory_space<vmem>>[vector<16xi32>, vector<16xi32>], vector<16xf32>,
          %mul3A_932 = arith.mulf %gather3A_930, %gather3A_931 : vector<16xf32>
          %add3A_933 = arith.addf %add3A_925, %mul3A_932 : vector<16xf32>
          %add3A_934 = arith.constant 0 : i32
          %add3A_935 = arith.addi %mul3A_814, %add3A_934 : i32
          %add3A_936 = vector.broadcast %add3A_935 : i32 to vector<16xi32>
          %add3A_937 = arith.addi %add3A_936, %and3A_766 : vector<16xi32>
          %gather3A_938 = tpu.vector_load_idx %arg13[%add3A_794, %add3A_937] : memref<80x128xf32, #tpu.memory_space<vmem>>[vector<16xi32>, vector<16xi32>], vector<16xf32>,
          %gather3A_939 = tpu.vector_load_idx %arg18[%add3A_794, %add3A_937] : memref<80x128xf32, #tpu.memory_space<vmem>>[vector<16xi32>, vector<16xi32>], vector<16xf32>,
          %mul3A_940 = arith.mulf %gather3A_938, %gather3A_939 : vector<16xf32>
          %add3A_941 = arith.addf %add3A_933, %mul3A_940 : vector<16xf32>
          %add3A_942 = arith.constant 16 : i32
          %add3A_943 = arith.addi %mul3A_814, %add3A_942 : i32
          %add3A_944 = vector.broadcast %add3A_943 : i32 to vector<16xi32>
          %add3A_945 = arith.addi %add3A_944, %and3A_676 : vector<16xi32>
          %gather3A_946 = tpu.vector_load_idx %arg13[%add3A_794, %add3A_945] : memref<80x128xf32, #tpu.memory_space<vmem>>[vector<16xi32>, vector<16xi32>], vector<16xf32>,
          %gather3A_947 = tpu.vector_load_idx %arg18[%add3A_794, %add3A_945] : memref<80x128xf32, #tpu.memory_space<vmem>>[vector<16xi32>, vector<16xi32>], vector<16xf32>,
          %mul3A_948 = arith.mulf %gather3A_946, %gather3A_947 : vector<16xf32>
          %add3A_949 = arith.addf %add3A_941, %mul3A_948 : vector<16xf32>
          %add3A_950 = arith.constant 16 : i32
          %add3A_951 = arith.addi %mul3A_814, %add3A_950 : i32
          %add3A_952 = vector.broadcast %add3A_951 : i32 to vector<16xi32>
          %add3A_953 = arith.addi %add3A_952, %and3A_682 : vector<16xi32>
          %gather3A_954 = tpu.vector_load_idx %arg13[%add3A_794, %add3A_953] : memref<80x128xf32, #tpu.memory_space<vmem>>[vector<16xi32>, vector<16xi32>], vector<16xf32>,
          %gather3A_955 = tpu.vector_load_idx %arg18[%add3A_794, %add3A_953] : memref<80x128xf32, #tpu.memory_space<vmem>>[vector<16xi32>, vector<16xi32>], vector<16xf32>,
          %mul3A_956 = arith.mulf %gather3A_954, %gather3A_955 : vector<16xf32>
          %add3A_957 = arith.addf %add3A_949, %mul3A_956 : vector<16xf32>
          %add3A_958 = arith.constant 16 : i32
          %add3A_959 = arith.addi %mul3A_814, %add3A_958 : i32
          %add3A_960 = vector.broadcast %add3A_959 : i32 to vector<16xi32>
          %add3A_961 = arith.addi %add3A_960, %and3A_688 : vector<16xi32>
          %gather3A_962 = tpu.vector_load_idx %arg13[%add3A_794, %add3A_961] : memref<80x128xf32, #tpu.memory_space<vmem>>[vector<16xi32>, vector<16xi32>], vector<16xf32>,
          %gather3A_963 = tpu.vector_load_idx %arg18[%add3A_794, %add3A_961] : memref<80x128xf32, #tpu.memory_space<vmem>>[vector<16xi32>, vector<16xi32>], vector<16xf32>,
          %mul3A_964 = arith.mulf %gather3A_962, %gather3A_963 : vector<16xf32>
          %add3A_965 = arith.addf %add3A_957, %mul3A_964 : vector<16xf32>
          %add3A_966 = arith.constant 16 : i32
          %add3A_967 = arith.addi %mul3A_814, %add3A_966 : i32
          %add3A_968 = vector.broadcast %add3A_967 : i32 to vector<16xi32>
          %add3A_969 = arith.addi %add3A_968, %and3A_694 : vector<16xi32>
          %gather3A_970 = tpu.vector_load_idx %arg13[%add3A_794, %add3A_969] : memref<80x128xf32, #tpu.memory_space<vmem>>[vector<16xi32>, vector<16xi32>], vector<16xf32>,
          %gather3A_971 = tpu.vector_load_idx %arg18[%add3A_794, %add3A_969] : memref<80x128xf32, #tpu.memory_space<vmem>>[vector<16xi32>, vector<16xi32>], vector<16xf32>,
          %mul3A_972 = arith.mulf %gather3A_970, %gather3A_971 : vector<16xf32>
          %add3A_973 = arith.addf %add3A_965, %mul3A_972 : vector<16xf32>
          %add3A_974 = arith.constant 16 : i32
          %add3A_975 = arith.addi %mul3A_814, %add3A_974 : i32
          %add3A_976 = vector.broadcast %add3A_975 : i32 to vector<16xi32>
          %add3A_977 = arith.addi %add3A_976, %and3A_700 : vector<16xi32>
          %gather3A_978 = tpu.vector_load_idx %arg13[%add3A_794, %add3A_977] : memref<80x128xf32, #tpu.memory_space<vmem>>[vector<16xi32>, vector<16xi32>], vector<16xf32>,
          %gather3A_979 = tpu.vector_load_idx %arg18[%add3A_794, %add3A_977] : memref<80x128xf32, #tpu.memory_space<vmem>>[vector<16xi32>, vector<16xi32>], vector<16xf32>,
          %mul3A_980 = arith.mulf %gather3A_978, %gather3A_979 : vector<16xf32>
          %add3A_981 = arith.addf %add3A_973, %mul3A_980 : vector<16xf32>
          %add3A_982 = arith.constant 16 : i32
          %add3A_983 = arith.addi %mul3A_814, %add3A_982 : i32
          %add3A_984 = vector.broadcast %add3A_983 : i32 to vector<16xi32>
          %add3A_985 = arith.addi %add3A_984, %and3A_706 : vector<16xi32>
          %gather3A_986 = tpu.vector_load_idx %arg13[%add3A_794, %add3A_985] : memref<80x128xf32, #tpu.memory_space<vmem>>[vector<16xi32>, vector<16xi32>], vector<16xf32>,
          %gather3A_987 = tpu.vector_load_idx %arg18[%add3A_794, %add3A_985] : memref<80x128xf32, #tpu.memory_space<vmem>>[vector<16xi32>, vector<16xi32>], vector<16xf32>,
          %mul3A_988 = arith.mulf %gather3A_986, %gather3A_987 : vector<16xf32>
          %add3A_989 = arith.addf %add3A_981, %mul3A_988 : vector<16xf32>
          %add3A_990 = arith.constant 16 : i32
          %add3A_991 = arith.addi %mul3A_814, %add3A_990 : i32
          %add3A_992 = vector.broadcast %add3A_991 : i32 to vector<16xi32>
          %add3A_993 = arith.addi %add3A_992, %and3A_712 : vector<16xi32>
          %gather3A_994 = tpu.vector_load_idx %arg13[%add3A_794, %add3A_993] : memref<80x128xf32, #tpu.memory_space<vmem>>[vector<16xi32>, vector<16xi32>], vector<16xf32>,
          %gather3A_995 = tpu.vector_load_idx %arg18[%add3A_794, %add3A_993] : memref<80x128xf32, #tpu.memory_space<vmem>>[vector<16xi32>, vector<16xi32>], vector<16xf32>,
          %mul3A_996 = arith.mulf %gather3A_994, %gather3A_995 : vector<16xf32>
          %add3A_997 = arith.addf %add3A_989, %mul3A_996 : vector<16xf32>
          %add3A_998 = arith.constant 16 : i32
          %add3A_999 = arith.addi %mul3A_814, %add3A_998 : i32
          %add3A_1000 = vector.broadcast %add3A_999 : i32 to vector<16xi32>
          %add3A_1001 = arith.addi %add3A_1000, %and3A_718 : vector<16xi32>
          %gather3A_1002 = tpu.vector_load_idx %arg13[%add3A_794, %add3A_1001] : memref<80x128xf32, #tpu.memory_space<vmem>>[vector<16xi32>, vector<16xi32>], vector<16xf32>,
          %gather3A_1003 = tpu.vector_load_idx %arg18[%add3A_794, %add3A_1001] : memref<80x128xf32, #tpu.memory_space<vmem>>[vector<16xi32>, vector<16xi32>], vector<16xf32>,
          %mul3A_1004 = arith.mulf %gather3A_1002, %gather3A_1003 : vector<16xf32>
          %add3A_1005 = arith.addf %add3A_997, %mul3A_1004 : vector<16xf32>
          %add3A_1006 = arith.constant 16 : i32
          %add3A_1007 = arith.addi %mul3A_814, %add3A_1006 : i32
          %add3A_1008 = vector.broadcast %add3A_1007 : i32 to vector<16xi32>
          %add3A_1009 = arith.addi %add3A_1008, %and3A_724 : vector<16xi32>
          %gather3A_1010 = tpu.vector_load_idx %arg13[%add3A_794, %add3A_1009] : memref<80x128xf32, #tpu.memory_space<vmem>>[vector<16xi32>, vector<16xi32>], vector<16xf32>,
          %gather3A_1011 = tpu.vector_load_idx %arg18[%add3A_794, %add3A_1009] : memref<80x128xf32, #tpu.memory_space<vmem>>[vector<16xi32>, vector<16xi32>], vector<16xf32>,
          %mul3A_1012 = arith.mulf %gather3A_1010, %gather3A_1011 : vector<16xf32>
          %add3A_1013 = arith.addf %add3A_1005, %mul3A_1012 : vector<16xf32>
          %add3A_1014 = arith.constant 16 : i32
          %add3A_1015 = arith.addi %mul3A_814, %add3A_1014 : i32
          %add3A_1016 = vector.broadcast %add3A_1015 : i32 to vector<16xi32>
          %add3A_1017 = arith.addi %add3A_1016, %and3A_730 : vector<16xi32>
          %gather3A_1018 = tpu.vector_load_idx %arg13[%add3A_794, %add3A_1017] : memref<80x128xf32, #tpu.memory_space<vmem>>[vector<16xi32>, vector<16xi32>], vector<16xf32>,
          %gather3A_1019 = tpu.vector_load_idx %arg18[%add3A_794, %add3A_1017] : memref<80x128xf32, #tpu.memory_space<vmem>>[vector<16xi32>, vector<16xi32>], vector<16xf32>,
          %mul3A_1020 = arith.mulf %gather3A_1018, %gather3A_1019 : vector<16xf32>
          %add3A_1021 = arith.addf %add3A_1013, %mul3A_1020 : vector<16xf32>
          %add3A_1022 = arith.constant 16 : i32
          %add3A_1023 = arith.addi %mul3A_814, %add3A_1022 : i32
          %add3A_1024 = vector.broadcast %add3A_1023 : i32 to vector<16xi32>
          %add3A_1025 = arith.addi %add3A_1024, %and3A_736 : vector<16xi32>
          %gather3A_1026 = tpu.vector_load_idx %arg13[%add3A_794, %add3A_1025] : memref<80x128xf32, #tpu.memory_space<vmem>>[vector<16xi32>, vector<16xi32>], vector<16xf32>,
          %gather3A_1027 = tpu.vector_load_idx %arg18[%add3A_794, %add3A_1025] : memref<80x128xf32, #tpu.memory_space<vmem>>[vector<16xi32>, vector<16xi32>], vector<16xf32>,
          %mul3A_1028 = arith.mulf %gather3A_1026, %gather3A_1027 : vector<16xf32>
          %add3A_1029 = arith.addf %add3A_1021, %mul3A_1028 : vector<16xf32>
          %add3A_1030 = arith.constant 16 : i32
          %add3A_1031 = arith.addi %mul3A_814, %add3A_1030 : i32
          %add3A_1032 = vector.broadcast %add3A_1031 : i32 to vector<16xi32>
          %add3A_1033 = arith.addi %add3A_1032, %and3A_742 : vector<16xi32>
          %gather3A_1034 = tpu.vector_load_idx %arg13[%add3A_794, %add3A_1033] : memref<80x128xf32, #tpu.memory_space<vmem>>[vector<16xi32>, vector<16xi32>], vector<16xf32>,
          %gather3A_1035 = tpu.vector_load_idx %arg18[%add3A_794, %add3A_1033] : memref<80x128xf32, #tpu.memory_space<vmem>>[vector<16xi32>, vector<16xi32>], vector<16xf32>,
          %mul3A_1036 = arith.mulf %gather3A_1034, %gather3A_1035 : vector<16xf32>
          %add3A_1037 = arith.addf %add3A_1029, %mul3A_1036 : vector<16xf32>
          %add3A_1038 = arith.constant 16 : i32
          %add3A_1039 = arith.addi %mul3A_814, %add3A_1038 : i32
          %add3A_1040 = vector.broadcast %add3A_1039 : i32 to vector<16xi32>
          %add3A_1041 = arith.addi %add3A_1040, %and3A_748 : vector<16xi32>
          %gather3A_1042 = tpu.vector_load_idx %arg13[%add3A_794, %add3A_1041] : memref<80x128xf32, #tpu.memory_space<vmem>>[vector<16xi32>, vector<16xi32>], vector<16xf32>,
          %gather3A_1043 = tpu.vector_load_idx %arg18[%add3A_794, %add3A_1041] : memref<80x128xf32, #tpu.memory_space<vmem>>[vector<16xi32>, vector<16xi32>], vector<16xf32>,
          %mul3A_1044 = arith.mulf %gather3A_1042, %gather3A_1043 : vector<16xf32>
          %add3A_1045 = arith.addf %add3A_1037, %mul3A_1044 : vector<16xf32>
          %add3A_1046 = arith.constant 16 : i32
          %add3A_1047 = arith.addi %mul3A_814, %add3A_1046 : i32
          %add3A_1048 = vector.broadcast %add3A_1047 : i32 to vector<16xi32>
          %add3A_1049 = arith.addi %add3A_1048, %and3A_754 : vector<16xi32>
          %gather3A_1050 = tpu.vector_load_idx %arg13[%add3A_794, %add3A_1049] : memref<80x128xf32, #tpu.memory_space<vmem>>[vector<16xi32>, vector<16xi32>], vector<16xf32>,
          %gather3A_1051 = tpu.vector_load_idx %arg18[%add3A_794, %add3A_1049] : memref<80x128xf32, #tpu.memory_space<vmem>>[vector<16xi32>, vector<16xi32>], vector<16xf32>,
          %mul3A_1052 = arith.mulf %gather3A_1050, %gather3A_1051 : vector<16xf32>
          %add3A_1053 = arith.addf %add3A_1045, %mul3A_1052 : vector<16xf32>
          %add3A_1054 = arith.constant 16 : i32
          %add3A_1055 = arith.addi %mul3A_814, %add3A_1054 : i32
          %add3A_1056 = vector.broadcast %add3A_1055 : i32 to vector<16xi32>
          %add3A_1057 = arith.addi %add3A_1056, %and3A_760 : vector<16xi32>
          %gather3A_1058 = tpu.vector_load_idx %arg13[%add3A_794, %add3A_1057] : memref<80x128xf32, #tpu.memory_space<vmem>>[vector<16xi32>, vector<16xi32>], vector<16xf32>,
          %gather3A_1059 = tpu.vector_load_idx %arg18[%add3A_794, %add3A_1057] : memref<80x128xf32, #tpu.memory_space<vmem>>[vector<16xi32>, vector<16xi32>], vector<16xf32>,
          %mul3A_1060 = arith.mulf %gather3A_1058, %gather3A_1059 : vector<16xf32>
          %add3A_1061 = arith.addf %add3A_1053, %mul3A_1060 : vector<16xf32>
          %add3A_1062 = arith.constant 16 : i32
          %add3A_1063 = arith.addi %mul3A_814, %add3A_1062 : i32
          %add3A_1064 = vector.broadcast %add3A_1063 : i32 to vector<16xi32>
          %add3A_1065 = arith.addi %add3A_1064, %and3A_766 : vector<16xi32>
          %gather3A_1066 = tpu.vector_load_idx %arg13[%add3A_794, %add3A_1065] : memref<80x128xf32, #tpu.memory_space<vmem>>[vector<16xi32>, vector<16xi32>], vector<16xf32>,
          %gather3A_1067 = tpu.vector_load_idx %arg18[%add3A_794, %add3A_1065] : memref<80x128xf32, #tpu.memory_space<vmem>>[vector<16xi32>, vector<16xi32>], vector<16xf32>,
          %mul3A_1068 = arith.mulf %gather3A_1066, %gather3A_1067 : vector<16xf32>
          %add3A_1069 = arith.addf %add3A_1061, %mul3A_1068 : vector<16xf32>
          scf.yield %add3A_1069 : vector<16xf32>
        }
        %scan3A_801 = arith.constant 4 : i32
        %neg3A = arith.constant 0.000000e+00 : f32
        %neg3A_802 = vector.broadcast %neg3A : f32 to vector<16xf32>
        %neg3A_803 = arith.subf %neg3A_802, %scan3A_800 : vector<16xf32>
        %exp3A = math.exp %neg3A_803 : vector<16xf32>
        %add3A_804 = arith.constant 1.000000e+00 : f32
        %add3A_805 = vector.broadcast %add3A_804 : f32 to vector<16xf32>
        %add3A_806 = arith.addf %add3A_805, %exp3A : vector<16xf32>
        %div3A = arith.constant 1.000000e+00 : f32
        %div3A_807 = vector.broadcast %div3A : f32 to vector<16xf32>
        %div3A_808 = arith.divf %div3A_807, %add3A_806 : vector<16xf32>
        %swap3A = arith.index_cast %mul3A_792 : i32 to index
        %swap3A_809 = tpu.vector_load %arg23[%swap3A] {strides = array<i32>} : memref<80xf32, #tpu.memory_space<vmem>>, vector<16xf32>,
        tpu.vector_store %arg23[%swap3A], %div3A_808 {strides = array<i32>} : memref<80xf32, #tpu.memory_space<vmem>>, vector<16xf32>,
        %scan3A_810 = arith.constant 0 : i32
        scf.yield %scan3A_810 : i32
      }
      %scan3A_773 = arith.constant 5 : i32
      %mul3A_774 = arith.constant 5 : i32
      %mul3A_775 = arith.muli %scan3A_97, %mul3A_774 : i32
      %add3A_776 = arith.constant 4 : i32
      %add3A_777 = arith.addi %mul3A_775, %add3A_776 : i32
      %mul3A_778 = arith.constant 80 : i32
      %mul3A_779 = arith.muli %add3A_777, %mul3A_778 : i32
      %add3A_780 = arith.addi %mul3A_2, %mul3A_779 : i32
      %dma_start3A_781 = tpu.memref_slice %arg6[%add3A_780] : memref<320000xf32, #tpu.memory_space<hbm>> -> memref<80xf32, #tpu.memory_space<hbm>>
      %dma_start3A_782 = tpu.memref_slice %arg6[%add3A_780] : memref<320000xf32, #tpu.memory_space<hbm>> -> memref<80xf32, #tpu.memory_space<hbm>>
      tpu.enqueue_dma source(%arg23 : memref<80xf32, #tpu.memory_space<vmem>>) target(%dma_start3A_782 : memref<80xf32, #tpu.memory_space<hbm>>) target_semaphore(%arg33 : memref<!tpu.dma_semaphore, #tpu.memory_space<semaphore_mem>>)
      %lt3A_783 = arith.constant 24 : i32
      %lt3A_784 = arith.cmpi slt, %scan3A_97, %lt3A_783 : i32
      %convert_element_type3A_785 = arith.extui %lt3A_784 : i1 to i32
      %cond3A_786 = arith.constant 0 : i32
      %cond3A_787 = arith.cmpi ne, %convert_element_type3A_785, %cond3A_786 : i32
      scf.if %cond3A_787 {
        %add3A_789 = arith.constant 1 : i32
        %add3A_790 = arith.addi %scan3A_97, %add3A_789 : i32
        %mul3A_791 = arith.constant 5 : i32
        %mul3A_792 = arith.muli %add3A_790, %mul3A_791 : i32
        %add3A_793 = arith.constant 4 : i32
        %add3A_794 = arith.addi %mul3A_792, %add3A_793 : i32
        %mul3A_795 = arith.constant 80 : i32
        %mul3A_796 = arith.muli %add3A_794, %mul3A_795 : i32
        %add3A_797 = arith.constant 0 : i32
        %add3A_798 = arith.addi %mul3A_796, %add3A_797 : i32
        %dma_start3A_799 = arith.constant 0 : i32
        %dma_start3A_800 = arith.constant 0 : i32
        %dma_start3A_801 = tpu.memref_slice %arg13[%dma_start3A_799, %dma_start3A_800] : memref<80x128xf32, #tpu.memory_space<vmem>> -> memref<80x128xf32, #tpu.memory_space<vmem>>
        %dma_start3A_802 = tpu.memref_slice %arg7[%add3A_798] : memref<10000xi32, #tpu.memory_space<vmem>> -> memref<80xi32, #tpu.memory_space<vmem>>
        %dma_start3A_803 = arith.constant 0 : i32
        %dma_start3A_804 = arith.constant 0 : i32
        %dma_start3A_805 = tpu.memref_slice %arg2[%dma_start3A_803, %dma_start3A_804] : memref<10000x128xf32, #tpu.memory_space<hbm>> -> memref<10000x128xf32, #tpu.memory_space<hbm>>
        tpu.enqueue_indirect_dma source(%dma_start3A_805 : memref<10000x128xf32, #tpu.memory_space<hbm>>) target(%dma_start3A_801 : memref<80x128xf32, #tpu.memory_space<vmem>>) offsets(%dma_start3A_802 : memref<80xi32, #tpu.memory_space<vmem>>) semaphore(%arg28 : memref<!tpu.dma_semaphore, #tpu.memory_space<semaphore_mem>>)
        %dma_start3A_806 = arith.constant 0 : i32
        %dma_start3A_807 = arith.constant 0 : i32
        %dma_start3A_808 = tpu.memref_slice %arg18[%dma_start3A_806, %dma_start3A_807] : memref<80x128xf32, #tpu.memory_space<vmem>> -> memref<80x128xf32, #tpu.memory_space<vmem>>
        %dma_start3A_809 = tpu.memref_slice %arg8[%add3A_798] : memref<10000xi32, #tpu.memory_space<vmem>> -> memref<80xi32, #tpu.memory_space<vmem>>
        %dma_start3A_810 = arith.constant 0 : i32
        %dma_start3A_811 = arith.constant 0 : i32
        %dma_start3A_812 = tpu.memref_slice %arg3[%dma_start3A_810, %dma_start3A_811] : memref<10000x128xf32, #tpu.memory_space<hbm>> -> memref<10000x128xf32, #tpu.memory_space<hbm>>
        tpu.enqueue_indirect_dma source(%dma_start3A_812 : memref<10000x128xf32, #tpu.memory_space<hbm>>) target(%dma_start3A_808 : memref<80x128xf32, #tpu.memory_space<vmem>>) offsets(%dma_start3A_809 : memref<80xi32, #tpu.memory_space<vmem>>) semaphore(%arg28 : memref<!tpu.dma_semaphore, #tpu.memory_space<semaphore_mem>>)
      } else {
      }
      %scan3A_788 = arith.constant 0 : i32
      scf.yield %scan3A_788 : i32
    }
    %scan3A_87 = arith.constant 25 : i32
    %dma_wait3A = tpu.memref_slice %arg6[%mul3A_2] : memref<320000xf32, #tpu.memory_space<hbm>> -> memref<80xf32, #tpu.memory_space<hbm>>
    %dma_wait3A_88 = tpu.memref_slice %arg6[%mul3A_2] : memref<320000xf32, #tpu.memory_space<hbm>> -> memref<80xf32, #tpu.memory_space<hbm>>
    tpu.wait_dma2 semaphore(%arg29 : memref<!tpu.dma_semaphore, #tpu.memory_space<semaphore_mem>>) src(%arg19 : memref<80xf32, #tpu.memory_space<vmem>>) dst(%dma_wait3A_88 : memref<80xf32, #tpu.memory_space<hbm>>)
    %dma_wait3A_89 = tpu.memref_slice %arg6[%mul3A_2] : memref<320000xf32, #tpu.memory_space<hbm>> -> memref<80xf32, #tpu.memory_space<hbm>>
    %dma_wait3A_90 = tpu.memref_slice %arg6[%mul3A_2] : memref<320000xf32, #tpu.memory_space<hbm>> -> memref<80xf32, #tpu.memory_space<hbm>>
    tpu.wait_dma2 semaphore(%arg30 : memref<!tpu.dma_semaphore, #tpu.memory_space<semaphore_mem>>) src(%arg20 : memref<80xf32, #tpu.memory_space<vmem>>) dst(%dma_wait3A_90 : memref<80xf32, #tpu.memory_space<hbm>>)
    %dma_wait3A_91 = tpu.memref_slice %arg6[%mul3A_2] : memref<320000xf32, #tpu.memory_space<hbm>> -> memref<80xf32, #tpu.memory_space<hbm>>
    %dma_wait3A_92 = tpu.memref_slice %arg6[%mul3A_2] : memref<320000xf32, #tpu.memory_space<hbm>> -> memref<80xf32, #tpu.memory_space<hbm>>
    tpu.wait_dma2 semaphore(%arg31 : memref<!tpu.dma_semaphore, #tpu.memory_space<semaphore_mem>>) src(%arg21 : memref<80xf32, #tpu.memory_space<vmem>>) dst(%dma_wait3A_92 : memref<80xf32, #tpu.memory_space<hbm>>)
    %dma_wait3A_93 = tpu.memref_slice %arg6[%mul3A_2] : memref<320000xf32, #tpu.memory_space<hbm>> -> memref<80xf32, #tpu.memory_space<hbm>>
    %dma_wait3A_94 = tpu.memref_slice %arg6[%mul3A_2] : memref<320000xf32, #tpu.memory_space<hbm>> -> memref<80xf32, #tpu.memory_space<hbm>>
    tpu.wait_dma2 semaphore(%arg32 : memref<!tpu.dma_semaphore, #tpu.memory_space<semaphore_mem>>) src(%arg22 : memref<80xf32, #tpu.memory_space<vmem>>) dst(%dma_wait3A_94 : memref<80xf32, #tpu.memory_space<hbm>>)
    %dma_wait3A_95 = tpu.memref_slice %arg6[%mul3A_2] : memref<320000xf32, #tpu.memory_space<hbm>> -> memref<80xf32, #tpu.memory_space<hbm>>
    %dma_wait3A_96 = tpu.memref_slice %arg6[%mul3A_2] : memref<320000xf32, #tpu.memory_space<hbm>> -> memref<80xf32, #tpu.memory_space<hbm>>
    tpu.wait_dma2 semaphore(%arg33 : memref<!tpu.dma_semaphore, #tpu.memory_space<semaphore_mem>>) src(%arg23 : memref<80xf32, #tpu.memory_space<vmem>>) dst(%dma_wait3A_96 : memref<80xf32, #tpu.memory_space<hbm>>)
    return
  }
}

</mosaic_0001>

<sc_bundles>
// kernel: kernel.3.cloned.1.call-start
scs
__scs_entry_jumppad:
0x0: {  	(pc) =	sbr.rel $0x88, $3  }
0x1: {  	(tag) =	ssettag $0x0;
	lr =	simm.s32 $0x1  }
0x2: {  	[smem:$0x3F9E] =	sst lr;
	_ =	strace $0xD0000000  }
0x3: {  	_ = 	snop  }
0x4: {  	_ = 	snop  }
0x5: {  	_ = 	snop  }
0x6: {  	_ = 	snop  }
0x7: {  	_ = 	snop  }
__scs_overlays_trampoline_lowered:
0x8: {  	[smem:$0x3FAD] =	sst s0  }
0x9: {  	[smem:$0x3FAE] =	sst s1  }
0xa: {  	[smem:$0x3FAF] =	sst s2  }
0xb: {  	[smem:$0x3FB0] =	sst s3  }
0xc: {  	[smem:$0x3FB1] =	sst s4  }
0xd: {  	[smem:$0x3FB2] =	sst s5  }
0xe: {  	[smem:$0x3FB3] =	sst s6  }
0xf: {  	[smem:$0x3FB4] =	sst s7  }
0x10: {  	[smem:$0x3FB5] =	sst s8  }
0x11: {  	[smem:$0x3FB6] =	sst s9;
	s0 =	simm.s32 @!p0 $0x0  }
0x12: {  	s1 =	sld [smem:$0x3F9C];
	s0 =	simm.s32 @p0 $0x1  }
0x13: {  	[smem:$0x3FB7] =	sst s0;
	s0 =	simm.s32 @!p1 $0x0  }
0x14: {  	s2 =	sld [smem:$0x3F9B];
	s0 =	simm.s32 @p1 $0x1  }
0x15: {  	[smem:$0x3FB8] =	sst s0;
	s0 =	simm.s32 @!p2 $0x0  }
0x16: {  	s3 =	sld [smem:$0x3FDB];
	s0 =	simm.s32 @p2 $0x1  }
0x17: {  	s4 =	simm.s32 $0x1BF5;
	[smem:$0x3FBA] =	sst s0  }
0x18: {  	s0 =	sld [smem:$0x3F9D];
	_ =	swait.ge [sflag:s4], $0x0  }
0x19: {  	s7 =	sld [smem:$0x3F9E]  }
0x1a: {  	s8 =	sadd.s32 $0xFFFFE003, lr  }
0x1b: {  	s9 =	sadd.s32 $0xFFFFFEF7, lr;
	s5 =	simm.s32 $0xFFFFFFFF;
	p2 =	slt.u32 s8, $0xFFFFF086  }
0x1c: {  	p1 =	slt.u32 s9, $0xF7A;
	s5 =	simm.s32 @!p2 $0x0  }
0x1d: {  	s5 =	simm.s32 @p1 $0x1;
	p0 =	seq.s32 s7, s2  }
0x1e: {  	s7 =	smul.u32 @!p0 $0xF7A, s2;
	p2 =	seq.s32 @!p0 s5, $0x0  }
0x1f: {  	s9 =	smul.u32 $0xF7A, s1;
	s8 =	simm.s32 @!p0 $0x1BF5;
	p2 =	por !p2, p0  }
0x20: {  	[sflag:s8] =	ssyncset.s32 @!p0 $0xFFFFF086;
	s6 =	sadd.s32 @!p0 s3, s7;
	s7 =	simm.s32 @!p0 $0x108  }
0x21: {  	s3 =	sadd.s32 s3, s9;
	s6 =	sadd.s32 @!p0 $0x88, s6;
	s7 =	simm.s32 @p2 $0x1082  }
0x22: {  	[simem:s7], [sflag:s8] =	dma.local @!p0 [hbm:s6], $0xF7A  }
0x23: {  	s9 =	sor.u32 $0xD0000000, s2;
	s6 =	simm.s32 $0x108;
	_ =	swait.ge @!p0 [sflag:s8], $0x0  }
0x24: {  	s3 =	sadd.s32 $0x88, s3;
	s6 =	simm.s32 @!p1 $0x1082;
	[sflag:s4] =	ssyncset.s32 $0xFFFFF086  }
0x25: {  	[simem:s6], [sflag:s4] =	dma.local [hbm:s3], $0xF7A  }
0x26: {  	[smem:$0x3F9E] =	sst s1;
	(tag) =	ssettag s2;
	_ =	strace s9  }
0x27: {  	s1 =	sld [smem:$0x3FAE]  }
0x28: {  	s2 =	sld [smem:$0x3FAF]  }
0x29: {  	s4 =	sld [smem:$0x3FB1]  }
0x2a: {  	p0 =	seq.s32 s5, $0x0;
	s5 =	sld [smem:$0x3FB2]  }
0x2b: {  	s6 =	sld [smem:$0x3FB3]  }
0x2c: {  	s7 =	sld [smem:$0x3FB4]  }
0x2d: {  	s3 =	simm.s32 $0x108;
	s8 =	sld [smem:$0x3FB5]  }
0x2e: {  	s3 =	simm.s32 @!p0 $0x1082;
	s9 =	sld [smem:$0x3FB6]  }
0x2f: {  	lr =	sadd.s32 s0, s3;
	s0 =	sld [smem:$0x3FAD]  }
0x30: {  	s3 =	sld [smem:$0x3FB0]  }
0x31: {  	[smem:$0x3FB9] =	sst s10  }
0x32: {  	s10 =	sld [smem:$0x3FB7];
	_ =	sdelay $0x3  }
0x33: {  	p0 =	seq.s32 s10, $0x1;
	s10 =	sld [smem:$0x3FB9];
	_ =	sdelay $0x3  }
0x34: {  	[smem:$0x3FB9] =	sst s10  }
0x35: {  	s10 =	sld [smem:$0x3FB8];
	_ =	sdelay $0x3  }
0x36: {  	p1 =	seq.s32 s10, $0x1;
	s10 =	sld [smem:$0x3FB9];
	_ =	sdelay $0x3  }
0x37: {  	[smem:$0x3FB9] =	sst s10  }
0x38: {  	s10 =	sld [smem:$0x3FBA]  }
0x39: {  	_ = 	snop;
	(pc) =	sbr.ind lr, $3  }
0x3a: {  	_ = 	snop  }
0x3b: {  	_ = 	snop  }
0x3c: {  	p2 =	seq.s32 s10, $0x1;
	s10 =	sld [smem:$0x3FB9]  }
0x3d: {  	_ =	shalt  }
0x3e: {  	_ =	shalt  }
0x3f: {  	_ =	shalt  }
0x40: {  	_ =	shalt  }
0x41: {  	_ =	shalt  }
0x42: {  	_ =	shalt  }
0x43: {  	_ =	shalt  }
0x44: {  	_ =	shalt  }
0x45: {  	_ =	shalt  }
0x46: {  	_ =	shalt  }
0x47: {  	_ =	shalt  }
0x48: {  	_ =	shalt  }
0x49: {  	_ =	shalt  }
0x4a: {  	_ =	shalt  }
0x4b: {  	_ =	shalt  }
0x4c: {  	_ =	shalt  }
0x4d: {  	_ =	shalt  }
0x4e: {  	_ =	shalt  }
0x4f: {  	_ =	shalt  }
0x50: {  	_ =	shalt  }
0x51: {  	_ =	shalt  }
0x52: {  	_ =	shalt  }
0x53: {  	_ =	shalt  }
0x54: {  	_ =	shalt  }
0x55: {  	_ =	shalt  }
0x56: {  	_ =	shalt  }
0x57: {  	_ =	shalt  }
0x58: {  	_ =	shalt  }
0x59: {  	_ =	shalt  }
0x5a: {  	_ =	shalt  }
0x5b: {  	_ =	shalt  }
0x5c: {  	_ =	shalt  }
0x5d: {  	_ =	shalt  }
0x5e: {  	_ =	shalt  }
0x5f: {  	_ =	shalt  }
0x60: {  	_ =	shalt  }
0x61: {  	_ =	shalt  }
0x62: {  	_ =	shalt  }
0x63: {  	_ =	shalt  }
0x64: {  	_ =	shalt  }
0x65: {  	_ =	shalt  }
0x66: {  	_ =	shalt  }
0x67: {  	_ =	shalt  }
0x68: {  	_ =	shalt  }
0x69: {  	_ =	shalt  }
0x6a: {  	_ =	shalt  }
0x6b: {  	_ =	shalt  }
0x6c: {  	_ =	shalt  }
0x6d: {  	_ =	shalt  }
0x6e: {  	_ =	shalt  }
0x6f: {  	_ =	shalt  }
0x70: {  	_ =	shalt  }
0x71: {  	_ =	shalt  }
0x72: {  	_ =	shalt  }
0x73: {  	_ =	shalt  }
0x74: {  	_ =	shalt  }
0x75: {  	_ =	shalt  }
0x76: {  	_ =	shalt  }
0x77: {  	_ =	shalt  }
0x78: {  	_ =	shalt  }
0x79: {  	_ =	shalt  }
0x7a: {  	_ =	shalt  }
0x7b: {  	_ =	shalt  }
0x7c: {  	_ =	shalt  }
0x7d: {  	_ =	shalt  }
0x7e: {  	_ =	shalt  }
0x7f: {  	_ =	shalt  }
0x80: {  	_ =	shalt  }
0x81: {  	_ =	shalt  }
0x82: {  	_ =	shalt  }
0x83: {  	_ =	shalt  }
0x84: {  	_ =	shalt  }
0x85: {  	_ =	shalt  }
0x86: {  	_ =	shalt  }
0x87: {  	_ =	shalt  }
.Lfunc_end0:
.L_simem_size_0:
called_computation_lowered:
.L_overlay_start_0:
0x88: {  	s2 =	sld [smem:$0x3FD9]  }
0x89: {  	s3 =	sld [smem:$0x3FFE];
	_ =	sdelay $0x1  }
0x8a: {  	s1 =	srdreg.scid  }
0x8b: {  	s0 =	sand.u32 $0x1, s1  }
0x8c: {  	s17 =	sshll.u32 s0, $0xA;
	s2 =	sadd.s32 s3, s2  }
0x8d: {  	s2 =	sadd.s32 s2, s17  }
0x8e: {  	[smem:$0x3FC5] =	sst s2  }
0x8f: {  	_ = 	snop  }
0x90: {  	s2 =	sld [smem:$0x3FC9]  }
0x91: {  	s18 =	sld [smem:$0x3FC8]  }
0x92: {  	s4 =	sld [smem:$0x3FD0];
	(tm) =	ssettm $0x1  }
0x93: {  	s5 =	sld [smem:$0x3FFB];
	_ =	sdelay $0x3  }
0x94: {  	_ =	strace s5  }
0x95: {  	s5 =	sld [smem:$0x3FFC];
	_ =	sdelay $0x3  }
0x96: {  	_ =	strace s5  }
0x97: {  	s5 =	sld [smem:$0x3FFD];
	_ =	sdelay $0x3  }
0x98: {  	_ =	strace s5  }
0x99: {  	_ =	strace $0x8FFFFFFF  }
0x9a: {  	s19 =	sld [smem:$0x3FDB];
	_ =	sdelay $0x1  }
0x9b: {  	s6 =	simm.s32 $_scs_section_size  }
0x9c: {  	s7 =	simm.s32 $_size__tile_overlayer_lowered;
	s8 =	simm.s32 $_tile_overlayer_lowered  }
0x9d: {  	s22 =	simm.s32 $0x1BFF;
	s21 =	sshll.u32 s8, $0x1;
	s5 =	sadd.s32 s6, s19  }
0x9e: {  	s9 =	simm.s32 $0x0;
	s20 =	sshll.u32 s7, $0x1;
	s7 =	sadd.s32 s21, s5  }
0x9f: {  	[timem:s9], [sflag:s22] =	dma.local [hbm:s7], s20  }
0xa0: {  	_ =	swait.ge [sflag:s22], s20  }
0xa1: {  	s6 =	ssub.s32 $0x0, s20;
	[sflag:s22] =	ssyncset.done $0x0  }
0xa2: {  	[sflag:s22] =	ssyncadd.s32 s6;
	_ =	sdelay $0x1  }
0xa3: {  	s23 =	simm.s32 $0x1B8B  }
0xa4: {  	_ =	swait.ge [sflag:s23], $0x1  }
0xa5: {  	[sflag:s23] =	ssyncset.done $0x0  }
0xa6: {  	s25 =	simm.s32 $0x1B8E;
	s24 =	sld [smem:$0x3FFE];
	[sflag:s23] =	ssyncadd.s32 $0xFFFFFFFF  }
0xa7: {  	s26 =	simm.s32 $execute0_lowered;
	[smem:$0x3FD2] =	sst s25  }
0xa8: {  	s7 =	sshll.u32 s26, $0x1;
	_ =	strace $0x80000046;
	[dreg:$0x1] =	wrdreg $0xFFFFFFFF  }
0xa9: {  	s28 =	simm.s32 $_size_execute0_lowered;
	s5 =	sadd.s32 s5, s7;
	[dreg:$0x0] =	wrdreg $0x0  }
0xaa: {  	s7 =	sshll.u32 s28, $0x1;
	[dreg:$0x2] =	wrdreg s5  }
0xab: {  	[dreg:$0x3] =	wrdreg s7  }
0xac: {  	[dreg:$0x4] =	wrdreg $0xC0  }
0xad: {  	_ =	task [dreg:s9], $0x5FFFF  }
0xae: {  	[dreg:$0x1] =	wrdreg $0xFFFFFFFF  }
0xaf: {  	[dreg:$0x0] =	wrdreg $0x60  }
0xb0: {  	[dreg:$0x2] =	wrdreg s2  }
0xb1: {  	[dreg:$0x3] =	wrdreg s18  }
0xb2: {  	[dreg:$0x4] =	wrdreg s24  }
0xb3: {  	[dreg:$0x5] =	wrdreg s4  }
0xb4: {  	[dreg:$0x6] =	wrdreg $0x9  }
0xb5: {  	_ =	task.clear_ibuf [dreg:s9], $0x7FFFF;
	_ =	strace $0x90000046  }
0xb6: {  	s29 =	simm.s32 $0x9;
	_ =	strace $0x80000048  }
0xb7: {  	_ =	swait.ge [sflag:s29], $0x1  }
0xb8: {  	[sflag:s29] =	ssyncadd.s32 $0xFFFFFFFF  }
0xb9: {  	_ =	strace $0x90000048  }
0xba: {  	_ =	sfence  }
0xbb: {  	s30 =	sld [smem:$0x0];
	_ =	sdelay $0x2  }
0xbc: {  	s31 =	sshll.u32 s1, $0xD;
	s1 =	sshrl.u32 s1, $0x2  }
0xbd: {  	s3 =	sand.u32 $0x4000, s31;
	s1 =	sadd.s32 s1, s30  }
0xbe: {  	s0 =	sor.u32 s3, s0;
	s1 =	sshll.u32 s1, $0x11  }
0xbf: {  	s0 =	sor.u32 s1, s0  }
0xc0: {  	s0 =	sadd.s32 $0x8F2B, s0  }
0xc1: {  	[sflag:s0] =	ssyncadd.remote.s32 $0x1  }
0xc2: {  	_ =	sfence.sel $0xFFFF  }
0xc3: {  	[dreg:$0x0] =	wrdreg $0xFFFFFFFF;
	(pc) =	sbr.abs _section_cstart, $3  }
0xc4: {  	[dreg:$0x1] =	wrdreg $0xFFFFFFFF  }
0xc5: {  	_ =	task.clear_ibuf [dreg:s9], $0x2FFFF;
	_ =	strace $0x9FFFFFFF  }
0xc6: {  	(tm) =	ssettm $0x7FFFFFFF  }
0xc7: {  	_ =	shalt  }
tec
execute0_lowered:
.L_overlay_start_1:
0x0: {  	(tag) =	ssettag $0x1  }
0x1: {  	v1 =	vimm.s32 $0xFEDCBA9;
	v0 =	vlaneseq.u32  }
0x2: {  	v3 =	vimm.s32 $0x87654321;
	v4 =	vimm.s32 $0x98765432;
	v5 =	vimm.s32 $0x210FEDCB  }
0x3: {  	v6 =	vimm.s32 $0xA9876543;
	v16 =	vimm.s32 $0xCBA98765;
	v18 =	vimm.s32 $0x6543210F  }
0x4: {  	v19 =	vimm.s32 $0xEDCBA987;
	v20 =	vimm.s32 $0xFEDCBA98;
	v21 =	vimm.s32 $0x76543210  }
0x5: {  	v2 =	vunpack.c.l.s4.s8 v1;
	v1 =	vmul.u32 $0x80, v0;
	v4 =	vunpack.c.l.s4.s8 v4  }
0x6: {  	v5 =	vunpack.c.l.s4.s8 v5;
	v18 =	vunpack.c.l.s4.s8 v18;
	v19 =	vunpack.c.l.s4.s8 v19  }
0x7: {  	v20 =	vunpack.c.l.s4.s8 v20;
	v8 =	vunpack.c.0.s8.s32 v2;
	v2 =	vunpack.c.l.s4.s8 v3  }
0x8: {  	v3 =	vimm.s32 $0x10FEDCBA;
	v11 =	vunpack.c.0.s8.s32 v4;
	v12 =	vunpack.c.0.s8.s32 v5  }
0x9: {  	v18 =	vunpack.c.0.s8.s32 v18;
	v19 =	vunpack.c.0.s8.s32 v19;
	v3 =	vunpack.c.l.s4.s8 v3  }
0xa: {  	v20 =	vunpack.c.0.s8.s32 v20;
	v9 =	vunpack.c.0.s8.s32 v2;
	v2 =	vunpack.c.l.s4.s8 v6  }
0xb: {  	s1 =	rddreg [dreg:$0x0];
	v24 =	vcombine.low v19, v18;
	v10 =	vunpack.c.0.s8.s32 v3;
	v3 =	vimm.s32 $0x3210FEDC  }
0xc: {  	s0 =	srdreg.scid;
	s4 =	rddreg [dreg:$0x2];
	v20 =	vand.u32 $0xF, v20;
	v13 =	vunpack.c.0.s8.s32 v2;
	v2 =	vunpack.c.l.s4.s8 v3  }
0xd: {  	s2 =	stileid.u32;
	s5 =	rddreg [dreg:$0x3];
	s6 =	simm.s32 $0x0;
	v3 =	vimm.s32 $0xBA987654;
	v4 =	vcombine.low v9, v8;
	v63 =	vcombine.low v8, v9  }
0xe: {  	s16 =	simm.s32 $0x50;
	s17 =	simm.s32 $0x4F00;
	s18 =	simm.s32 $0x11700;
	v9 =	vand.u32 $0xF, v24;
	v5 =	vcombine.low v11, v10;
	v3 =	vunpack.c.l.s4.s8 v3  }
0xf: {  	s19 =	simm.s32 $0x7700;
	s21 =	simm.s32 $0x13F00;
	s23 =	simm.s32 $0x9F00;
	v11 =	vcombine.low v10, v11;
	v6 =	vcombine.low v13, v12;
	v14 =	vunpack.c.0.s8.s32 v2  }
0x10: {  	s28 =	simm.s32 $0xC700;
	s30 =	simm.s32 $0x18F00;
	s20 =	simm.s32 $0x1B700;
	v2 =	vimm.s32 $0x43210FED;
	v12 =	vcombine.low v12, v13;
	v15 =	vunpack.c.0.s8.s32 v3  }
0x11: {  	s22 =	simm.s32 $0x1;
	s31 =	simm.s32 $0x3;
	s15 =	simm.s32 $0x4;
	v7 =	vunpack.c.l.s4.s8 v2;
	v3 =	vand.u32 $0xF, v5;
	v5 =	vunpack.c.l.s4.s8 v16  }
0x12: {  	s14 =	simm.s32 $0x5;
	s0 =	sand.u32 $0x1, s0;
	s3 =	sshll.u32 s2, $0x1;
	v10 =	vand.u32 $0xF, v63;
	v2 =	vand.u32 $0xF, v4;
	v11 =	vand.u32 $0xF, v11  }
0x13: {  	s2 =	rddreg [dreg:$0x1];
	s3 =	sor.u32 s0, s3;
	s0 =	ssub.s32 $0x2, s0;
	v4 =	vand.u32 $0xF, v6;
	v16 =	vunpack.c.0.s8.s32 v7;
	v17 =	vunpack.c.0.s8.s32 v5  }
0x14: {  	[smem:$0x7FF] =	sst s6;
	s7 =	smul.u32 $0x2710, s3;
	s25 =	sshrl.u32 s0, $0x1;
	v5 =	vimm.s32 $0x543210FE;
	v7 =	vimm.s32 $0xDCBA9876;
	v13 =	vcombine.low v14, v15  }
0x15: {  	_ =	strace $0x80000047;
	s0 =	ssub.s32 s0, s25;
	s25 =	simm.s32 $0x16700;
	v12 =	vand.u32 $0xF, v12;
	v5 =	vunpack.c.l.s4.s8 v5;
	v7 =	vunpack.c.l.s4.s8 v7  }
0x16: {  	s3 =	sshrl.u32 s7, $0x3;
	s26 =	sadd.s32 $0x50, s7;
	s29 =	sadd.s32 $0xA0, s7;
	v6 =	vcombine.low v15, v14;
	v14 =	vcombine.low v16, v17;
	v13 =	vand.u32 $0xF, v13  }
.Ltmp0:
0x17: {  	s11 =	sadd.s32 $0xF0, s7;
	[dreg:$0x7] =	wrdreg s26;
	v22 =	vunpack.c.0.s8.s32 v5;
	v23 =	vunpack.c.0.s8.s32 v7;
	v7 =	vunpack.c.l.s4.s8 v21;
	(pc) =	sbr.rel .LBB2_1-.Ltmp0, $4  }
0x18: {  	s10 =	smov.u32 s7;
	s0 =	smax.u32 s0, $0x1;
	[dreg:$0x8] =	wrdreg s29;
	v5 =	vand.u32 $0xF, v6;
	v6 =	vcombine.low v17, v16;
	v16 =	vcombine.low v18, v19  }
0x19: {  	s12 =	sadd.s32 $0x140, s7;
	s4 =	sadd.s32 s4, s3;
	[dreg:$0x9] =	wrdreg s0;
	v7 =	vunpack.c.0.s8.s32 v7;
	v62 =	vcombine.low v23, v22;
	v15 =	vcombine.low v22, v23  }
0x1a: {  	s7 =	simm.s32 $0x0;
	[dreg:$0x5] =	wrdreg s4;
	s4 =	sadd.s32 $0x9E00, s4;
	v14 =	vand.u32 $0xF, v14;
	v6 =	vand.u32 $0xF, v6;
	v16 =	vand.u32 $0xF, v16  }
0x1b: {  	s26 =	simm.s32 $0x2;
	[dreg:$0x6] =	wrdreg s4;
	s4 =	simm.s32 $0xEF00;
	v7 =	vcombine.low v20, v7;
	v8 =	vand.u32 $0xF, v62;
	v15 =	vand.u32 $0xF, v15  }
.LBB2_24:
0x1c: {  	s0 =	simm.s32 $0x6  }
0x1d: {  	_ =	swait.ge [sflag:s0], $0x50  }
0x1e: {  	[sflag:s0] =	ssyncset.done $0x0  }
0x1f: {  	s9 =	simm.s32 $0x7;
	[sflag:s0] =	ssyncadd.s32 $0xFFFFFFB0  }
0x20: {  	_ =	swait.ge [sflag:s9], $0x50  }
0x21: {  	[sflag:s9] =	ssyncset.done $0x0  }
0x22: {  	s13 =	simm.s32 $0x8;
	[sflag:s9] =	ssyncadd.s32 $0xFFFFFFB0  }
0x23: {  	_ =	swait.ge [sflag:s13], $0x50  }
0x24: {  	[sflag:s13] =	ssyncset.done $0x0  }
0x25: {  	s24 =	simm.s32 $0x9;
	[sflag:s13] =	ssyncadd.s32 $0xFFFFFFB0  }
0x26: {  	_ =	swait.ge [sflag:s24], $0x50  }
0x27: {  	[sflag:s24] =	ssyncset.done $0x0  }
0x28: {  	s3 =	simm.s32 $0xA;
	[sflag:s24] =	ssyncadd.s32 $0xFFFFFFB0  }
0x29: {  	_ =	swait.ge [sflag:s3], $0x50  }
0x2a: {  	s7 =	rddreg [dreg:$0xa]  }
0x2b: {  	s29 =	rddreg [dreg:$0x9];
	s7 =	sadd.s32 $0x1, s7  }
0x2c: {  	p0 =	sne.s32 s7, s29  }
.Ltmp1:
0x2d: {  	_ = 	snop;
	(pc) =	sbr.rel @!p0 .LBB2_25-.Ltmp1, $3  }
0x2e: {  	_ =	sdelay $0x1  }
0x2f: {  	[sflag:s3] =	ssyncset.done $0x0  }
0x30: {  	[sflag:s3] =	ssyncadd.s32 $0xFFFFFFB0  }
.LBB2_1:
0x31: {  	[dreg:$0xa] =	wrdreg s7  }
0x32: {  	s0 =	rddreg [dreg:$0x6];
	s3 =	simm.s32 $0xB  }
0x33: {  	[tilespmem:s6], [sflag:$0xB] =	stream.linear.gather [hbm4b:s0+s6], $0x2710, $0x38;
	[tilespmem:$0x1E180] =	vst v63  }
0x34: {  	_ =	swait.ge [sflag:s3], $0x2710  }
0x35: {  	[sflag:s3] =	ssyncset.done $0x0  }
0x36: {  	s29 =	simm.s32 $0x2780;
	s24 =	rddreg [dreg:$0x5];
	[sflag:s3] =	ssyncadd.s32 $0xFFFFD8F0  }
0x37: {  	[tilespmem:s29], [sflag:$0xB] =	stream.linear.gather [hbm4b:s24+s6], $0x2710, $0x38;
	[tilespmem:$0x1E180] =	vst v63  }
0x38: {  	_ =	swait.ge [sflag:s3], $0x2710  }
0x39: {  	[sflag:s3] =	ssyncset.done $0x0  }
0x3a: {  	[sflag:s3] =	ssyncadd.s32 $0xFFFFD8F0  }
0x3b: {  	[tilespmem:s17], [sflag:$0x1] =	stream.indirect.gather [hbm4b:s1+s16], $0x80, s6, s16, $0xb8;
	[tilespmem:$0x1E180] =	vst v63  }
0x3c: {  	_ = 	snop  }
0x3d: {  	[tilespmem:s18], [sflag:$0x1] =	stream.indirect.gather [hbm4b:s2+s16], $0x80, s29, s16, $0xb8;
	[tilespmem:$0x1E180] =	vst v63  }
0x3e: {  	_ = 	snop  }
0x3f: {  	[tilespmem:s19], [sflag:$0x2] =	stream.indirect.gather [hbm4b:s1+s16], $0x80, s16, s16, $0xb8;
	[tilespmem:$0x1E180] =	vst v63  }
0x40: {  	s3 =	simm.s32 $0x27D0  }
0x41: {  	[tilespmem:s21], [sflag:$0x2] =	stream.indirect.gather [hbm4b:s2+s16], $0x80, s3, s16, $0xb8;
	[tilespmem:$0x1E180] =	vst v63  }
0x42: {  	s7 =	simm.s32 $0xA0  }
0x43: {  	[tilespmem:s23], [sflag:$0x3] =	stream.indirect.gather [hbm4b:s1+s16], $0x80, s7, s16, $0xb8;
	[tilespmem:$0x1E180] =	vst v63  }
0x44: {  	s8 =	simm.s32 $0x2820  }
0x45: {  	[tilespmem:s25], [sflag:$0x3] =	stream.indirect.gather [hbm4b:s2+s16], $0x80, s8, s16, $0xb8;
	[tilespmem:$0x1E180] =	vst v63  }
0x46: {  	s9 =	simm.s32 $0xF0  }
0x47: {  	[tilespmem:s28], [sflag:$0x4] =	stream.indirect.gather [hbm4b:s1+s16], $0x80, s9, s16, $0xb8;
	[tilespmem:$0x1E180] =	vst v63  }
0x48: {  	s13 =	simm.s32 $0x2870  }
0x49: {  	[tilespmem:s30], [sflag:$0x4] =	stream.indirect.gather [hbm4b:s2+s16], $0x80, s13, s16, $0xb8;
	[tilespmem:$0x1E180] =	vst v63  }
0x4a: {  	s24 =	simm.s32 $0x140  }
0x4b: {  	[tilespmem:s4], [sflag:$0x5] =	stream.indirect.gather [hbm4b:s1+s16], $0x80, s24, s16, $0xb8;
	[tilespmem:$0x1E180] =	vst v63  }
0x4c: {  	s29 =	simm.s32 $0x28C0;
	s13 =	simm.s32 $0x0  }
0x4d: {  	[tilespmem:s20], [sflag:$0x5] =	stream.indirect.gather [hbm4b:s2+s16], $0x80, s29, s16, $0xb8;
	[tilespmem:$0x1E180] =	vst v63  }
.LBB2_2:
0x4e: {  	_ =	swait.ge [sflag:s22], $0x2800  }
0x4f: {  	[sflag:s22] =	ssyncset.done $0x0  }
0x50: {  	[sflag:s22] =	ssyncadd.s32 $0xFFFFD800  }
0x51: {  	_ =	swait.ge [sflag:s22], $0x2800  }
0x52: {  	p0 =	seq.s32 s13, $0x0;
	[sflag:s22] =	ssyncset.done $0x0  }
0x53: {  	s0 =	simm.s32 @!p0 $0x6;
	[sflag:s22] =	ssyncadd.s32 $0xFFFFD800  }
0x54: {  	_ =	swait.ge @!p0 [sflag:s0], $0x50  }
0x55: {  	[sflag:s0] =	ssyncset.done @!p0 $0x0  }
0x56: {  	s24 =	simm.s32 $0x0;
	s29 =	simm.s32 $0x0;
	[sflag:s0] =	ssyncadd.s32 @!p0 $0xFFFFFFB0  }
.LBB2_3:
0x57: {  	s0 =	sshll.u32 s29, $0x4  }
0x58: {  	v17 =	vmov s0  }
0x59: {  	v17 =	vshll.u32 v17, $0x7  }
0x5a: {  	v30 =	vor.u32 v1, v17  }
0x5b: {  	v32 =	vor.u32 v0, v30  }
0x5c: {  	v17 =	vor.u32 s24, v32  }
0x5d: {  	v31 =	vor.u32 v2, v30  }
0x5e: {  	v18 =	vor.u32 s24, v31  }
0x5f: {  	v28 =	vor.u32 v3, v30  }
0x60: {  	v19 =	vor.u32 s24, v28  }
0x61: {  	v22 =	vor.u32 v5, v30;
	v21 =	vld.idx.msk [tilespmem:v17+s17+$0x0], $0xffff  }
0x62: {  	v27 =	vor.u32 s24, v22;
	v23 =	vld.idx.msk [tilespmem:v17+s18+$0x0], $0xffff  }
0x63: {  	v24 =	vor.u32 v4, v30;
	v25 =	vld.idx.msk [tilespmem:v18+s17+$0x0], $0xffff  }
0x64: {  	v17 =	vor.u32 s24, v24;
	v26 =	vld.idx.msk [tilespmem:v18+s18+$0x0], $0xffff  }
0x65: {  	v20 =	vor.u32 v6, v30;
	v29 =	vld.idx.msk [tilespmem:v19+s17+$0x0], $0xffff  }
0x66: {  	v34 =	vor.u32 s24, v20;
	v33 =	vld.idx.msk [tilespmem:v19+s18+$0x0], $0xffff  }
0x67: {  	v18 =	vor.u32 v8, v30;
	v38 =	vld.idx.msk [tilespmem:v27+s17+$0x0], $0xffff  }
0x68: {  	v27 =	vld.idx.msk [tilespmem:v27+s18+$0x0], $0xffff;
	v37 =	vor.u32 s24, v18  }
0x69: {  	v19 =	vor.u32 v7, v30;
	v35 =	vld.idx.msk [tilespmem:v17+s17+$0x0], $0xffff;
	v21 =	vmul.f32 v23, v21  }
0x6a: {  	v36 =	vld.idx.msk [tilespmem:v17+s18+$0x0], $0xffff;
	v23 =	vimm.f32 $0.0e+00;
	v25 =	vmul.f32 v26, v25;
	v26 =	vor.u32 s24, v19  }
0x6b: {  	v40 =	vld.idx.msk [tilespmem:v34+s17+$0x0], $0xffff;
	v17 =	vor.u32 v9, v30;
	v23 =	vadd.f32 v21, v23  }
0x6c: {  	v34 =	vld.idx.msk [tilespmem:v34+s18+$0x0], $0xffff;
	v39 =	vor.u32 s24, v17  }
0x6d: {  	v29 =	vmul.f32 v33, v29;
	v59 =	vld.idx.msk [tilespmem:v37+s17+$0x0], $0xffff;
	v25 =	vadd.f32 v25, v23  }
0x6e: {  	v37 =	vld.idx.msk [tilespmem:v37+s18+$0x0], $0xffff;
	v21 =	vor.u32 v10, v30  }
0x6f: {  	v41 =	vor.u32 s24, v21;
	v35 =	vmul.f32 v36, v35;
	v61 =	vld.idx.msk [tilespmem:v26+s17+$0x0], $0xffff;
	v29 =	vadd.f32 v29, v25  }
0x70: {  	v23 =	vor.u32 v11, v30;
	v62 =	vld.idx.msk [tilespmem:v26+s18+$0x0], $0xffff  }
0x71: {  	v27 =	vmul.f32 v27, v38;
	v42 =	vor.u32 s24, v23;
	v60 =	vld.idx.msk [tilespmem:v39+s17+$0x0], $0xffff;
	v29 =	vadd.f32 v35, v29  }
0x72: {  	v34 =	vmul.f32 v34, v40;
	v26 =	vor.u32 v13, v30;
	v39 =	vld.idx.msk [tilespmem:v39+s18+$0x0], $0xffff  }
0x73: {  	v25 =	vor.u32 v12, v30;
	v44 =	vor.u32 s24, v26;
	v29 =	vadd.f32 v27, v29  }
0x74: {  	v43 =	vor.u32 s24, v25;
	v63 =	vld.idx.msk [tilespmem:v41+s17+$0x0], $0xffff  }
0x75: {  	v33 =	vmul.f32 v37, v59;
	v41 =	vld.idx.msk [tilespmem:v41+s18+$0x0], $0xffff;
	v34 =	vadd.f32 v34, v29  }
0x76: {  	v27 =	vor.u32 v14, v30;
	v48 =	vld.idx.msk [tilespmem:v42+s17+$0x0], $0xffff  }
0x77: {  	v42 =	vld.idx.msk [tilespmem:v42+s18+$0x0], $0xffff;
	v45 =	vor.u32 s24, v27;
	v49 =	vmul.f32 v39, v60;
	v33 =	vadd.f32 v33, v34  }
0x78: {  	v54 =	vld.idx.msk [tilespmem:v44+s17+$0x0], $0xffff;
	v29 =	vor.u32 v15, v30  }
0x79: {  	v53 =	vmul.f32 v62, v61;
	v50 =	vld.idx.msk [tilespmem:v43+s17+$0x0], $0xffff;
	v52 =	vor.u32 s24, v29;
	v33 =	vadd.f32 v49, v33  }
0x7a: {  	v51 =	vld.idx.msk [tilespmem:v43+s18+$0x0], $0xffff;
	v30 =	vor.u32 v16, v30  }
0x7b: {  	v55 =	vld.idx.msk [tilespmem:v44+s18+$0x0], $0xffff;
	v56 =	vor.u32 s24, v30;
	v57 =	vmul.f32 v41, v63;
	v33 =	vadd.f32 v53, v33  }
0x7c: {  	s3 =	simm.s32 $0x10;
	v58 =	vld.idx.msk [tilespmem:v45+s17+$0x0], $0xffff  }
0x7d: {  	v60 =	vor.u32 s3, v32;
	v61 =	vmul.f32 v42, v48;
	v59 =	vld.idx.msk [tilespmem:v45+s18+$0x0], $0xffff;
	v33 =	vadd.f32 v57, v33  }
0x7e: {  	v62 =	vld.idx.msk [tilespmem:v52+s17+$0x0], $0xffff  }
0x7f: {  	v48 =	vor.u32 s3, v31;
	v49 =	vmul.f32 v51, v50;
	v63 =	vld.idx.msk [tilespmem:v52+s18+$0x0], $0xffff;
	v33 =	vadd.f32 v61, v33  }
0x80: {  	v50 =	vld.idx.msk [tilespmem:v56+s17+$0x0], $0xffff  }
0x81: {  	v51 =	vld.idx.msk [tilespmem:v56+s18+$0x0], $0xffff;
	v52 =	vor.u32 s3, v28;
	v53 =	vmul.f32 v55, v54;
	v33 =	vadd.f32 v49, v33  }
0x82: {  	v54 =	vld.idx.msk [tilespmem:v60+s17+$0x0], $0xffff  }
0x83: {  	v55 =	vld.idx.msk [tilespmem:v60+s18+$0x0], $0xffff;
	v56 =	vor.u32 s3, v24;
	v57 =	vmul.f32 v59, v58;
	v33 =	vadd.f32 v53, v33  }
0x84: {  	v58 =	vld.idx.msk [tilespmem:v48+s17+$0x0], $0xffff  }
0x85: {  	v60 =	vor.u32 s3, v22;
	v59 =	vld.idx.msk [tilespmem:v48+s18+$0x0], $0xffff;
	v61 =	vmul.f32 v63, v62;
	v33 =	vadd.f32 v57, v33  }
0x86: {  	v62 =	vld.idx.msk [tilespmem:v52+s17+$0x0], $0xffff  }
0x87: {  	v48 =	vor.u32 s3, v20;
	v63 =	vld.idx.msk [tilespmem:v52+s18+$0x0], $0xffff;
	v49 =	vmul.f32 v51, v50;
	v33 =	vadd.f32 v61, v33  }
0x88: {  	v50 =	vld.idx.msk [tilespmem:v56+s17+$0x0], $0xffff  }
0x89: {  	v52 =	vor.u32 s3, v18;
	v51 =	vld.idx.msk [tilespmem:v56+s18+$0x0], $0xffff;
	v53 =	vmul.f32 v55, v54;
	v33 =	vadd.f32 v49, v33  }
0x8a: {  	v54 =	vld.idx.msk [tilespmem:v60+s17+$0x0], $0xffff  }
0x8b: {  	v55 =	vld.idx.msk [tilespmem:v60+s18+$0x0], $0xffff;
	v60 =	vor.u32 s3, v19;
	v57 =	vmul.f32 v59, v58;
	v33 =	vadd.f32 v53, v33  }
0x8c: {  	v56 =	vor.u32 s3, v17;
	v58 =	vld.idx.msk [tilespmem:v48+s17+$0x0], $0xffff  }
0x8d: {  	v59 =	vld.idx.msk [tilespmem:v48+s18+$0x0], $0xffff;
	v61 =	vmul.f32 v63, v62;
	v33 =	vadd.f32 v57, v33  }
0x8e: {  	v48 =	vor.u32 s3, v21;
	v62 =	vld.idx.msk [tilespmem:v52+s17+$0x0], $0xffff  }
0x8f: {  	v63 =	vld.idx.msk [tilespmem:v52+s18+$0x0], $0xffff;
	v49 =	vmul.f32 v51, v50;
	v33 =	vadd.f32 v61, v33  }
0x90: {  	v52 =	vor.u32 s3, v23;
	v44 =	vld.idx.msk [tilespmem:v60+s18+$0x0], $0xffff  }
0x91: {  	v50 =	vld.idx.msk [tilespmem:v56+s17+$0x0], $0xffff;
	v53 =	vmul.f32 v55, v54;
	v33 =	vadd.f32 v49, v33  }
0x92: {  	v51 =	vld.idx.msk [tilespmem:v56+s18+$0x0], $0xffff  }
0x93: {  	v56 =	vmul.f32 v59, v58;
	v58 =	vld.idx.msk [tilespmem:v48+s18+$0x0], $0xffff;
	v59 =	vor.u32 s3, v26;
	v33 =	vadd.f32 v53, v33  }
0x94: {  	v54 =	vld.idx.msk [tilespmem:v60+s17+$0x0], $0xffff;
	v55 =	vor.u32 s3, v25  }
0x95: {  	v60 =	vmul.f32 v63, v62;
	v46 =	vld.idx.msk [tilespmem:v52+s17+$0x0], $0xffff;
	v33 =	vadd.f32 v56, v33  }
0x96: {  	v57 =	vld.idx.msk [tilespmem:v48+s17+$0x0], $0xffff  }
0x97: {  	v47 =	vld.idx.msk [tilespmem:v52+s18+$0x0], $0xffff;
	v36 =	vmul.f32 v51, v50;
	v61 =	vor.u32 s3, v27;
	v33 =	vadd.f32 v60, v33  }
0x98: {  	v35 =	vld.idx.msk [tilespmem:v59+s17+$0x0], $0xffff  }
0x99: {  	v37 =	vor.u32 s3, v29;
	v34 =	vld.idx.msk [tilespmem:v55+s17+$0x0], $0xffff;
	v62 =	vmul.f32 v44, v54;
	v33 =	vadd.f32 v36, v33  }
0x9a: {  	v38 =	vld.idx.msk [tilespmem:v55+s18+$0x0], $0xffff  }
0x9b: {  	v42 =	vor.u32 s3, v30;
	v39 =	vld.idx.msk [tilespmem:v59+s18+$0x0], $0xffff;
	v63 =	vmul.f32 v58, v57;
	v36 =	vadd.f32 v62, v33  }
0x9c: {  	s8 =	simm.s32 $0x20;
	v41 =	vld.idx.msk [tilespmem:v61+s18+$0x0], $0xffff  }
0x9d: {  	v40 =	vor.u32 s8, v32;
	v44 =	vmul.f32 v47, v46;
	v33 =	vld.idx.msk [tilespmem:v61+s17+$0x0], $0xffff;
	v43 =	vadd.f32 v63, v36  }
0x9e: {  	s7 =	simm.s32 $0x40;
	v36 =	vld.idx.msk [tilespmem:v37+s17+$0x0], $0xffff  }
.LBB2_4:
0x9f: {  	p1 =	sne.s32 s7, $0x60;
	v45 =	vor.u32 s8, v31;
	v43 =	vadd.f32 v44, v43;
	v34 =	vmul.f32 v38, v34;
	v37 =	vld.idx.msk [tilespmem:v37+s18+$0x0], $0xffff  }
0xa0: {  	v38 =	vld.idx.msk [tilespmem:v42+s17+$0x0], $0xffff  }
0xa1: {  	v44 =	vor.u32 s8, v28;
	v35 =	vmul.f32 v39, v35;
	v34 =	vadd.f32 v34, v43;
	v39 =	vld.idx.msk [tilespmem:v42+s18+$0x0], $0xffff  }
0xa2: {  	v42 =	vld.idx.msk [tilespmem:v40+s17+$0x0], $0xffff  }
0xa3: {  	v43 =	vor.u32 s8, v24;
	v33 =	vmul.f32 v41, v33;
	v40 =	vld.idx.msk [tilespmem:v40+s18+$0x0], $0xffff;
	v34 =	vadd.f32 v35, v34  }
0xa4: {  	v35 =	vld.idx.msk [tilespmem:v45+s17+$0x0], $0xffff  }
0xa5: {  	v41 =	vld.idx.msk [tilespmem:v45+s18+$0x0], $0xffff;
	v45 =	vor.u32 s8, v22;
	v33 =	vadd.f32 v33, v34;
	v34 =	vmul.f32 v37, v36  }
0xa6: {  	v36 =	vld.idx.msk [tilespmem:v44+s17+$0x0], $0xffff  }
0xa7: {  	v37 =	vld.idx.msk [tilespmem:v44+s18+$0x0], $0xffff;
	v44 =	vor.u32 s8, v20;
	v33 =	vadd.f32 v34, v33;
	v34 =	vmul.f32 v39, v38  }
0xa8: {  	v38 =	vld.idx.msk [tilespmem:v43+s17+$0x0], $0xffff  }
0xa9: {  	v39 =	vmul.f32 v40, v42;
	v42 =	vor.u32 s8, v18;
	v40 =	vld.idx.msk [tilespmem:v43+s18+$0x0], $0xffff;
	v33 =	vadd.f32 v34, v33  }
0xaa: {  	v34 =	vld.idx.msk [tilespmem:v45+s17+$0x0], $0xffff  }
0xab: {  	v35 =	vmul.f32 v41, v35;
	v41 =	vor.u32 s8, v17;
	v33 =	vadd.f32 v39, v33;
	v39 =	vld.idx.msk [tilespmem:v45+s18+$0x0], $0xffff  }
0xac: {  	v43 =	vld.idx.msk [tilespmem:v44+s17+$0x0], $0xffff  }
0xad: {  	v33 =	vadd.f32 v35, v33;
	v35 =	vmul.f32 v37, v36;
	v36 =	vld.idx.msk [tilespmem:v44+s18+$0x0], $0xffff;
	v37 =	vor.u32 s8, v19  }
0xae: {  	v44 =	vld.idx.msk [tilespmem:v42+s17+$0x0], $0xffff  }
0xaf: {  	v33 =	vadd.f32 v35, v33;
	v35 =	vmul.f32 v40, v38;
	v38 =	vld.idx.msk [tilespmem:v42+s18+$0x0], $0xffff;
	v40 =	vor.u32 s8, v21  }
0xb0: {  	v42 =	vld.idx.msk [tilespmem:v41+s17+$0x0], $0xffff  }
0xb1: {  	v34 =	vmul.f32 v39, v34;
	v39 =	vor.u32 s8, v23;
	v33 =	vadd.f32 v35, v33;
	v35 =	vld.idx.msk [tilespmem:v41+s18+$0x0], $0xffff  }
0xb2: {  	v41 =	vld.idx.msk [tilespmem:v37+s17+$0x0], $0xffff  }
0xb3: {  	v33 =	vadd.f32 v34, v33;
	v34 =	vmul.f32 v36, v43;
	v36 =	vld.idx.msk [tilespmem:v37+s18+$0x0], $0xffff;
	v37 =	vor.u32 s8, v25  }
0xb4: {  	v43 =	vld.idx.msk [tilespmem:v40+s17+$0x0], $0xffff  }
0xb5: {  	v33 =	vadd.f32 v34, v33;
	v34 =	vmul.f32 v38, v44;
	v38 =	vld.idx.msk [tilespmem:v40+s18+$0x0], $0xffff;
	v40 =	vor.u32 s8, v26  }
0xb6: {  	v44 =	vld.idx.msk [tilespmem:v39+s17+$0x0], $0xffff  }
0xb7: {  	v33 =	vadd.f32 v34, v33;
	v34 =	vmul.f32 v35, v42;
	v35 =	vld.idx.msk [tilespmem:v39+s18+$0x0], $0xffff;
	v39 =	vor.u32 s8, v27  }
0xb8: {  	v42 =	vld.idx.msk [tilespmem:v37+s17+$0x0], $0xffff  }
0xb9: {  	v33 =	vadd.f32 v34, v33;
	v34 =	vmul.f32 v36, v41;
	v36 =	vld.idx.msk [tilespmem:v37+s18+$0x0], $0xffff;
	v37 =	vor.u32 s8, v29  }
0xba: {  	v41 =	vld.idx.msk [tilespmem:v40+s17+$0x0], $0xffff  }
0xbb: {  	v33 =	vadd.f32 v34, v33;
	v34 =	vmul.f32 v38, v43;
	v38 =	vld.idx.msk [tilespmem:v40+s18+$0x0], $0xffff;
	v40 =	vor.u32 s8, v30  }
0xbc: {  	s3 =	sadd.s32 $0x10, s8;
	s8 =	smov.u32 s7;
	v43 =	vld.idx.msk [tilespmem:v39+s17+$0x0], $0xffff  }
0xbd: {  	v33 =	vadd.f32 v34, v33;
	v34 =	vmul.f32 v35, v44;
	v35 =	vld.idx.msk [tilespmem:v39+s18+$0x0], $0xffff;
	v39 =	vor.u32 s3, v32  }
0xbe: {  	v44 =	vld.idx.msk [tilespmem:v37+s17+$0x0], $0xffff  }
0xbf: {  	v33 =	vadd.f32 v34, v33;
	v34 =	vmul.f32 v36, v42;
	v36 =	vld.idx.msk [tilespmem:v37+s18+$0x0], $0xffff;
	v37 =	vor.u32 s3, v31  }
0xc0: {  	v42 =	vld.idx.msk [tilespmem:v40+s17+$0x0], $0xffff  }
0xc1: {  	v33 =	vadd.f32 v34, v33;
	v34 =	vmul.f32 v38, v41;
	v38 =	vld.idx.msk [tilespmem:v40+s18+$0x0], $0xffff;
	v40 =	vor.u32 s3, v28  }
0xc2: {  	v41 =	vld.idx.msk [tilespmem:v39+s17+$0x0], $0xffff  }
0xc3: {  	v33 =	vadd.f32 v34, v33;
	v34 =	vmul.f32 v35, v43;
	v35 =	vld.idx.msk [tilespmem:v39+s18+$0x0], $0xffff;
	v39 =	vor.u32 s3, v24  }
0xc4: {  	v43 =	vld.idx.msk [tilespmem:v37+s17+$0x0], $0xffff  }
0xc5: {  	v33 =	vadd.f32 v34, v33;
	v34 =	vmul.f32 v36, v44;
	v36 =	vld.idx.msk [tilespmem:v37+s18+$0x0], $0xffff;
	v37 =	vor.u32 s3, v22  }
0xc6: {  	v44 =	vld.idx.msk [tilespmem:v40+s17+$0x0], $0xffff  }
0xc7: {  	v33 =	vadd.f32 v34, v33;
	v34 =	vmul.f32 v38, v42;
	v38 =	vld.idx.msk [tilespmem:v40+s18+$0x0], $0xffff;
	v40 =	vor.u32 s3, v20  }
0xc8: {  	v42 =	vld.idx.msk [tilespmem:v39+s17+$0x0], $0xffff  }
0xc9: {  	v33 =	vadd.f32 v34, v33;
	v34 =	vmul.f32 v35, v41;
	v35 =	vld.idx.msk [tilespmem:v39+s18+$0x0], $0xffff;
	v39 =	vor.u32 s3, v18  }
0xca: {  	v41 =	vld.idx.msk [tilespmem:v37+s17+$0x0], $0xffff  }
0xcb: {  	v33 =	vadd.f32 v34, v33;
	v34 =	vmul.f32 v36, v43;
	v36 =	vld.idx.msk [tilespmem:v37+s18+$0x0], $0xffff;
	v37 =	vor.u32 s3, v17  }
0xcc: {  	v43 =	vld.idx.msk [tilespmem:v40+s17+$0x0], $0xffff  }
0xcd: {  	v33 =	vadd.f32 v34, v33;
	v34 =	vmul.f32 v38, v44;
	v38 =	vld.idx.msk [tilespmem:v40+s18+$0x0], $0xffff;
	v40 =	vor.u32 s3, v19  }
0xce: {  	v44 =	vld.idx.msk [tilespmem:v39+s17+$0x0], $0xffff  }
0xcf: {  	v33 =	vadd.f32 v34, v33;
	v34 =	vmul.f32 v35, v42;
	v35 =	vld.idx.msk [tilespmem:v39+s18+$0x0], $0xffff;
	v39 =	vor.u32 s3, v21  }
0xd0: {  	v42 =	vld.idx.msk [tilespmem:v37+s17+$0x0], $0xffff  }
0xd1: {  	v33 =	vadd.f32 v34, v33;
	v34 =	vmul.f32 v36, v41;
	v36 =	vld.idx.msk [tilespmem:v37+s18+$0x0], $0xffff;
	v37 =	vor.u32 s3, v23  }
0xd2: {  	v41 =	vld.idx.msk [tilespmem:v40+s17+$0x0], $0xffff  }
0xd3: {  	v33 =	vadd.f32 v34, v33;
	v34 =	vmul.f32 v38, v43;
	v38 =	vld.idx.msk [tilespmem:v40+s18+$0x0], $0xffff;
	v40 =	vor.u32 s3, v25  }
0xd4: {  	v43 =	vld.idx.msk [tilespmem:v39+s17+$0x0], $0xffff  }
0xd5: {  	v33 =	vadd.f32 v34, v33;
	v34 =	vmul.f32 v35, v44;
	v39 =	vld.idx.msk [tilespmem:v39+s18+$0x0], $0xffff;
	v44 =	vor.u32 s3, v26  }
0xd6: {  	v45 =	vld.idx.msk [tilespmem:v37+s17+$0x0], $0xffff  }
0xd7: {  	v46 =	vor.u32 s3, v27;
	v35 =	vmul.f32 v36, v42;
	v33 =	vadd.f32 v34, v33;
	v36 =	vld.idx.msk [tilespmem:v37+s18+$0x0], $0xffff  }
0xd8: {  	v34 =	vld.idx.msk [tilespmem:v40+s17+$0x0], $0xffff  }
0xd9: {  	v37 =	vor.u32 s3, v29;
	v41 =	vmul.f32 v38, v41;
	v33 =	vadd.f32 v35, v33;
	v38 =	vld.idx.msk [tilespmem:v40+s18+$0x0], $0xffff  }
.Ltmp2:
0xda: {  	v35 =	vld.idx.msk [tilespmem:v44+s17+$0x0], $0xffff;
	(pc) =	sbr.rel @p1 .LBB2_4-.Ltmp2, $4  }
0xdb: {  	v42 =	vor.u32 s3, v30;
	v43 =	vmul.f32 v39, v43;
	v41 =	vadd.f32 v41, v33;
	v39 =	vld.idx.msk [tilespmem:v44+s18+$0x0], $0xffff  }
0xdc: {  	v33 =	vld.idx.msk [tilespmem:v46+s17+$0x0], $0xffff  }
0xdd: {  	v40 =	vor.u32 s7, v32;
	v44 =	vmul.f32 v36, v45;
	v43 =	vadd.f32 v43, v41;
	v41 =	vld.idx.msk [tilespmem:v46+s18+$0x0], $0xffff  }
0xde: {  	s7 =	sadd.s32 $0x20, s7;
	v36 =	vld.idx.msk [tilespmem:v37+s17+$0x0], $0xffff  }
0xdf: {  	_ =	sdelay $0x2  }
0xe0: {  	v43 =	vadd.f32 v44, v43;
	v34 =	vmul.f32 v38, v34  }
0xe1: {  	v62 =	vor.u32 s8, v31;
	v37 =	vld.idx.msk [tilespmem:v37+s18+$0x0], $0xffff  }
0xe2: {  	v63 =	vld.idx.msk [tilespmem:v42+s17+$0x0], $0xffff;
	v35 =	vmul.f32 v39, v35;
	v34 =	vadd.f32 v34, v43  }
0xe3: {  	v46 =	vor.u32 s8, v28;
	v47 =	vld.idx.msk [tilespmem:v42+s18+$0x0], $0xffff  }
0xe4: {  	v48 =	vld.idx.msk [tilespmem:v40+s17+$0x0], $0xffff;
	v33 =	vmul.f32 v41, v33;
	v34 =	vadd.f32 v35, v34  }
0xe5: {  	v49 =	vld.idx.msk [tilespmem:v40+s18+$0x0], $0xffff;
	v50 =	vor.u32 s8, v24  }
0xe6: {  	v51 =	vld.idx.msk [tilespmem:v62+s17+$0x0], $0xffff;
	v52 =	vmul.f32 v37, v36;
	v33 =	vadd.f32 v33, v34  }
0xe7: {  	v54 =	vor.u32 s8, v22;
	v53 =	vld.idx.msk [tilespmem:v62+s18+$0x0], $0xffff  }
0xe8: {  	v55 =	vld.idx.msk [tilespmem:v46+s17+$0x0], $0xffff;
	v56 =	vmul.f32 v47, v63;
	v33 =	vadd.f32 v52, v33  }
0xe9: {  	v57 =	vor.u32 s8, v20;
	v39 =	vld.idx.msk [tilespmem:v46+s18+$0x0], $0xffff  }
0xea: {  	v58 =	vld.idx.msk [tilespmem:v50+s17+$0x0], $0xffff;
	v35 =	vmul.f32 v49, v48;
	v33 =	vadd.f32 v56, v33  }
0xeb: {  	v60 =	vor.u32 s8, v18;
	v59 =	vld.idx.msk [tilespmem:v50+s18+$0x0], $0xffff  }
0xec: {  	v61 =	vld.idx.msk [tilespmem:v54+s17+$0x0], $0xffff;
	v62 =	vmul.f32 v53, v51;
	v33 =	vadd.f32 v35, v33  }
0xed: {  	v63 =	vld.idx.msk [tilespmem:v54+s18+$0x0], $0xffff;
	v48 =	vor.u32 s8, v17  }
0xee: {  	v49 =	vld.idx.msk [tilespmem:v57+s17+$0x0], $0xffff;
	v50 =	vmul.f32 v39, v55;
	v33 =	vadd.f32 v62, v33  }
0xef: {  	v52 =	vor.u32 s8, v19;
	v51 =	vld.idx.msk [tilespmem:v57+s18+$0x0], $0xffff  }
0xf0: {  	v54 =	vld.idx.msk [tilespmem:v60+s18+$0x0], $0xffff;
	v34 =	vmul.f32 v59, v58;
	v33 =	vadd.f32 v50, v33  }
0xf1: {  	v53 =	vld.idx.msk [tilespmem:v60+s17+$0x0], $0xffff;
	v55 =	vor.u32 s8, v21  }
0xf2: {  	v56 =	vld.idx.msk [tilespmem:v48+s17+$0x0], $0xffff;
	v57 =	vmul.f32 v63, v61;
	v33 =	vadd.f32 v34, v33  }
0xf3: {  	v58 =	vld.idx.msk [tilespmem:v48+s18+$0x0], $0xffff;
	v59 =	vor.u32 s8, v23  }
0xf4: {  	v60 =	vld.idx.msk [tilespmem:v52+s17+$0x0], $0xffff;
	v61 =	vmul.f32 v51, v49;
	v33 =	vadd.f32 v57, v33  }
0xf5: {  	v63 =	vor.u32 s8, v25;
	v62 =	vld.idx.msk [tilespmem:v52+s18+$0x0], $0xffff  }
0xf6: {  	v48 =	vld.idx.msk [tilespmem:v55+s17+$0x0], $0xffff;
	v49 =	vmul.f32 v54, v53;
	v33 =	vadd.f32 v61, v33  }
0xf7: {  	v51 =	vor.u32 s8, v26;
	v50 =	vld.idx.msk [tilespmem:v55+s18+$0x0], $0xffff  }
0xf8: {  	v52 =	vld.idx.msk [tilespmem:v59+s17+$0x0], $0xffff;
	v53 =	vmul.f32 v58, v56;
	v33 =	vadd.f32 v49, v33  }
0xf9: {  	v54 =	vld.idx.msk [tilespmem:v59+s18+$0x0], $0xffff;
	v55 =	vor.u32 s8, v27  }
0xfa: {  	v56 =	vld.idx.msk [tilespmem:v63+s17+$0x0], $0xffff;
	v57 =	vmul.f32 v62, v60;
	v33 =	vadd.f32 v53, v33  }
0xfb: {  	v58 =	vld.idx.msk [tilespmem:v63+s18+$0x0], $0xffff;
	v59 =	vor.u32 s8, v29  }
0xfc: {  	v60 =	vld.idx.msk [tilespmem:v51+s17+$0x0], $0xffff;
	v61 =	vmul.f32 v50, v48;
	v33 =	vadd.f32 v57, v33  }
0xfd: {  	v63 =	vor.u32 s8, v30;
	v62 =	vld.idx.msk [tilespmem:v51+s18+$0x0], $0xffff  }
0xfe: {  	s3 =	sadd.s32 $0x10, s8;
	v46 =	vmul.f32 v54, v52;
	v45 =	vld.idx.msk [tilespmem:v55+s17+$0x0], $0xffff;
	v33 =	vadd.f32 v61, v33  }
0xff: {  	v32 =	vor.u32 s3, v32;
	v47 =	vld.idx.msk [tilespmem:v55+s18+$0x0], $0xffff  }
0x100: {  	v48 =	vld.idx.msk [tilespmem:v59+s17+$0x0], $0xffff;
	v49 =	vmul.f32 v58, v56;
	v33 =	vadd.f32 v46, v33  }
0x101: {  	v51 =	vor.u32 s3, v31;
	v50 =	vld.idx.msk [tilespmem:v59+s18+$0x0], $0xffff  }
0x102: {  	v52 =	vld.idx.msk [tilespmem:v63+s17+$0x0], $0xffff;
	v53 =	vmul.f32 v62, v60;
	v33 =	vadd.f32 v49, v33  }
0x103: {  	v54 =	vld.idx.msk [tilespmem:v63+s18+$0x0], $0xffff;
	v55 =	vor.u32 s3, v28  }
0x104: {  	v56 =	vld.idx.msk [tilespmem:v32+s17+$0x0], $0xffff;
	v57 =	vmul.f32 v47, v45;
	v33 =	vadd.f32 v53, v33  }
0x105: {  	v32 =	vld.idx.msk [tilespmem:v32+s18+$0x0], $0xffff;
	v58 =	vor.u32 s3, v24  }
0x106: {  	v59 =	vld.idx.msk [tilespmem:v51+s17+$0x0], $0xffff;
	v60 =	vmul.f32 v50, v48;
	v33 =	vadd.f32 v57, v33  }
0x107: {  	v31 =	vld.idx.msk [tilespmem:v51+s18+$0x0], $0xffff;
	v61 =	vor.u32 s3, v22  }
0x108: {  	v63 =	vmul.f32 v54, v52;
	v62 =	vld.idx.msk [tilespmem:v55+s17+$0x0], $0xffff;
	v33 =	vadd.f32 v60, v33  }
0x109: {  	v38 =	vor.u32 s3, v20;
	v28 =	vld.idx.msk [tilespmem:v55+s18+$0x0], $0xffff  }
0x10a: {  	v39 =	vld.idx.msk [tilespmem:v58+s17+$0x0], $0xffff;
	v32 =	vmul.f32 v32, v56;
	v33 =	vadd.f32 v63, v33  }
0x10b: {  	v18 =	vor.u32 s3, v18;
	v24 =	vld.idx.msk [tilespmem:v58+s18+$0x0], $0xffff  }
0x10c: {  	v31 =	vmul.f32 v31, v59;
	v41 =	vld.idx.msk [tilespmem:v61+s17+$0x0], $0xffff;
	v32 =	vadd.f32 v32, v33  }
0x10d: {  	v17 =	vor.u32 s3, v17;
	v22 =	vld.idx.msk [tilespmem:v61+s18+$0x0], $0xffff  }
0x10e: {  	v42 =	vld.idx.msk [tilespmem:v38+s17+$0x0], $0xffff;
	v28 =	vmul.f32 v28, v62;
	v31 =	vadd.f32 v31, v32  }
0x10f: {  	v20 =	vld.idx.msk [tilespmem:v38+s18+$0x0], $0xffff;
	v19 =	vor.u32 s3, v19  }
0x110: {  	v43 =	vld.idx.msk [tilespmem:v18+s17+$0x0], $0xffff;
	v24 =	vmul.f32 v24, v39;
	v28 =	vadd.f32 v28, v31  }
0x111: {  	v44 =	vor.u32 s3, v21;
	v18 =	vld.idx.msk [tilespmem:v18+s18+$0x0], $0xffff  }
0x112: {  	v45 =	vld.idx.msk [tilespmem:v17+s17+$0x0], $0xffff;
	v22 =	vmul.f32 v22, v41;
	v24 =	vadd.f32 v24, v28  }
0x113: {  	v17 =	vld.idx.msk [tilespmem:v17+s18+$0x0], $0xffff;
	v46 =	vor.u32 s3, v23  }
0x114: {  	v20 =	vmul.f32 v20, v42;
	v47 =	vld.idx.msk [tilespmem:v19+s17+$0x0], $0xffff;
	v22 =	vadd.f32 v22, v24  }
0x115: {  	v48 =	vor.u32 s3, v25;
	v19 =	vld.idx.msk [tilespmem:v19+s18+$0x0], $0xffff  }
0x116: {  	v21 =	vld.idx.msk [tilespmem:v44+s18+$0x0], $0xffff;
	v18 =	vmul.f32 v18, v43;
	v20 =	vadd.f32 v20, v22  }
0x117: {  	v50 =	vor.u32 s3, v26;
	v49 =	vld.idx.msk [tilespmem:v44+s17+$0x0], $0xffff  }
0x118: {  	v17 =	vmul.f32 v17, v45;
	v51 =	vld.idx.msk [tilespmem:v46+s17+$0x0], $0xffff;
	v18 =	vadd.f32 v18, v20  }
0x119: {  	v53 =	vor.u32 s3, v27;
	v52 =	vld.idx.msk [tilespmem:v46+s18+$0x0], $0xffff  }
0x11a: {  	v54 =	vld.idx.msk [tilespmem:v48+s17+$0x0], $0xffff;
	v17 =	vadd.f32 v17, v18;
	v18 =	vmul.f32 v19, v47  }
0x11b: {  	v55 =	vor.u32 s3, v29;
	v19 =	vld.idx.msk [tilespmem:v48+s18+$0x0], $0xffff  }
0x11c: {  	v56 =	vld.idx.msk [tilespmem:v50+s17+$0x0], $0xffff;
	v17 =	vadd.f32 v18, v17;
	v18 =	vmul.f32 v21, v49  }
0x11d: {  	v58 =	vor.u32 s3, v30;
	v57 =	vld.idx.msk [tilespmem:v50+s18+$0x0], $0xffff  }
0x11e: {  	v59 =	vld.idx.msk [tilespmem:v53+s17+$0x0], $0xffff;
	v17 =	vadd.f32 v18, v17;
	v18 =	vmul.f32 v52, v51  }
0x11f: {  	v60 =	vld.idx.msk [tilespmem:v53+s18+$0x0], $0xffff  }
0x120: {  	v61 =	vld.idx.msk [tilespmem:v55+s17+$0x0], $0xffff;
	v17 =	vadd.f32 v18, v17;
	v18 =	vmul.f32 v19, v54  }
0x121: {  	v19 =	vld.idx.msk [tilespmem:v55+s18+$0x0], $0xffff  }
0x122: {  	v62 =	vld.idx.msk [tilespmem:v58+s17+$0x0], $0xffff;
	v17 =	vadd.f32 v18, v17;
	v18 =	vmul.f32 v57, v56  }
0x123: {  	v63 =	vld.idx.msk [tilespmem:v58+s18+$0x0], $0xffff  }
0x124: {  	v17 =	vadd.f32 v18, v17;
	v18 =	vmul.f32 v60, v59;
	_ =	sdelay $0x1  }
0x125: {  	v17 =	vadd.f32 v18, v17;
	v18 =	vmul.f32 v19, v61;
	_ =	sdelay $0x1  }
0x126: {  	v17 =	vadd.f32 v18, v17;
	v18 =	vmul.f32 v63, v62;
	_ =	sdelay $0x1  }
0x127: {  	v17 =	vadd.f32 v18, v17;
	_ =	sdelay $0x1  }
0x128: {  	v17 =	vsub.f32 $0.0e+00, v17;
	_ =	sdelay $0x1  }
0x129: {  	v17 =	vmul.f32 $1.442695020e+00, v17;
	_ =	sdelay $0x1  }
0x12a: {  	(erf) = vpow2.f32 v17;
	_ =	sdelay $0x8  }
0x12b: {  	v17 =	vpop (erf)  }
0x12c: {  	v17 =	vadd.f32 $1.000000000e+00, v17;
	_ =	sdelay $0x1  }
0x12d: {  	(erf) = vrcp.f32 v17;
	_ =	sdelay $0x3  }
0x12e: {  	s29 =	sadd.s32 $0x1, s29  }
0x12f: {  	p1 =	sne.s32 s29, $0x5  }
.Ltmp3:
0x130: {  	_ = 	snop;
	(pc) =	sbr.rel @p1 .LBB2_3-.Ltmp3, $3  }
0x131: {  	_ =	sdelay $0x1  }
0x132: {  	v17 =	vpop (erf)  }
0x133: {  	[tilespmem:s0+$0x1DF00] =	vst v17  }
0x134: {  	s24 =	smul.u32 $0x190, s13;
	_ =	sdelay $0x1  }
0x135: {  	s0 =	sadd.s32 s10, s24  }
0x136: {  	s0 =	sshrl.u32 s0, $0x3  }
0x137: {  	s3 =	simm.s32 $0x1DF00;
	p1 =	seq.s32 s13, $0x18;
	s0 =	sadd.s32 s5, s0  }
0x138: {  	[hbm4b:s0+s6] =	stream.linear.scatter [tilespmem:s3], [sflag:$0x6], $0x50, $0x38;
	[tilespmem:$0x1E180] =	vst v63  }
0x139: {  	s7 =	simm.s32 @!p1 $0x4F00;
	s0 =	sadd.s32 @!p1 $0x190, s24;
	s3 =	simm.s32 @!p1 $0x50  }
0x13a: {  	[tilespmem:s7], [sflag:$0x1] =	stream.indirect.gather @!p1 [hbm4b:s1+s3], $0x80, s0, s3, $0xb8;
	[tilespmem:$0x1E180] =	vst v63  }
0x13b: {  	s0 =	sadd.s32 @!p1 $0x2910, s24;
	s7 =	simm.s32 @!p1 $0x11700  }
0x13c: {  	[tilespmem:s7], [sflag:$0x1] =	stream.indirect.gather @!p1 [hbm4b:s2+s3], $0x80, s0, s3, $0xb8;
	[tilespmem:$0x1E180] =	vst v63  }
0x13d: {  	_ =	swait.ge [sflag:s26], $0x2800  }
0x13e: {  	[sflag:s26] =	ssyncset.done $0x0  }
0x13f: {  	[sflag:s26] =	ssyncadd.s32 $0xFFFFD800  }
0x140: {  	_ =	swait.ge [sflag:s26], $0x2800  }
0x141: {  	[sflag:s26] =	ssyncset.done $0x0  }
0x142: {  	s0 =	simm.s32 @!p0 $0x7;
	[sflag:s26] =	ssyncadd.s32 $0xFFFFD800  }
0x143: {  	_ =	swait.ge @!p0 [sflag:s0], $0x50  }
0x144: {  	[sflag:s0] =	ssyncset.done @!p0 $0x0  }
0x145: {  	s29 =	simm.s32 $0x0;
	[sflag:s0] =	ssyncadd.s32 @!p0 $0xFFFFFFB0;
	s0 =	simm.s32 $0x0  }
.LBB2_7:
0x146: {  	s8 =	sshll.u32 s0, $0x4  }
0x147: {  	v17 =	vmov s8  }
0x148: {  	v17 =	vshll.u32 v17, $0x7  }
0x149: {  	v30 =	vor.u32 v1, v17  }
0x14a: {  	v32 =	vor.u32 v0, v30  }
0x14b: {  	v17 =	vor.u32 s29, v32  }
0x14c: {  	v31 =	vor.u32 v2, v30  }
0x14d: {  	v18 =	vor.u32 s29, v31  }
0x14e: {  	v28 =	vor.u32 v3, v30  }
0x14f: {  	v19 =	vor.u32 s29, v28  }
0x150: {  	v22 =	vor.u32 v5, v30;
	v21 =	vld.idx.msk [tilespmem:v17+s19+$0x0], $0xffff  }
0x151: {  	v27 =	vor.u32 s29, v22;
	v23 =	vld.idx.msk [tilespmem:v17+s21+$0x0], $0xffff  }
0x152: {  	v24 =	vor.u32 v4, v30;
	v25 =	vld.idx.msk [tilespmem:v18+s19+$0x0], $0xffff  }
0x153: {  	v17 =	vor.u32 s29, v24;
	v26 =	vld.idx.msk [tilespmem:v18+s21+$0x0], $0xffff  }
0x154: {  	v20 =	vor.u32 v6, v30;
	v29 =	vld.idx.msk [tilespmem:v19+s19+$0x0], $0xffff  }
0x155: {  	v34 =	vor.u32 s29, v20;
	v33 =	vld.idx.msk [tilespmem:v19+s21+$0x0], $0xffff  }
0x156: {  	v18 =	vor.u32 v8, v30;
	v38 =	vld.idx.msk [tilespmem:v27+s19+$0x0], $0xffff  }
0x157: {  	v27 =	vld.idx.msk [tilespmem:v27+s21+$0x0], $0xffff;
	v37 =	vor.u32 s29, v18  }
0x158: {  	v19 =	vor.u32 v7, v30;
	v35 =	vld.idx.msk [tilespmem:v17+s19+$0x0], $0xffff;
	v21 =	vmul.f32 v23, v21  }
0x159: {  	v36 =	vld.idx.msk [tilespmem:v17+s21+$0x0], $0xffff;
	v23 =	vimm.f32 $0.0e+00;
	v25 =	vmul.f32 v26, v25;
	v26 =	vor.u32 s29, v19  }
0x15a: {  	v40 =	vld.idx.msk [tilespmem:v34+s19+$0x0], $0xffff;
	v17 =	vor.u32 v9, v30;
	v23 =	vadd.f32 v21, v23  }
0x15b: {  	v34 =	vld.idx.msk [tilespmem:v34+s21+$0x0], $0xffff;
	v39 =	vor.u32 s29, v17  }
0x15c: {  	v29 =	vmul.f32 v33, v29;
	v59 =	vld.idx.msk [tilespmem:v37+s19+$0x0], $0xffff;
	v25 =	vadd.f32 v25, v23  }
0x15d: {  	v37 =	vld.idx.msk [tilespmem:v37+s21+$0x0], $0xffff;
	v21 =	vor.u32 v10, v30  }
0x15e: {  	v41 =	vor.u32 s29, v21;
	v35 =	vmul.f32 v36, v35;
	v61 =	vld.idx.msk [tilespmem:v26+s19+$0x0], $0xffff;
	v29 =	vadd.f32 v29, v25  }
0x15f: {  	v23 =	vor.u32 v11, v30;
	v62 =	vld.idx.msk [tilespmem:v26+s21+$0x0], $0xffff  }
0x160: {  	v27 =	vmul.f32 v27, v38;
	v42 =	vor.u32 s29, v23;
	v60 =	vld.idx.msk [tilespmem:v39+s19+$0x0], $0xffff;
	v29 =	vadd.f32 v35, v29  }
0x161: {  	v34 =	vmul.f32 v34, v40;
	v26 =	vor.u32 v13, v30;
	v39 =	vld.idx.msk [tilespmem:v39+s21+$0x0], $0xffff  }
0x162: {  	v25 =	vor.u32 v12, v30;
	v44 =	vor.u32 s29, v26;
	v29 =	vadd.f32 v27, v29  }
0x163: {  	v43 =	vor.u32 s29, v25;
	v63 =	vld.idx.msk [tilespmem:v41+s19+$0x0], $0xffff  }
0x164: {  	v33 =	vmul.f32 v37, v59;
	v41 =	vld.idx.msk [tilespmem:v41+s21+$0x0], $0xffff;
	v34 =	vadd.f32 v34, v29  }
0x165: {  	v27 =	vor.u32 v14, v30;
	v48 =	vld.idx.msk [tilespmem:v42+s19+$0x0], $0xffff  }
0x166: {  	v42 =	vld.idx.msk [tilespmem:v42+s21+$0x0], $0xffff;
	v45 =	vor.u32 s29, v27;
	v49 =	vmul.f32 v39, v60;
	v33 =	vadd.f32 v33, v34  }
0x167: {  	v54 =	vld.idx.msk [tilespmem:v44+s19+$0x0], $0xffff;
	v29 =	vor.u32 v15, v30  }
0x168: {  	v53 =	vmul.f32 v62, v61;
	v50 =	vld.idx.msk [tilespmem:v43+s19+$0x0], $0xffff;
	v52 =	vor.u32 s29, v29;
	v33 =	vadd.f32 v49, v33  }
0x169: {  	v51 =	vld.idx.msk [tilespmem:v43+s21+$0x0], $0xffff;
	v30 =	vor.u32 v16, v30  }
0x16a: {  	v55 =	vld.idx.msk [tilespmem:v44+s21+$0x0], $0xffff;
	v56 =	vor.u32 s29, v30;
	v57 =	vmul.f32 v41, v63;
	v33 =	vadd.f32 v53, v33  }
0x16b: {  	s3 =	simm.s32 $0x10;
	v58 =	vld.idx.msk [tilespmem:v45+s19+$0x0], $0xffff  }
0x16c: {  	v60 =	vor.u32 s3, v32;
	v61 =	vmul.f32 v42, v48;
	v59 =	vld.idx.msk [tilespmem:v45+s21+$0x0], $0xffff;
	v33 =	vadd.f32 v57, v33  }
0x16d: {  	v62 =	vld.idx.msk [tilespmem:v52+s19+$0x0], $0xffff  }
0x16e: {  	v48 =	vor.u32 s3, v31;
	v49 =	vmul.f32 v51, v50;
	v63 =	vld.idx.msk [tilespmem:v52+s21+$0x0], $0xffff;
	v33 =	vadd.f32 v61, v33  }
0x16f: {  	v50 =	vld.idx.msk [tilespmem:v56+s19+$0x0], $0xffff  }
0x170: {  	v51 =	vld.idx.msk [tilespmem:v56+s21+$0x0], $0xffff;
	v52 =	vor.u32 s3, v28;
	v53 =	vmul.f32 v55, v54;
	v33 =	vadd.f32 v49, v33  }
0x171: {  	v54 =	vld.idx.msk [tilespmem:v60+s19+$0x0], $0xffff  }
0x172: {  	v55 =	vld.idx.msk [tilespmem:v60+s21+$0x0], $0xffff;
	v56 =	vor.u32 s3, v24;
	v57 =	vmul.f32 v59, v58;
	v33 =	vadd.f32 v53, v33  }
0x173: {  	v58 =	vld.idx.msk [tilespmem:v48+s19+$0x0], $0xffff  }
0x174: {  	v60 =	vor.u32 s3, v22;
	v59 =	vld.idx.msk [tilespmem:v48+s21+$0x0], $0xffff;
	v61 =	vmul.f32 v63, v62;
	v33 =	vadd.f32 v57, v33  }
0x175: {  	v62 =	vld.idx.msk [tilespmem:v52+s19+$0x0], $0xffff  }
0x176: {  	v48 =	vor.u32 s3, v20;
	v63 =	vld.idx.msk [tilespmem:v52+s21+$0x0], $0xffff;
	v49 =	vmul.f32 v51, v50;
	v33 =	vadd.f32 v61, v33  }
0x177: {  	v50 =	vld.idx.msk [tilespmem:v56+s19+$0x0], $0xffff  }
0x178: {  	v52 =	vor.u32 s3, v18;
	v51 =	vld.idx.msk [tilespmem:v56+s21+$0x0], $0xffff;
	v53 =	vmul.f32 v55, v54;
	v33 =	vadd.f32 v49, v33  }
0x179: {  	v54 =	vld.idx.msk [tilespmem:v60+s19+$0x0], $0xffff  }
0x17a: {  	v55 =	vld.idx.msk [tilespmem:v60+s21+$0x0], $0xffff;
	v60 =	vor.u32 s3, v19;
	v57 =	vmul.f32 v59, v58;
	v33 =	vadd.f32 v53, v33  }
0x17b: {  	v56 =	vor.u32 s3, v17;
	v58 =	vld.idx.msk [tilespmem:v48+s19+$0x0], $0xffff  }
0x17c: {  	v59 =	vld.idx.msk [tilespmem:v48+s21+$0x0], $0xffff;
	v61 =	vmul.f32 v63, v62;
	v33 =	vadd.f32 v57, v33  }
0x17d: {  	v48 =	vor.u32 s3, v21;
	v62 =	vld.idx.msk [tilespmem:v52+s19+$0x0], $0xffff  }
0x17e: {  	v63 =	vld.idx.msk [tilespmem:v52+s21+$0x0], $0xffff;
	v49 =	vmul.f32 v51, v50;
	v33 =	vadd.f32 v61, v33  }
0x17f: {  	v52 =	vor.u32 s3, v23;
	v44 =	vld.idx.msk [tilespmem:v60+s21+$0x0], $0xffff  }
0x180: {  	v50 =	vld.idx.msk [tilespmem:v56+s19+$0x0], $0xffff;
	v53 =	vmul.f32 v55, v54;
	v33 =	vadd.f32 v49, v33  }
0x181: {  	v51 =	vld.idx.msk [tilespmem:v56+s21+$0x0], $0xffff  }
0x182: {  	v56 =	vmul.f32 v59, v58;
	v58 =	vld.idx.msk [tilespmem:v48+s21+$0x0], $0xffff;
	v59 =	vor.u32 s3, v26;
	v33 =	vadd.f32 v53, v33  }
0x183: {  	v54 =	vld.idx.msk [tilespmem:v60+s19+$0x0], $0xffff;
	v55 =	vor.u32 s3, v25  }
0x184: {  	v60 =	vmul.f32 v63, v62;
	v46 =	vld.idx.msk [tilespmem:v52+s19+$0x0], $0xffff;
	v33 =	vadd.f32 v56, v33  }
0x185: {  	v57 =	vld.idx.msk [tilespmem:v48+s19+$0x0], $0xffff  }
0x186: {  	v47 =	vld.idx.msk [tilespmem:v52+s21+$0x0], $0xffff;
	v36 =	vmul.f32 v51, v50;
	v61 =	vor.u32 s3, v27;
	v33 =	vadd.f32 v60, v33  }
0x187: {  	v35 =	vld.idx.msk [tilespmem:v59+s19+$0x0], $0xffff  }
0x188: {  	v37 =	vor.u32 s3, v29;
	v34 =	vld.idx.msk [tilespmem:v55+s19+$0x0], $0xffff;
	v62 =	vmul.f32 v44, v54;
	v33 =	vadd.f32 v36, v33  }
0x189: {  	v38 =	vld.idx.msk [tilespmem:v55+s21+$0x0], $0xffff  }
0x18a: {  	v42 =	vor.u32 s3, v30;
	v39 =	vld.idx.msk [tilespmem:v59+s21+$0x0], $0xffff;
	v63 =	vmul.f32 v58, v57;
	v36 =	vadd.f32 v62, v33  }
0x18b: {  	s7 =	simm.s32 $0x20;
	v41 =	vld.idx.msk [tilespmem:v61+s21+$0x0], $0xffff  }
0x18c: {  	v40 =	vor.u32 s7, v32;
	v44 =	vmul.f32 v47, v46;
	v33 =	vld.idx.msk [tilespmem:v61+s19+$0x0], $0xffff;
	v43 =	vadd.f32 v63, v36  }
0x18d: {  	s3 =	simm.s32 $0x40;
	v36 =	vld.idx.msk [tilespmem:v37+s19+$0x0], $0xffff  }
.LBB2_8:
0x18e: {  	p2 =	sne.s32 s3, $0x60;
	v45 =	vor.u32 s7, v31;
	v43 =	vadd.f32 v44, v43;
	v34 =	vmul.f32 v38, v34;
	v37 =	vld.idx.msk [tilespmem:v37+s21+$0x0], $0xffff  }
0x18f: {  	v38 =	vld.idx.msk [tilespmem:v42+s19+$0x0], $0xffff  }
0x190: {  	v44 =	vor.u32 s7, v28;
	v35 =	vmul.f32 v39, v35;
	v34 =	vadd.f32 v34, v43;
	v39 =	vld.idx.msk [tilespmem:v42+s21+$0x0], $0xffff  }
0x191: {  	v42 =	vld.idx.msk [tilespmem:v40+s19+$0x0], $0xffff  }
0x192: {  	v43 =	vor.u32 s7, v24;
	v33 =	vmul.f32 v41, v33;
	v40 =	vld.idx.msk [tilespmem:v40+s21+$0x0], $0xffff;
	v34 =	vadd.f32 v35, v34  }
0x193: {  	v35 =	vld.idx.msk [tilespmem:v45+s19+$0x0], $0xffff  }
0x194: {  	v41 =	vld.idx.msk [tilespmem:v45+s21+$0x0], $0xffff;
	v45 =	vor.u32 s7, v22;
	v33 =	vadd.f32 v33, v34;
	v34 =	vmul.f32 v37, v36  }
0x195: {  	v36 =	vld.idx.msk [tilespmem:v44+s19+$0x0], $0xffff  }
0x196: {  	v37 =	vld.idx.msk [tilespmem:v44+s21+$0x0], $0xffff;
	v44 =	vor.u32 s7, v20;
	v33 =	vadd.f32 v34, v33;
	v34 =	vmul.f32 v39, v38  }
0x197: {  	v38 =	vld.idx.msk [tilespmem:v43+s19+$0x0], $0xffff  }
0x198: {  	v39 =	vmul.f32 v40, v42;
	v42 =	vor.u32 s7, v18;
	v40 =	vld.idx.msk [tilespmem:v43+s21+$0x0], $0xffff;
	v33 =	vadd.f32 v34, v33  }
0x199: {  	v34 =	vld.idx.msk [tilespmem:v45+s19+$0x0], $0xffff  }
0x19a: {  	v35 =	vmul.f32 v41, v35;
	v41 =	vor.u32 s7, v17;
	v33 =	vadd.f32 v39, v33;
	v39 =	vld.idx.msk [tilespmem:v45+s21+$0x0], $0xffff  }
0x19b: {  	v43 =	vld.idx.msk [tilespmem:v44+s19+$0x0], $0xffff  }
0x19c: {  	v33 =	vadd.f32 v35, v33;
	v35 =	vmul.f32 v37, v36;
	v36 =	vld.idx.msk [tilespmem:v44+s21+$0x0], $0xffff;
	v37 =	vor.u32 s7, v19  }
0x19d: {  	v44 =	vld.idx.msk [tilespmem:v42+s19+$0x0], $0xffff  }
0x19e: {  	v33 =	vadd.f32 v35, v33;
	v35 =	vmul.f32 v40, v38;
	v38 =	vld.idx.msk [tilespmem:v42+s21+$0x0], $0xffff;
	v40 =	vor.u32 s7, v21  }
0x19f: {  	v42 =	vld.idx.msk [tilespmem:v41+s19+$0x0], $0xffff  }
0x1a0: {  	v34 =	vmul.f32 v39, v34;
	v39 =	vor.u32 s7, v23;
	v33 =	vadd.f32 v35, v33;
	v35 =	vld.idx.msk [tilespmem:v41+s21+$0x0], $0xffff  }
0x1a1: {  	v41 =	vld.idx.msk [tilespmem:v37+s19+$0x0], $0xffff  }
0x1a2: {  	v33 =	vadd.f32 v34, v33;
	v34 =	vmul.f32 v36, v43;
	v36 =	vld.idx.msk [tilespmem:v37+s21+$0x0], $0xffff;
	v37 =	vor.u32 s7, v25  }
0x1a3: {  	v43 =	vld.idx.msk [tilespmem:v40+s19+$0x0], $0xffff  }
0x1a4: {  	v33 =	vadd.f32 v34, v33;
	v34 =	vmul.f32 v38, v44;
	v38 =	vld.idx.msk [tilespmem:v40+s21+$0x0], $0xffff;
	v40 =	vor.u32 s7, v26  }
0x1a5: {  	v44 =	vld.idx.msk [tilespmem:v39+s19+$0x0], $0xffff  }
0x1a6: {  	v33 =	vadd.f32 v34, v33;
	v34 =	vmul.f32 v35, v42;
	v35 =	vld.idx.msk [tilespmem:v39+s21+$0x0], $0xffff;
	v39 =	vor.u32 s7, v27  }
0x1a7: {  	v42 =	vld.idx.msk [tilespmem:v37+s19+$0x0], $0xffff  }
0x1a8: {  	v33 =	vadd.f32 v34, v33;
	v34 =	vmul.f32 v36, v41;
	v36 =	vld.idx.msk [tilespmem:v37+s21+$0x0], $0xffff;
	v37 =	vor.u32 s7, v29  }
0x1a9: {  	v41 =	vld.idx.msk [tilespmem:v40+s19+$0x0], $0xffff  }
0x1aa: {  	v33 =	vadd.f32 v34, v33;
	v34 =	vmul.f32 v38, v43;
	v38 =	vld.idx.msk [tilespmem:v40+s21+$0x0], $0xffff;
	v40 =	vor.u32 s7, v30  }
0x1ab: {  	s9 =	sadd.s32 $0x10, s7;
	s7 =	smov.u32 s3;
	v43 =	vld.idx.msk [tilespmem:v39+s19+$0x0], $0xffff  }
0x1ac: {  	v33 =	vadd.f32 v34, v33;
	v34 =	vmul.f32 v35, v44;
	v35 =	vld.idx.msk [tilespmem:v39+s21+$0x0], $0xffff;
	v39 =	vor.u32 s9, v32  }
0x1ad: {  	v44 =	vld.idx.msk [tilespmem:v37+s19+$0x0], $0xffff  }
0x1ae: {  	v33 =	vadd.f32 v34, v33;
	v34 =	vmul.f32 v36, v42;
	v36 =	vld.idx.msk [tilespmem:v37+s21+$0x0], $0xffff;
	v37 =	vor.u32 s9, v31  }
0x1af: {  	v42 =	vld.idx.msk [tilespmem:v40+s19+$0x0], $0xffff  }
0x1b0: {  	v33 =	vadd.f32 v34, v33;
	v34 =	vmul.f32 v38, v41;
	v38 =	vld.idx.msk [tilespmem:v40+s21+$0x0], $0xffff;
	v40 =	vor.u32 s9, v28  }
0x1b1: {  	v41 =	vld.idx.msk [tilespmem:v39+s19+$0x0], $0xffff  }
0x1b2: {  	v33 =	vadd.f32 v34, v33;
	v34 =	vmul.f32 v35, v43;
	v35 =	vld.idx.msk [tilespmem:v39+s21+$0x0], $0xffff;
	v39 =	vor.u32 s9, v24  }
0x1b3: {  	v43 =	vld.idx.msk [tilespmem:v37+s19+$0x0], $0xffff  }
0x1b4: {  	v33 =	vadd.f32 v34, v33;
	v34 =	vmul.f32 v36, v44;
	v36 =	vld.idx.msk [tilespmem:v37+s21+$0x0], $0xffff;
	v37 =	vor.u32 s9, v22  }
0x1b5: {  	v44 =	vld.idx.msk [tilespmem:v40+s19+$0x0], $0xffff  }
0x1b6: {  	v33 =	vadd.f32 v34, v33;
	v34 =	vmul.f32 v38, v42;
	v38 =	vld.idx.msk [tilespmem:v40+s21+$0x0], $0xffff;
	v40 =	vor.u32 s9, v20  }
0x1b7: {  	v42 =	vld.idx.msk [tilespmem:v39+s19+$0x0], $0xffff  }
0x1b8: {  	v33 =	vadd.f32 v34, v33;
	v34 =	vmul.f32 v35, v41;
	v35 =	vld.idx.msk [tilespmem:v39+s21+$0x0], $0xffff;
	v39 =	vor.u32 s9, v18  }
0x1b9: {  	v41 =	vld.idx.msk [tilespmem:v37+s19+$0x0], $0xffff  }
0x1ba: {  	v33 =	vadd.f32 v34, v33;
	v34 =	vmul.f32 v36, v43;
	v36 =	vld.idx.msk [tilespmem:v37+s21+$0x0], $0xffff;
	v37 =	vor.u32 s9, v17  }
0x1bb: {  	v43 =	vld.idx.msk [tilespmem:v40+s19+$0x0], $0xffff  }
0x1bc: {  	v33 =	vadd.f32 v34, v33;
	v34 =	vmul.f32 v38, v44;
	v38 =	vld.idx.msk [tilespmem:v40+s21+$0x0], $0xffff;
	v40 =	vor.u32 s9, v19  }
0x1bd: {  	v44 =	vld.idx.msk [tilespmem:v39+s19+$0x0], $0xffff  }
0x1be: {  	v33 =	vadd.f32 v34, v33;
	v34 =	vmul.f32 v35, v42;
	v35 =	vld.idx.msk [tilespmem:v39+s21+$0x0], $0xffff;
	v39 =	vor.u32 s9, v21  }
0x1bf: {  	v42 =	vld.idx.msk [tilespmem:v37+s19+$0x0], $0xffff  }
0x1c0: {  	v33 =	vadd.f32 v34, v33;
	v34 =	vmul.f32 v36, v41;
	v36 =	vld.idx.msk [tilespmem:v37+s21+$0x0], $0xffff;
	v37 =	vor.u32 s9, v23  }
0x1c1: {  	v41 =	vld.idx.msk [tilespmem:v40+s19+$0x0], $0xffff  }
0x1c2: {  	v33 =	vadd.f32 v34, v33;
	v34 =	vmul.f32 v38, v43;
	v38 =	vld.idx.msk [tilespmem:v40+s21+$0x0], $0xffff;
	v40 =	vor.u32 s9, v25  }
0x1c3: {  	v43 =	vld.idx.msk [tilespmem:v39+s19+$0x0], $0xffff  }
0x1c4: {  	v33 =	vadd.f32 v34, v33;
	v34 =	vmul.f32 v35, v44;
	v39 =	vld.idx.msk [tilespmem:v39+s21+$0x0], $0xffff;
	v44 =	vor.u32 s9, v26  }
0x1c5: {  	v45 =	vld.idx.msk [tilespmem:v37+s19+$0x0], $0xffff  }
0x1c6: {  	v46 =	vor.u32 s9, v27;
	v35 =	vmul.f32 v36, v42;
	v33 =	vadd.f32 v34, v33;
	v36 =	vld.idx.msk [tilespmem:v37+s21+$0x0], $0xffff  }
0x1c7: {  	v34 =	vld.idx.msk [tilespmem:v40+s19+$0x0], $0xffff  }
0x1c8: {  	v37 =	vor.u32 s9, v29;
	v41 =	vmul.f32 v38, v41;
	v33 =	vadd.f32 v35, v33;
	v38 =	vld.idx.msk [tilespmem:v40+s21+$0x0], $0xffff  }
.Ltmp4:
0x1c9: {  	v35 =	vld.idx.msk [tilespmem:v44+s19+$0x0], $0xffff;
	(pc) =	sbr.rel @p2 .LBB2_8-.Ltmp4, $4  }
0x1ca: {  	v42 =	vor.u32 s9, v30;
	v43 =	vmul.f32 v39, v43;
	v41 =	vadd.f32 v41, v33;
	v39 =	vld.idx.msk [tilespmem:v44+s21+$0x0], $0xffff  }
0x1cb: {  	v33 =	vld.idx.msk [tilespmem:v46+s19+$0x0], $0xffff  }
0x1cc: {  	v40 =	vor.u32 s3, v32;
	v44 =	vmul.f32 v36, v45;
	v43 =	vadd.f32 v43, v41;
	v41 =	vld.idx.msk [tilespmem:v46+s21+$0x0], $0xffff  }
0x1cd: {  	s3 =	sadd.s32 $0x20, s3;
	v36 =	vld.idx.msk [tilespmem:v37+s19+$0x0], $0xffff  }
0x1ce: {  	_ =	sdelay $0x2  }
0x1cf: {  	v43 =	vadd.f32 v44, v43;
	v34 =	vmul.f32 v38, v34  }
0x1d0: {  	v62 =	vor.u32 s7, v31;
	v37 =	vld.idx.msk [tilespmem:v37+s21+$0x0], $0xffff  }
0x1d1: {  	v63 =	vld.idx.msk [tilespmem:v42+s19+$0x0], $0xffff;
	v35 =	vmul.f32 v39, v35;
	v34 =	vadd.f32 v34, v43  }
0x1d2: {  	v46 =	vor.u32 s7, v28;
	v47 =	vld.idx.msk [tilespmem:v42+s21+$0x0], $0xffff  }
0x1d3: {  	v48 =	vld.idx.msk [tilespmem:v40+s19+$0x0], $0xffff;
	v33 =	vmul.f32 v41, v33;
	v34 =	vadd.f32 v35, v34  }
0x1d4: {  	v49 =	vld.idx.msk [tilespmem:v40+s21+$0x0], $0xffff;
	v50 =	vor.u32 s7, v24  }
0x1d5: {  	v51 =	vld.idx.msk [tilespmem:v62+s19+$0x0], $0xffff;
	v52 =	vmul.f32 v37, v36;
	v33 =	vadd.f32 v33, v34  }
0x1d6: {  	v54 =	vor.u32 s7, v22;
	v53 =	vld.idx.msk [tilespmem:v62+s21+$0x0], $0xffff  }
0x1d7: {  	v55 =	vld.idx.msk [tilespmem:v46+s19+$0x0], $0xffff;
	v56 =	vmul.f32 v47, v63;
	v33 =	vadd.f32 v52, v33  }
0x1d8: {  	v57 =	vor.u32 s7, v20;
	v39 =	vld.idx.msk [tilespmem:v46+s21+$0x0], $0xffff  }
0x1d9: {  	v58 =	vld.idx.msk [tilespmem:v50+s19+$0x0], $0xffff;
	v35 =	vmul.f32 v49, v48;
	v33 =	vadd.f32 v56, v33  }
0x1da: {  	v60 =	vor.u32 s7, v18;
	v59 =	vld.idx.msk [tilespmem:v50+s21+$0x0], $0xffff  }
0x1db: {  	v61 =	vld.idx.msk [tilespmem:v54+s19+$0x0], $0xffff;
	v62 =	vmul.f32 v53, v51;
	v33 =	vadd.f32 v35, v33  }
0x1dc: {  	v63 =	vld.idx.msk [tilespmem:v54+s21+$0x0], $0xffff;
	v48 =	vor.u32 s7, v17  }
0x1dd: {  	v49 =	vld.idx.msk [tilespmem:v57+s19+$0x0], $0xffff;
	v50 =	vmul.f32 v39, v55;
	v33 =	vadd.f32 v62, v33  }
0x1de: {  	v52 =	vor.u32 s7, v19;
	v51 =	vld.idx.msk [tilespmem:v57+s21+$0x0], $0xffff  }
0x1df: {  	v54 =	vld.idx.msk [tilespmem:v60+s21+$0x0], $0xffff;
	v34 =	vmul.f32 v59, v58;
	v33 =	vadd.f32 v50, v33  }
0x1e0: {  	v53 =	vld.idx.msk [tilespmem:v60+s19+$0x0], $0xffff;
	v55 =	vor.u32 s7, v21  }
0x1e1: {  	v56 =	vld.idx.msk [tilespmem:v48+s19+$0x0], $0xffff;
	v57 =	vmul.f32 v63, v61;
	v33 =	vadd.f32 v34, v33  }
0x1e2: {  	v58 =	vld.idx.msk [tilespmem:v48+s21+$0x0], $0xffff;
	v59 =	vor.u32 s7, v23  }
0x1e3: {  	v60 =	vld.idx.msk [tilespmem:v52+s19+$0x0], $0xffff;
	v61 =	vmul.f32 v51, v49;
	v33 =	vadd.f32 v57, v33  }
0x1e4: {  	v63 =	vor.u32 s7, v25;
	v62 =	vld.idx.msk [tilespmem:v52+s21+$0x0], $0xffff  }
0x1e5: {  	v48 =	vld.idx.msk [tilespmem:v55+s19+$0x0], $0xffff;
	v49 =	vmul.f32 v54, v53;
	v33 =	vadd.f32 v61, v33  }
0x1e6: {  	v51 =	vor.u32 s7, v26;
	v50 =	vld.idx.msk [tilespmem:v55+s21+$0x0], $0xffff  }
0x1e7: {  	v52 =	vld.idx.msk [tilespmem:v59+s19+$0x0], $0xffff;
	v53 =	vmul.f32 v58, v56;
	v33 =	vadd.f32 v49, v33  }
0x1e8: {  	v54 =	vld.idx.msk [tilespmem:v59+s21+$0x0], $0xffff;
	v55 =	vor.u32 s7, v27  }
0x1e9: {  	v56 =	vld.idx.msk [tilespmem:v63+s19+$0x0], $0xffff;
	v57 =	vmul.f32 v62, v60;
	v33 =	vadd.f32 v53, v33  }
0x1ea: {  	v58 =	vld.idx.msk [tilespmem:v63+s21+$0x0], $0xffff;
	v59 =	vor.u32 s7, v29  }
0x1eb: {  	v60 =	vld.idx.msk [tilespmem:v51+s19+$0x0], $0xffff;
	v61 =	vmul.f32 v50, v48;
	v33 =	vadd.f32 v57, v33  }
0x1ec: {  	v63 =	vor.u32 s7, v30;
	v62 =	vld.idx.msk [tilespmem:v51+s21+$0x0], $0xffff  }
0x1ed: {  	s3 =	sadd.s32 $0x10, s7;
	v46 =	vmul.f32 v54, v52;
	v45 =	vld.idx.msk [tilespmem:v55+s19+$0x0], $0xffff;
	v33 =	vadd.f32 v61, v33  }
0x1ee: {  	v32 =	vor.u32 s3, v32;
	v47 =	vld.idx.msk [tilespmem:v55+s21+$0x0], $0xffff  }
0x1ef: {  	v48 =	vld.idx.msk [tilespmem:v59+s19+$0x0], $0xffff;
	v49 =	vmul.f32 v58, v56;
	v33 =	vadd.f32 v46, v33  }
0x1f0: {  	v51 =	vor.u32 s3, v31;
	v50 =	vld.idx.msk [tilespmem:v59+s21+$0x0], $0xffff  }
0x1f1: {  	v52 =	vld.idx.msk [tilespmem:v63+s19+$0x0], $0xffff;
	v53 =	vmul.f32 v62, v60;
	v33 =	vadd.f32 v49, v33  }
0x1f2: {  	v54 =	vld.idx.msk [tilespmem:v63+s21+$0x0], $0xffff;
	v55 =	vor.u32 s3, v28  }
0x1f3: {  	v56 =	vld.idx.msk [tilespmem:v32+s19+$0x0], $0xffff;
	v57 =	vmul.f32 v47, v45;
	v33 =	vadd.f32 v53, v33  }
0x1f4: {  	v32 =	vld.idx.msk [tilespmem:v32+s21+$0x0], $0xffff;
	v58 =	vor.u32 s3, v24  }
0x1f5: {  	v59 =	vld.idx.msk [tilespmem:v51+s19+$0x0], $0xffff;
	v60 =	vmul.f32 v50, v48;
	v33 =	vadd.f32 v57, v33  }
0x1f6: {  	v31 =	vld.idx.msk [tilespmem:v51+s21+$0x0], $0xffff;
	v61 =	vor.u32 s3, v22  }
0x1f7: {  	v63 =	vmul.f32 v54, v52;
	v62 =	vld.idx.msk [tilespmem:v55+s19+$0x0], $0xffff;
	v33 =	vadd.f32 v60, v33  }
0x1f8: {  	v38 =	vor.u32 s3, v20;
	v28 =	vld.idx.msk [tilespmem:v55+s21+$0x0], $0xffff  }
0x1f9: {  	v39 =	vld.idx.msk [tilespmem:v58+s19+$0x0], $0xffff;
	v32 =	vmul.f32 v32, v56;
	v33 =	vadd.f32 v63, v33  }
0x1fa: {  	v18 =	vor.u32 s3, v18;
	v24 =	vld.idx.msk [tilespmem:v58+s21+$0x0], $0xffff  }
0x1fb: {  	v31 =	vmul.f32 v31, v59;
	v41 =	vld.idx.msk [tilespmem:v61+s19+$0x0], $0xffff;
	v32 =	vadd.f32 v32, v33  }
0x1fc: {  	v17 =	vor.u32 s3, v17;
	v22 =	vld.idx.msk [tilespmem:v61+s21+$0x0], $0xffff  }
0x1fd: {  	v42 =	vld.idx.msk [tilespmem:v38+s19+$0x0], $0xffff;
	v28 =	vmul.f32 v28, v62;
	v31 =	vadd.f32 v31, v32  }
0x1fe: {  	v20 =	vld.idx.msk [tilespmem:v38+s21+$0x0], $0xffff;
	v19 =	vor.u32 s3, v19  }
0x1ff: {  	v43 =	vld.idx.msk [tilespmem:v18+s19+$0x0], $0xffff;
	v24 =	vmul.f32 v24, v39;
	v28 =	vadd.f32 v28, v31  }
0x200: {  	v44 =	vor.u32 s3, v21;
	v18 =	vld.idx.msk [tilespmem:v18+s21+$0x0], $0xffff  }
0x201: {  	v45 =	vld.idx.msk [tilespmem:v17+s19+$0x0], $0xffff;
	v22 =	vmul.f32 v22, v41;
	v24 =	vadd.f32 v24, v28  }
0x202: {  	v17 =	vld.idx.msk [tilespmem:v17+s21+$0x0], $0xffff;
	v46 =	vor.u32 s3, v23  }
0x203: {  	v20 =	vmul.f32 v20, v42;
	v47 =	vld.idx.msk [tilespmem:v19+s19+$0x0], $0xffff;
	v22 =	vadd.f32 v22, v24  }
0x204: {  	v48 =	vor.u32 s3, v25;
	v19 =	vld.idx.msk [tilespmem:v19+s21+$0x0], $0xffff  }
0x205: {  	v21 =	vld.idx.msk [tilespmem:v44+s21+$0x0], $0xffff;
	v18 =	vmul.f32 v18, v43;
	v20 =	vadd.f32 v20, v22  }
0x206: {  	v50 =	vor.u32 s3, v26;
	v49 =	vld.idx.msk [tilespmem:v44+s19+$0x0], $0xffff  }
0x207: {  	v17 =	vmul.f32 v17, v45;
	v51 =	vld.idx.msk [tilespmem:v46+s19+$0x0], $0xffff;
	v18 =	vadd.f32 v18, v20  }
0x208: {  	v53 =	vor.u32 s3, v27;
	v52 =	vld.idx.msk [tilespmem:v46+s21+$0x0], $0xffff  }
0x209: {  	v54 =	vld.idx.msk [tilespmem:v48+s19+$0x0], $0xffff;
	v17 =	vadd.f32 v17, v18;
	v18 =	vmul.f32 v19, v47  }
0x20a: {  	v55 =	vor.u32 s3, v29;
	v19 =	vld.idx.msk [tilespmem:v48+s21+$0x0], $0xffff  }
0x20b: {  	v56 =	vld.idx.msk [tilespmem:v50+s19+$0x0], $0xffff;
	v17 =	vadd.f32 v18, v17;
	v18 =	vmul.f32 v21, v49  }
0x20c: {  	v58 =	vor.u32 s3, v30;
	v57 =	vld.idx.msk [tilespmem:v50+s21+$0x0], $0xffff  }
0x20d: {  	v59 =	vld.idx.msk [tilespmem:v53+s19+$0x0], $0xffff;
	v17 =	vadd.f32 v18, v17;
	v18 =	vmul.f32 v52, v51  }
0x20e: {  	v60 =	vld.idx.msk [tilespmem:v53+s21+$0x0], $0xffff  }
0x20f: {  	v61 =	vld.idx.msk [tilespmem:v55+s19+$0x0], $0xffff;
	v17 =	vadd.f32 v18, v17;
	v18 =	vmul.f32 v19, v54  }
0x210: {  	v19 =	vld.idx.msk [tilespmem:v55+s21+$0x0], $0xffff  }
0x211: {  	v62 =	vld.idx.msk [tilespmem:v58+s19+$0x0], $0xffff;
	v17 =	vadd.f32 v18, v17;
	v18 =	vmul.f32 v57, v56  }
0x212: {  	v63 =	vld.idx.msk [tilespmem:v58+s21+$0x0], $0xffff  }
0x213: {  	v17 =	vadd.f32 v18, v17;
	v18 =	vmul.f32 v60, v59;
	_ =	sdelay $0x1  }
0x214: {  	v17 =	vadd.f32 v18, v17;
	v18 =	vmul.f32 v19, v61;
	_ =	sdelay $0x1  }
0x215: {  	v17 =	vadd.f32 v18, v17;
	v18 =	vmul.f32 v63, v62;
	_ =	sdelay $0x1  }
0x216: {  	v17 =	vadd.f32 v18, v17;
	_ =	sdelay $0x1  }
0x217: {  	v17 =	vsub.f32 $0.0e+00, v17;
	_ =	sdelay $0x1  }
0x218: {  	v17 =	vmul.f32 $1.442695020e+00, v17;
	_ =	sdelay $0x1  }
0x219: {  	(erf) = vpow2.f32 v17;
	_ =	sdelay $0x8  }
0x21a: {  	v17 =	vpop (erf)  }
0x21b: {  	v17 =	vadd.f32 $1.000000000e+00, v17;
	_ =	sdelay $0x1  }
0x21c: {  	(erf) = vrcp.f32 v17;
	_ =	sdelay $0x3  }
0x21d: {  	s0 =	sadd.s32 $0x1, s0  }
0x21e: {  	p2 =	sne.s32 s0, $0x5  }
.Ltmp5:
0x21f: {  	_ = 	snop;
	(pc) =	sbr.rel @p2 .LBB2_7-.Ltmp5, $3  }
0x220: {  	_ =	sdelay $0x1  }
0x221: {  	v17 =	vpop (erf)  }
0x222: {  	[tilespmem:s8+$0x1DF80] =	vst v17  }
0x223: {  	s0 =	rddreg [dreg:$0x7]  }
0x224: {  	s0 =	sadd.s32 s24, s0  }
0x225: {  	s0 =	sshrl.u32 s0, $0x3  }
0x226: {  	s3 =	simm.s32 $0x1DF80;
	s0 =	sadd.s32 s5, s0  }
0x227: {  	[hbm4b:s0+s6] =	stream.linear.scatter [tilespmem:s3], [sflag:$0x7], $0x50, $0x38;
	[tilespmem:$0x1E180] =	vst v63  }
0x228: {  	s7 =	simm.s32 @!p1 $0x7700;
	s0 =	sadd.s32 @!p1 $0x1E0, s24;
	s3 =	simm.s32 @!p1 $0x50  }
0x229: {  	[tilespmem:s7], [sflag:$0x2] =	stream.indirect.gather @!p1 [hbm4b:s1+s3], $0x80, s0, s3, $0xb8;
	[tilespmem:$0x1E180] =	vst v63  }
0x22a: {  	s0 =	sadd.s32 @!p1 $0x2960, s24;
	s7 =	simm.s32 @!p1 $0x13F00  }
0x22b: {  	[tilespmem:s7], [sflag:$0x2] =	stream.indirect.gather @!p1 [hbm4b:s2+s3], $0x80, s0, s3, $0xb8;
	[tilespmem:$0x1E180] =	vst v63  }
0x22c: {  	_ =	swait.ge [sflag:s31], $0x2800  }
0x22d: {  	[sflag:s31] =	ssyncset.done $0x0  }
0x22e: {  	[sflag:s31] =	ssyncadd.s32 $0xFFFFD800  }
0x22f: {  	_ =	swait.ge [sflag:s31], $0x2800  }
0x230: {  	[sflag:s31] =	ssyncset.done $0x0  }
0x231: {  	s0 =	simm.s32 @!p0 $0x8;
	[sflag:s31] =	ssyncadd.s32 $0xFFFFD800  }
0x232: {  	_ =	swait.ge @!p0 [sflag:s0], $0x50  }
0x233: {  	[sflag:s0] =	ssyncset.done @!p0 $0x0  }
0x234: {  	s29 =	simm.s32 $0x0;
	[sflag:s0] =	ssyncadd.s32 @!p0 $0xFFFFFFB0;
	s0 =	simm.s32 $0x0  }
.LBB2_11:
0x235: {  	s8 =	sshll.u32 s0, $0x4  }
0x236: {  	v17 =	vmov s8  }
0x237: {  	v17 =	vshll.u32 v17, $0x7  }
0x238: {  	v30 =	vor.u32 v1, v17  }
0x239: {  	v32 =	vor.u32 v0, v30  }
0x23a: {  	v17 =	vor.u32 s29, v32  }
0x23b: {  	v31 =	vor.u32 v2, v30  }
0x23c: {  	v18 =	vor.u32 s29, v31  }
0x23d: {  	v28 =	vor.u32 v3, v30  }
0x23e: {  	v19 =	vor.u32 s29, v28  }
0x23f: {  	v22 =	vor.u32 v5, v30;
	v21 =	vld.idx.msk [tilespmem:v17+s23+$0x0], $0xffff  }
0x240: {  	v27 =	vor.u32 s29, v22;
	v23 =	vld.idx.msk [tilespmem:v17+s25+$0x0], $0xffff  }
0x241: {  	v24 =	vor.u32 v4, v30;
	v25 =	vld.idx.msk [tilespmem:v18+s23+$0x0], $0xffff  }
0x242: {  	v17 =	vor.u32 s29, v24;
	v26 =	vld.idx.msk [tilespmem:v18+s25+$0x0], $0xffff  }
0x243: {  	v20 =	vor.u32 v6, v30;
	v29 =	vld.idx.msk [tilespmem:v19+s23+$0x0], $0xffff  }
0x244: {  	v34 =	vor.u32 s29, v20;
	v33 =	vld.idx.msk [tilespmem:v19+s25+$0x0], $0xffff  }
0x245: {  	v18 =	vor.u32 v8, v30;
	v38 =	vld.idx.msk [tilespmem:v27+s23+$0x0], $0xffff  }
0x246: {  	v27 =	vld.idx.msk [tilespmem:v27+s25+$0x0], $0xffff;
	v37 =	vor.u32 s29, v18  }
0x247: {  	v19 =	vor.u32 v7, v30;
	v35 =	vld.idx.msk [tilespmem:v17+s23+$0x0], $0xffff;
	v21 =	vmul.f32 v23, v21  }
0x248: {  	v36 =	vld.idx.msk [tilespmem:v17+s25+$0x0], $0xffff;
	v23 =	vimm.f32 $0.0e+00;
	v25 =	vmul.f32 v26, v25;
	v26 =	vor.u32 s29, v19  }
0x249: {  	v40 =	vld.idx.msk [tilespmem:v34+s23+$0x0], $0xffff;
	v17 =	vor.u32 v9, v30;
	v23 =	vadd.f32 v21, v23  }
0x24a: {  	v34 =	vld.idx.msk [tilespmem:v34+s25+$0x0], $0xffff;
	v39 =	vor.u32 s29, v17  }
0x24b: {  	v29 =	vmul.f32 v33, v29;
	v59 =	vld.idx.msk [tilespmem:v37+s23+$0x0], $0xffff;
	v25 =	vadd.f32 v25, v23  }
0x24c: {  	v37 =	vld.idx.msk [tilespmem:v37+s25+$0x0], $0xffff;
	v21 =	vor.u32 v10, v30  }
0x24d: {  	v41 =	vor.u32 s29, v21;
	v35 =	vmul.f32 v36, v35;
	v61 =	vld.idx.msk [tilespmem:v26+s23+$0x0], $0xffff;
	v29 =	vadd.f32 v29, v25  }
0x24e: {  	v23 =	vor.u32 v11, v30;
	v62 =	vld.idx.msk [tilespmem:v26+s25+$0x0], $0xffff  }
0x24f: {  	v27 =	vmul.f32 v27, v38;
	v42 =	vor.u32 s29, v23;
	v60 =	vld.idx.msk [tilespmem:v39+s23+$0x0], $0xffff;
	v29 =	vadd.f32 v35, v29  }
0x250: {  	v34 =	vmul.f32 v34, v40;
	v26 =	vor.u32 v13, v30;
	v39 =	vld.idx.msk [tilespmem:v39+s25+$0x0], $0xffff  }
0x251: {  	v25 =	vor.u32 v12, v30;
	v44 =	vor.u32 s29, v26;
	v29 =	vadd.f32 v27, v29  }
0x252: {  	v43 =	vor.u32 s29, v25;
	v63 =	vld.idx.msk [tilespmem:v41+s23+$0x0], $0xffff  }
0x253: {  	v33 =	vmul.f32 v37, v59;
	v41 =	vld.idx.msk [tilespmem:v41+s25+$0x0], $0xffff;
	v34 =	vadd.f32 v34, v29  }
0x254: {  	v27 =	vor.u32 v14, v30;
	v48 =	vld.idx.msk [tilespmem:v42+s23+$0x0], $0xffff  }
0x255: {  	v42 =	vld.idx.msk [tilespmem:v42+s25+$0x0], $0xffff;
	v45 =	vor.u32 s29, v27;
	v49 =	vmul.f32 v39, v60;
	v33 =	vadd.f32 v33, v34  }
0x256: {  	v54 =	vld.idx.msk [tilespmem:v44+s23+$0x0], $0xffff;
	v29 =	vor.u32 v15, v30  }
0x257: {  	v53 =	vmul.f32 v62, v61;
	v50 =	vld.idx.msk [tilespmem:v43+s23+$0x0], $0xffff;
	v52 =	vor.u32 s29, v29;
	v33 =	vadd.f32 v49, v33  }
0x258: {  	v51 =	vld.idx.msk [tilespmem:v43+s25+$0x0], $0xffff;
	v30 =	vor.u32 v16, v30  }
0x259: {  	v55 =	vld.idx.msk [tilespmem:v44+s25+$0x0], $0xffff;
	v56 =	vor.u32 s29, v30;
	v57 =	vmul.f32 v41, v63;
	v33 =	vadd.f32 v53, v33  }
0x25a: {  	s3 =	simm.s32 $0x10;
	v58 =	vld.idx.msk [tilespmem:v45+s23+$0x0], $0xffff  }
0x25b: {  	v60 =	vor.u32 s3, v32;
	v61 =	vmul.f32 v42, v48;
	v59 =	vld.idx.msk [tilespmem:v45+s25+$0x0], $0xffff;
	v33 =	vadd.f32 v57, v33  }
0x25c: {  	v62 =	vld.idx.msk [tilespmem:v52+s23+$0x0], $0xffff  }
0x25d: {  	v48 =	vor.u32 s3, v31;
	v49 =	vmul.f32 v51, v50;
	v63 =	vld.idx.msk [tilespmem:v52+s25+$0x0], $0xffff;
	v33 =	vadd.f32 v61, v33  }
0x25e: {  	v50 =	vld.idx.msk [tilespmem:v56+s23+$0x0], $0xffff  }
0x25f: {  	v51 =	vld.idx.msk [tilespmem:v56+s25+$0x0], $0xffff;
	v52 =	vor.u32 s3, v28;
	v53 =	vmul.f32 v55, v54;
	v33 =	vadd.f32 v49, v33  }
0x260: {  	v54 =	vld.idx.msk [tilespmem:v60+s23+$0x0], $0xffff  }
0x261: {  	v55 =	vld.idx.msk [tilespmem:v60+s25+$0x0], $0xffff;
	v56 =	vor.u32 s3, v24;
	v57 =	vmul.f32 v59, v58;
	v33 =	vadd.f32 v53, v33  }
0x262: {  	v58 =	vld.idx.msk [tilespmem:v48+s23+$0x0], $0xffff  }
0x263: {  	v60 =	vor.u32 s3, v22;
	v59 =	vld.idx.msk [tilespmem:v48+s25+$0x0], $0xffff;
	v61 =	vmul.f32 v63, v62;
	v33 =	vadd.f32 v57, v33  }
0x264: {  	v62 =	vld.idx.msk [tilespmem:v52+s23+$0x0], $0xffff  }
0x265: {  	v48 =	vor.u32 s3, v20;
	v63 =	vld.idx.msk [tilespmem:v52+s25+$0x0], $0xffff;
	v49 =	vmul.f32 v51, v50;
	v33 =	vadd.f32 v61, v33  }
0x266: {  	v50 =	vld.idx.msk [tilespmem:v56+s23+$0x0], $0xffff  }
0x267: {  	v52 =	vor.u32 s3, v18;
	v51 =	vld.idx.msk [tilespmem:v56+s25+$0x0], $0xffff;
	v53 =	vmul.f32 v55, v54;
	v33 =	vadd.f32 v49, v33  }
0x268: {  	v54 =	vld.idx.msk [tilespmem:v60+s23+$0x0], $0xffff  }
0x269: {  	v55 =	vld.idx.msk [tilespmem:v60+s25+$0x0], $0xffff;
	v60 =	vor.u32 s3, v19;
	v57 =	vmul.f32 v59, v58;
	v33 =	vadd.f32 v53, v33  }
0x26a: {  	v56 =	vor.u32 s3, v17;
	v58 =	vld.idx.msk [tilespmem:v48+s23+$0x0], $0xffff  }
0x26b: {  	v59 =	vld.idx.msk [tilespmem:v48+s25+$0x0], $0xffff;
	v61 =	vmul.f32 v63, v62;
	v33 =	vadd.f32 v57, v33  }
0x26c: {  	v48 =	vor.u32 s3, v21;
	v62 =	vld.idx.msk [tilespmem:v52+s23+$0x0], $0xffff  }
0x26d: {  	v63 =	vld.idx.msk [tilespmem:v52+s25+$0x0], $0xffff;
	v49 =	vmul.f32 v51, v50;
	v33 =	vadd.f32 v61, v33  }
0x26e: {  	v52 =	vor.u32 s3, v23;
	v44 =	vld.idx.msk [tilespmem:v60+s25+$0x0], $0xffff  }
0x26f: {  	v50 =	vld.idx.msk [tilespmem:v56+s23+$0x0], $0xffff;
	v53 =	vmul.f32 v55, v54;
	v33 =	vadd.f32 v49, v33  }
0x270: {  	v51 =	vld.idx.msk [tilespmem:v56+s25+$0x0], $0xffff  }
0x271: {  	v56 =	vmul.f32 v59, v58;
	v58 =	vld.idx.msk [tilespmem:v48+s25+$0x0], $0xffff;
	v59 =	vor.u32 s3, v26;
	v33 =	vadd.f32 v53, v33  }
0x272: {  	v54 =	vld.idx.msk [tilespmem:v60+s23+$0x0], $0xffff;
	v55 =	vor.u32 s3, v25  }
0x273: {  	v60 =	vmul.f32 v63, v62;
	v46 =	vld.idx.msk [tilespmem:v52+s23+$0x0], $0xffff;
	v33 =	vadd.f32 v56, v33  }
0x274: {  	v57 =	vld.idx.msk [tilespmem:v48+s23+$0x0], $0xffff  }
0x275: {  	v47 =	vld.idx.msk [tilespmem:v52+s25+$0x0], $0xffff;
	v36 =	vmul.f32 v51, v50;
	v61 =	vor.u32 s3, v27;
	v33 =	vadd.f32 v60, v33  }
0x276: {  	v35 =	vld.idx.msk [tilespmem:v59+s23+$0x0], $0xffff  }
0x277: {  	v37 =	vor.u32 s3, v29;
	v34 =	vld.idx.msk [tilespmem:v55+s23+$0x0], $0xffff;
	v62 =	vmul.f32 v44, v54;
	v33 =	vadd.f32 v36, v33  }
0x278: {  	v38 =	vld.idx.msk [tilespmem:v55+s25+$0x0], $0xffff  }
0x279: {  	v42 =	vor.u32 s3, v30;
	v39 =	vld.idx.msk [tilespmem:v59+s25+$0x0], $0xffff;
	v63 =	vmul.f32 v58, v57;
	v36 =	vadd.f32 v62, v33  }
0x27a: {  	s7 =	simm.s32 $0x20;
	v41 =	vld.idx.msk [tilespmem:v61+s25+$0x0], $0xffff  }
0x27b: {  	v40 =	vor.u32 s7, v32;
	v44 =	vmul.f32 v47, v46;
	v33 =	vld.idx.msk [tilespmem:v61+s23+$0x0], $0xffff;
	v43 =	vadd.f32 v63, v36  }
0x27c: {  	s3 =	simm.s32 $0x40;
	v36 =	vld.idx.msk [tilespmem:v37+s23+$0x0], $0xffff  }
.LBB2_12:
0x27d: {  	p2 =	sne.s32 s3, $0x60;
	v45 =	vor.u32 s7, v31;
	v43 =	vadd.f32 v44, v43;
	v34 =	vmul.f32 v38, v34;
	v37 =	vld.idx.msk [tilespmem:v37+s25+$0x0], $0xffff  }
0x27e: {  	v38 =	vld.idx.msk [tilespmem:v42+s23+$0x0], $0xffff  }
0x27f: {  	v44 =	vor.u32 s7, v28;
	v35 =	vmul.f32 v39, v35;
	v34 =	vadd.f32 v34, v43;
	v39 =	vld.idx.msk [tilespmem:v42+s25+$0x0], $0xffff  }
0x280: {  	v42 =	vld.idx.msk [tilespmem:v40+s23+$0x0], $0xffff  }
0x281: {  	v43 =	vor.u32 s7, v24;
	v33 =	vmul.f32 v41, v33;
	v40 =	vld.idx.msk [tilespmem:v40+s25+$0x0], $0xffff;
	v34 =	vadd.f32 v35, v34  }
0x282: {  	v35 =	vld.idx.msk [tilespmem:v45+s23+$0x0], $0xffff  }
0x283: {  	v41 =	vld.idx.msk [tilespmem:v45+s25+$0x0], $0xffff;
	v45 =	vor.u32 s7, v22;
	v33 =	vadd.f32 v33, v34;
	v34 =	vmul.f32 v37, v36  }
0x284: {  	v36 =	vld.idx.msk [tilespmem:v44+s23+$0x0], $0xffff  }
0x285: {  	v37 =	vld.idx.msk [tilespmem:v44+s25+$0x0], $0xffff;
	v44 =	vor.u32 s7, v20;
	v33 =	vadd.f32 v34, v33;
	v34 =	vmul.f32 v39, v38  }
0x286: {  	v38 =	vld.idx.msk [tilespmem:v43+s23+$0x0], $0xffff  }
0x287: {  	v39 =	vmul.f32 v40, v42;
	v42 =	vor.u32 s7, v18;
	v40 =	vld.idx.msk [tilespmem:v43+s25+$0x0], $0xffff;
	v33 =	vadd.f32 v34, v33  }
0x288: {  	v34 =	vld.idx.msk [tilespmem:v45+s23+$0x0], $0xffff  }
0x289: {  	v35 =	vmul.f32 v41, v35;
	v41 =	vor.u32 s7, v17;
	v33 =	vadd.f32 v39, v33;
	v39 =	vld.idx.msk [tilespmem:v45+s25+$0x0], $0xffff  }
0x28a: {  	v43 =	vld.idx.msk [tilespmem:v44+s23+$0x0], $0xffff  }
0x28b: {  	v33 =	vadd.f32 v35, v33;
	v35 =	vmul.f32 v37, v36;
	v36 =	vld.idx.msk [tilespmem:v44+s25+$0x0], $0xffff;
	v37 =	vor.u32 s7, v19  }
0x28c: {  	v44 =	vld.idx.msk [tilespmem:v42+s23+$0x0], $0xffff  }
0x28d: {  	v33 =	vadd.f32 v35, v33;
	v35 =	vmul.f32 v40, v38;
	v38 =	vld.idx.msk [tilespmem:v42+s25+$0x0], $0xffff;
	v40 =	vor.u32 s7, v21  }
0x28e: {  	v42 =	vld.idx.msk [tilespmem:v41+s23+$0x0], $0xffff  }
0x28f: {  	v34 =	vmul.f32 v39, v34;
	v39 =	vor.u32 s7, v23;
	v33 =	vadd.f32 v35, v33;
	v35 =	vld.idx.msk [tilespmem:v41+s25+$0x0], $0xffff  }
0x290: {  	v41 =	vld.idx.msk [tilespmem:v37+s23+$0x0], $0xffff  }
0x291: {  	v33 =	vadd.f32 v34, v33;
	v34 =	vmul.f32 v36, v43;
	v36 =	vld.idx.msk [tilespmem:v37+s25+$0x0], $0xffff;
	v37 =	vor.u32 s7, v25  }
0x292: {  	v43 =	vld.idx.msk [tilespmem:v40+s23+$0x0], $0xffff  }
0x293: {  	v33 =	vadd.f32 v34, v33;
	v34 =	vmul.f32 v38, v44;
	v38 =	vld.idx.msk [tilespmem:v40+s25+$0x0], $0xffff;
	v40 =	vor.u32 s7, v26  }
0x294: {  	v44 =	vld.idx.msk [tilespmem:v39+s23+$0x0], $0xffff  }
0x295: {  	v33 =	vadd.f32 v34, v33;
	v34 =	vmul.f32 v35, v42;
	v35 =	vld.idx.msk [tilespmem:v39+s25+$0x0], $0xffff;
	v39 =	vor.u32 s7, v27  }
0x296: {  	v42 =	vld.idx.msk [tilespmem:v37+s23+$0x0], $0xffff  }
0x297: {  	v33 =	vadd.f32 v34, v33;
	v34 =	vmul.f32 v36, v41;
	v36 =	vld.idx.msk [tilespmem:v37+s25+$0x0], $0xffff;
	v37 =	vor.u32 s7, v29  }
0x298: {  	v41 =	vld.idx.msk [tilespmem:v40+s23+$0x0], $0xffff  }
0x299: {  	v33 =	vadd.f32 v34, v33;
	v34 =	vmul.f32 v38, v43;
	v38 =	vld.idx.msk [tilespmem:v40+s25+$0x0], $0xffff;
	v40 =	vor.u32 s7, v30  }
0x29a: {  	s9 =	sadd.s32 $0x10, s7;
	s7 =	smov.u32 s3;
	v43 =	vld.idx.msk [tilespmem:v39+s23+$0x0], $0xffff  }
0x29b: {  	v33 =	vadd.f32 v34, v33;
	v34 =	vmul.f32 v35, v44;
	v35 =	vld.idx.msk [tilespmem:v39+s25+$0x0], $0xffff;
	v39 =	vor.u32 s9, v32  }
0x29c: {  	v44 =	vld.idx.msk [tilespmem:v37+s23+$0x0], $0xffff  }
0x29d: {  	v33 =	vadd.f32 v34, v33;
	v34 =	vmul.f32 v36, v42;
	v36 =	vld.idx.msk [tilespmem:v37+s25+$0x0], $0xffff;
	v37 =	vor.u32 s9, v31  }
0x29e: {  	v42 =	vld.idx.msk [tilespmem:v40+s23+$0x0], $0xffff  }
0x29f: {  	v33 =	vadd.f32 v34, v33;
	v34 =	vmul.f32 v38, v41;
	v38 =	vld.idx.msk [tilespmem:v40+s25+$0x0], $0xffff;
	v40 =	vor.u32 s9, v28  }
0x2a0: {  	v41 =	vld.idx.msk [tilespmem:v39+s23+$0x0], $0xffff  }
0x2a1: {  	v33 =	vadd.f32 v34, v33;
	v34 =	vmul.f32 v35, v43;
	v35 =	vld.idx.msk [tilespmem:v39+s25+$0x0], $0xffff;
	v39 =	vor.u32 s9, v24  }
0x2a2: {  	v43 =	vld.idx.msk [tilespmem:v37+s23+$0x0], $0xffff  }
0x2a3: {  	v33 =	vadd.f32 v34, v33;
	v34 =	vmul.f32 v36, v44;
	v36 =	vld.idx.msk [tilespmem:v37+s25+$0x0], $0xffff;
	v37 =	vor.u32 s9, v22  }
0x2a4: {  	v44 =	vld.idx.msk [tilespmem:v40+s23+$0x0], $0xffff  }
0x2a5: {  	v33 =	vadd.f32 v34, v33;
	v34 =	vmul.f32 v38, v42;
	v38 =	vld.idx.msk [tilespmem:v40+s25+$0x0], $0xffff;
	v40 =	vor.u32 s9, v20  }
0x2a6: {  	v42 =	vld.idx.msk [tilespmem:v39+s23+$0x0], $0xffff  }
0x2a7: {  	v33 =	vadd.f32 v34, v33;
	v34 =	vmul.f32 v35, v41;
	v35 =	vld.idx.msk [tilespmem:v39+s25+$0x0], $0xffff;
	v39 =	vor.u32 s9, v18  }
0x2a8: {  	v41 =	vld.idx.msk [tilespmem:v37+s23+$0x0], $0xffff  }
0x2a9: {  	v33 =	vadd.f32 v34, v33;
	v34 =	vmul.f32 v36, v43;
	v36 =	vld.idx.msk [tilespmem:v37+s25+$0x0], $0xffff;
	v37 =	vor.u32 s9, v17  }
0x2aa: {  	v43 =	vld.idx.msk [tilespmem:v40+s23+$0x0], $0xffff  }
0x2ab: {  	v33 =	vadd.f32 v34, v33;
	v34 =	vmul.f32 v38, v44;
	v38 =	vld.idx.msk [tilespmem:v40+s25+$0x0], $0xffff;
	v40 =	vor.u32 s9, v19  }
0x2ac: {  	v44 =	vld.idx.msk [tilespmem:v39+s23+$0x0], $0xffff  }
0x2ad: {  	v33 =	vadd.f32 v34, v33;
	v34 =	vmul.f32 v35, v42;
	v35 =	vld.idx.msk [tilespmem:v39+s25+$0x0], $0xffff;
	v39 =	vor.u32 s9, v21  }
0x2ae: {  	v42 =	vld.idx.msk [tilespmem:v37+s23+$0x0], $0xffff  }
0x2af: {  	v33 =	vadd.f32 v34, v33;
	v34 =	vmul.f32 v36, v41;
	v36 =	vld.idx.msk [tilespmem:v37+s25+$0x0], $0xffff;
	v37 =	vor.u32 s9, v23  }
0x2b0: {  	v41 =	vld.idx.msk [tilespmem:v40+s23+$0x0], $0xffff  }
0x2b1: {  	v33 =	vadd.f32 v34, v33;
	v34 =	vmul.f32 v38, v43;
	v38 =	vld.idx.msk [tilespmem:v40+s25+$0x0], $0xffff;
	v40 =	vor.u32 s9, v25  }
0x2b2: {  	v43 =	vld.idx.msk [tilespmem:v39+s23+$0x0], $0xffff  }
0x2b3: {  	v33 =	vadd.f32 v34, v33;
	v34 =	vmul.f32 v35, v44;
	v39 =	vld.idx.msk [tilespmem:v39+s25+$0x0], $0xffff;
	v44 =	vor.u32 s9, v26  }
0x2b4: {  	v45 =	vld.idx.msk [tilespmem:v37+s23+$0x0], $0xffff  }
0x2b5: {  	v46 =	vor.u32 s9, v27;
	v35 =	vmul.f32 v36, v42;
	v33 =	vadd.f32 v34, v33;
	v36 =	vld.idx.msk [tilespmem:v37+s25+$0x0], $0xffff  }
0x2b6: {  	v34 =	vld.idx.msk [tilespmem:v40+s23+$0x0], $0xffff  }
0x2b7: {  	v37 =	vor.u32 s9, v29;
	v41 =	vmul.f32 v38, v41;
	v33 =	vadd.f32 v35, v33;
	v38 =	vld.idx.msk [tilespmem:v40+s25+$0x0], $0xffff  }
.Ltmp6:
0x2b8: {  	v35 =	vld.idx.msk [tilespmem:v44+s23+$0x0], $0xffff;
	(pc) =	sbr.rel @p2 .LBB2_12-.Ltmp6, $4  }
0x2b9: {  	v42 =	vor.u32 s9, v30;
	v43 =	vmul.f32 v39, v43;
	v41 =	vadd.f32 v41, v33;
	v39 =	vld.idx.msk [tilespmem:v44+s25+$0x0], $0xffff  }
0x2ba: {  	v33 =	vld.idx.msk [tilespmem:v46+s23+$0x0], $0xffff  }
0x2bb: {  	v40 =	vor.u32 s3, v32;
	v44 =	vmul.f32 v36, v45;
	v43 =	vadd.f32 v43, v41;
	v41 =	vld.idx.msk [tilespmem:v46+s25+$0x0], $0xffff  }
0x2bc: {  	s3 =	sadd.s32 $0x20, s3;
	v36 =	vld.idx.msk [tilespmem:v37+s23+$0x0], $0xffff  }
0x2bd: {  	_ =	sdelay $0x2  }
0x2be: {  	v43 =	vadd.f32 v44, v43;
	v34 =	vmul.f32 v38, v34  }
0x2bf: {  	v62 =	vor.u32 s7, v31;
	v37 =	vld.idx.msk [tilespmem:v37+s25+$0x0], $0xffff  }
0x2c0: {  	v63 =	vld.idx.msk [tilespmem:v42+s23+$0x0], $0xffff;
	v35 =	vmul.f32 v39, v35;
	v34 =	vadd.f32 v34, v43  }
0x2c1: {  	v46 =	vor.u32 s7, v28;
	v47 =	vld.idx.msk [tilespmem:v42+s25+$0x0], $0xffff  }
0x2c2: {  	v48 =	vld.idx.msk [tilespmem:v40+s23+$0x0], $0xffff;
	v33 =	vmul.f32 v41, v33;
	v34 =	vadd.f32 v35, v34  }
0x2c3: {  	v49 =	vld.idx.msk [tilespmem:v40+s25+$0x0], $0xffff;
	v50 =	vor.u32 s7, v24  }
0x2c4: {  	v51 =	vld.idx.msk [tilespmem:v62+s23+$0x0], $0xffff;
	v52 =	vmul.f32 v37, v36;
	v33 =	vadd.f32 v33, v34  }
0x2c5: {  	v54 =	vor.u32 s7, v22;
	v53 =	vld.idx.msk [tilespmem:v62+s25+$0x0], $0xffff  }
0x2c6: {  	v55 =	vld.idx.msk [tilespmem:v46+s23+$0x0], $0xffff;
	v56 =	vmul.f32 v47, v63;
	v33 =	vadd.f32 v52, v33  }
0x2c7: {  	v57 =	vor.u32 s7, v20;
	v39 =	vld.idx.msk [tilespmem:v46+s25+$0x0], $0xffff  }
0x2c8: {  	v58 =	vld.idx.msk [tilespmem:v50+s23+$0x0], $0xffff;
	v35 =	vmul.f32 v49, v48;
	v33 =	vadd.f32 v56, v33  }
0x2c9: {  	v60 =	vor.u32 s7, v18;
	v59 =	vld.idx.msk [tilespmem:v50+s25+$0x0], $0xffff  }
0x2ca: {  	v61 =	vld.idx.msk [tilespmem:v54+s23+$0x0], $0xffff;
	v62 =	vmul.f32 v53, v51;
	v33 =	vadd.f32 v35, v33  }
0x2cb: {  	v63 =	vld.idx.msk [tilespmem:v54+s25+$0x0], $0xffff;
	v48 =	vor.u32 s7, v17  }
0x2cc: {  	v49 =	vld.idx.msk [tilespmem:v57+s23+$0x0], $0xffff;
	v50 =	vmul.f32 v39, v55;
	v33 =	vadd.f32 v62, v33  }
0x2cd: {  	v52 =	vor.u32 s7, v19;
	v51 =	vld.idx.msk [tilespmem:v57+s25+$0x0], $0xffff  }
0x2ce: {  	v54 =	vld.idx.msk [tilespmem:v60+s25+$0x0], $0xffff;
	v34 =	vmul.f32 v59, v58;
	v33 =	vadd.f32 v50, v33  }
0x2cf: {  	v53 =	vld.idx.msk [tilespmem:v60+s23+$0x0], $0xffff;
	v55 =	vor.u32 s7, v21  }
0x2d0: {  	v56 =	vld.idx.msk [tilespmem:v48+s23+$0x0], $0xffff;
	v57 =	vmul.f32 v63, v61;
	v33 =	vadd.f32 v34, v33  }
0x2d1: {  	v58 =	vld.idx.msk [tilespmem:v48+s25+$0x0], $0xffff;
	v59 =	vor.u32 s7, v23  }
0x2d2: {  	v60 =	vld.idx.msk [tilespmem:v52+s23+$0x0], $0xffff;
	v61 =	vmul.f32 v51, v49;
	v33 =	vadd.f32 v57, v33  }
0x2d3: {  	v63 =	vor.u32 s7, v25;
	v62 =	vld.idx.msk [tilespmem:v52+s25+$0x0], $0xffff  }
0x2d4: {  	v48 =	vld.idx.msk [tilespmem:v55+s23+$0x0], $0xffff;
	v49 =	vmul.f32 v54, v53;
	v33 =	vadd.f32 v61, v33  }
0x2d5: {  	v51 =	vor.u32 s7, v26;
	v50 =	vld.idx.msk [tilespmem:v55+s25+$0x0], $0xffff  }
0x2d6: {  	v52 =	vld.idx.msk [tilespmem:v59+s23+$0x0], $0xffff;
	v53 =	vmul.f32 v58, v56;
	v33 =	vadd.f32 v49, v33  }
0x2d7: {  	v54 =	vld.idx.msk [tilespmem:v59+s25+$0x0], $0xffff;
	v55 =	vor.u32 s7, v27  }
0x2d8: {  	v56 =	vld.idx.msk [tilespmem:v63+s23+$0x0], $0xffff;
	v57 =	vmul.f32 v62, v60;
	v33 =	vadd.f32 v53, v33  }
0x2d9: {  	v58 =	vld.idx.msk [tilespmem:v63+s25+$0x0], $0xffff;
	v59 =	vor.u32 s7, v29  }
0x2da: {  	v60 =	vld.idx.msk [tilespmem:v51+s23+$0x0], $0xffff;
	v61 =	vmul.f32 v50, v48;
	v33 =	vadd.f32 v57, v33  }
0x2db: {  	v63 =	vor.u32 s7, v30;
	v62 =	vld.idx.msk [tilespmem:v51+s25+$0x0], $0xffff  }
0x2dc: {  	s3 =	sadd.s32 $0x10, s7;
	v46 =	vmul.f32 v54, v52;
	v45 =	vld.idx.msk [tilespmem:v55+s23+$0x0], $0xffff;
	v33 =	vadd.f32 v61, v33  }
0x2dd: {  	v32 =	vor.u32 s3, v32;
	v47 =	vld.idx.msk [tilespmem:v55+s25+$0x0], $0xffff  }
0x2de: {  	v48 =	vld.idx.msk [tilespmem:v59+s23+$0x0], $0xffff;
	v49 =	vmul.f32 v58, v56;
	v33 =	vadd.f32 v46, v33  }
0x2df: {  	v51 =	vor.u32 s3, v31;
	v50 =	vld.idx.msk [tilespmem:v59+s25+$0x0], $0xffff  }
0x2e0: {  	v52 =	vld.idx.msk [tilespmem:v63+s23+$0x0], $0xffff;
	v53 =	vmul.f32 v62, v60;
	v33 =	vadd.f32 v49, v33  }
0x2e1: {  	v54 =	vld.idx.msk [tilespmem:v63+s25+$0x0], $0xffff;
	v55 =	vor.u32 s3, v28  }
0x2e2: {  	v56 =	vld.idx.msk [tilespmem:v32+s23+$0x0], $0xffff;
	v57 =	vmul.f32 v47, v45;
	v33 =	vadd.f32 v53, v33  }
0x2e3: {  	v32 =	vld.idx.msk [tilespmem:v32+s25+$0x0], $0xffff;
	v58 =	vor.u32 s3, v24  }
0x2e4: {  	v59 =	vld.idx.msk [tilespmem:v51+s23+$0x0], $0xffff;
	v60 =	vmul.f32 v50, v48;
	v33 =	vadd.f32 v57, v33  }
0x2e5: {  	v31 =	vld.idx.msk [tilespmem:v51+s25+$0x0], $0xffff;
	v61 =	vor.u32 s3, v22  }
0x2e6: {  	v63 =	vmul.f32 v54, v52;
	v62 =	vld.idx.msk [tilespmem:v55+s23+$0x0], $0xffff;
	v33 =	vadd.f32 v60, v33  }
0x2e7: {  	v38 =	vor.u32 s3, v20;
	v28 =	vld.idx.msk [tilespmem:v55+s25+$0x0], $0xffff  }
0x2e8: {  	v39 =	vld.idx.msk [tilespmem:v58+s23+$0x0], $0xffff;
	v32 =	vmul.f32 v32, v56;
	v33 =	vadd.f32 v63, v33  }
0x2e9: {  	v18 =	vor.u32 s3, v18;
	v24 =	vld.idx.msk [tilespmem:v58+s25+$0x0], $0xffff  }
0x2ea: {  	v31 =	vmul.f32 v31, v59;
	v41 =	vld.idx.msk [tilespmem:v61+s23+$0x0], $0xffff;
	v32 =	vadd.f32 v32, v33  }
0x2eb: {  	v17 =	vor.u32 s3, v17;
	v22 =	vld.idx.msk [tilespmem:v61+s25+$0x0], $0xffff  }
0x2ec: {  	v42 =	vld.idx.msk [tilespmem:v38+s23+$0x0], $0xffff;
	v28 =	vmul.f32 v28, v62;
	v31 =	vadd.f32 v31, v32  }
0x2ed: {  	v20 =	vld.idx.msk [tilespmem:v38+s25+$0x0], $0xffff;
	v19 =	vor.u32 s3, v19  }
0x2ee: {  	v43 =	vld.idx.msk [tilespmem:v18+s23+$0x0], $0xffff;
	v24 =	vmul.f32 v24, v39;
	v28 =	vadd.f32 v28, v31  }
0x2ef: {  	v44 =	vor.u32 s3, v21;
	v18 =	vld.idx.msk [tilespmem:v18+s25+$0x0], $0xffff  }
0x2f0: {  	v45 =	vld.idx.msk [tilespmem:v17+s23+$0x0], $0xffff;
	v22 =	vmul.f32 v22, v41;
	v24 =	vadd.f32 v24, v28  }
0x2f1: {  	v17 =	vld.idx.msk [tilespmem:v17+s25+$0x0], $0xffff;
	v46 =	vor.u32 s3, v23  }
0x2f2: {  	v20 =	vmul.f32 v20, v42;
	v47 =	vld.idx.msk [tilespmem:v19+s23+$0x0], $0xffff;
	v22 =	vadd.f32 v22, v24  }
0x2f3: {  	v48 =	vor.u32 s3, v25;
	v19 =	vld.idx.msk [tilespmem:v19+s25+$0x0], $0xffff  }
0x2f4: {  	v21 =	vld.idx.msk [tilespmem:v44+s25+$0x0], $0xffff;
	v18 =	vmul.f32 v18, v43;
	v20 =	vadd.f32 v20, v22  }
0x2f5: {  	v50 =	vor.u32 s3, v26;
	v49 =	vld.idx.msk [tilespmem:v44+s23+$0x0], $0xffff  }
0x2f6: {  	v17 =	vmul.f32 v17, v45;
	v51 =	vld.idx.msk [tilespmem:v46+s23+$0x0], $0xffff;
	v18 =	vadd.f32 v18, v20  }
0x2f7: {  	v53 =	vor.u32 s3, v27;
	v52 =	vld.idx.msk [tilespmem:v46+s25+$0x0], $0xffff  }
0x2f8: {  	v54 =	vld.idx.msk [tilespmem:v48+s23+$0x0], $0xffff;
	v17 =	vadd.f32 v17, v18;
	v18 =	vmul.f32 v19, v47  }
0x2f9: {  	v55 =	vor.u32 s3, v29;
	v19 =	vld.idx.msk [tilespmem:v48+s25+$0x0], $0xffff  }
0x2fa: {  	v56 =	vld.idx.msk [tilespmem:v50+s23+$0x0], $0xffff;
	v17 =	vadd.f32 v18, v17;
	v18 =	vmul.f32 v21, v49  }
0x2fb: {  	v58 =	vor.u32 s3, v30;
	v57 =	vld.idx.msk [tilespmem:v50+s25+$0x0], $0xffff  }
0x2fc: {  	v59 =	vld.idx.msk [tilespmem:v53+s23+$0x0], $0xffff;
	v17 =	vadd.f32 v18, v17;
	v18 =	vmul.f32 v52, v51  }
0x2fd: {  	v60 =	vld.idx.msk [tilespmem:v53+s25+$0x0], $0xffff  }
0x2fe: {  	v61 =	vld.idx.msk [tilespmem:v55+s23+$0x0], $0xffff;
	v17 =	vadd.f32 v18, v17;
	v18 =	vmul.f32 v19, v54  }
0x2ff: {  	v19 =	vld.idx.msk [tilespmem:v55+s25+$0x0], $0xffff  }
0x300: {  	v62 =	vld.idx.msk [tilespmem:v58+s23+$0x0], $0xffff;
	v17 =	vadd.f32 v18, v17;
	v18 =	vmul.f32 v57, v56  }
0x301: {  	v63 =	vld.idx.msk [tilespmem:v58+s25+$0x0], $0xffff  }
0x302: {  	v17 =	vadd.f32 v18, v17;
	v18 =	vmul.f32 v60, v59;
	_ =	sdelay $0x1  }
0x303: {  	v17 =	vadd.f32 v18, v17;
	v18 =	vmul.f32 v19, v61;
	_ =	sdelay $0x1  }
0x304: {  	v17 =	vadd.f32 v18, v17;
	v18 =	vmul.f32 v63, v62;
	_ =	sdelay $0x1  }
0x305: {  	v17 =	vadd.f32 v18, v17;
	_ =	sdelay $0x1  }
0x306: {  	v17 =	vsub.f32 $0.0e+00, v17;
	_ =	sdelay $0x1  }
0x307: {  	v17 =	vmul.f32 $1.442695020e+00, v17;
	_ =	sdelay $0x1  }
0x308: {  	(erf) = vpow2.f32 v17;
	_ =	sdelay $0x8  }
0x309: {  	v17 =	vpop (erf)  }
0x30a: {  	v17 =	vadd.f32 $1.000000000e+00, v17;
	_ =	sdelay $0x1  }
0x30b: {  	(erf) = vrcp.f32 v17;
	_ =	sdelay $0x3  }
0x30c: {  	s0 =	sadd.s32 $0x1, s0  }
0x30d: {  	p2 =	sne.s32 s0, $0x5  }
.Ltmp7:
0x30e: {  	_ = 	snop;
	(pc) =	sbr.rel @p2 .LBB2_11-.Ltmp7, $3  }
0x30f: {  	_ =	sdelay $0x1  }
0x310: {  	v17 =	vpop (erf)  }
0x311: {  	[tilespmem:s8+$0x1E000] =	vst v17  }
0x312: {  	s0 =	rddreg [dreg:$0x8]  }
0x313: {  	s0 =	sadd.s32 s24, s0  }
0x314: {  	s0 =	sshrl.u32 s0, $0x3  }
0x315: {  	s3 =	simm.s32 $0x1E000;
	s0 =	sadd.s32 s5, s0  }
0x316: {  	[hbm4b:s0+s6] =	stream.linear.scatter [tilespmem:s3], [sflag:$0x8], $0x50, $0x38;
	[tilespmem:$0x1E180] =	vst v63  }
0x317: {  	s7 =	simm.s32 @!p1 $0x9F00;
	s0 =	sadd.s32 @!p1 $0x230, s24;
	s3 =	simm.s32 @!p1 $0x50  }
0x318: {  	[tilespmem:s7], [sflag:$0x3] =	stream.indirect.gather @!p1 [hbm4b:s1+s3], $0x80, s0, s3, $0xb8;
	[tilespmem:$0x1E180] =	vst v63  }
0x319: {  	s0 =	sadd.s32 @!p1 $0x29B0, s24;
	s7 =	simm.s32 @!p1 $0x16700  }
0x31a: {  	[tilespmem:s7], [sflag:$0x3] =	stream.indirect.gather @!p1 [hbm4b:s2+s3], $0x80, s0, s3, $0xb8;
	[tilespmem:$0x1E180] =	vst v63  }
0x31b: {  	_ =	swait.ge [sflag:s15], $0x2800  }
0x31c: {  	[sflag:s15] =	ssyncset.done $0x0  }
0x31d: {  	[sflag:s15] =	ssyncadd.s32 $0xFFFFD800  }
0x31e: {  	_ =	swait.ge [sflag:s15], $0x2800  }
0x31f: {  	[sflag:s15] =	ssyncset.done $0x0  }
0x320: {  	s0 =	simm.s32 @!p0 $0x9;
	[sflag:s15] =	ssyncadd.s32 $0xFFFFD800  }
0x321: {  	_ =	swait.ge @!p0 [sflag:s0], $0x50  }
0x322: {  	[sflag:s0] =	ssyncset.done @!p0 $0x0  }
0x323: {  	s29 =	simm.s32 $0x0;
	[sflag:s0] =	ssyncadd.s32 @!p0 $0xFFFFFFB0;
	s0 =	simm.s32 $0x0  }
.LBB2_15:
0x324: {  	s8 =	sshll.u32 s0, $0x4  }
0x325: {  	v17 =	vmov s8  }
0x326: {  	v17 =	vshll.u32 v17, $0x7  }
0x327: {  	v30 =	vor.u32 v1, v17  }
0x328: {  	v32 =	vor.u32 v0, v30  }
0x329: {  	v17 =	vor.u32 s29, v32  }
0x32a: {  	v31 =	vor.u32 v2, v30  }
0x32b: {  	v18 =	vor.u32 s29, v31  }
0x32c: {  	v28 =	vor.u32 v3, v30  }
0x32d: {  	v19 =	vor.u32 s29, v28  }
0x32e: {  	v22 =	vor.u32 v5, v30;
	v21 =	vld.idx.msk [tilespmem:v17+s28+$0x0], $0xffff  }
0x32f: {  	v27 =	vor.u32 s29, v22;
	v23 =	vld.idx.msk [tilespmem:v17+s30+$0x0], $0xffff  }
0x330: {  	v24 =	vor.u32 v4, v30;
	v25 =	vld.idx.msk [tilespmem:v18+s28+$0x0], $0xffff  }
0x331: {  	v17 =	vor.u32 s29, v24;
	v26 =	vld.idx.msk [tilespmem:v18+s30+$0x0], $0xffff  }
0x332: {  	v20 =	vor.u32 v6, v30;
	v29 =	vld.idx.msk [tilespmem:v19+s28+$0x0], $0xffff  }
0x333: {  	v34 =	vor.u32 s29, v20;
	v33 =	vld.idx.msk [tilespmem:v19+s30+$0x0], $0xffff  }
0x334: {  	v18 =	vor.u32 v8, v30;
	v38 =	vld.idx.msk [tilespmem:v27+s28+$0x0], $0xffff  }
0x335: {  	v27 =	vld.idx.msk [tilespmem:v27+s30+$0x0], $0xffff;
	v37 =	vor.u32 s29, v18  }
0x336: {  	v19 =	vor.u32 v7, v30;
	v35 =	vld.idx.msk [tilespmem:v17+s28+$0x0], $0xffff;
	v21 =	vmul.f32 v23, v21  }
0x337: {  	v36 =	vld.idx.msk [tilespmem:v17+s30+$0x0], $0xffff;
	v23 =	vimm.f32 $0.0e+00;
	v25 =	vmul.f32 v26, v25;
	v26 =	vor.u32 s29, v19  }
0x338: {  	v40 =	vld.idx.msk [tilespmem:v34+s28+$0x0], $0xffff;
	v17 =	vor.u32 v9, v30;
	v23 =	vadd.f32 v21, v23  }
0x339: {  	v34 =	vld.idx.msk [tilespmem:v34+s30+$0x0], $0xffff;
	v39 =	vor.u32 s29, v17  }
0x33a: {  	v29 =	vmul.f32 v33, v29;
	v59 =	vld.idx.msk [tilespmem:v37+s28+$0x0], $0xffff;
	v25 =	vadd.f32 v25, v23  }
0x33b: {  	v37 =	vld.idx.msk [tilespmem:v37+s30+$0x0], $0xffff;
	v21 =	vor.u32 v10, v30  }
0x33c: {  	v41 =	vor.u32 s29, v21;
	v35 =	vmul.f32 v36, v35;
	v61 =	vld.idx.msk [tilespmem:v26+s28+$0x0], $0xffff;
	v29 =	vadd.f32 v29, v25  }
0x33d: {  	v23 =	vor.u32 v11, v30;
	v62 =	vld.idx.msk [tilespmem:v26+s30+$0x0], $0xffff  }
0x33e: {  	v27 =	vmul.f32 v27, v38;
	v42 =	vor.u32 s29, v23;
	v60 =	vld.idx.msk [tilespmem:v39+s28+$0x0], $0xffff;
	v29 =	vadd.f32 v35, v29  }
0x33f: {  	v34 =	vmul.f32 v34, v40;
	v26 =	vor.u32 v13, v30;
	v39 =	vld.idx.msk [tilespmem:v39+s30+$0x0], $0xffff  }
0x340: {  	v25 =	vor.u32 v12, v30;
	v44 =	vor.u32 s29, v26;
	v29 =	vadd.f32 v27, v29  }
0x341: {  	v43 =	vor.u32 s29, v25;
	v63 =	vld.idx.msk [tilespmem:v41+s28+$0x0], $0xffff  }
0x342: {  	v33 =	vmul.f32 v37, v59;
	v41 =	vld.idx.msk [tilespmem:v41+s30+$0x0], $0xffff;
	v34 =	vadd.f32 v34, v29  }
0x343: {  	v27 =	vor.u32 v14, v30;
	v48 =	vld.idx.msk [tilespmem:v42+s28+$0x0], $0xffff  }
0x344: {  	v42 =	vld.idx.msk [tilespmem:v42+s30+$0x0], $0xffff;
	v45 =	vor.u32 s29, v27;
	v49 =	vmul.f32 v39, v60;
	v33 =	vadd.f32 v33, v34  }
0x345: {  	v54 =	vld.idx.msk [tilespmem:v44+s28+$0x0], $0xffff;
	v29 =	vor.u32 v15, v30  }
0x346: {  	v53 =	vmul.f32 v62, v61;
	v50 =	vld.idx.msk [tilespmem:v43+s28+$0x0], $0xffff;
	v52 =	vor.u32 s29, v29;
	v33 =	vadd.f32 v49, v33  }
0x347: {  	v51 =	vld.idx.msk [tilespmem:v43+s30+$0x0], $0xffff;
	v30 =	vor.u32 v16, v30  }
0x348: {  	v55 =	vld.idx.msk [tilespmem:v44+s30+$0x0], $0xffff;
	v56 =	vor.u32 s29, v30;
	v57 =	vmul.f32 v41, v63;
	v33 =	vadd.f32 v53, v33  }
0x349: {  	s3 =	simm.s32 $0x10;
	v58 =	vld.idx.msk [tilespmem:v45+s28+$0x0], $0xffff  }
0x34a: {  	v60 =	vor.u32 s3, v32;
	v61 =	vmul.f32 v42, v48;
	v59 =	vld.idx.msk [tilespmem:v45+s30+$0x0], $0xffff;
	v33 =	vadd.f32 v57, v33  }
0x34b: {  	v62 =	vld.idx.msk [tilespmem:v52+s28+$0x0], $0xffff  }
0x34c: {  	v48 =	vor.u32 s3, v31;
	v49 =	vmul.f32 v51, v50;
	v63 =	vld.idx.msk [tilespmem:v52+s30+$0x0], $0xffff;
	v33 =	vadd.f32 v61, v33  }
0x34d: {  	v50 =	vld.idx.msk [tilespmem:v56+s28+$0x0], $0xffff  }
0x34e: {  	v51 =	vld.idx.msk [tilespmem:v56+s30+$0x0], $0xffff;
	v52 =	vor.u32 s3, v28;
	v53 =	vmul.f32 v55, v54;
	v33 =	vadd.f32 v49, v33  }
0x34f: {  	v54 =	vld.idx.msk [tilespmem:v60+s28+$0x0], $0xffff  }
0x350: {  	v55 =	vld.idx.msk [tilespmem:v60+s30+$0x0], $0xffff;
	v56 =	vor.u32 s3, v24;
	v57 =	vmul.f32 v59, v58;
	v33 =	vadd.f32 v53, v33  }
0x351: {  	v58 =	vld.idx.msk [tilespmem:v48+s28+$0x0], $0xffff  }
0x352: {  	v60 =	vor.u32 s3, v22;
	v59 =	vld.idx.msk [tilespmem:v48+s30+$0x0], $0xffff;
	v61 =	vmul.f32 v63, v62;
	v33 =	vadd.f32 v57, v33  }
0x353: {  	v62 =	vld.idx.msk [tilespmem:v52+s28+$0x0], $0xffff  }
0x354: {  	v48 =	vor.u32 s3, v20;
	v63 =	vld.idx.msk [tilespmem:v52+s30+$0x0], $0xffff;
	v49 =	vmul.f32 v51, v50;
	v33 =	vadd.f32 v61, v33  }
0x355: {  	v50 =	vld.idx.msk [tilespmem:v56+s28+$0x0], $0xffff  }
0x356: {  	v52 =	vor.u32 s3, v18;
	v51 =	vld.idx.msk [tilespmem:v56+s30+$0x0], $0xffff;
	v53 =	vmul.f32 v55, v54;
	v33 =	vadd.f32 v49, v33  }
0x357: {  	v54 =	vld.idx.msk [tilespmem:v60+s28+$0x0], $0xffff  }
0x358: {  	v55 =	vld.idx.msk [tilespmem:v60+s30+$0x0], $0xffff;
	v60 =	vor.u32 s3, v19;
	v57 =	vmul.f32 v59, v58;
	v33 =	vadd.f32 v53, v33  }
0x359: {  	v56 =	vor.u32 s3, v17;
	v58 =	vld.idx.msk [tilespmem:v48+s28+$0x0], $0xffff  }
0x35a: {  	v59 =	vld.idx.msk [tilespmem:v48+s30+$0x0], $0xffff;
	v61 =	vmul.f32 v63, v62;
	v33 =	vadd.f32 v57, v33  }
0x35b: {  	v48 =	vor.u32 s3, v21;
	v62 =	vld.idx.msk [tilespmem:v52+s28+$0x0], $0xffff  }
0x35c: {  	v63 =	vld.idx.msk [tilespmem:v52+s30+$0x0], $0xffff;
	v49 =	vmul.f32 v51, v50;
	v33 =	vadd.f32 v61, v33  }
0x35d: {  	v52 =	vor.u32 s3, v23;
	v44 =	vld.idx.msk [tilespmem:v60+s30+$0x0], $0xffff  }
0x35e: {  	v50 =	vld.idx.msk [tilespmem:v56+s28+$0x0], $0xffff;
	v53 =	vmul.f32 v55, v54;
	v33 =	vadd.f32 v49, v33  }
0x35f: {  	v51 =	vld.idx.msk [tilespmem:v56+s30+$0x0], $0xffff  }
0x360: {  	v56 =	vmul.f32 v59, v58;
	v58 =	vld.idx.msk [tilespmem:v48+s30+$0x0], $0xffff;
	v59 =	vor.u32 s3, v26;
	v33 =	vadd.f32 v53, v33  }
0x361: {  	v54 =	vld.idx.msk [tilespmem:v60+s28+$0x0], $0xffff;
	v55 =	vor.u32 s3, v25  }
0x362: {  	v60 =	vmul.f32 v63, v62;
	v46 =	vld.idx.msk [tilespmem:v52+s28+$0x0], $0xffff;
	v33 =	vadd.f32 v56, v33  }
0x363: {  	v57 =	vld.idx.msk [tilespmem:v48+s28+$0x0], $0xffff  }
0x364: {  	v47 =	vld.idx.msk [tilespmem:v52+s30+$0x0], $0xffff;
	v36 =	vmul.f32 v51, v50;
	v61 =	vor.u32 s3, v27;
	v33 =	vadd.f32 v60, v33  }
0x365: {  	v35 =	vld.idx.msk [tilespmem:v59+s28+$0x0], $0xffff  }
0x366: {  	v37 =	vor.u32 s3, v29;
	v34 =	vld.idx.msk [tilespmem:v55+s28+$0x0], $0xffff;
	v62 =	vmul.f32 v44, v54;
	v33 =	vadd.f32 v36, v33  }
0x367: {  	v38 =	vld.idx.msk [tilespmem:v55+s30+$0x0], $0xffff  }
0x368: {  	v42 =	vor.u32 s3, v30;
	v39 =	vld.idx.msk [tilespmem:v59+s30+$0x0], $0xffff;
	v63 =	vmul.f32 v58, v57;
	v36 =	vadd.f32 v62, v33  }
0x369: {  	s7 =	simm.s32 $0x20;
	v41 =	vld.idx.msk [tilespmem:v61+s30+$0x0], $0xffff  }
0x36a: {  	v40 =	vor.u32 s7, v32;
	v44 =	vmul.f32 v47, v46;
	v33 =	vld.idx.msk [tilespmem:v61+s28+$0x0], $0xffff;
	v43 =	vadd.f32 v63, v36  }
0x36b: {  	s3 =	simm.s32 $0x40;
	v36 =	vld.idx.msk [tilespmem:v37+s28+$0x0], $0xffff  }
.LBB2_16:
0x36c: {  	p2 =	sne.s32 s3, $0x60;
	v45 =	vor.u32 s7, v31;
	v43 =	vadd.f32 v44, v43;
	v34 =	vmul.f32 v38, v34;
	v37 =	vld.idx.msk [tilespmem:v37+s30+$0x0], $0xffff  }
0x36d: {  	v38 =	vld.idx.msk [tilespmem:v42+s28+$0x0], $0xffff  }
0x36e: {  	v44 =	vor.u32 s7, v28;
	v35 =	vmul.f32 v39, v35;
	v34 =	vadd.f32 v34, v43;
	v39 =	vld.idx.msk [tilespmem:v42+s30+$0x0], $0xffff  }
0x36f: {  	v42 =	vld.idx.msk [tilespmem:v40+s28+$0x0], $0xffff  }
0x370: {  	v43 =	vor.u32 s7, v24;
	v33 =	vmul.f32 v41, v33;
	v40 =	vld.idx.msk [tilespmem:v40+s30+$0x0], $0xffff;
	v34 =	vadd.f32 v35, v34  }
0x371: {  	v35 =	vld.idx.msk [tilespmem:v45+s28+$0x0], $0xffff  }
0x372: {  	v41 =	vld.idx.msk [tilespmem:v45+s30+$0x0], $0xffff;
	v45 =	vor.u32 s7, v22;
	v33 =	vadd.f32 v33, v34;
	v34 =	vmul.f32 v37, v36  }
0x373: {  	v36 =	vld.idx.msk [tilespmem:v44+s28+$0x0], $0xffff  }
0x374: {  	v37 =	vld.idx.msk [tilespmem:v44+s30+$0x0], $0xffff;
	v44 =	vor.u32 s7, v20;
	v33 =	vadd.f32 v34, v33;
	v34 =	vmul.f32 v39, v38  }
0x375: {  	v38 =	vld.idx.msk [tilespmem:v43+s28+$0x0], $0xffff  }
0x376: {  	v39 =	vmul.f32 v40, v42;
	v42 =	vor.u32 s7, v18;
	v40 =	vld.idx.msk [tilespmem:v43+s30+$0x0], $0xffff;
	v33 =	vadd.f32 v34, v33  }
0x377: {  	v34 =	vld.idx.msk [tilespmem:v45+s28+$0x0], $0xffff  }
0x378: {  	v35 =	vmul.f32 v41, v35;
	v41 =	vor.u32 s7, v17;
	v33 =	vadd.f32 v39, v33;
	v39 =	vld.idx.msk [tilespmem:v45+s30+$0x0], $0xffff  }
0x379: {  	v43 =	vld.idx.msk [tilespmem:v44+s28+$0x0], $0xffff  }
0x37a: {  	v33 =	vadd.f32 v35, v33;
	v35 =	vmul.f32 v37, v36;
	v36 =	vld.idx.msk [tilespmem:v44+s30+$0x0], $0xffff;
	v37 =	vor.u32 s7, v19  }
0x37b: {  	v44 =	vld.idx.msk [tilespmem:v42+s28+$0x0], $0xffff  }
0x37c: {  	v33 =	vadd.f32 v35, v33;
	v35 =	vmul.f32 v40, v38;
	v38 =	vld.idx.msk [tilespmem:v42+s30+$0x0], $0xffff;
	v40 =	vor.u32 s7, v21  }
0x37d: {  	v42 =	vld.idx.msk [tilespmem:v41+s28+$0x0], $0xffff  }
0x37e: {  	v34 =	vmul.f32 v39, v34;
	v39 =	vor.u32 s7, v23;
	v33 =	vadd.f32 v35, v33;
	v35 =	vld.idx.msk [tilespmem:v41+s30+$0x0], $0xffff  }
0x37f: {  	v41 =	vld.idx.msk [tilespmem:v37+s28+$0x0], $0xffff  }
0x380: {  	v33 =	vadd.f32 v34, v33;
	v34 =	vmul.f32 v36, v43;
	v36 =	vld.idx.msk [tilespmem:v37+s30+$0x0], $0xffff;
	v37 =	vor.u32 s7, v25  }
0x381: {  	v43 =	vld.idx.msk [tilespmem:v40+s28+$0x0], $0xffff  }
0x382: {  	v33 =	vadd.f32 v34, v33;
	v34 =	vmul.f32 v38, v44;
	v38 =	vld.idx.msk [tilespmem:v40+s30+$0x0], $0xffff;
	v40 =	vor.u32 s7, v26  }
0x383: {  	v44 =	vld.idx.msk [tilespmem:v39+s28+$0x0], $0xffff  }
0x384: {  	v33 =	vadd.f32 v34, v33;
	v34 =	vmul.f32 v35, v42;
	v35 =	vld.idx.msk [tilespmem:v39+s30+$0x0], $0xffff;
	v39 =	vor.u32 s7, v27  }
0x385: {  	v42 =	vld.idx.msk [tilespmem:v37+s28+$0x0], $0xffff  }
0x386: {  	v33 =	vadd.f32 v34, v33;
	v34 =	vmul.f32 v36, v41;
	v36 =	vld.idx.msk [tilespmem:v37+s30+$0x0], $0xffff;
	v37 =	vor.u32 s7, v29  }
0x387: {  	v41 =	vld.idx.msk [tilespmem:v40+s28+$0x0], $0xffff  }
0x388: {  	v33 =	vadd.f32 v34, v33;
	v34 =	vmul.f32 v38, v43;
	v38 =	vld.idx.msk [tilespmem:v40+s30+$0x0], $0xffff;
	v40 =	vor.u32 s7, v30  }
0x389: {  	s9 =	sadd.s32 $0x10, s7;
	s7 =	smov.u32 s3;
	v43 =	vld.idx.msk [tilespmem:v39+s28+$0x0], $0xffff  }
0x38a: {  	v33 =	vadd.f32 v34, v33;
	v34 =	vmul.f32 v35, v44;
	v35 =	vld.idx.msk [tilespmem:v39+s30+$0x0], $0xffff;
	v39 =	vor.u32 s9, v32  }
0x38b: {  	v44 =	vld.idx.msk [tilespmem:v37+s28+$0x0], $0xffff  }
0x38c: {  	v33 =	vadd.f32 v34, v33;
	v34 =	vmul.f32 v36, v42;
	v36 =	vld.idx.msk [tilespmem:v37+s30+$0x0], $0xffff;
	v37 =	vor.u32 s9, v31  }
0x38d: {  	v42 =	vld.idx.msk [tilespmem:v40+s28+$0x0], $0xffff  }
0x38e: {  	v33 =	vadd.f32 v34, v33;
	v34 =	vmul.f32 v38, v41;
	v38 =	vld.idx.msk [tilespmem:v40+s30+$0x0], $0xffff;
	v40 =	vor.u32 s9, v28  }
0x38f: {  	v41 =	vld.idx.msk [tilespmem:v39+s28+$0x0], $0xffff  }
0x390: {  	v33 =	vadd.f32 v34, v33;
	v34 =	vmul.f32 v35, v43;
	v35 =	vld.idx.msk [tilespmem:v39+s30+$0x0], $0xffff;
	v39 =	vor.u32 s9, v24  }
0x391: {  	v43 =	vld.idx.msk [tilespmem:v37+s28+$0x0], $0xffff  }
0x392: {  	v33 =	vadd.f32 v34, v33;
	v34 =	vmul.f32 v36, v44;
	v36 =	vld.idx.msk [tilespmem:v37+s30+$0x0], $0xffff;
	v37 =	vor.u32 s9, v22  }
0x393: {  	v44 =	vld.idx.msk [tilespmem:v40+s28+$0x0], $0xffff  }
0x394: {  	v33 =	vadd.f32 v34, v33;
	v34 =	vmul.f32 v38, v42;
	v38 =	vld.idx.msk [tilespmem:v40+s30+$0x0], $0xffff;
	v40 =	vor.u32 s9, v20  }
0x395: {  	v42 =	vld.idx.msk [tilespmem:v39+s28+$0x0], $0xffff  }
0x396: {  	v33 =	vadd.f32 v34, v33;
	v34 =	vmul.f32 v35, v41;
	v35 =	vld.idx.msk [tilespmem:v39+s30+$0x0], $0xffff;
	v39 =	vor.u32 s9, v18  }
0x397: {  	v41 =	vld.idx.msk [tilespmem:v37+s28+$0x0], $0xffff  }
0x398: {  	v33 =	vadd.f32 v34, v33;
	v34 =	vmul.f32 v36, v43;
	v36 =	vld.idx.msk [tilespmem:v37+s30+$0x0], $0xffff;
	v37 =	vor.u32 s9, v17  }
0x399: {  	v43 =	vld.idx.msk [tilespmem:v40+s28+$0x0], $0xffff  }
0x39a: {  	v33 =	vadd.f32 v34, v33;
	v34 =	vmul.f32 v38, v44;
	v38 =	vld.idx.msk [tilespmem:v40+s30+$0x0], $0xffff;
	v40 =	vor.u32 s9, v19  }
0x39b: {  	v44 =	vld.idx.msk [tilespmem:v39+s28+$0x0], $0xffff  }
0x39c: {  	v33 =	vadd.f32 v34, v33;
	v34 =	vmul.f32 v35, v42;
	v35 =	vld.idx.msk [tilespmem:v39+s30+$0x0], $0xffff;
	v39 =	vor.u32 s9, v21  }
0x39d: {  	v42 =	vld.idx.msk [tilespmem:v37+s28+$0x0], $0xffff  }
0x39e: {  	v33 =	vadd.f32 v34, v33;
	v34 =	vmul.f32 v36, v41;
	v36 =	vld.idx.msk [tilespmem:v37+s30+$0x0], $0xffff;
	v37 =	vor.u32 s9, v23  }
0x39f: {  	v41 =	vld.idx.msk [tilespmem:v40+s28+$0x0], $0xffff  }
0x3a0: {  	v33 =	vadd.f32 v34, v33;
	v34 =	vmul.f32 v38, v43;
	v38 =	vld.idx.msk [tilespmem:v40+s30+$0x0], $0xffff;
	v40 =	vor.u32 s9, v25  }
0x3a1: {  	v43 =	vld.idx.msk [tilespmem:v39+s28+$0x0], $0xffff  }
0x3a2: {  	v33 =	vadd.f32 v34, v33;
	v34 =	vmul.f32 v35, v44;
	v39 =	vld.idx.msk [tilespmem:v39+s30+$0x0], $0xffff;
	v44 =	vor.u32 s9, v26  }
0x3a3: {  	v45 =	vld.idx.msk [tilespmem:v37+s28+$0x0], $0xffff  }
0x3a4: {  	v46 =	vor.u32 s9, v27;
	v35 =	vmul.f32 v36, v42;
	v33 =	vadd.f32 v34, v33;
	v36 =	vld.idx.msk [tilespmem:v37+s30+$0x0], $0xffff  }
0x3a5: {  	v34 =	vld.idx.msk [tilespmem:v40+s28+$0x0], $0xffff  }
0x3a6: {  	v37 =	vor.u32 s9, v29;
	v41 =	vmul.f32 v38, v41;
	v33 =	vadd.f32 v35, v33;
	v38 =	vld.idx.msk [tilespmem:v40+s30+$0x0], $0xffff  }
.Ltmp8:
0x3a7: {  	v35 =	vld.idx.msk [tilespmem:v44+s28+$0x0], $0xffff;
	(pc) =	sbr.rel @p2 .LBB2_16-.Ltmp8, $4  }
0x3a8: {  	v42 =	vor.u32 s9, v30;
	v43 =	vmul.f32 v39, v43;
	v41 =	vadd.f32 v41, v33;
	v39 =	vld.idx.msk [tilespmem:v44+s30+$0x0], $0xffff  }
0x3a9: {  	v33 =	vld.idx.msk [tilespmem:v46+s28+$0x0], $0xffff  }
0x3aa: {  	v40 =	vor.u32 s3, v32;
	v44 =	vmul.f32 v36, v45;
	v43 =	vadd.f32 v43, v41;
	v41 =	vld.idx.msk [tilespmem:v46+s30+$0x0], $0xffff  }
0x3ab: {  	s3 =	sadd.s32 $0x20, s3;
	v36 =	vld.idx.msk [tilespmem:v37+s28+$0x0], $0xffff  }
0x3ac: {  	_ =	sdelay $0x2  }
0x3ad: {  	v43 =	vadd.f32 v44, v43;
	v34 =	vmul.f32 v38, v34  }
0x3ae: {  	v62 =	vor.u32 s7, v31;
	v37 =	vld.idx.msk [tilespmem:v37+s30+$0x0], $0xffff  }
0x3af: {  	v63 =	vld.idx.msk [tilespmem:v42+s28+$0x0], $0xffff;
	v35 =	vmul.f32 v39, v35;
	v34 =	vadd.f32 v34, v43  }
0x3b0: {  	v46 =	vor.u32 s7, v28;
	v47 =	vld.idx.msk [tilespmem:v42+s30+$0x0], $0xffff  }
0x3b1: {  	v48 =	vld.idx.msk [tilespmem:v40+s28+$0x0], $0xffff;
	v33 =	vmul.f32 v41, v33;
	v34 =	vadd.f32 v35, v34  }
0x3b2: {  	v49 =	vld.idx.msk [tilespmem:v40+s30+$0x0], $0xffff;
	v50 =	vor.u32 s7, v24  }
0x3b3: {  	v51 =	vld.idx.msk [tilespmem:v62+s28+$0x0], $0xffff;
	v52 =	vmul.f32 v37, v36;
	v33 =	vadd.f32 v33, v34  }
0x3b4: {  	v54 =	vor.u32 s7, v22;
	v53 =	vld.idx.msk [tilespmem:v62+s30+$0x0], $0xffff  }
0x3b5: {  	v55 =	vld.idx.msk [tilespmem:v46+s28+$0x0], $0xffff;
	v56 =	vmul.f32 v47, v63;
	v33 =	vadd.f32 v52, v33  }
0x3b6: {  	v57 =	vor.u32 s7, v20;
	v39 =	vld.idx.msk [tilespmem:v46+s30+$0x0], $0xffff  }
0x3b7: {  	v58 =	vld.idx.msk [tilespmem:v50+s28+$0x0], $0xffff;
	v35 =	vmul.f32 v49, v48;
	v33 =	vadd.f32 v56, v33  }
0x3b8: {  	v60 =	vor.u32 s7, v18;
	v59 =	vld.idx.msk [tilespmem:v50+s30+$0x0], $0xffff  }
0x3b9: {  	v61 =	vld.idx.msk [tilespmem:v54+s28+$0x0], $0xffff;
	v62 =	vmul.f32 v53, v51;
	v33 =	vadd.f32 v35, v33  }
0x3ba: {  	v63 =	vld.idx.msk [tilespmem:v54+s30+$0x0], $0xffff;
	v48 =	vor.u32 s7, v17  }
0x3bb: {  	v49 =	vld.idx.msk [tilespmem:v57+s28+$0x0], $0xffff;
	v50 =	vmul.f32 v39, v55;
	v33 =	vadd.f32 v62, v33  }
0x3bc: {  	v52 =	vor.u32 s7, v19;
	v51 =	vld.idx.msk [tilespmem:v57+s30+$0x0], $0xffff  }
0x3bd: {  	v54 =	vld.idx.msk [tilespmem:v60+s30+$0x0], $0xffff;
	v34 =	vmul.f32 v59, v58;
	v33 =	vadd.f32 v50, v33  }
0x3be: {  	v53 =	vld.idx.msk [tilespmem:v60+s28+$0x0], $0xffff;
	v55 =	vor.u32 s7, v21  }
0x3bf: {  	v56 =	vld.idx.msk [tilespmem:v48+s28+$0x0], $0xffff;
	v57 =	vmul.f32 v63, v61;
	v33 =	vadd.f32 v34, v33  }
0x3c0: {  	v58 =	vld.idx.msk [tilespmem:v48+s30+$0x0], $0xffff;
	v59 =	vor.u32 s7, v23  }
0x3c1: {  	v60 =	vld.idx.msk [tilespmem:v52+s28+$0x0], $0xffff;
	v61 =	vmul.f32 v51, v49;
	v33 =	vadd.f32 v57, v33  }
0x3c2: {  	v63 =	vor.u32 s7, v25;
	v62 =	vld.idx.msk [tilespmem:v52+s30+$0x0], $0xffff  }
0x3c3: {  	v48 =	vld.idx.msk [tilespmem:v55+s28+$0x0], $0xffff;
	v49 =	vmul.f32 v54, v53;
	v33 =	vadd.f32 v61, v33  }
0x3c4: {  	v51 =	vor.u32 s7, v26;
	v50 =	vld.idx.msk [tilespmem:v55+s30+$0x0], $0xffff  }
0x3c5: {  	v52 =	vld.idx.msk [tilespmem:v59+s28+$0x0], $0xffff;
	v53 =	vmul.f32 v58, v56;
	v33 =	vadd.f32 v49, v33  }
0x3c6: {  	v54 =	vld.idx.msk [tilespmem:v59+s30+$0x0], $0xffff;
	v55 =	vor.u32 s7, v27  }
0x3c7: {  	v56 =	vld.idx.msk [tilespmem:v63+s28+$0x0], $0xffff;
	v57 =	vmul.f32 v62, v60;
	v33 =	vadd.f32 v53, v33  }
0x3c8: {  	v58 =	vld.idx.msk [tilespmem:v63+s30+$0x0], $0xffff;
	v59 =	vor.u32 s7, v29  }
0x3c9: {  	v60 =	vld.idx.msk [tilespmem:v51+s28+$0x0], $0xffff;
	v61 =	vmul.f32 v50, v48;
	v33 =	vadd.f32 v57, v33  }
0x3ca: {  	v63 =	vor.u32 s7, v30;
	v62 =	vld.idx.msk [tilespmem:v51+s30+$0x0], $0xffff  }
0x3cb: {  	s3 =	sadd.s32 $0x10, s7;
	v46 =	vmul.f32 v54, v52;
	v45 =	vld.idx.msk [tilespmem:v55+s28+$0x0], $0xffff;
	v33 =	vadd.f32 v61, v33  }
0x3cc: {  	v32 =	vor.u32 s3, v32;
	v47 =	vld.idx.msk [tilespmem:v55+s30+$0x0], $0xffff  }
0x3cd: {  	v48 =	vld.idx.msk [tilespmem:v59+s28+$0x0], $0xffff;
	v49 =	vmul.f32 v58, v56;
	v33 =	vadd.f32 v46, v33  }
0x3ce: {  	v51 =	vor.u32 s3, v31;
	v50 =	vld.idx.msk [tilespmem:v59+s30+$0x0], $0xffff  }
0x3cf: {  	v52 =	vld.idx.msk [tilespmem:v63+s28+$0x0], $0xffff;
	v53 =	vmul.f32 v62, v60;
	v33 =	vadd.f32 v49, v33  }
0x3d0: {  	v54 =	vld.idx.msk [tilespmem:v63+s30+$0x0], $0xffff;
	v55 =	vor.u32 s3, v28  }
0x3d1: {  	v56 =	vld.idx.msk [tilespmem:v32+s28+$0x0], $0xffff;
	v57 =	vmul.f32 v47, v45;
	v33 =	vadd.f32 v53, v33  }
0x3d2: {  	v32 =	vld.idx.msk [tilespmem:v32+s30+$0x0], $0xffff;
	v58 =	vor.u32 s3, v24  }
0x3d3: {  	v59 =	vld.idx.msk [tilespmem:v51+s28+$0x0], $0xffff;
	v60 =	vmul.f32 v50, v48;
	v33 =	vadd.f32 v57, v33  }
0x3d4: {  	v31 =	vld.idx.msk [tilespmem:v51+s30+$0x0], $0xffff;
	v61 =	vor.u32 s3, v22  }
0x3d5: {  	v63 =	vmul.f32 v54, v52;
	v62 =	vld.idx.msk [tilespmem:v55+s28+$0x0], $0xffff;
	v33 =	vadd.f32 v60, v33  }
0x3d6: {  	v38 =	vor.u32 s3, v20;
	v28 =	vld.idx.msk [tilespmem:v55+s30+$0x0], $0xffff  }
0x3d7: {  	v39 =	vld.idx.msk [tilespmem:v58+s28+$0x0], $0xffff;
	v32 =	vmul.f32 v32, v56;
	v33 =	vadd.f32 v63, v33  }
0x3d8: {  	v18 =	vor.u32 s3, v18;
	v24 =	vld.idx.msk [tilespmem:v58+s30+$0x0], $0xffff  }
0x3d9: {  	v31 =	vmul.f32 v31, v59;
	v41 =	vld.idx.msk [tilespmem:v61+s28+$0x0], $0xffff;
	v32 =	vadd.f32 v32, v33  }
0x3da: {  	v17 =	vor.u32 s3, v17;
	v22 =	vld.idx.msk [tilespmem:v61+s30+$0x0], $0xffff  }
0x3db: {  	v42 =	vld.idx.msk [tilespmem:v38+s28+$0x0], $0xffff;
	v28 =	vmul.f32 v28, v62;
	v31 =	vadd.f32 v31, v32  }
0x3dc: {  	v20 =	vld.idx.msk [tilespmem:v38+s30+$0x0], $0xffff;
	v19 =	vor.u32 s3, v19  }
0x3dd: {  	v43 =	vld.idx.msk [tilespmem:v18+s28+$0x0], $0xffff;
	v24 =	vmul.f32 v24, v39;
	v28 =	vadd.f32 v28, v31  }
0x3de: {  	v44 =	vor.u32 s3, v21;
	v18 =	vld.idx.msk [tilespmem:v18+s30+$0x0], $0xffff  }
0x3df: {  	v45 =	vld.idx.msk [tilespmem:v17+s28+$0x0], $0xffff;
	v22 =	vmul.f32 v22, v41;
	v24 =	vadd.f32 v24, v28  }
0x3e0: {  	v17 =	vld.idx.msk [tilespmem:v17+s30+$0x0], $0xffff;
	v46 =	vor.u32 s3, v23  }
0x3e1: {  	v20 =	vmul.f32 v20, v42;
	v47 =	vld.idx.msk [tilespmem:v19+s28+$0x0], $0xffff;
	v22 =	vadd.f32 v22, v24  }
0x3e2: {  	v48 =	vor.u32 s3, v25;
	v19 =	vld.idx.msk [tilespmem:v19+s30+$0x0], $0xffff  }
0x3e3: {  	v21 =	vld.idx.msk [tilespmem:v44+s30+$0x0], $0xffff;
	v18 =	vmul.f32 v18, v43;
	v20 =	vadd.f32 v20, v22  }
0x3e4: {  	v50 =	vor.u32 s3, v26;
	v49 =	vld.idx.msk [tilespmem:v44+s28+$0x0], $0xffff  }
0x3e5: {  	v17 =	vmul.f32 v17, v45;
	v51 =	vld.idx.msk [tilespmem:v46+s28+$0x0], $0xffff;
	v18 =	vadd.f32 v18, v20  }
0x3e6: {  	v53 =	vor.u32 s3, v27;
	v52 =	vld.idx.msk [tilespmem:v46+s30+$0x0], $0xffff  }
0x3e7: {  	v54 =	vld.idx.msk [tilespmem:v48+s28+$0x0], $0xffff;
	v17 =	vadd.f32 v17, v18;
	v18 =	vmul.f32 v19, v47  }
0x3e8: {  	v55 =	vor.u32 s3, v29;
	v19 =	vld.idx.msk [tilespmem:v48+s30+$0x0], $0xffff  }
0x3e9: {  	v56 =	vld.idx.msk [tilespmem:v50+s28+$0x0], $0xffff;
	v17 =	vadd.f32 v18, v17;
	v18 =	vmul.f32 v21, v49  }
0x3ea: {  	v58 =	vor.u32 s3, v30;
	v57 =	vld.idx.msk [tilespmem:v50+s30+$0x0], $0xffff  }
0x3eb: {  	v59 =	vld.idx.msk [tilespmem:v53+s28+$0x0], $0xffff;
	v17 =	vadd.f32 v18, v17;
	v18 =	vmul.f32 v52, v51  }
0x3ec: {  	v60 =	vld.idx.msk [tilespmem:v53+s30+$0x0], $0xffff  }
0x3ed: {  	v61 =	vld.idx.msk [tilespmem:v55+s28+$0x0], $0xffff;
	v17 =	vadd.f32 v18, v17;
	v18 =	vmul.f32 v19, v54  }
0x3ee: {  	v19 =	vld.idx.msk [tilespmem:v55+s30+$0x0], $0xffff  }
0x3ef: {  	v62 =	vld.idx.msk [tilespmem:v58+s28+$0x0], $0xffff;
	v17 =	vadd.f32 v18, v17;
	v18 =	vmul.f32 v57, v56  }
0x3f0: {  	v63 =	vld.idx.msk [tilespmem:v58+s30+$0x0], $0xffff  }
0x3f1: {  	v17 =	vadd.f32 v18, v17;
	v18 =	vmul.f32 v60, v59;
	_ =	sdelay $0x1  }
0x3f2: {  	v17 =	vadd.f32 v18, v17;
	v18 =	vmul.f32 v19, v61;
	_ =	sdelay $0x1  }
0x3f3: {  	v17 =	vadd.f32 v18, v17;
	v18 =	vmul.f32 v63, v62;
	_ =	sdelay $0x1  }
0x3f4: {  	v17 =	vadd.f32 v18, v17;
	_ =	sdelay $0x1  }
0x3f5: {  	v17 =	vsub.f32 $0.0e+00, v17;
	_ =	sdelay $0x1  }
0x3f6: {  	v17 =	vmul.f32 $1.442695020e+00, v17;
	_ =	sdelay $0x1  }
0x3f7: {  	(erf) = vpow2.f32 v17;
	_ =	sdelay $0x8  }
0x3f8: {  	v17 =	vpop (erf)  }
0x3f9: {  	v17 =	vadd.f32 $1.000000000e+00, v17;
	_ =	sdelay $0x1  }
0x3fa: {  	(erf) = vrcp.f32 v17;
	_ =	sdelay $0x3  }
0x3fb: {  	s0 =	sadd.s32 $0x1, s0  }
0x3fc: {  	p2 =	sne.s32 s0, $0x5  }
.Ltmp9:
0x3fd: {  	_ = 	snop;
	(pc) =	sbr.rel @p2 .LBB2_15-.Ltmp9, $3  }
0x3fe: {  	_ =	sdelay $0x1  }
0x3ff: {  	v17 =	vpop (erf)  }
0x400: {  	[tilespmem:s8+$0x1E080] =	vst v17  }
0x401: {  	s0 =	sadd.s32 s24, s11  }
0x402: {  	s0 =	sshrl.u32 s0, $0x3  }
0x403: {  	s3 =	simm.s32 $0x1E080;
	s0 =	sadd.s32 s5, s0  }
0x404: {  	[hbm4b:s0+s6] =	stream.linear.scatter [tilespmem:s3], [sflag:$0x9], $0x50, $0x38;
	[tilespmem:$0x1E180] =	vst v63  }
0x405: {  	s7 =	simm.s32 @!p1 $0xC700;
	s0 =	sadd.s32 @!p1 $0x280, s24;
	s3 =	simm.s32 @!p1 $0x50  }
0x406: {  	[tilespmem:s7], [sflag:$0x4] =	stream.indirect.gather @!p1 [hbm4b:s1+s3], $0x80, s0, s3, $0xb8;
	[tilespmem:$0x1E180] =	vst v63  }
0x407: {  	s0 =	sadd.s32 @!p1 $0x2A00, s24;
	s7 =	simm.s32 @!p1 $0x18F00  }
0x408: {  	[tilespmem:s7], [sflag:$0x4] =	stream.indirect.gather @!p1 [hbm4b:s2+s3], $0x80, s0, s3, $0xb8;
	[tilespmem:$0x1E180] =	vst v63  }
0x409: {  	_ =	swait.ge [sflag:s14], $0x2800  }
0x40a: {  	[sflag:s14] =	ssyncset.done $0x0  }
0x40b: {  	[sflag:s14] =	ssyncadd.s32 $0xFFFFD800  }
0x40c: {  	_ =	swait.ge [sflag:s14], $0x2800  }
0x40d: {  	[sflag:s14] =	ssyncset.done $0x0  }
0x40e: {  	s0 =	simm.s32 @!p0 $0xA;
	[sflag:s14] =	ssyncadd.s32 $0xFFFFD800  }
0x40f: {  	_ =	swait.ge @!p0 [sflag:s0], $0x50  }
0x410: {  	[sflag:s0] =	ssyncset.done @!p0 $0x0  }
0x411: {  	s29 =	simm.s32 $0x0;
	[sflag:s0] =	ssyncadd.s32 @!p0 $0xFFFFFFB0;
	s0 =	simm.s32 $0x0  }
.LBB2_19:
0x412: {  	s8 =	sshll.u32 s0, $0x4  }
0x413: {  	v17 =	vmov s8  }
0x414: {  	v17 =	vshll.u32 v17, $0x7  }
0x415: {  	v30 =	vor.u32 v1, v17  }
0x416: {  	v32 =	vor.u32 v0, v30  }
0x417: {  	v17 =	vor.u32 s29, v32  }
0x418: {  	v31 =	vor.u32 v2, v30  }
0x419: {  	v18 =	vor.u32 s29, v31  }
0x41a: {  	v28 =	vor.u32 v3, v30  }
0x41b: {  	v19 =	vor.u32 s29, v28  }
0x41c: {  	v22 =	vor.u32 v5, v30;
	v21 =	vld.idx.msk [tilespmem:v17+s4+$0x0], $0xffff  }
0x41d: {  	v27 =	vor.u32 s29, v22;
	v23 =	vld.idx.msk [tilespmem:v17+s20+$0x0], $0xffff  }
0x41e: {  	v24 =	vor.u32 v4, v30;
	v25 =	vld.idx.msk [tilespmem:v18+s4+$0x0], $0xffff  }
0x41f: {  	v17 =	vor.u32 s29, v24;
	v26 =	vld.idx.msk [tilespmem:v18+s20+$0x0], $0xffff  }
0x420: {  	v20 =	vor.u32 v6, v30;
	v29 =	vld.idx.msk [tilespmem:v19+s4+$0x0], $0xffff  }
0x421: {  	v34 =	vor.u32 s29, v20;
	v33 =	vld.idx.msk [tilespmem:v19+s20+$0x0], $0xffff  }
0x422: {  	v18 =	vor.u32 v8, v30;
	v38 =	vld.idx.msk [tilespmem:v27+s4+$0x0], $0xffff  }
0x423: {  	v27 =	vld.idx.msk [tilespmem:v27+s20+$0x0], $0xffff;
	v37 =	vor.u32 s29, v18  }
0x424: {  	v19 =	vor.u32 v7, v30;
	v35 =	vld.idx.msk [tilespmem:v17+s4+$0x0], $0xffff;
	v21 =	vmul.f32 v23, v21  }
0x425: {  	v36 =	vld.idx.msk [tilespmem:v17+s20+$0x0], $0xffff;
	v23 =	vimm.f32 $0.0e+00;
	v25 =	vmul.f32 v26, v25;
	v26 =	vor.u32 s29, v19  }
0x426: {  	v40 =	vld.idx.msk [tilespmem:v34+s4+$0x0], $0xffff;
	v17 =	vor.u32 v9, v30;
	v23 =	vadd.f32 v21, v23  }
0x427: {  	v34 =	vld.idx.msk [tilespmem:v34+s20+$0x0], $0xffff;
	v39 =	vor.u32 s29, v17  }
0x428: {  	v29 =	vmul.f32 v33, v29;
	v59 =	vld.idx.msk [tilespmem:v37+s4+$0x0], $0xffff;
	v25 =	vadd.f32 v25, v23  }
0x429: {  	v37 =	vld.idx.msk [tilespmem:v37+s20+$0x0], $0xffff;
	v21 =	vor.u32 v10, v30  }
0x42a: {  	v41 =	vor.u32 s29, v21;
	v35 =	vmul.f32 v36, v35;
	v61 =	vld.idx.msk [tilespmem:v26+s4+$0x0], $0xffff;
	v29 =	vadd.f32 v29, v25  }
0x42b: {  	v23 =	vor.u32 v11, v30;
	v62 =	vld.idx.msk [tilespmem:v26+s20+$0x0], $0xffff  }
0x42c: {  	v27 =	vmul.f32 v27, v38;
	v42 =	vor.u32 s29, v23;
	v60 =	vld.idx.msk [tilespmem:v39+s4+$0x0], $0xffff;
	v29 =	vadd.f32 v35, v29  }
0x42d: {  	v34 =	vmul.f32 v34, v40;
	v26 =	vor.u32 v13, v30;
	v39 =	vld.idx.msk [tilespmem:v39+s20+$0x0], $0xffff  }
0x42e: {  	v25 =	vor.u32 v12, v30;
	v44 =	vor.u32 s29, v26;
	v29 =	vadd.f32 v27, v29  }
0x42f: {  	v43 =	vor.u32 s29, v25;
	v63 =	vld.idx.msk [tilespmem:v41+s4+$0x0], $0xffff  }
0x430: {  	v33 =	vmul.f32 v37, v59;
	v41 =	vld.idx.msk [tilespmem:v41+s20+$0x0], $0xffff;
	v34 =	vadd.f32 v34, v29  }
0x431: {  	v27 =	vor.u32 v14, v30;
	v48 =	vld.idx.msk [tilespmem:v42+s4+$0x0], $0xffff  }
0x432: {  	v42 =	vld.idx.msk [tilespmem:v42+s20+$0x0], $0xffff;
	v45 =	vor.u32 s29, v27;
	v49 =	vmul.f32 v39, v60;
	v33 =	vadd.f32 v33, v34  }
0x433: {  	v54 =	vld.idx.msk [tilespmem:v44+s4+$0x0], $0xffff;
	v29 =	vor.u32 v15, v30  }
0x434: {  	v53 =	vmul.f32 v62, v61;
	v50 =	vld.idx.msk [tilespmem:v43+s4+$0x0], $0xffff;
	v52 =	vor.u32 s29, v29;
	v33 =	vadd.f32 v49, v33  }
0x435: {  	v51 =	vld.idx.msk [tilespmem:v43+s20+$0x0], $0xffff;
	v30 =	vor.u32 v16, v30  }
0x436: {  	v55 =	vld.idx.msk [tilespmem:v44+s20+$0x0], $0xffff;
	v56 =	vor.u32 s29, v30;
	v57 =	vmul.f32 v41, v63;
	v33 =	vadd.f32 v53, v33  }
0x437: {  	s3 =	simm.s32 $0x10;
	v58 =	vld.idx.msk [tilespmem:v45+s4+$0x0], $0xffff  }
0x438: {  	v60 =	vor.u32 s3, v32;
	v61 =	vmul.f32 v42, v48;
	v59 =	vld.idx.msk [tilespmem:v45+s20+$0x0], $0xffff;
	v33 =	vadd.f32 v57, v33  }
0x439: {  	v62 =	vld.idx.msk [tilespmem:v52+s4+$0x0], $0xffff  }
0x43a: {  	v48 =	vor.u32 s3, v31;
	v49 =	vmul.f32 v51, v50;
	v63 =	vld.idx.msk [tilespmem:v52+s20+$0x0], $0xffff;
	v33 =	vadd.f32 v61, v33  }
0x43b: {  	v50 =	vld.idx.msk [tilespmem:v56+s4+$0x0], $0xffff  }
0x43c: {  	v51 =	vld.idx.msk [tilespmem:v56+s20+$0x0], $0xffff;
	v52 =	vor.u32 s3, v28;
	v53 =	vmul.f32 v55, v54;
	v33 =	vadd.f32 v49, v33  }
0x43d: {  	v54 =	vld.idx.msk [tilespmem:v60+s4+$0x0], $0xffff  }
0x43e: {  	v55 =	vld.idx.msk [tilespmem:v60+s20+$0x0], $0xffff;
	v56 =	vor.u32 s3, v24;
	v57 =	vmul.f32 v59, v58;
	v33 =	vadd.f32 v53, v33  }
0x43f: {  	v58 =	vld.idx.msk [tilespmem:v48+s4+$0x0], $0xffff  }
0x440: {  	v60 =	vor.u32 s3, v22;
	v59 =	vld.idx.msk [tilespmem:v48+s20+$0x0], $0xffff;
	v61 =	vmul.f32 v63, v62;
	v33 =	vadd.f32 v57, v33  }
0x441: {  	v62 =	vld.idx.msk [tilespmem:v52+s4+$0x0], $0xffff  }
0x442: {  	v48 =	vor.u32 s3, v20;
	v63 =	vld.idx.msk [tilespmem:v52+s20+$0x0], $0xffff;
	v49 =	vmul.f32 v51, v50;
	v33 =	vadd.f32 v61, v33  }
0x443: {  	v50 =	vld.idx.msk [tilespmem:v56+s4+$0x0], $0xffff  }
0x444: {  	v52 =	vor.u32 s3, v18;
	v51 =	vld.idx.msk [tilespmem:v56+s20+$0x0], $0xffff;
	v53 =	vmul.f32 v55, v54;
	v33 =	vadd.f32 v49, v33  }
0x445: {  	v54 =	vld.idx.msk [tilespmem:v60+s4+$0x0], $0xffff  }
0x446: {  	v55 =	vld.idx.msk [tilespmem:v60+s20+$0x0], $0xffff;
	v60 =	vor.u32 s3, v19;
	v57 =	vmul.f32 v59, v58;
	v33 =	vadd.f32 v53, v33  }
0x447: {  	v56 =	vor.u32 s3, v17;
	v58 =	vld.idx.msk [tilespmem:v48+s4+$0x0], $0xffff  }
0x448: {  	v59 =	vld.idx.msk [tilespmem:v48+s20+$0x0], $0xffff;
	v61 =	vmul.f32 v63, v62;
	v33 =	vadd.f32 v57, v33  }
0x449: {  	v48 =	vor.u32 s3, v21;
	v62 =	vld.idx.msk [tilespmem:v52+s4+$0x0], $0xffff  }
0x44a: {  	v63 =	vld.idx.msk [tilespmem:v52+s20+$0x0], $0xffff;
	v49 =	vmul.f32 v51, v50;
	v33 =	vadd.f32 v61, v33  }
0x44b: {  	v52 =	vor.u32 s3, v23;
	v44 =	vld.idx.msk [tilespmem:v60+s20+$0x0], $0xffff  }
0x44c: {  	v50 =	vld.idx.msk [tilespmem:v56+s4+$0x0], $0xffff;
	v53 =	vmul.f32 v55, v54;
	v33 =	vadd.f32 v49, v33  }
0x44d: {  	v51 =	vld.idx.msk [tilespmem:v56+s20+$0x0], $0xffff  }
0x44e: {  	v56 =	vmul.f32 v59, v58;
	v58 =	vld.idx.msk [tilespmem:v48+s20+$0x0], $0xffff;
	v59 =	vor.u32 s3, v26;
	v33 =	vadd.f32 v53, v33  }
0x44f: {  	v54 =	vld.idx.msk [tilespmem:v60+s4+$0x0], $0xffff;
	v55 =	vor.u32 s3, v25  }
0x450: {  	v60 =	vmul.f32 v63, v62;
	v46 =	vld.idx.msk [tilespmem:v52+s4+$0x0], $0xffff;
	v33 =	vadd.f32 v56, v33  }
0x451: {  	v57 =	vld.idx.msk [tilespmem:v48+s4+$0x0], $0xffff  }
0x452: {  	v47 =	vld.idx.msk [tilespmem:v52+s20+$0x0], $0xffff;
	v36 =	vmul.f32 v51, v50;
	v61 =	vor.u32 s3, v27;
	v33 =	vadd.f32 v60, v33  }
0x453: {  	v35 =	vld.idx.msk [tilespmem:v59+s4+$0x0], $0xffff  }
0x454: {  	v37 =	vor.u32 s3, v29;
	v34 =	vld.idx.msk [tilespmem:v55+s4+$0x0], $0xffff;
	v62 =	vmul.f32 v44, v54;
	v33 =	vadd.f32 v36, v33  }
0x455: {  	v38 =	vld.idx.msk [tilespmem:v55+s20+$0x0], $0xffff  }
0x456: {  	v42 =	vor.u32 s3, v30;
	v39 =	vld.idx.msk [tilespmem:v59+s20+$0x0], $0xffff;
	v63 =	vmul.f32 v58, v57;
	v36 =	vadd.f32 v62, v33  }
0x457: {  	s7 =	simm.s32 $0x20;
	v41 =	vld.idx.msk [tilespmem:v61+s20+$0x0], $0xffff  }
0x458: {  	v40 =	vor.u32 s7, v32;
	v44 =	vmul.f32 v47, v46;
	v33 =	vld.idx.msk [tilespmem:v61+s4+$0x0], $0xffff;
	v43 =	vadd.f32 v63, v36  }
0x459: {  	s3 =	simm.s32 $0x40;
	v36 =	vld.idx.msk [tilespmem:v37+s4+$0x0], $0xffff  }
.LBB2_20:
0x45a: {  	p0 =	sne.s32 s3, $0x60;
	v45 =	vor.u32 s7, v31;
	v43 =	vadd.f32 v44, v43;
	v34 =	vmul.f32 v38, v34;
	v37 =	vld.idx.msk [tilespmem:v37+s20+$0x0], $0xffff  }
0x45b: {  	v38 =	vld.idx.msk [tilespmem:v42+s4+$0x0], $0xffff  }
0x45c: {  	v44 =	vor.u32 s7, v28;
	v35 =	vmul.f32 v39, v35;
	v34 =	vadd.f32 v34, v43;
	v39 =	vld.idx.msk [tilespmem:v42+s20+$0x0], $0xffff  }
0x45d: {  	v42 =	vld.idx.msk [tilespmem:v40+s4+$0x0], $0xffff  }
0x45e: {  	v43 =	vor.u32 s7, v24;
	v33 =	vmul.f32 v41, v33;
	v40 =	vld.idx.msk [tilespmem:v40+s20+$0x0], $0xffff;
	v34 =	vadd.f32 v35, v34  }
0x45f: {  	v35 =	vld.idx.msk [tilespmem:v45+s4+$0x0], $0xffff  }
0x460: {  	v41 =	vld.idx.msk [tilespmem:v45+s20+$0x0], $0xffff;
	v45 =	vor.u32 s7, v22;
	v33 =	vadd.f32 v33, v34;
	v34 =	vmul.f32 v37, v36  }
0x461: {  	v36 =	vld.idx.msk [tilespmem:v44+s4+$0x0], $0xffff  }
0x462: {  	v37 =	vld.idx.msk [tilespmem:v44+s20+$0x0], $0xffff;
	v44 =	vor.u32 s7, v20;
	v33 =	vadd.f32 v34, v33;
	v34 =	vmul.f32 v39, v38  }
0x463: {  	v38 =	vld.idx.msk [tilespmem:v43+s4+$0x0], $0xffff  }
0x464: {  	v39 =	vmul.f32 v40, v42;
	v42 =	vor.u32 s7, v18;
	v40 =	vld.idx.msk [tilespmem:v43+s20+$0x0], $0xffff;
	v33 =	vadd.f32 v34, v33  }
0x465: {  	v34 =	vld.idx.msk [tilespmem:v45+s4+$0x0], $0xffff  }
0x466: {  	v35 =	vmul.f32 v41, v35;
	v41 =	vor.u32 s7, v17;
	v33 =	vadd.f32 v39, v33;
	v39 =	vld.idx.msk [tilespmem:v45+s20+$0x0], $0xffff  }
0x467: {  	v43 =	vld.idx.msk [tilespmem:v44+s4+$0x0], $0xffff  }
0x468: {  	v33 =	vadd.f32 v35, v33;
	v35 =	vmul.f32 v37, v36;
	v36 =	vld.idx.msk [tilespmem:v44+s20+$0x0], $0xffff;
	v37 =	vor.u32 s7, v19  }
0x469: {  	v44 =	vld.idx.msk [tilespmem:v42+s4+$0x0], $0xffff  }
0x46a: {  	v33 =	vadd.f32 v35, v33;
	v35 =	vmul.f32 v40, v38;
	v38 =	vld.idx.msk [tilespmem:v42+s20+$0x0], $0xffff;
	v40 =	vor.u32 s7, v21  }
0x46b: {  	v42 =	vld.idx.msk [tilespmem:v41+s4+$0x0], $0xffff  }
0x46c: {  	v34 =	vmul.f32 v39, v34;
	v39 =	vor.u32 s7, v23;
	v33 =	vadd.f32 v35, v33;
	v35 =	vld.idx.msk [tilespmem:v41+s20+$0x0], $0xffff  }
0x46d: {  	v41 =	vld.idx.msk [tilespmem:v37+s4+$0x0], $0xffff  }
0x46e: {  	v33 =	vadd.f32 v34, v33;
	v34 =	vmul.f32 v36, v43;
	v36 =	vld.idx.msk [tilespmem:v37+s20+$0x0], $0xffff;
	v37 =	vor.u32 s7, v25  }
0x46f: {  	v43 =	vld.idx.msk [tilespmem:v40+s4+$0x0], $0xffff  }
0x470: {  	v33 =	vadd.f32 v34, v33;
	v34 =	vmul.f32 v38, v44;
	v38 =	vld.idx.msk [tilespmem:v40+s20+$0x0], $0xffff;
	v40 =	vor.u32 s7, v26  }
0x471: {  	v44 =	vld.idx.msk [tilespmem:v39+s4+$0x0], $0xffff  }
0x472: {  	v33 =	vadd.f32 v34, v33;
	v34 =	vmul.f32 v35, v42;
	v35 =	vld.idx.msk [tilespmem:v39+s20+$0x0], $0xffff;
	v39 =	vor.u32 s7, v27  }
0x473: {  	v42 =	vld.idx.msk [tilespmem:v37+s4+$0x0], $0xffff  }
0x474: {  	v33 =	vadd.f32 v34, v33;
	v34 =	vmul.f32 v36, v41;
	v36 =	vld.idx.msk [tilespmem:v37+s20+$0x0], $0xffff;
	v37 =	vor.u32 s7, v29  }
0x475: {  	v41 =	vld.idx.msk [tilespmem:v40+s4+$0x0], $0xffff  }
0x476: {  	v33 =	vadd.f32 v34, v33;
	v34 =	vmul.f32 v38, v43;
	v38 =	vld.idx.msk [tilespmem:v40+s20+$0x0], $0xffff;
	v40 =	vor.u32 s7, v30  }
0x477: {  	s9 =	sadd.s32 $0x10, s7;
	s7 =	smov.u32 s3;
	v43 =	vld.idx.msk [tilespmem:v39+s4+$0x0], $0xffff  }
0x478: {  	v33 =	vadd.f32 v34, v33;
	v34 =	vmul.f32 v35, v44;
	v35 =	vld.idx.msk [tilespmem:v39+s20+$0x0], $0xffff;
	v39 =	vor.u32 s9, v32  }
0x479: {  	v44 =	vld.idx.msk [tilespmem:v37+s4+$0x0], $0xffff  }
0x47a: {  	v33 =	vadd.f32 v34, v33;
	v34 =	vmul.f32 v36, v42;
	v36 =	vld.idx.msk [tilespmem:v37+s20+$0x0], $0xffff;
	v37 =	vor.u32 s9, v31  }
0x47b: {  	v42 =	vld.idx.msk [tilespmem:v40+s4+$0x0], $0xffff  }
0x47c: {  	v33 =	vadd.f32 v34, v33;
	v34 =	vmul.f32 v38, v41;
	v38 =	vld.idx.msk [tilespmem:v40+s20+$0x0], $0xffff;
	v40 =	vor.u32 s9, v28  }
0x47d: {  	v41 =	vld.idx.msk [tilespmem:v39+s4+$0x0], $0xffff  }
0x47e: {  	v33 =	vadd.f32 v34, v33;
	v34 =	vmul.f32 v35, v43;
	v35 =	vld.idx.msk [tilespmem:v39+s20+$0x0], $0xffff;
	v39 =	vor.u32 s9, v24  }
0x47f: {  	v43 =	vld.idx.msk [tilespmem:v37+s4+$0x0], $0xffff  }
0x480: {  	v33 =	vadd.f32 v34, v33;
	v34 =	vmul.f32 v36, v44;
	v36 =	vld.idx.msk [tilespmem:v37+s20+$0x0], $0xffff;
	v37 =	vor.u32 s9, v22  }
0x481: {  	v44 =	vld.idx.msk [tilespmem:v40+s4+$0x0], $0xffff  }
0x482: {  	v33 =	vadd.f32 v34, v33;
	v34 =	vmul.f32 v38, v42;
	v38 =	vld.idx.msk [tilespmem:v40+s20+$0x0], $0xffff;
	v40 =	vor.u32 s9, v20  }
0x483: {  	v42 =	vld.idx.msk [tilespmem:v39+s4+$0x0], $0xffff  }
0x484: {  	v33 =	vadd.f32 v34, v33;
	v34 =	vmul.f32 v35, v41;
	v35 =	vld.idx.msk [tilespmem:v39+s20+$0x0], $0xffff;
	v39 =	vor.u32 s9, v18  }
0x485: {  	v41 =	vld.idx.msk [tilespmem:v37+s4+$0x0], $0xffff  }
0x486: {  	v33 =	vadd.f32 v34, v33;
	v34 =	vmul.f32 v36, v43;
	v36 =	vld.idx.msk [tilespmem:v37+s20+$0x0], $0xffff;
	v37 =	vor.u32 s9, v17  }
0x487: {  	v43 =	vld.idx.msk [tilespmem:v40+s4+$0x0], $0xffff  }
0x488: {  	v33 =	vadd.f32 v34, v33;
	v34 =	vmul.f32 v38, v44;
	v38 =	vld.idx.msk [tilespmem:v40+s20+$0x0], $0xffff;
	v40 =	vor.u32 s9, v19  }
0x489: {  	v44 =	vld.idx.msk [tilespmem:v39+s4+$0x0], $0xffff  }
0x48a: {  	v33 =	vadd.f32 v34, v33;
	v34 =	vmul.f32 v35, v42;
	v35 =	vld.idx.msk [tilespmem:v39+s20+$0x0], $0xffff;
	v39 =	vor.u32 s9, v21  }
0x48b: {  	v42 =	vld.idx.msk [tilespmem:v37+s4+$0x0], $0xffff  }
0x48c: {  	v33 =	vadd.f32 v34, v33;
	v34 =	vmul.f32 v36, v41;
	v36 =	vld.idx.msk [tilespmem:v37+s20+$0x0], $0xffff;
	v37 =	vor.u32 s9, v23  }
0x48d: {  	v41 =	vld.idx.msk [tilespmem:v40+s4+$0x0], $0xffff  }
0x48e: {  	v33 =	vadd.f32 v34, v33;
	v34 =	vmul.f32 v38, v43;
	v38 =	vld.idx.msk [tilespmem:v40+s20+$0x0], $0xffff;
	v40 =	vor.u32 s9, v25  }
0x48f: {  	v43 =	vld.idx.msk [tilespmem:v39+s4+$0x0], $0xffff  }
0x490: {  	v33 =	vadd.f32 v34, v33;
	v34 =	vmul.f32 v35, v44;
	v39 =	vld.idx.msk [tilespmem:v39+s20+$0x0], $0xffff;
	v44 =	vor.u32 s9, v26  }
0x491: {  	v45 =	vld.idx.msk [tilespmem:v37+s4+$0x0], $0xffff  }
0x492: {  	v46 =	vor.u32 s9, v27;
	v35 =	vmul.f32 v36, v42;
	v33 =	vadd.f32 v34, v33;
	v36 =	vld.idx.msk [tilespmem:v37+s20+$0x0], $0xffff  }
0x493: {  	v34 =	vld.idx.msk [tilespmem:v40+s4+$0x0], $0xffff  }
0x494: {  	v37 =	vor.u32 s9, v29;
	v41 =	vmul.f32 v38, v41;
	v33 =	vadd.f32 v35, v33;
	v38 =	vld.idx.msk [tilespmem:v40+s20+$0x0], $0xffff  }
.Ltmp10:
0x495: {  	v35 =	vld.idx.msk [tilespmem:v44+s4+$0x0], $0xffff;
	(pc) =	sbr.rel @p0 .LBB2_20-.Ltmp10, $4  }
0x496: {  	v42 =	vor.u32 s9, v30;
	v43 =	vmul.f32 v39, v43;
	v41 =	vadd.f32 v41, v33;
	v39 =	vld.idx.msk [tilespmem:v44+s20+$0x0], $0xffff  }
0x497: {  	v33 =	vld.idx.msk [tilespmem:v46+s4+$0x0], $0xffff  }
0x498: {  	v40 =	vor.u32 s3, v32;
	v44 =	vmul.f32 v36, v45;
	v43 =	vadd.f32 v43, v41;
	v41 =	vld.idx.msk [tilespmem:v46+s20+$0x0], $0xffff  }
0x499: {  	s3 =	sadd.s32 $0x20, s3;
	v36 =	vld.idx.msk [tilespmem:v37+s4+$0x0], $0xffff  }
0x49a: {  	_ =	sdelay $0x2  }
0x49b: {  	v43 =	vadd.f32 v44, v43;
	v34 =	vmul.f32 v38, v34  }
0x49c: {  	v62 =	vor.u32 s7, v31;
	v37 =	vld.idx.msk [tilespmem:v37+s20+$0x0], $0xffff  }
0x49d: {  	v63 =	vld.idx.msk [tilespmem:v42+s4+$0x0], $0xffff;
	v35 =	vmul.f32 v39, v35;
	v34 =	vadd.f32 v34, v43  }
0x49e: {  	v46 =	vor.u32 s7, v28;
	v47 =	vld.idx.msk [tilespmem:v42+s20+$0x0], $0xffff  }
0x49f: {  	v48 =	vld.idx.msk [tilespmem:v40+s4+$0x0], $0xffff;
	v33 =	vmul.f32 v41, v33;
	v34 =	vadd.f32 v35, v34  }
0x4a0: {  	v49 =	vld.idx.msk [tilespmem:v40+s20+$0x0], $0xffff;
	v50 =	vor.u32 s7, v24  }
0x4a1: {  	v51 =	vld.idx.msk [tilespmem:v62+s4+$0x0], $0xffff;
	v52 =	vmul.f32 v37, v36;
	v33 =	vadd.f32 v33, v34  }
0x4a2: {  	v54 =	vor.u32 s7, v22;
	v53 =	vld.idx.msk [tilespmem:v62+s20+$0x0], $0xffff  }
0x4a3: {  	v55 =	vld.idx.msk [tilespmem:v46+s4+$0x0], $0xffff;
	v56 =	vmul.f32 v47, v63;
	v33 =	vadd.f32 v52, v33  }
0x4a4: {  	v57 =	vor.u32 s7, v20;
	v39 =	vld.idx.msk [tilespmem:v46+s20+$0x0], $0xffff  }
0x4a5: {  	v58 =	vld.idx.msk [tilespmem:v50+s4+$0x0], $0xffff;
	v35 =	vmul.f32 v49, v48;
	v33 =	vadd.f32 v56, v33  }
0x4a6: {  	v60 =	vor.u32 s7, v18;
	v59 =	vld.idx.msk [tilespmem:v50+s20+$0x0], $0xffff  }
0x4a7: {  	v61 =	vld.idx.msk [tilespmem:v54+s4+$0x0], $0xffff;
	v62 =	vmul.f32 v53, v51;
	v33 =	vadd.f32 v35, v33  }
0x4a8: {  	v63 =	vld.idx.msk [tilespmem:v54+s20+$0x0], $0xffff;
	v48 =	vor.u32 s7, v17  }
0x4a9: {  	v49 =	vld.idx.msk [tilespmem:v57+s4+$0x0], $0xffff;
	v50 =	vmul.f32 v39, v55;
	v33 =	vadd.f32 v62, v33  }
0x4aa: {  	v52 =	vor.u32 s7, v19;
	v51 =	vld.idx.msk [tilespmem:v57+s20+$0x0], $0xffff  }
0x4ab: {  	v54 =	vld.idx.msk [tilespmem:v60+s20+$0x0], $0xffff;
	v34 =	vmul.f32 v59, v58;
	v33 =	vadd.f32 v50, v33  }
0x4ac: {  	v53 =	vld.idx.msk [tilespmem:v60+s4+$0x0], $0xffff;
	v55 =	vor.u32 s7, v21  }
0x4ad: {  	v56 =	vld.idx.msk [tilespmem:v48+s4+$0x0], $0xffff;
	v57 =	vmul.f32 v63, v61;
	v33 =	vadd.f32 v34, v33  }
0x4ae: {  	v58 =	vld.idx.msk [tilespmem:v48+s20+$0x0], $0xffff;
	v59 =	vor.u32 s7, v23  }
0x4af: {  	v60 =	vld.idx.msk [tilespmem:v52+s4+$0x0], $0xffff;
	v61 =	vmul.f32 v51, v49;
	v33 =	vadd.f32 v57, v33  }
0x4b0: {  	v63 =	vor.u32 s7, v25;
	v62 =	vld.idx.msk [tilespmem:v52+s20+$0x0], $0xffff  }
0x4b1: {  	v48 =	vld.idx.msk [tilespmem:v55+s4+$0x0], $0xffff;
	v49 =	vmul.f32 v54, v53;
	v33 =	vadd.f32 v61, v33  }
0x4b2: {  	v51 =	vor.u32 s7, v26;
	v50 =	vld.idx.msk [tilespmem:v55+s20+$0x0], $0xffff  }
0x4b3: {  	v52 =	vld.idx.msk [tilespmem:v59+s4+$0x0], $0xffff;
	v53 =	vmul.f32 v58, v56;
	v33 =	vadd.f32 v49, v33  }
0x4b4: {  	v54 =	vld.idx.msk [tilespmem:v59+s20+$0x0], $0xffff;
	v55 =	vor.u32 s7, v27  }
0x4b5: {  	v56 =	vld.idx.msk [tilespmem:v63+s4+$0x0], $0xffff;
	v57 =	vmul.f32 v62, v60;
	v33 =	vadd.f32 v53, v33  }
0x4b6: {  	v58 =	vld.idx.msk [tilespmem:v63+s20+$0x0], $0xffff;
	v59 =	vor.u32 s7, v29  }
0x4b7: {  	v60 =	vld.idx.msk [tilespmem:v51+s4+$0x0], $0xffff;
	v61 =	vmul.f32 v50, v48;
	v33 =	vadd.f32 v57, v33  }
0x4b8: {  	v63 =	vor.u32 s7, v30;
	v62 =	vld.idx.msk [tilespmem:v51+s20+$0x0], $0xffff  }
0x4b9: {  	s3 =	sadd.s32 $0x10, s7;
	v46 =	vmul.f32 v54, v52;
	v45 =	vld.idx.msk [tilespmem:v55+s4+$0x0], $0xffff;
	v33 =	vadd.f32 v61, v33  }
0x4ba: {  	v32 =	vor.u32 s3, v32;
	v47 =	vld.idx.msk [tilespmem:v55+s20+$0x0], $0xffff  }
0x4bb: {  	v48 =	vld.idx.msk [tilespmem:v59+s4+$0x0], $0xffff;
	v49 =	vmul.f32 v58, v56;
	v33 =	vadd.f32 v46, v33  }
0x4bc: {  	v51 =	vor.u32 s3, v31;
	v50 =	vld.idx.msk [tilespmem:v59+s20+$0x0], $0xffff  }
0x4bd: {  	v52 =	vld.idx.msk [tilespmem:v63+s4+$0x0], $0xffff;
	v53 =	vmul.f32 v62, v60;
	v33 =	vadd.f32 v49, v33  }
0x4be: {  	v54 =	vld.idx.msk [tilespmem:v63+s20+$0x0], $0xffff;
	v55 =	vor.u32 s3, v28  }
0x4bf: {  	v56 =	vld.idx.msk [tilespmem:v32+s4+$0x0], $0xffff;
	v57 =	vmul.f32 v47, v45;
	v33 =	vadd.f32 v53, v33  }
0x4c0: {  	v32 =	vld.idx.msk [tilespmem:v32+s20+$0x0], $0xffff;
	v58 =	vor.u32 s3, v24  }
0x4c1: {  	v59 =	vld.idx.msk [tilespmem:v51+s4+$0x0], $0xffff;
	v60 =	vmul.f32 v50, v48;
	v33 =	vadd.f32 v57, v33  }
0x4c2: {  	v31 =	vld.idx.msk [tilespmem:v51+s20+$0x0], $0xffff;
	v61 =	vor.u32 s3, v22  }
0x4c3: {  	v63 =	vmul.f32 v54, v52;
	v62 =	vld.idx.msk [tilespmem:v55+s4+$0x0], $0xffff;
	v33 =	vadd.f32 v60, v33  }
0x4c4: {  	v38 =	vor.u32 s3, v20;
	v28 =	vld.idx.msk [tilespmem:v55+s20+$0x0], $0xffff  }
0x4c5: {  	v39 =	vld.idx.msk [tilespmem:v58+s4+$0x0], $0xffff;
	v32 =	vmul.f32 v32, v56;
	v33 =	vadd.f32 v63, v33  }
0x4c6: {  	v18 =	vor.u32 s3, v18;
	v24 =	vld.idx.msk [tilespmem:v58+s20+$0x0], $0xffff  }
0x4c7: {  	v31 =	vmul.f32 v31, v59;
	v41 =	vld.idx.msk [tilespmem:v61+s4+$0x0], $0xffff;
	v32 =	vadd.f32 v32, v33  }
0x4c8: {  	v17 =	vor.u32 s3, v17;
	v22 =	vld.idx.msk [tilespmem:v61+s20+$0x0], $0xffff  }
0x4c9: {  	v42 =	vld.idx.msk [tilespmem:v38+s4+$0x0], $0xffff;
	v28 =	vmul.f32 v28, v62;
	v31 =	vadd.f32 v31, v32  }
0x4ca: {  	v20 =	vld.idx.msk [tilespmem:v38+s20+$0x0], $0xffff;
	v19 =	vor.u32 s3, v19  }
0x4cb: {  	v43 =	vld.idx.msk [tilespmem:v18+s4+$0x0], $0xffff;
	v24 =	vmul.f32 v24, v39;
	v28 =	vadd.f32 v28, v31  }
0x4cc: {  	v44 =	vor.u32 s3, v21;
	v18 =	vld.idx.msk [tilespmem:v18+s20+$0x0], $0xffff  }
0x4cd: {  	v45 =	vld.idx.msk [tilespmem:v17+s4+$0x0], $0xffff;
	v22 =	vmul.f32 v22, v41;
	v24 =	vadd.f32 v24, v28  }
0x4ce: {  	v17 =	vld.idx.msk [tilespmem:v17+s20+$0x0], $0xffff;
	v46 =	vor.u32 s3, v23  }
0x4cf: {  	v20 =	vmul.f32 v20, v42;
	v47 =	vld.idx.msk [tilespmem:v19+s4+$0x0], $0xffff;
	v22 =	vadd.f32 v22, v24  }
0x4d0: {  	v48 =	vor.u32 s3, v25;
	v19 =	vld.idx.msk [tilespmem:v19+s20+$0x0], $0xffff  }
0x4d1: {  	v21 =	vld.idx.msk [tilespmem:v44+s20+$0x0], $0xffff;
	v18 =	vmul.f32 v18, v43;
	v20 =	vadd.f32 v20, v22  }
0x4d2: {  	v50 =	vor.u32 s3, v26;
	v49 =	vld.idx.msk [tilespmem:v44+s4+$0x0], $0xffff  }
0x4d3: {  	v17 =	vmul.f32 v17, v45;
	v51 =	vld.idx.msk [tilespmem:v46+s4+$0x0], $0xffff;
	v18 =	vadd.f32 v18, v20  }
0x4d4: {  	v53 =	vor.u32 s3, v27;
	v52 =	vld.idx.msk [tilespmem:v46+s20+$0x0], $0xffff  }
0x4d5: {  	v54 =	vld.idx.msk [tilespmem:v48+s4+$0x0], $0xffff;
	v17 =	vadd.f32 v17, v18;
	v18 =	vmul.f32 v19, v47  }
0x4d6: {  	v55 =	vor.u32 s3, v29;
	v19 =	vld.idx.msk [tilespmem:v48+s20+$0x0], $0xffff  }
0x4d7: {  	v56 =	vld.idx.msk [tilespmem:v50+s4+$0x0], $0xffff;
	v17 =	vadd.f32 v18, v17;
	v18 =	vmul.f32 v21, v49  }
0x4d8: {  	v58 =	vor.u32 s3, v30;
	v57 =	vld.idx.msk [tilespmem:v50+s20+$0x0], $0xffff  }
0x4d9: {  	v59 =	vld.idx.msk [tilespmem:v53+s4+$0x0], $0xffff;
	v17 =	vadd.f32 v18, v17;
	v18 =	vmul.f32 v52, v51  }
0x4da: {  	v60 =	vld.idx.msk [tilespmem:v53+s20+$0x0], $0xffff  }
0x4db: {  	v61 =	vld.idx.msk [tilespmem:v55+s4+$0x0], $0xffff;
	v17 =	vadd.f32 v18, v17;
	v18 =	vmul.f32 v19, v54  }
0x4dc: {  	v19 =	vld.idx.msk [tilespmem:v55+s20+$0x0], $0xffff  }
0x4dd: {  	v62 =	vld.idx.msk [tilespmem:v58+s4+$0x0], $0xffff;
	v17 =	vadd.f32 v18, v17;
	v18 =	vmul.f32 v57, v56  }
0x4de: {  	v63 =	vld.idx.msk [tilespmem:v58+s20+$0x0], $0xffff  }
0x4df: {  	v17 =	vadd.f32 v18, v17;
	v18 =	vmul.f32 v60, v59;
	_ =	sdelay $0x1  }
0x4e0: {  	v17 =	vadd.f32 v18, v17;
	v18 =	vmul.f32 v19, v61;
	_ =	sdelay $0x1  }
0x4e1: {  	v17 =	vadd.f32 v18, v17;
	v18 =	vmul.f32 v63, v62;
	_ =	sdelay $0x1  }
0x4e2: {  	v17 =	vadd.f32 v18, v17;
	_ =	sdelay $0x1  }
0x4e3: {  	v17 =	vsub.f32 $0.0e+00, v17;
	_ =	sdelay $0x1  }
0x4e4: {  	v17 =	vmul.f32 $1.442695020e+00, v17;
	_ =	sdelay $0x1  }
0x4e5: {  	(erf) = vpow2.f32 v17;
	_ =	sdelay $0x8  }
0x4e6: {  	v17 =	vpop (erf)  }
0x4e7: {  	v17 =	vadd.f32 $1.000000000e+00, v17;
	_ =	sdelay $0x1  }
0x4e8: {  	(erf) = vrcp.f32 v17;
	_ =	sdelay $0x3  }
0x4e9: {  	s0 =	sadd.s32 $0x1, s0  }
0x4ea: {  	p0 =	sne.s32 s0, $0x5  }
.Ltmp11:
0x4eb: {  	_ = 	snop;
	(pc) =	sbr.rel @p0 .LBB2_19-.Ltmp11, $3  }
0x4ec: {  	_ =	sdelay $0x1  }
0x4ed: {  	v17 =	vpop (erf)  }
0x4ee: {  	[tilespmem:s8+$0x1E100] =	vst v17  }
.Ltmp12:
0x4ef: {  	(pc) =	sbr.rel @p1 .LBB2_24-.Ltmp12, $4  }
0x4f0: {  	s0 =	sadd.s32 s24, s12  }
0x4f1: {  	s0 =	sshrl.u32 s0, $0x3  }
0x4f2: {  	s3 =	simm.s32 $0x1E100;
	s0 =	sadd.s32 s5, s0  }
0x4f3: {  	[hbm4b:s0+s6] =	stream.linear.scatter [tilespmem:s3], [sflag:$0xA], $0x50, $0x38;
	[tilespmem:$0x1E180] =	vst v63  }
.Ltmp13:
0x4f4: {  	(pc) =	sbr.rel .LBB2_2-.Ltmp13, $4  }
0x4f5: {  	s0 =	sadd.s32 $0x2D0, s24  }
0x4f6: {  	[tilespmem:s4], [sflag:$0x5] =	stream.indirect.gather [hbm4b:s1+s16], $0x80, s0, s16, $0xb8;
	[tilespmem:$0x1E180] =	vst v63  }
0x4f7: {  	s29 =	sadd.s32 $0x2A50, s24;
	s13 =	sadd.s32 $0x1, s13  }
0x4f8: {  	[tilespmem:s20], [sflag:$0x5] =	stream.indirect.gather [hbm4b:s2+s16], $0x80, s29, s16, $0xb8;
	[tilespmem:$0x1E180] =	vst v63  }
.LBB2_25:
0x4f9: {  	_ =	sfence.sel $0x180000  }
0x4fa: {  	[bflag:$0x0] =	sbarrier.arrive $0xFFFF  }
0x4fb: {  	_ =	strace $0x90000047  }
0x4fc: {  	s0 =	stileid.u32;
	[bflag:$0x2] =	sbarrier.arrive $0xFFFF  }
0x4fd: {  	p0 =	sne.s32 s0, $0x0;
	s0 =	rddreg [dreg:$0x4]  }
0x4fe: {  	s0 =	sadd.s32 @!p0 $0x100000, s0  }
0x4ff: {  	[sflag:s0] =	ssyncadd.tile.s32 @!p0 $0x1;
	_ =	shalt  }
.Lfunc_end2:
_tile_overlayer_lowered:
.L_overlay_start_2:
0x500: {  	(tag) =	ssettag $0x2  }
0x501: {  	s0 =	rddreg [dreg:$0x0];
	s2 =	stileid.u32  }
0x502: {  	s1 =	rddreg [dreg:$0x1];
	p0 =	sne.s32 s2, $0x0  }
0x503: {  	s3 =	rddreg [dreg:$0x2];
	[bflag:$0x3] =	sbarrier.arrive $0xFFFF;
	s2 =	simm.s32 @!p0 $0x1C0B  }
0x504: {  	[timem:s3], [sflag:s2] =	dma.local @!p0 [hbm:s0], s1  }
0x505: {  	s0 =	simm.s32 @!p0 $0xB  }
0x506: {  	_ =	swait.ge @!p0 [sflag:s0], s1  }
0x507: {  	s1 =	ssub.s32 @!p0 $0x0, s1;
	[sflag:s0] =	ssyncset.done @!p0 $0x0  }
0x508: {  	[sflag:s0] =	ssyncadd.s32 @!p0 s1  }
0x509: {  	[bflag:$0x3] =	sbarrier.arrive $0xFFFF  }
0x50a: {  	_ =	shalt  }

</sc_bundles>
